<compile_context>
chip_gen: v7x
topology: tpu7x:2x2x1
jax: 0.10.2.dev20260603
libtpu: 0.0.44.dev20260713+nightly
codegen_flags: <defaults>
</compile_context>

<pallas_src>
import functools

import jax
import jax.numpy as jnp
from jax import lax
from jax.experimental import pallas as pl
from jax.experimental.pallas import tpu as pltpu
from jax.experimental.pallas import tpu_sc as plsc

N = 10000
D = 128
E = 160000
K = 16
MARGIN = 0.1
R_MAX = 1.0


RB = 256
NPAD = 10240


def _knn_body(n_valid, a_ref, abf_ref, fullbf_ref, out_ref, sqc_ref):
    i = pl.program_id(0)
    a = a_ref[...]
    ebf = fullbf_ref[...]

    @pl.when(i == 0)
    def _sqc():
        ones8 = jnp.ones((8, D), jnp.bfloat16)
        sqc_ref[...] = lax.dot_general(
            ones8, ebf * ebf, (((1,), (1,)), ((), ())),
            preferred_element_type=jnp.float32)

    g2 = lax.dot_general(abf_ref[...] * jnp.bfloat16(-2.0), ebf,
                         (((1,), (1,)), ((), ())),
                         preferred_element_type=jnp.float32)
    sqr = jnp.sum(a * a, axis=1, keepdims=True)
    d2 = sqr + sqc_ref[0:1, :] + g2

    rb, npad = d2.shape
    npadc = jnp.float32(npad - n_valid)
    col = lax.broadcasted_iota(jnp.int32, (rb, npad), 1)
    row = lax.broadcasted_iota(jnp.int32, (rb, npad), 0) + i * rb
    dm = jnp.where(col == row, jnp.float32(1e9), d2)
    one = jnp.float32(1.0)
    m01 = dm < (MARGIN * MARGIN)
    pc01 = npadc * (sqr < MARGIN * MARGIN).astype(jnp.float32)
    vsum = (jnp.sum(jnp.where(m01, dm + 64.0, 0.0), axis=1, keepdims=True)
            - pc01 * (sqr + 64.0))
    c01 = jnp.round(vsum * (1.0 / 64.0))
    s01 = vsum - 64.0 * c01
    num_row = jnp.where(
        c01 > 0.0,
        jnp.maximum(0.0, MARGIN - jnp.sqrt(s01 + 1e-12)),
        0.0)
    rvalid = (lax.broadcasted_iota(jnp.int32, (rb, 1), 0) + i * rb) < n_valid
    nsum = jnp.sum(jnp.where(rvalid, num_row, 0.0))
    csum = jnp.sum(jnp.where(rvalid, c01, 0.0))

    @pl.when(i == 0)
    def _init():
        out_ref[0] = 0.0
        out_ref[1] = 0.0

    out_ref[0] += nsum
    out_ref[1] += csum

    bad = jnp.sum(jnp.where((c01 >= 2.0) & rvalid, one, 0.0)) > 0.0

    @pl.when(bad)
    def _exact():
        dv = jnp.where(col < n_valid, dm, jnp.float32(1e9))
        r = jnp.sqrt(jnp.maximum(dv, 0.0) + 1e-12)
        hinge = jnp.maximum(0.0, MARGIN - r)
        num_x = jnp.sum(hinge, axis=1, keepdims=True)
        nsum_x = jnp.sum(jnp.where(rvalid, num_x, 0.0))
        out_ref[0] += nsum_x - nsum


def _knn_call(emb_pad, n_valid, npad, rb):
    grid = npad // rb
    emb_bf = emb_pad.astype(jnp.bfloat16)
    return pl.pallas_call(
        functools.partial(_knn_body, n_valid),
        grid=(grid,),
        in_specs=[
            pl.BlockSpec((rb, D), lambda i: (i, 0)),
            pl.BlockSpec((rb, D), lambda i: (i, 0)),
            pl.BlockSpec((npad, D), lambda i: (0, 0)),
        ],
        out_specs=pl.BlockSpec(memory_space=pltpu.SMEM),
        out_shape=jax.ShapeDtypeStruct((2,), jnp.float32),
        scratch_shapes=[pltpu.VMEM((8, npad), jnp.float32)],
    )(emb_pad, emb_bf, emb_bf)


def _den_body(n_valid, a_ref, abf_ref, fullbf_ref, out_ref, sqc_ref):
    i = pl.program_id(0)
    a = a_ref[...]
    ebf = fullbf_ref[...]

    @pl.when(i == 0)
    def _sqc():
        ones8 = jnp.ones((8, D), jnp.bfloat16)
        sqc_ref[...] = lax.dot_general(
            ones8, ebf * ebf, (((1,), (1,)), ((), ())),
            preferred_element_type=jnp.float32)

    g2 = lax.dot_general(abf_ref[...] * jnp.bfloat16(-2.0), ebf,
                         (((1,), (1,)), ((), ())),
                         preferred_element_type=jnp.float32)
    sqr = jnp.sum(a * a, axis=1, keepdims=True)
    d2 = sqr + sqc_ref[0:1, :] + g2
    rb, npad = d2.shape
    col = lax.broadcasted_iota(jnp.int32, (rb, npad), 1)
    row = lax.broadcasted_iota(jnp.int32, (rb, npad), 0) + i * rb
    valid = (col < n_valid) & (col != row)
    m1 = ((d2 < R_MAX) & valid).astype(jnp.float32)
    c1 = jnp.sum(m1, axis=1, keepdims=True)
    den_row = jnp.minimum(c1, jnp.float32(K))
    rvalid = (lax.broadcasted_iota(jnp.int32, (rb, 1), 0) + i * rb) < n_valid
    dsum = jnp.sum(jnp.where(rvalid, den_row, 0.0))

    @pl.when(i == 0)
    def _init():
        out_ref[0] = 0.0

    out_ref[0] += dsum


def _den_call(emb_pad, n_valid, npad, rb):
    grid = npad // rb
    emb_bf = emb_pad.astype(jnp.bfloat16)
    return pl.pallas_call(
        functools.partial(_den_body, n_valid),
        grid=(grid,),
        in_specs=[
            pl.BlockSpec((rb, D), lambda i: (i, 0)),
            pl.BlockSpec((rb, D), lambda i: (i, 0)),
            pl.BlockSpec((npad, D), lambda i: (0, 0)),
        ],
        out_specs=pl.BlockSpec(memory_space=pltpu.SMEM),
        out_shape=jax.ShapeDtypeStruct((1,), jnp.float32),
        scratch_shapes=[pltpu.VMEM((8, npad), jnp.float32)],
    )(emb_pad, emb_bf, emb_bf)[0]



CH = 128
GROUPS = CH // 16
NW = 32
CHUNKS = 40
PER_W = CH * CHUNKS
EPAD = NW * PER_W


def _nsqrt(x):
    i = lax.bitcast_convert_type(x, jnp.int32)
    y = lax.bitcast_convert_type(jnp.int32(0x5F3759DF) - (i >> 1), jnp.float32)
    hx = 0.5 * x
    y = y * (1.5 - hx * y * y)
    y = y * (1.5 - hx * y * y)
    y = y * (1.5 - hx * y * y)
    y = y * (1.5 - hx * y * y)
    return x * y


def _edge_body(emb_hbm, sa, sb, ra, rb_, out_hbm,
               tbl_sh, idx_a, idx_b, rows_a0, rows_b0, rows_a1, rows_b1, acc_v,
               sem_t, sem_a0, sem_b0, sem_a1, sem_b1):
    nc = 2
    sid = lax.axis_index("s")
    wid = sid * nc + lax.axis_index("c")
    rows = ((rows_a0, rows_b0, sem_a0, sem_b0),
            (rows_a1, rows_b1, sem_a1, sem_b1))

    @pl.when(sid == 0)
    def _():
        pltpu.async_copy(emb_hbm, tbl_sh, sem_t).wait()

    plsc.subcore_barrier()

    def run_set(ea, eb):
        pltpu.sync_copy(ea.at[wid], idx_a)
        pltpu.sync_copy(eb.at[wid], idx_b)

        def start(c, buf):
            ra_, rb2, sa_, sb2 = rows[buf]
            pltpu.async_copy(tbl_sh.at[idx_a.at[c]], ra_, sa_)
            pltpu.async_copy(tbl_sh.at[idx_b.at[c]], rb2, sb2)

        def wait(buf):
            ra_, rb2, sa_, sb2 = rows[buf]
            pltpu.make_async_copy(tbl_sh.at[idx_a.at[0]], ra_, sa_).wait()
            pltpu.make_async_copy(tbl_sh.at[idx_b.at[0]], rb2, sb2).wait()

        def compute(c, buf, accs):
            ra_, rb2, _, _ = rows[buf]
            base = wid * PER_W + c * CH

            def one_edge(e):
                d2v = jnp.zeros((16,), jnp.float32)
                for j in range(D // 32):
                    va = plsc.bitcast(ra_[e, pl.ds(j * 16, 16)], jnp.bfloat16)
                    vb = plsc.bitcast(rb2[e, pl.ds(j * 16, 16)], jnp.bfloat16)
                    a0, a1 = plsc.unpack(va, format=plsc.PackFormat.INTERLEAVED)
                    b0, b1 = plsc.unpack(vb, format=plsc.PackFormat.INTERLEAVED)
                    d0 = a0 - b0
                    d1 = a1 - b1
                    d2v = d2v + d0 * d0 + d1 * d1
                return jnp.sum(d2v) + jnp.float32(1e-12)

            def edge_body(p, accs):
                acc_s, acc_r = accs
                e0 = 2 * p
                d2a = one_edge(e0)
                d2b = one_edge(e0 + 1)
                da = _nsqrt(d2a)
                db = _nsqrt(d2b)
                ha = jnp.maximum(jnp.float32(0.0), MARGIN - da)
                hb = jnp.maximum(jnp.float32(0.0), MARGIN - db)
                oka = (base + e0) < E
                okb = (base + e0 + 1) < E
                acc_s = acc_s + jnp.where(oka, d2a, 0.0) + jnp.where(okb, d2b, 0.0)
                acc_r = acc_r + jnp.where(oka, ha, 0.0) + jnp.where(okb, hb, 0.0)
                return acc_s, acc_r

            return lax.fori_loop(0, CH // 2, edge_body, accs)

        start(0, 0)
        start(1, 1)

        def pair_body(i, accs):
            wait(0)
            accs = compute(2 * i, 0, accs)

            @pl.when(i < CHUNKS // 2 - 1)
            def _():
                start(2 * i + 2, 0)

            wait(1)
            accs = compute(2 * i + 1, 1, accs)

            @pl.when(i < CHUNKS // 2 - 1)
            def _():
                start(2 * i + 3, 1)

            return accs

        zero = jnp.float32(0.0)
        return lax.fori_loop(0, CHUNKS // 2, pair_body, (zero, zero))

    sig_s, sig_r = run_set(sa, sb)
    rnd_s, rnd_r = run_set(ra, rb_)
    lane = lax.iota(jnp.int32, 16)
    first = lane == 0
    acc_v[0, :] = jnp.where(first, sig_s, 0.0)
    acc_v[1, :] = jnp.where(first, sig_r, 0.0)
    acc_v[2, :] = jnp.where(first, rnd_s, 0.0)
    acc_v[3, :] = jnp.where(first, rnd_r, 0.0)
    pltpu.sync_copy(acc_v, out_hbm.at[wid])


def _edge_call(emb, sa, sb, ra, rb_):
    mesh = plsc.VectorSubcoreMesh(core_axis_name="c", subcore_axis_name="s")
    kern = pl.kernel(
        _edge_body,
        out_type=jax.ShapeDtypeStruct((NW, 4, 16), jnp.float32),
        mesh=mesh,
        scratch_types=[
            pltpu.VMEM_SHARED((N, D // 2), jnp.int32),
            pltpu.VMEM((CHUNKS, CH), jnp.int32),
            pltpu.VMEM((CHUNKS, CH), jnp.int32),
            pltpu.VMEM((CH, D // 2), jnp.int32),
            pltpu.VMEM((CH, D // 2), jnp.int32),
            pltpu.VMEM((CH, D // 2), jnp.int32),
            pltpu.VMEM((CH, D // 2), jnp.int32),
            pltpu.VMEM((4, 16), jnp.float32),
            pltpu.SemaphoreType.DMA,
            pltpu.SemaphoreType.DMA,
            pltpu.SemaphoreType.DMA,
            pltpu.SemaphoreType.DMA,
            pltpu.SemaphoreType.DMA,
        ],
        compiler_params=pltpu.CompilerParams(needs_layout_passes=False),
    )
    return kern(emb, sa, sb, ra, rb_)


def _pad_edges(e1):
    e1 = e1.astype(jnp.int32)
    e1 = jnp.concatenate([e1, jnp.zeros((EPAD - E,), jnp.int32)])
    return e1.reshape(NW, CHUNKS, CH)


def kernel(embeddings, signal_edges, random_edges):
    emb = embeddings.astype(jnp.float32)

    sa = _pad_edges(signal_edges[0])
    sb = _pad_edges(signal_edges[1])
    ra = _pad_edges(random_edges[0])
    rb_ = _pad_edges(random_edges[1])
    emb_packed = lax.bitcast_convert_type(
        emb.astype(jnp.bfloat16).reshape(N, D // 2, 2), jnp.int32)
    parts = _edge_call(emb_packed, sa, sb, ra, rb_)

    emb_pad = jnp.pad(emb, ((0, NPAD - N), (0, 0)))
    knn_acc = _knn_call(emb_pad, N, NPAD, RB)
    has_viol = knn_acc[1] > 0.0
    den = lax.cond(has_viol,
                   lambda: _den_call(emb_pad, N, NPAD, RB),
                   lambda: jnp.float32(1.0))
    knn_loss = jnp.where(has_viol,
                         knn_acc[0] / jnp.maximum(den, 1.0),
                         jnp.float32(0.0))

    sums = jnp.sum(parts, axis=(0, 2))
    signal_loss = sums[0] / E
    random_loss = sums[3] / E

    total = signal_loss + knn_loss + random_loss
    return jnp.stack([signal_loss, knn_loss, random_loss, total])

# --- scband reference (transcript-rebuilt; emitter-appended) ---
"""Pipeline reference for scband-contrastive-41300405518992 (READ-ONLY COPY).

The authoritative reference and input builder live on the scoring server;
editing this copy changes nothing except your own understanding.
"""

import jax, jax.numpy as jnp
import numpy as np

N = 10000
D = 128
E = 160000
K = 16
MARGIN = 0.1
R_MAX = 1.0


def setup_inputs(seed: int = 0) -> dict:
    key = jax.random.key(seed)
    k1, k2, k3 = jax.random.split(key, 3)
    embeddings = jax.random.normal(k1, (N, D), dtype=jnp.float32) * 0.1
    signal_edges = jax.random.randint(k2, (2, E), 0, N, dtype=jnp.int64)
    random_edges = jax.random.randint(k3, (2, E), 0, N, dtype=jnp.int64)
    return {"embeddings": embeddings, "signal_edges": signal_edges, "random_edges": random_edges}


def _pair_dist(x, edges):
    diff = jnp.take(x, edges[0], axis=0) - jnp.take(x, edges[1], axis=0)
    return jnp.sqrt(jnp.sum(diff * diff, axis=-1) + 1e-12)


def reference(embeddings, signal_edges, random_edges):
    # signal_loss: attractive hinge on true (signal) pairs -> pull within margin
    d_sig = _pair_dist(embeddings, signal_edges)
    signal_loss = jnp.mean(d_sig ** 2)

    # knn_loss: brute-force kNN in embedding space (cu_knn equivalent),
    # repulsive hinge on nearest-neighbour negatives within r_max
    sq = jnp.sum(embeddings * embeddings, axis=1)
    d2 = sq[:, None] + sq[None, :] - 2.0 * (embeddings @ embeddings.T)
    d2 = jax.lax.stop_gradient(d2)  # graph construction is non-differentiable
    _, idx = jax.lax.top_k(-d2, K + 1)  # includes self at position 0
    idx = idx[:, 1:]  # drop self neighbour
    neigh = jnp.take(embeddings, idx, axis=0)          # [N, K, D]
    diff = embeddings[:, None, :] - neigh               # [N, K, D]
    d_knn = jnp.sqrt(jnp.sum(diff * diff, axis=-1) + 1e-12)  # [N, K]
    within_r = (d_knn < R_MAX).astype(jnp.float32)
    hinge_knn = jnp.maximum(0.0, MARGIN - d_knn) * within_r
    knn_loss = jnp.sum(hinge_knn) / jnp.maximum(jnp.sum(within_r), 1.0)

    # random_loss: repulsive hinge on random negative pairs
    d_rand = _pair_dist(embeddings, random_edges)
    random_loss = jnp.mean(jnp.maximum(0.0, MARGIN - d_rand))

    total = signal_loss + knn_loss + random_loss
    return jnp.stack([signal_loss, knn_loss, random_loss, total])

if __name__ == "__main__":
    import jax
    _d = setup_inputs()
    print(jax.jit(kernel)(*tuple(_d.values())))

</pallas_src>

<mosaic_0001>
#map = affine_map<(d0, d1) -> (0, 0)>
#map1 = affine_map<(d0, d1) -> (0, 0, 0)>
module attributes {stable_mosaic.version = 14 : i64} {
  func.func @_edge_body(%arg0: i32, %arg1: i32, %arg2: memref<10000x64xi32, #tpu.memory_space<hbm>>, %arg3: memref<32x40x128xi32, #tpu.memory_space<hbm>>, %arg4: memref<32x40x128xi32, #tpu.memory_space<hbm>>, %arg5: memref<32x40x128xi32, #tpu.memory_space<hbm>>, %arg6: memref<32x40x128xi32, #tpu.memory_space<hbm>>, %arg7: memref<32x4x16xf32, #tpu.memory_space<hbm>>, %arg8: memref<10000x64xi32, #tpu.memory_space<vmem_shared>>, %arg9: memref<40x128xi32, #tpu.memory_space<vmem>>, %arg10: memref<40x128xi32, #tpu.memory_space<vmem>>, %arg11: memref<128x64xi32, #tpu.memory_space<vmem>>, %arg12: memref<128x64xi32, #tpu.memory_space<vmem>>, %arg13: memref<128x64xi32, #tpu.memory_space<vmem>>, %arg14: memref<128x64xi32, #tpu.memory_space<vmem>>, %arg15: memref<4x16xf32, #tpu.memory_space<vmem>>, %arg16: memref<!tpu.dma_semaphore, #tpu.memory_space<semaphore_mem>>, %arg17: memref<!tpu.dma_semaphore, #tpu.memory_space<semaphore_mem>>, %arg18: memref<!tpu.dma_semaphore, #tpu.memory_space<semaphore_mem>>, %arg19: memref<!tpu.dma_semaphore, #tpu.memory_space<semaphore_mem>>, %arg20: memref<!tpu.dma_semaphore, #tpu.memory_space<semaphore_mem>>) attributes {dimension_semantics = [#tpu.dimension_semantics<core_parallel>, #tpu.dimension_semantics<subcore_parallel>], iteration_bounds = array<i64: 2, 16>, scalar_prefetch = 0 : i64, scratch_operands = 13 : i64, tpu.core_type = #tpu.core_type<sc_vector_subcore>, window_params = [{transform_indices = #map}, {transform_indices = #map1}, {transform_indices = #map1}, {transform_indices = #map1}, {transform_indices = #map1}, {transform_indices = #map1}]} {
    %mul3A = arith.constant 2 : i32
    %mul3A_0 = arith.muli %arg1, %mul3A : i32
    %add3A = arith.addi %mul3A_0, %arg0 : i32
    %eq3A = arith.constant 0 : i32
    %eq3A_1 = arith.cmpi eq, %arg1, %eq3A : i32
    %convert_element_type3A = arith.extui %eq3A_1 : i1 to i32
    %cond3A = arith.constant 0 : i32
    %cond3A_2 = arith.cmpi ne, %convert_element_type3A, %cond3A : i32
    scf.if %cond3A_2 {
      tpu.enqueue_dma source(%arg2 : memref<10000x64xi32, #tpu.memory_space<hbm>>) target(%arg8 : memref<10000x64xi32, #tpu.memory_space<vmem_shared>>) target_semaphore(%arg16 : memref<!tpu.dma_semaphore, #tpu.memory_space<semaphore_mem>>)
      tpu.wait_dma2 semaphore(%arg16 : memref<!tpu.dma_semaphore, #tpu.memory_space<semaphore_mem>>) src(%arg2 : memref<10000x64xi32, #tpu.memory_space<hbm>>) dst(%arg8 : memref<10000x64xi32, #tpu.memory_space<vmem_shared>>)
    } else {
    }
    %barrier3A = arith.constant 0 : index
    tpu.barrier barrier_id(%barrier3A)
    "tpu.region"() ({
      %run_scoped3A = tpu.sem_alloc : memref<!tpu.dma_semaphore, #tpu.memory_space<semaphore_mem>>
      %dma_start3A_104 = arith.constant 0 : i32
      %dma_start3A_105 = arith.constant 0 : i32
      %dma_start3A_106 = tpu.memref_slice %arg3[%add3A, %dma_start3A_104, %dma_start3A_105] : memref<32x40x128xi32, #tpu.memory_space<hbm>> -> memref<1x40x128xi32, #tpu.memory_space<hbm>>
      %dma_start3A_107 = tpu.memref_squeeze %dma_start3A_106 : memref<1x40x128xi32, #tpu.memory_space<hbm>> -> memref<40x128xi32, #tpu.memory_space<hbm>>
      %dma_start3A_108 = arith.constant 0 : i32
      %dma_start3A_109 = arith.constant 0 : i32
      %dma_start3A_110 = tpu.memref_slice %arg3[%add3A, %dma_start3A_108, %dma_start3A_109] : memref<32x40x128xi32, #tpu.memory_space<hbm>> -> memref<1x40x128xi32, #tpu.memory_space<hbm>>
      %dma_start3A_111 = tpu.memref_squeeze %dma_start3A_110 : memref<1x40x128xi32, #tpu.memory_space<hbm>> -> memref<40x128xi32, #tpu.memory_space<hbm>>
      tpu.enqueue_dma source(%dma_start3A_111 : memref<40x128xi32, #tpu.memory_space<hbm>>) target(%arg9 : memref<40x128xi32, #tpu.memory_space<vmem>>) target_semaphore(%run_scoped3A : memref<!tpu.dma_semaphore, #tpu.memory_space<semaphore_mem>>)
      %dma_wait3A = arith.constant 0 : i32
      %dma_wait3A_112 = arith.constant 0 : i32
      %dma_wait3A_113 = tpu.memref_slice %arg3[%add3A, %dma_wait3A, %dma_wait3A_112] : memref<32x40x128xi32, #tpu.memory_space<hbm>> -> memref<1x40x128xi32, #tpu.memory_space<hbm>>
      %dma_wait3A_114 = tpu.memref_squeeze %dma_wait3A_113 : memref<1x40x128xi32, #tpu.memory_space<hbm>> -> memref<40x128xi32, #tpu.memory_space<hbm>>
      %dma_wait3A_115 = arith.constant 0 : i32
      %dma_wait3A_116 = arith.constant 0 : i32
      %dma_wait3A_117 = tpu.memref_slice %arg3[%add3A, %dma_wait3A_115, %dma_wait3A_116] : memref<32x40x128xi32, #tpu.memory_space<hbm>> -> memref<1x40x128xi32, #tpu.memory_space<hbm>>
      %dma_wait3A_118 = tpu.memref_squeeze %dma_wait3A_117 : memref<1x40x128xi32, #tpu.memory_space<hbm>> -> memref<40x128xi32, #tpu.memory_space<hbm>>
      tpu.wait_dma2 semaphore(%run_scoped3A : memref<!tpu.dma_semaphore, #tpu.memory_space<semaphore_mem>>) src(%dma_wait3A_118 : memref<40x128xi32, #tpu.memory_space<hbm>>) dst(%arg9 : memref<40x128xi32, #tpu.memory_space<vmem>>)
      tpu.yield
    }) : () -> ()
    "tpu.region"() ({
      %run_scoped3A = tpu.sem_alloc : memref<!tpu.dma_semaphore, #tpu.memory_space<semaphore_mem>>
      %dma_start3A_104 = arith.constant 0 : i32
      %dma_start3A_105 = arith.constant 0 : i32
      %dma_start3A_106 = tpu.memref_slice %arg4[%add3A, %dma_start3A_104, %dma_start3A_105] : memref<32x40x128xi32, #tpu.memory_space<hbm>> -> memref<1x40x128xi32, #tpu.memory_space<hbm>>
      %dma_start3A_107 = tpu.memref_squeeze %dma_start3A_106 : memref<1x40x128xi32, #tpu.memory_space<hbm>> -> memref<40x128xi32, #tpu.memory_space<hbm>>
      %dma_start3A_108 = arith.constant 0 : i32
      %dma_start3A_109 = arith.constant 0 : i32
      %dma_start3A_110 = tpu.memref_slice %arg4[%add3A, %dma_start3A_108, %dma_start3A_109] : memref<32x40x128xi32, #tpu.memory_space<hbm>> -> memref<1x40x128xi32, #tpu.memory_space<hbm>>
      %dma_start3A_111 = tpu.memref_squeeze %dma_start3A_110 : memref<1x40x128xi32, #tpu.memory_space<hbm>> -> memref<40x128xi32, #tpu.memory_space<hbm>>
      tpu.enqueue_dma source(%dma_start3A_111 : memref<40x128xi32, #tpu.memory_space<hbm>>) target(%arg10 : memref<40x128xi32, #tpu.memory_space<vmem>>) target_semaphore(%run_scoped3A : memref<!tpu.dma_semaphore, #tpu.memory_space<semaphore_mem>>)
      %dma_wait3A = arith.constant 0 : i32
      %dma_wait3A_112 = arith.constant 0 : i32
      %dma_wait3A_113 = tpu.memref_slice %arg4[%add3A, %dma_wait3A, %dma_wait3A_112] : memref<32x40x128xi32, #tpu.memory_space<hbm>> -> memref<1x40x128xi32, #tpu.memory_space<hbm>>
      %dma_wait3A_114 = tpu.memref_squeeze %dma_wait3A_113 : memref<1x40x128xi32, #tpu.memory_space<hbm>> -> memref<40x128xi32, #tpu.memory_space<hbm>>
      %dma_wait3A_115 = arith.constant 0 : i32
      %dma_wait3A_116 = arith.constant 0 : i32
      %dma_wait3A_117 = tpu.memref_slice %arg4[%add3A, %dma_wait3A_115, %dma_wait3A_116] : memref<32x40x128xi32, #tpu.memory_space<hbm>> -> memref<1x40x128xi32, #tpu.memory_space<hbm>>
      %dma_wait3A_118 = tpu.memref_squeeze %dma_wait3A_117 : memref<1x40x128xi32, #tpu.memory_space<hbm>> -> memref<40x128xi32, #tpu.memory_space<hbm>>
      tpu.wait_dma2 semaphore(%run_scoped3A : memref<!tpu.dma_semaphore, #tpu.memory_space<semaphore_mem>>) src(%dma_wait3A_118 : memref<40x128xi32, #tpu.memory_space<hbm>>) dst(%arg10 : memref<40x128xi32, #tpu.memory_space<vmem>>)
      tpu.yield
    }) : () -> ()
    %dma_start3A = arith.constant 0 : i32
    %dma_start3A_3 = arith.constant 0 : i32
    %dma_start3A_4 = tpu.memref_slice %arg9[%dma_start3A, %dma_start3A_3] : memref<40x128xi32, #tpu.memory_space<vmem>> -> memref<1x128xi32, #tpu.memory_space<vmem>>
    %dma_start3A_5 = tpu.memref_squeeze %dma_start3A_4 : memref<1x128xi32, #tpu.memory_space<vmem>> -> memref<128xi32, #tpu.memory_space<vmem>>
    %dma_start3A_6 = arith.constant 0 : i32
    %dma_start3A_7 = arith.constant 0 : i32
    %dma_start3A_8 = tpu.memref_slice %arg8[%dma_start3A_6, %dma_start3A_7] : memref<10000x64xi32, #tpu.memory_space<vmem_shared>> -> memref<10000x64xi32, #tpu.memory_space<vmem_shared>>
    tpu.enqueue_indirect_dma source(%dma_start3A_8 : memref<10000x64xi32, #tpu.memory_space<vmem_shared>>) target(%arg11 : memref<128x64xi32, #tpu.memory_space<vmem>>) offsets(%dma_start3A_5 : memref<128xi32, #tpu.memory_space<vmem>>) semaphore(%arg17 : memref<!tpu.dma_semaphore, #tpu.memory_space<semaphore_mem>>)
    %dma_start3A_9 = arith.constant 0 : i32
    %dma_start3A_10 = arith.constant 0 : i32
    %dma_start3A_11 = tpu.memref_slice %arg10[%dma_start3A_9, %dma_start3A_10] : memref<40x128xi32, #tpu.memory_space<vmem>> -> memref<1x128xi32, #tpu.memory_space<vmem>>
    %dma_start3A_12 = tpu.memref_squeeze %dma_start3A_11 : memref<1x128xi32, #tpu.memory_space<vmem>> -> memref<128xi32, #tpu.memory_space<vmem>>
    %dma_start3A_13 = arith.constant 0 : i32
    %dma_start3A_14 = arith.constant 0 : i32
    %dma_start3A_15 = tpu.memref_slice %arg8[%dma_start3A_13, %dma_start3A_14] : memref<10000x64xi32, #tpu.memory_space<vmem_shared>> -> memref<10000x64xi32, #tpu.memory_space<vmem_shared>>
    tpu.enqueue_indirect_dma source(%dma_start3A_15 : memref<10000x64xi32, #tpu.memory_space<vmem_shared>>) target(%arg12 : memref<128x64xi32, #tpu.memory_space<vmem>>) offsets(%dma_start3A_12 : memref<128xi32, #tpu.memory_space<vmem>>) semaphore(%arg18 : memref<!tpu.dma_semaphore, #tpu.memory_space<semaphore_mem>>)
    %dma_start3A_16 = arith.constant 1 : i32
    %dma_start3A_17 = arith.constant 0 : i32
    %dma_start3A_18 = tpu.memref_slice %arg9[%dma_start3A_16, %dma_start3A_17] : memref<40x128xi32, #tpu.memory_space<vmem>> -> memref<1x128xi32, #tpu.memory_space<vmem>>
    %dma_start3A_19 = tpu.memref_squeeze %dma_start3A_18 : memref<1x128xi32, #tpu.memory_space<vmem>> -> memref<128xi32, #tpu.memory_space<vmem>>
    %dma_start3A_20 = arith.constant 0 : i32
    %dma_start3A_21 = arith.constant 0 : i32
    %dma_start3A_22 = tpu.memref_slice %arg8[%dma_start3A_20, %dma_start3A_21] : memref<10000x64xi32, #tpu.memory_space<vmem_shared>> -> memref<10000x64xi32, #tpu.memory_space<vmem_shared>>
    tpu.enqueue_indirect_dma source(%dma_start3A_22 : memref<10000x64xi32, #tpu.memory_space<vmem_shared>>) target(%arg13 : memref<128x64xi32, #tpu.memory_space<vmem>>) offsets(%dma_start3A_19 : memref<128xi32, #tpu.memory_space<vmem>>) semaphore(%arg19 : memref<!tpu.dma_semaphore, #tpu.memory_space<semaphore_mem>>)
    %dma_start3A_23 = arith.constant 1 : i32
    %dma_start3A_24 = arith.constant 0 : i32
    %dma_start3A_25 = tpu.memref_slice %arg10[%dma_start3A_23, %dma_start3A_24] : memref<40x128xi32, #tpu.memory_space<vmem>> -> memref<1x128xi32, #tpu.memory_space<vmem>>
    %dma_start3A_26 = tpu.memref_squeeze %dma_start3A_25 : memref<1x128xi32, #tpu.memory_space<vmem>> -> memref<128xi32, #tpu.memory_space<vmem>>
    %dma_start3A_27 = arith.constant 0 : i32
    %dma_start3A_28 = arith.constant 0 : i32
    %dma_start3A_29 = tpu.memref_slice %arg8[%dma_start3A_27, %dma_start3A_28] : memref<10000x64xi32, #tpu.memory_space<vmem_shared>> -> memref<10000x64xi32, #tpu.memory_space<vmem_shared>>
    tpu.enqueue_indirect_dma source(%dma_start3A_29 : memref<10000x64xi32, #tpu.memory_space<vmem_shared>>) target(%arg14 : memref<128x64xi32, #tpu.memory_space<vmem>>) offsets(%dma_start3A_26 : memref<128xi32, #tpu.memory_space<vmem>>) semaphore(%arg20 : memref<!tpu.dma_semaphore, #tpu.memory_space<semaphore_mem>>)
    %scan3A = arith.constant 0.000000e+00 : f32
    %scan3A_30 = arith.constant 0.000000e+00 : f32
    %scan3A_31 = arith.constant 0 : i32
    %scan3A_32 = arith.constant 20 : i32
    %scan3A_33 = arith.addi %scan3A_31, %scan3A_32 : i32
    %scan3A_34 = arith.constant 1 : i32
    %scan3A_35:2 = scf.for %scan3A_104 = %scan3A_31 to %scan3A_33 step %scan3A_34 iter_args(%scan3A_105 = %scan3A, %scan3A_106 = %scan3A_30) -> (f32, f32)  : i32 {
      %dma_wait3A = arith.constant 0 : i32
      %dma_wait3A_107 = arith.constant 0 : i32
      %dma_wait3A_108 = tpu.memref_slice %arg9[%dma_wait3A, %dma_wait3A_107] : memref<40x128xi32, #tpu.memory_space<vmem>> -> memref<1x128xi32, #tpu.memory_space<vmem>>
      %dma_wait3A_109 = tpu.memref_squeeze %dma_wait3A_108 : memref<1x128xi32, #tpu.memory_space<vmem>> -> memref<128xi32, #tpu.memory_space<vmem>>
      %dma_wait3A_110 = arith.constant 0 : i32
      %dma_wait3A_111 = arith.constant 0 : i32
      %dma_wait3A_112 = tpu.memref_slice %arg8[%dma_wait3A_110, %dma_wait3A_111] : memref<10000x64xi32, #tpu.memory_space<vmem_shared>> -> memref<10000x64xi32, #tpu.memory_space<vmem_shared>>
      tpu.wait_indirect_dma semaphore(%arg17 : memref<!tpu.dma_semaphore, #tpu.memory_space<semaphore_mem>>) src(%dma_wait3A_112 : memref<10000x64xi32, #tpu.memory_space<vmem_shared>>) dst(%arg11 : memref<128x64xi32, #tpu.memory_space<vmem>>)
      %dma_wait3A_113 = arith.constant 0 : i32
      %dma_wait3A_114 = arith.constant 0 : i32
      %dma_wait3A_115 = tpu.memref_slice %arg10[%dma_wait3A_113, %dma_wait3A_114] : memref<40x128xi32, #tpu.memory_space<vmem>> -> memref<1x128xi32, #tpu.memory_space<vmem>>
      %dma_wait3A_116 = tpu.memref_squeeze %dma_wait3A_115 : memref<1x128xi32, #tpu.memory_space<vmem>> -> memref<128xi32, #tpu.memory_space<vmem>>
      %dma_wait3A_117 = arith.constant 0 : i32
      %dma_wait3A_118 = arith.constant 0 : i32
      %dma_wait3A_119 = tpu.memref_slice %arg8[%dma_wait3A_117, %dma_wait3A_118] : memref<10000x64xi32, #tpu.memory_space<vmem_shared>> -> memref<10000x64xi32, #tpu.memory_space<vmem_shared>>
      tpu.wait_indirect_dma semaphore(%arg18 : memref<!tpu.dma_semaphore, #tpu.memory_space<semaphore_mem>>) src(%dma_wait3A_119 : memref<10000x64xi32, #tpu.memory_space<vmem_shared>>) dst(%arg12 : memref<128x64xi32, #tpu.memory_space<vmem>>)
      %mul3A_120 = arith.constant 2 : i32
      %mul3A_121 = arith.muli %mul3A_120, %scan3A_104 : i32
      %mul3A_122 = arith.constant 5120 : i32
      %mul3A_123 = arith.muli %add3A, %mul3A_122 : i32
      %mul3A_124 = arith.constant 128 : i32
      %mul3A_125 = arith.muli %mul3A_121, %mul3A_124 : i32
      %add3A_126 = arith.addi %mul3A_123, %mul3A_125 : i32
      %scan3A_127 = arith.constant 0 : i32
      %scan3A_128 = arith.constant 64 : i32
      %scan3A_129 = arith.addi %scan3A_127, %scan3A_128 : i32
      %scan3A_130 = arith.constant 1 : i32
      %scan3A_131:2 = scf.for %scan3A_171 = %scan3A_127 to %scan3A_129 step %scan3A_130 iter_args(%scan3A_172 = %scan3A_105, %scan3A_173 = %scan3A_106) -> (f32, f32)  : i32 {
        %mul3A_174 = arith.constant 2 : i32
        %mul3A_175 = arith.muli %mul3A_174, %scan3A_171 : i32
        %broadcast_in_dim3A_176 = arith.constant 0.000000e+00 : f32
        %broadcast_in_dim3A_177 = vector.broadcast %broadcast_in_dim3A_176 : f32 to vector<16xf32>
        %get3A = arith.index_cast %mul3A_175 : i32 to index
        %get3A_178 = arith.constant 0 : index
        %get3A_179 = tpu.vector_load %arg11[%get3A, %get3A_178] {strides = array<i32>} : memref<128x64xi32, #tpu.memory_space<vmem>>, vector<16xi32>,
        %bitcast3A = vector.bitcast %get3A_179 : vector<16xi32> to vector<32xbf16>
        %get3A_180 = arith.index_cast %mul3A_175 : i32 to index
        %get3A_181 = arith.constant 0 : index
        %get3A_182 = tpu.vector_load %arg12[%get3A_180, %get3A_181] {strides = array<i32>} : memref<128x64xi32, #tpu.memory_space<vmem>>, vector<16xi32>,
        %bitcast3A_183 = vector.bitcast %get3A_182 : vector<16xi32> to vector<32xbf16>
        %unpack3A = tpu.unpack_subelements %bitcast3A, 0 {pack_format = #tpu.pack_format<interleaved>} : vector<32xbf16> -> vector<16xf32>
        %unpack3A_184 = tpu.unpack_subelements %bitcast3A, 1 {pack_format = #tpu.pack_format<interleaved>} : vector<32xbf16> -> vector<16xf32>
        %unpack3A_185 = tpu.unpack_subelements %bitcast3A_183, 0 {pack_format = #tpu.pack_format<interleaved>} : vector<32xbf16> -> vector<16xf32>
        %unpack3A_186 = tpu.unpack_subelements %bitcast3A_183, 1 {pack_format = #tpu.pack_format<interleaved>} : vector<32xbf16> -> vector<16xf32>
        %sub3A = arith.subf %unpack3A, %unpack3A_185 : vector<16xf32>
        %sub3A_187 = arith.subf %unpack3A_184, %unpack3A_186 : vector<16xf32>
        %mul3A_188 = arith.mulf %sub3A, %sub3A : vector<16xf32>
        %add3A_189 = arith.addf %broadcast_in_dim3A_177, %mul3A_188 : vector<16xf32>
        %mul3A_190 = arith.mulf %sub3A_187, %sub3A_187 : vector<16xf32>
        %add3A_191 = arith.addf %add3A_189, %mul3A_190 : vector<16xf32>
        %get3A_192 = arith.index_cast %mul3A_175 : i32 to index
        %get3A_193 = arith.constant 16 : index
        %get3A_194 = tpu.vector_load %arg11[%get3A_192, %get3A_193] {strides = array<i32>} : memref<128x64xi32, #tpu.memory_space<vmem>>, vector<16xi32>,
        %bitcast3A_195 = vector.bitcast %get3A_194 : vector<16xi32> to vector<32xbf16>
        %get3A_196 = arith.index_cast %mul3A_175 : i32 to index
        %get3A_197 = arith.constant 16 : index
        %get3A_198 = tpu.vector_load %arg12[%get3A_196, %get3A_197] {strides = array<i32>} : memref<128x64xi32, #tpu.memory_space<vmem>>, vector<16xi32>,
        %bitcast3A_199 = vector.bitcast %get3A_198 : vector<16xi32> to vector<32xbf16>
        %unpack3A_200 = tpu.unpack_subelements %bitcast3A_195, 0 {pack_format = #tpu.pack_format<interleaved>} : vector<32xbf16> -> vector<16xf32>
        %unpack3A_201 = tpu.unpack_subelements %bitcast3A_195, 1 {pack_format = #tpu.pack_format<interleaved>} : vector<32xbf16> -> vector<16xf32>
        %unpack3A_202 = tpu.unpack_subelements %bitcast3A_199, 0 {pack_format = #tpu.pack_format<interleaved>} : vector<32xbf16> -> vector<16xf32>
        %unpack3A_203 = tpu.unpack_subelements %bitcast3A_199, 1 {pack_format = #tpu.pack_format<interleaved>} : vector<32xbf16> -> vector<16xf32>
        %sub3A_204 = arith.subf %unpack3A_200, %unpack3A_202 : vector<16xf32>
        %sub3A_205 = arith.subf %unpack3A_201, %unpack3A_203 : vector<16xf32>
        %mul3A_206 = arith.mulf %sub3A_204, %sub3A_204 : vector<16xf32>
        %add3A_207 = arith.addf %add3A_191, %mul3A_206 : vector<16xf32>
        %mul3A_208 = arith.mulf %sub3A_205, %sub3A_205 : vector<16xf32>
        %add3A_209 = arith.addf %add3A_207, %mul3A_208 : vector<16xf32>
        %get3A_210 = arith.index_cast %mul3A_175 : i32 to index
        %get3A_211 = arith.constant 32 : index
        %get3A_212 = tpu.vector_load %arg11[%get3A_210, %get3A_211] {strides = array<i32>} : memref<128x64xi32, #tpu.memory_space<vmem>>, vector<16xi32>,
        %bitcast3A_213 = vector.bitcast %get3A_212 : vector<16xi32> to vector<32xbf16>
        %get3A_214 = arith.index_cast %mul3A_175 : i32 to index
        %get3A_215 = arith.constant 32 : index
        %get3A_216 = tpu.vector_load %arg12[%get3A_214, %get3A_215] {strides = array<i32>} : memref<128x64xi32, #tpu.memory_space<vmem>>, vector<16xi32>,
        %bitcast3A_217 = vector.bitcast %get3A_216 : vector<16xi32> to vector<32xbf16>
        %unpack3A_218 = tpu.unpack_subelements %bitcast3A_213, 0 {pack_format = #tpu.pack_format<interleaved>} : vector<32xbf16> -> vector<16xf32>
        %unpack3A_219 = tpu.unpack_subelements %bitcast3A_213, 1 {pack_format = #tpu.pack_format<interleaved>} : vector<32xbf16> -> vector<16xf32>
        %unpack3A_220 = tpu.unpack_subelements %bitcast3A_217, 0 {pack_format = #tpu.pack_format<interleaved>} : vector<32xbf16> -> vector<16xf32>
        %unpack3A_221 = tpu.unpack_subelements %bitcast3A_217, 1 {pack_format = #tpu.pack_format<interleaved>} : vector<32xbf16> -> vector<16xf32>
        %sub3A_222 = arith.subf %unpack3A_218, %unpack3A_220 : vector<16xf32>
        %sub3A_223 = arith.subf %unpack3A_219, %unpack3A_221 : vector<16xf32>
        %mul3A_224 = arith.mulf %sub3A_222, %sub3A_222 : vector<16xf32>
        %add3A_225 = arith.addf %add3A_209, %mul3A_224 : vector<16xf32>
        %mul3A_226 = arith.mulf %sub3A_223, %sub3A_223 : vector<16xf32>
        %add3A_227 = arith.addf %add3A_225, %mul3A_226 : vector<16xf32>
        %get3A_228 = arith.index_cast %mul3A_175 : i32 to index
        %get3A_229 = arith.constant 48 : index
        %get3A_230 = tpu.vector_load %arg11[%get3A_228, %get3A_229] {strides = array<i32>} : memref<128x64xi32, #tpu.memory_space<vmem>>, vector<16xi32>,
        %bitcast3A_231 = vector.bitcast %get3A_230 : vector<16xi32> to vector<32xbf16>
        %get3A_232 = arith.index_cast %mul3A_175 : i32 to index
        %get3A_233 = arith.constant 48 : index
        %get3A_234 = tpu.vector_load %arg12[%get3A_232, %get3A_233] {strides = array<i32>} : memref<128x64xi32, #tpu.memory_space<vmem>>, vector<16xi32>,
        %bitcast3A_235 = vector.bitcast %get3A_234 : vector<16xi32> to vector<32xbf16>
        %unpack3A_236 = tpu.unpack_subelements %bitcast3A_231, 0 {pack_format = #tpu.pack_format<interleaved>} : vector<32xbf16> -> vector<16xf32>
        %unpack3A_237 = tpu.unpack_subelements %bitcast3A_231, 1 {pack_format = #tpu.pack_format<interleaved>} : vector<32xbf16> -> vector<16xf32>
        %unpack3A_238 = tpu.unpack_subelements %bitcast3A_235, 0 {pack_format = #tpu.pack_format<interleaved>} : vector<32xbf16> -> vector<16xf32>
        %unpack3A_239 = tpu.unpack_subelements %bitcast3A_235, 1 {pack_format = #tpu.pack_format<interleaved>} : vector<32xbf16> -> vector<16xf32>
        %sub3A_240 = arith.subf %unpack3A_236, %unpack3A_238 : vector<16xf32>
        %sub3A_241 = arith.subf %unpack3A_237, %unpack3A_239 : vector<16xf32>
        %mul3A_242 = arith.mulf %sub3A_240, %sub3A_240 : vector<16xf32>
        %add3A_243 = arith.addf %add3A_227, %mul3A_242 : vector<16xf32>
        %mul3A_244 = arith.mulf %sub3A_241, %sub3A_241 : vector<16xf32>
        %add3A_245 = arith.addf %add3A_243, %mul3A_244 : vector<16xf32>
        %reduce_sum3A = arith.constant true
        %reduce_sum3A_246 = vector.broadcast %reduce_sum3A : i1 to vector<16xi1>
        %reduce_sum3A_247 = tpu.scan <sum>, %add3A_245 masked %reduce_sum3A_246 : vector<16xf32>, vector<16xi1> -> vector<16xf32>
        %reduce_sum3A_248 = vector.extract %reduce_sum3A_247[15] : f32 from vector<16xf32>
        %add3A_249 = arith.constant 9.99999996E-13 : f32
        %add3A_250 = arith.addf %reduce_sum3A_248, %add3A_249 : f32
        %add3A_251 = arith.constant 1 : i32
        %add3A_252 = arith.addi %mul3A_175, %add3A_251 : i32
        %broadcast_in_dim3A_253 = arith.constant 0.000000e+00 : f32
        %broadcast_in_dim3A_254 = vector.broadcast %broadcast_in_dim3A_253 : f32 to vector<16xf32>
        %get3A_255 = arith.index_cast %add3A_252 : i32 to index
        %get3A_256 = arith.constant 0 : index
        %get3A_257 = tpu.vector_load %arg11[%get3A_255, %get3A_256] {strides = array<i32>} : memref<128x64xi32, #tpu.memory_space<vmem>>, vector<16xi32>,
        %bitcast3A_258 = vector.bitcast %get3A_257 : vector<16xi32> to vector<32xbf16>
        %get3A_259 = arith.index_cast %add3A_252 : i32 to index
        %get3A_260 = arith.constant 0 : index
        %get3A_261 = tpu.vector_load %arg12[%get3A_259, %get3A_260] {strides = array<i32>} : memref<128x64xi32, #tpu.memory_space<vmem>>, vector<16xi32>,
        %bitcast3A_262 = vector.bitcast %get3A_261 : vector<16xi32> to vector<32xbf16>
        %unpack3A_263 = tpu.unpack_subelements %bitcast3A_258, 0 {pack_format = #tpu.pack_format<interleaved>} : vector<32xbf16> -> vector<16xf32>
        %unpack3A_264 = tpu.unpack_subelements %bitcast3A_258, 1 {pack_format = #tpu.pack_format<interleaved>} : vector<32xbf16> -> vector<16xf32>
        %unpack3A_265 = tpu.unpack_subelements %bitcast3A_262, 0 {pack_format = #tpu.pack_format<interleaved>} : vector<32xbf16> -> vector<16xf32>
        %unpack3A_266 = tpu.unpack_subelements %bitcast3A_262, 1 {pack_format = #tpu.pack_format<interleaved>} : vector<32xbf16> -> vector<16xf32>
        %sub3A_267 = arith.subf %unpack3A_263, %unpack3A_265 : vector<16xf32>
        %sub3A_268 = arith.subf %unpack3A_264, %unpack3A_266 : vector<16xf32>
        %mul3A_269 = arith.mulf %sub3A_267, %sub3A_267 : vector<16xf32>
        %add3A_270 = arith.addf %broadcast_in_dim3A_254, %mul3A_269 : vector<16xf32>
        %mul3A_271 = arith.mulf %sub3A_268, %sub3A_268 : vector<16xf32>
        %add3A_272 = arith.addf %add3A_270, %mul3A_271 : vector<16xf32>
        %get3A_273 = arith.index_cast %add3A_252 : i32 to index
        %get3A_274 = arith.constant 16 : index
        %get3A_275 = tpu.vector_load %arg11[%get3A_273, %get3A_274] {strides = array<i32>} : memref<128x64xi32, #tpu.memory_space<vmem>>, vector<16xi32>,
        %bitcast3A_276 = vector.bitcast %get3A_275 : vector<16xi32> to vector<32xbf16>
        %get3A_277 = arith.index_cast %add3A_252 : i32 to index
        %get3A_278 = arith.constant 16 : index
        %get3A_279 = tpu.vector_load %arg12[%get3A_277, %get3A_278] {strides = array<i32>} : memref<128x64xi32, #tpu.memory_space<vmem>>, vector<16xi32>,
        %bitcast3A_280 = vector.bitcast %get3A_279 : vector<16xi32> to vector<32xbf16>
        %unpack3A_281 = tpu.unpack_subelements %bitcast3A_276, 0 {pack_format = #tpu.pack_format<interleaved>} : vector<32xbf16> -> vector<16xf32>
        %unpack3A_282 = tpu.unpack_subelements %bitcast3A_276, 1 {pack_format = #tpu.pack_format<interleaved>} : vector<32xbf16> -> vector<16xf32>
        %unpack3A_283 = tpu.unpack_subelements %bitcast3A_280, 0 {pack_format = #tpu.pack_format<interleaved>} : vector<32xbf16> -> vector<16xf32>
        %unpack3A_284 = tpu.unpack_subelements %bitcast3A_280, 1 {pack_format = #tpu.pack_format<interleaved>} : vector<32xbf16> -> vector<16xf32>
        %sub3A_285 = arith.subf %unpack3A_281, %unpack3A_283 : vector<16xf32>
        %sub3A_286 = arith.subf %unpack3A_282, %unpack3A_284 : vector<16xf32>
        %mul3A_287 = arith.mulf %sub3A_285, %sub3A_285 : vector<16xf32>
        %add3A_288 = arith.addf %add3A_272, %mul3A_287 : vector<16xf32>
        %mul3A_289 = arith.mulf %sub3A_286, %sub3A_286 : vector<16xf32>
        %add3A_290 = arith.addf %add3A_288, %mul3A_289 : vector<16xf32>
        %get3A_291 = arith.index_cast %add3A_252 : i32 to index
        %get3A_292 = arith.constant 32 : index
        %get3A_293 = tpu.vector_load %arg11[%get3A_291, %get3A_292] {strides = array<i32>} : memref<128x64xi32, #tpu.memory_space<vmem>>, vector<16xi32>,
        %bitcast3A_294 = vector.bitcast %get3A_293 : vector<16xi32> to vector<32xbf16>
        %get3A_295 = arith.index_cast %add3A_252 : i32 to index
        %get3A_296 = arith.constant 32 : index
        %get3A_297 = tpu.vector_load %arg12[%get3A_295, %get3A_296] {strides = array<i32>} : memref<128x64xi32, #tpu.memory_space<vmem>>, vector<16xi32>,
        %bitcast3A_298 = vector.bitcast %get3A_297 : vector<16xi32> to vector<32xbf16>
        %unpack3A_299 = tpu.unpack_subelements %bitcast3A_294, 0 {pack_format = #tpu.pack_format<interleaved>} : vector<32xbf16> -> vector<16xf32>
        %unpack3A_300 = tpu.unpack_subelements %bitcast3A_294, 1 {pack_format = #tpu.pack_format<interleaved>} : vector<32xbf16> -> vector<16xf32>
        %unpack3A_301 = tpu.unpack_subelements %bitcast3A_298, 0 {pack_format = #tpu.pack_format<interleaved>} : vector<32xbf16> -> vector<16xf32>
        %unpack3A_302 = tpu.unpack_subelements %bitcast3A_298, 1 {pack_format = #tpu.pack_format<interleaved>} : vector<32xbf16> -> vector<16xf32>
        %sub3A_303 = arith.subf %unpack3A_299, %unpack3A_301 : vector<16xf32>
        %sub3A_304 = arith.subf %unpack3A_300, %unpack3A_302 : vector<16xf32>
        %mul3A_305 = arith.mulf %sub3A_303, %sub3A_303 : vector<16xf32>
        %add3A_306 = arith.addf %add3A_290, %mul3A_305 : vector<16xf32>
        %mul3A_307 = arith.mulf %sub3A_304, %sub3A_304 : vector<16xf32>
        %add3A_308 = arith.addf %add3A_306, %mul3A_307 : vector<16xf32>
        %get3A_309 = arith.index_cast %add3A_252 : i32 to index
        %get3A_310 = arith.constant 48 : index
        %get3A_311 = tpu.vector_load %arg11[%get3A_309, %get3A_310] {strides = array<i32>} : memref<128x64xi32, #tpu.memory_space<vmem>>, vector<16xi32>,
        %bitcast3A_312 = vector.bitcast %get3A_311 : vector<16xi32> to vector<32xbf16>
        %get3A_313 = arith.index_cast %add3A_252 : i32 to index
        %get3A_314 = arith.constant 48 : index
        %get3A_315 = tpu.vector_load %arg12[%get3A_313, %get3A_314] {strides = array<i32>} : memref<128x64xi32, #tpu.memory_space<vmem>>, vector<16xi32>,
        %bitcast3A_316 = vector.bitcast %get3A_315 : vector<16xi32> to vector<32xbf16>
        %unpack3A_317 = tpu.unpack_subelements %bitcast3A_312, 0 {pack_format = #tpu.pack_format<interleaved>} : vector<32xbf16> -> vector<16xf32>
        %unpack3A_318 = tpu.unpack_subelements %bitcast3A_312, 1 {pack_format = #tpu.pack_format<interleaved>} : vector<32xbf16> -> vector<16xf32>
        %unpack3A_319 = tpu.unpack_subelements %bitcast3A_316, 0 {pack_format = #tpu.pack_format<interleaved>} : vector<32xbf16> -> vector<16xf32>
        %unpack3A_320 = tpu.unpack_subelements %bitcast3A_316, 1 {pack_format = #tpu.pack_format<interleaved>} : vector<32xbf16> -> vector<16xf32>
        %sub3A_321 = arith.subf %unpack3A_317, %unpack3A_319 : vector<16xf32>
        %sub3A_322 = arith.subf %unpack3A_318, %unpack3A_320 : vector<16xf32>
        %mul3A_323 = arith.mulf %sub3A_321, %sub3A_321 : vector<16xf32>
        %add3A_324 = arith.addf %add3A_308, %mul3A_323 : vector<16xf32>
        %mul3A_325 = arith.mulf %sub3A_322, %sub3A_322 : vector<16xf32>
        %add3A_326 = arith.addf %add3A_324, %mul3A_325 : vector<16xf32>
        %reduce_sum3A_327 = arith.constant true
        %reduce_sum3A_328 = vector.broadcast %reduce_sum3A_327 : i1 to vector<16xi1>
        %reduce_sum3A_329 = tpu.scan <sum>, %add3A_326 masked %reduce_sum3A_328 : vector<16xf32>, vector<16xi1> -> vector<16xf32>
        %reduce_sum3A_330 = vector.extract %reduce_sum3A_329[15] : f32 from vector<16xf32>
        %add3A_331 = arith.constant 9.99999996E-13 : f32
        %add3A_332 = arith.addf %reduce_sum3A_330, %add3A_331 : f32
        %bitcast_convert_type3A = arith.bitcast %add3A_250 : f32 to i32
        %shift_right_arithmetic3A = arith.constant 1 : i32
        %shift_right_arithmetic3A_333 = arith.shrsi %bitcast_convert_type3A, %shift_right_arithmetic3A : i32
        %sub3A_334 = arith.constant 1597463007 : i32
        %sub3A_335 = arith.subi %sub3A_334, %shift_right_arithmetic3A_333 : i32
        %bitcast_convert_type3A_336 = arith.bitcast %sub3A_335 : i32 to f32
        %mul3A_337 = arith.constant 5.000000e-01 : f32
        %mul3A_338 = arith.mulf %mul3A_337, %add3A_250 : f32
        %mul3A_339 = arith.mulf %mul3A_338, %bitcast_convert_type3A_336 : f32
        %mul3A_340 = arith.mulf %mul3A_339, %bitcast_convert_type3A_336 : f32
        %sub3A_341 = arith.constant 1.500000e+00 : f32
        %sub3A_342 = arith.subf %sub3A_341, %mul3A_340 : f32
        %mul3A_343 = arith.mulf %bitcast_convert_type3A_336, %sub3A_342 : f32
        %mul3A_344 = arith.mulf %mul3A_338, %mul3A_343 : f32
        %mul3A_345 = arith.mulf %mul3A_344, %mul3A_343 : f32
        %sub3A_346 = arith.constant 1.500000e+00 : f32
        %sub3A_347 = arith.subf %sub3A_346, %mul3A_345 : f32
        %mul3A_348 = arith.mulf %mul3A_343, %sub3A_347 : f32
        %mul3A_349 = arith.mulf %mul3A_338, %mul3A_348 : f32
        %mul3A_350 = arith.mulf %mul3A_349, %mul3A_348 : f32
        %sub3A_351 = arith.constant 1.500000e+00 : f32
        %sub3A_352 = arith.subf %sub3A_351, %mul3A_350 : f32
        %mul3A_353 = arith.mulf %mul3A_348, %sub3A_352 : f32
        %mul3A_354 = arith.mulf %mul3A_338, %mul3A_353 : f32
        %mul3A_355 = arith.mulf %mul3A_354, %mul3A_353 : f32
        %sub3A_356 = arith.constant 1.500000e+00 : f32
        %sub3A_357 = arith.subf %sub3A_356, %mul3A_355 : f32
        %mul3A_358 = arith.mulf %mul3A_353, %sub3A_357 : f32
        %mul3A_359 = arith.mulf %add3A_250, %mul3A_358 : f32
        %bitcast_convert_type3A_360 = arith.bitcast %add3A_332 : f32 to i32
        %shift_right_arithmetic3A_361 = arith.constant 1 : i32
        %shift_right_arithmetic3A_362 = arith.shrsi %bitcast_convert_type3A_360, %shift_right_arithmetic3A_361 : i32
        %sub3A_363 = arith.constant 1597463007 : i32
        %sub3A_364 = arith.subi %sub3A_363, %shift_right_arithmetic3A_362 : i32
        %bitcast_convert_type3A_365 = arith.bitcast %sub3A_364 : i32 to f32
        %mul3A_366 = arith.constant 5.000000e-01 : f32
        %mul3A_367 = arith.mulf %mul3A_366, %add3A_332 : f32
        %mul3A_368 = arith.mulf %mul3A_367, %bitcast_convert_type3A_365 : f32
        %mul3A_369 = arith.mulf %mul3A_368, %bitcast_convert_type3A_365 : f32
        %sub3A_370 = arith.constant 1.500000e+00 : f32
        %sub3A_371 = arith.subf %sub3A_370, %mul3A_369 : f32
        %mul3A_372 = arith.mulf %bitcast_convert_type3A_365, %sub3A_371 : f32
        %mul3A_373 = arith.mulf %mul3A_367, %mul3A_372 : f32
        %mul3A_374 = arith.mulf %mul3A_373, %mul3A_372 : f32
        %sub3A_375 = arith.constant 1.500000e+00 : f32
        %sub3A_376 = arith.subf %sub3A_375, %mul3A_374 : f32
        %mul3A_377 = arith.mulf %mul3A_372, %sub3A_376 : f32
        %mul3A_378 = arith.mulf %mul3A_367, %mul3A_377 : f32
        %mul3A_379 = arith.mulf %mul3A_378, %mul3A_377 : f32
        %sub3A_380 = arith.constant 1.500000e+00 : f32
        %sub3A_381 = arith.subf %sub3A_380, %mul3A_379 : f32
        %mul3A_382 = arith.mulf %mul3A_377, %sub3A_381 : f32
        %mul3A_383 = arith.mulf %mul3A_367, %mul3A_382 : f32
        %mul3A_384 = arith.mulf %mul3A_383, %mul3A_382 : f32
        %sub3A_385 = arith.constant 1.500000e+00 : f32
        %sub3A_386 = arith.subf %sub3A_385, %mul3A_384 : f32
        %mul3A_387 = arith.mulf %mul3A_382, %sub3A_386 : f32
        %mul3A_388 = arith.mulf %add3A_332, %mul3A_387 : f32
        %sub3A_389 = arith.constant 1.000000e-01 : f32
        %sub3A_390 = arith.subf %sub3A_389, %mul3A_359 : f32
        %max3A = arith.constant 0.000000e+00 : f32
        %max3A_391 = arith.maximumf %max3A, %sub3A_390 : f32
        %sub3A_392 = arith.constant 1.000000e-01 : f32
        %sub3A_393 = arith.subf %sub3A_392, %mul3A_388 : f32
        %max3A_394 = arith.constant 0.000000e+00 : f32
        %max3A_395 = arith.maximumf %max3A_394, %sub3A_393 : f32
        %add3A_396 = arith.addi %add3A_126, %mul3A_175 : i32
        %lt3A_397 = arith.constant 160000 : i32
        %lt3A_398 = arith.cmpi slt, %add3A_396, %lt3A_397 : i32
        %add3A_399 = arith.addi %add3A_126, %mul3A_175 : i32
        %add3A_400 = arith.constant 1 : i32
        %add3A_401 = arith.addi %add3A_399, %add3A_400 : i32
        %lt3A_402 = arith.constant 160000 : i32
        %lt3A_403 = arith.cmpi slt, %add3A_401, %lt3A_402 : i32
        %jit3A_404 = arith.constant 0.000000e+00 : f32
        %select_n3A_405 = arith.select %lt3A_398, %add3A_250, %jit3A_404 : f32
        %add3A_406 = arith.addf %scan3A_172, %select_n3A_405 : f32
        %jit3A_407 = arith.constant 0.000000e+00 : f32
        %select_n3A_408 = arith.select %lt3A_403, %add3A_332, %jit3A_407 : f32
        %add3A_409 = arith.addf %add3A_406, %select_n3A_408 : f32
        %jit3A_410 = arith.constant 0.000000e+00 : f32
        %select_n3A_411 = arith.select %lt3A_398, %max3A_391, %jit3A_410 : f32
        %add3A_412 = arith.addf %scan3A_173, %select_n3A_411 : f32
        %jit3A_413 = arith.constant 0.000000e+00 : f32
        %select_n3A_414 = arith.select %lt3A_403, %max3A_395, %jit3A_413 : f32
        %add3A_415 = arith.addf %add3A_412, %select_n3A_414 : f32
        scf.yield %add3A_409, %add3A_415 : f32, f32
      }
      %scan3A_132 = arith.constant 64 : i32
      %lt3A = arith.constant 19 : i32
      %lt3A_133 = arith.cmpi slt, %scan3A_104, %lt3A : i32
      %convert_element_type3A_134 = arith.extui %lt3A_133 : i1 to i32
      %cond3A_135 = arith.constant 0 : i32
      %cond3A_136 = arith.cmpi ne, %convert_element_type3A_134, %cond3A_135 : i32
      scf.if %cond3A_136 {
        %mul3A_171 = arith.constant 2 : i32
        %mul3A_172 = arith.muli %mul3A_171, %scan3A_104 : i32
        %add3A_173 = arith.constant 2 : i32
        %add3A_174 = arith.addi %mul3A_172, %add3A_173 : i32
        %dma_start3A_175 = arith.constant 0 : i32
        %dma_start3A_176 = tpu.memref_slice %arg9[%add3A_174, %dma_start3A_175] : memref<40x128xi32, #tpu.memory_space<vmem>> -> memref<1x128xi32, #tpu.memory_space<vmem>>
        %dma_start3A_177 = tpu.memref_squeeze %dma_start3A_176 : memref<1x128xi32, #tpu.memory_space<vmem>> -> memref<128xi32, #tpu.memory_space<vmem>>
        %dma_start3A_178 = arith.constant 0 : i32
        %dma_start3A_179 = arith.constant 0 : i32
        %dma_start3A_180 = tpu.memref_slice %arg8[%dma_start3A_178, %dma_start3A_179] : memref<10000x64xi32, #tpu.memory_space<vmem_shared>> -> memref<10000x64xi32, #tpu.memory_space<vmem_shared>>
        tpu.enqueue_indirect_dma source(%dma_start3A_180 : memref<10000x64xi32, #tpu.memory_space<vmem_shared>>) target(%arg11 : memref<128x64xi32, #tpu.memory_space<vmem>>) offsets(%dma_start3A_177 : memref<128xi32, #tpu.memory_space<vmem>>) semaphore(%arg17 : memref<!tpu.dma_semaphore, #tpu.memory_space<semaphore_mem>>)
        %dma_start3A_181 = arith.constant 0 : i32
        %dma_start3A_182 = tpu.memref_slice %arg10[%add3A_174, %dma_start3A_181] : memref<40x128xi32, #tpu.memory_space<vmem>> -> memref<1x128xi32, #tpu.memory_space<vmem>>
        %dma_start3A_183 = tpu.memref_squeeze %dma_start3A_182 : memref<1x128xi32, #tpu.memory_space<vmem>> -> memref<128xi32, #tpu.memory_space<vmem>>
        %dma_start3A_184 = arith.constant 0 : i32
        %dma_start3A_185 = arith.constant 0 : i32
        %dma_start3A_186 = tpu.memref_slice %arg8[%dma_start3A_184, %dma_start3A_185] : memref<10000x64xi32, #tpu.memory_space<vmem_shared>> -> memref<10000x64xi32, #tpu.memory_space<vmem_shared>>
        tpu.enqueue_indirect_dma source(%dma_start3A_186 : memref<10000x64xi32, #tpu.memory_space<vmem_shared>>) target(%arg12 : memref<128x64xi32, #tpu.memory_space<vmem>>) offsets(%dma_start3A_183 : memref<128xi32, #tpu.memory_space<vmem>>) semaphore(%arg18 : memref<!tpu.dma_semaphore, #tpu.memory_space<semaphore_mem>>)
      } else {
      }
      %dma_wait3A_137 = arith.constant 0 : i32
      %dma_wait3A_138 = arith.constant 0 : i32
      %dma_wait3A_139 = tpu.memref_slice %arg9[%dma_wait3A_137, %dma_wait3A_138] : memref<40x128xi32, #tpu.memory_space<vmem>> -> memref<1x128xi32, #tpu.memory_space<vmem>>
      %dma_wait3A_140 = tpu.memref_squeeze %dma_wait3A_139 : memref<1x128xi32, #tpu.memory_space<vmem>> -> memref<128xi32, #tpu.memory_space<vmem>>
      %dma_wait3A_141 = arith.constant 0 : i32
      %dma_wait3A_142 = arith.constant 0 : i32
      %dma_wait3A_143 = tpu.memref_slice %arg8[%dma_wait3A_141, %dma_wait3A_142] : memref<10000x64xi32, #tpu.memory_space<vmem_shared>> -> memref<10000x64xi32, #tpu.memory_space<vmem_shared>>
      tpu.wait_indirect_dma semaphore(%arg19 : memref<!tpu.dma_semaphore, #tpu.memory_space<semaphore_mem>>) src(%dma_wait3A_143 : memref<10000x64xi32, #tpu.memory_space<vmem_shared>>) dst(%arg13 : memref<128x64xi32, #tpu.memory_space<vmem>>)
      %dma_wait3A_144 = arith.constant 0 : i32
      %dma_wait3A_145 = arith.constant 0 : i32
      %dma_wait3A_146 = tpu.memref_slice %arg10[%dma_wait3A_144, %dma_wait3A_145] : memref<40x128xi32, #tpu.memory_space<vmem>> -> memref<1x128xi32, #tpu.memory_space<vmem>>
      %dma_wait3A_147 = tpu.memref_squeeze %dma_wait3A_146 : memref<1x128xi32, #tpu.memory_space<vmem>> -> memref<128xi32, #tpu.memory_space<vmem>>
      %dma_wait3A_148 = arith.constant 0 : i32
      %dma_wait3A_149 = arith.constant 0 : i32
      %dma_wait3A_150 = tpu.memref_slice %arg8[%dma_wait3A_148, %dma_wait3A_149] : memref<10000x64xi32, #tpu.memory_space<vmem_shared>> -> memref<10000x64xi32, #tpu.memory_space<vmem_shared>>
      tpu.wait_indirect_dma semaphore(%arg20 : memref<!tpu.dma_semaphore, #tpu.memory_space<semaphore_mem>>) src(%dma_wait3A_150 : memref<10000x64xi32, #tpu.memory_space<vmem_shared>>) dst(%arg14 : memref<128x64xi32, #tpu.memory_space<vmem>>)
      %mul3A_151 = arith.constant 2 : i32
      %mul3A_152 = arith.muli %mul3A_151, %scan3A_104 : i32
      %add3A_153 = arith.constant 1 : i32
      %add3A_154 = arith.addi %mul3A_152, %add3A_153 : i32
      %mul3A_155 = arith.constant 5120 : i32
      %mul3A_156 = arith.muli %add3A, %mul3A_155 : i32
      %mul3A_157 = arith.constant 128 : i32
      %mul3A_158 = arith.muli %add3A_154, %mul3A_157 : i32
      %add3A_159 = arith.addi %mul3A_156, %mul3A_158 : i32
      %scan3A_160 = arith.constant 0 : i32
      %scan3A_161 = arith.constant 64 : i32
      %scan3A_162 = arith.addi %scan3A_160, %scan3A_161 : i32
      %scan3A_163 = arith.constant 1 : i32
      %scan3A_164:2 = scf.for %scan3A_171 = %scan3A_160 to %scan3A_162 step %scan3A_163 iter_args(%scan3A_172 = %scan3A_131#0, %scan3A_173 = %scan3A_131#1) -> (f32, f32)  : i32 {
        %mul3A_174 = arith.constant 2 : i32
        %mul3A_175 = arith.muli %mul3A_174, %scan3A_171 : i32
        %broadcast_in_dim3A_176 = arith.constant 0.000000e+00 : f32
        %broadcast_in_dim3A_177 = vector.broadcast %broadcast_in_dim3A_176 : f32 to vector<16xf32>
        %get3A = arith.index_cast %mul3A_175 : i32 to index
        %get3A_178 = arith.constant 0 : index
        %get3A_179 = tpu.vector_load %arg13[%get3A, %get3A_178] {strides = array<i32>} : memref<128x64xi32, #tpu.memory_space<vmem>>, vector<16xi32>,
        %bitcast3A = vector.bitcast %get3A_179 : vector<16xi32> to vector<32xbf16>
        %get3A_180 = arith.index_cast %mul3A_175 : i32 to index
        %get3A_181 = arith.constant 0 : index
        %get3A_182 = tpu.vector_load %arg14[%get3A_180, %get3A_181] {strides = array<i32>} : memref<128x64xi32, #tpu.memory_space<vmem>>, vector<16xi32>,
        %bitcast3A_183 = vector.bitcast %get3A_182 : vector<16xi32> to vector<32xbf16>
        %unpack3A = tpu.unpack_subelements %bitcast3A, 0 {pack_format = #tpu.pack_format<interleaved>} : vector<32xbf16> -> vector<16xf32>
        %unpack3A_184 = tpu.unpack_subelements %bitcast3A, 1 {pack_format = #tpu.pack_format<interleaved>} : vector<32xbf16> -> vector<16xf32>
        %unpack3A_185 = tpu.unpack_subelements %bitcast3A_183, 0 {pack_format = #tpu.pack_format<interleaved>} : vector<32xbf16> -> vector<16xf32>
        %unpack3A_186 = tpu.unpack_subelements %bitcast3A_183, 1 {pack_format = #tpu.pack_format<interleaved>} : vector<32xbf16> -> vector<16xf32>
        %sub3A = arith.subf %unpack3A, %unpack3A_185 : vector<16xf32>
        %sub3A_187 = arith.subf %unpack3A_184, %unpack3A_186 : vector<16xf32>
        %mul3A_188 = arith.mulf %sub3A, %sub3A : vector<16xf32>
        %add3A_189 = arith.addf %broadcast_in_dim3A_177, %mul3A_188 : vector<16xf32>
        %mul3A_190 = arith.mulf %sub3A_187, %sub3A_187 : vector<16xf32>
        %add3A_191 = arith.addf %add3A_189, %mul3A_190 : vector<16xf32>
        %get3A_192 = arith.index_cast %mul3A_175 : i32 to index
        %get3A_193 = arith.constant 16 : index
        %get3A_194 = tpu.vector_load %arg13[%get3A_192, %get3A_193] {strides = array<i32>} : memref<128x64xi32, #tpu.memory_space<vmem>>, vector<16xi32>,
        %bitcast3A_195 = vector.bitcast %get3A_194 : vector<16xi32> to vector<32xbf16>
        %get3A_196 = arith.index_cast %mul3A_175 : i32 to index
        %get3A_197 = arith.constant 16 : index
        %get3A_198 = tpu.vector_load %arg14[%get3A_196, %get3A_197] {strides = array<i32>} : memref<128x64xi32, #tpu.memory_space<vmem>>, vector<16xi32>,
        %bitcast3A_199 = vector.bitcast %get3A_198 : vector<16xi32> to vector<32xbf16>
        %unpack3A_200 = tpu.unpack_subelements %bitcast3A_195, 0 {pack_format = #tpu.pack_format<interleaved>} : vector<32xbf16> -> vector<16xf32>
        %unpack3A_201 = tpu.unpack_subelements %bitcast3A_195, 1 {pack_format = #tpu.pack_format<interleaved>} : vector<32xbf16> -> vector<16xf32>
        %unpack3A_202 = tpu.unpack_subelements %bitcast3A_199, 0 {pack_format = #tpu.pack_format<interleaved>} : vector<32xbf16> -> vector<16xf32>
        %unpack3A_203 = tpu.unpack_subelements %bitcast3A_199, 1 {pack_format = #tpu.pack_format<interleaved>} : vector<32xbf16> -> vector<16xf32>
        %sub3A_204 = arith.subf %unpack3A_200, %unpack3A_202 : vector<16xf32>
        %sub3A_205 = arith.subf %unpack3A_201, %unpack3A_203 : vector<16xf32>
        %mul3A_206 = arith.mulf %sub3A_204, %sub3A_204 : vector<16xf32>
        %add3A_207 = arith.addf %add3A_191, %mul3A_206 : vector<16xf32>
        %mul3A_208 = arith.mulf %sub3A_205, %sub3A_205 : vector<16xf32>
        %add3A_209 = arith.addf %add3A_207, %mul3A_208 : vector<16xf32>
        %get3A_210 = arith.index_cast %mul3A_175 : i32 to index
        %get3A_211 = arith.constant 32 : index
        %get3A_212 = tpu.vector_load %arg13[%get3A_210, %get3A_211] {strides = array<i32>} : memref<128x64xi32, #tpu.memory_space<vmem>>, vector<16xi32>,
        %bitcast3A_213 = vector.bitcast %get3A_212 : vector<16xi32> to vector<32xbf16>
        %get3A_214 = arith.index_cast %mul3A_175 : i32 to index
        %get3A_215 = arith.constant 32 : index
        %get3A_216 = tpu.vector_load %arg14[%get3A_214, %get3A_215] {strides = array<i32>} : memref<128x64xi32, #tpu.memory_space<vmem>>, vector<16xi32>,
        %bitcast3A_217 = vector.bitcast %get3A_216 : vector<16xi32> to vector<32xbf16>
        %unpack3A_218 = tpu.unpack_subelements %bitcast3A_213, 0 {pack_format = #tpu.pack_format<interleaved>} : vector<32xbf16> -> vector<16xf32>
        %unpack3A_219 = tpu.unpack_subelements %bitcast3A_213, 1 {pack_format = #tpu.pack_format<interleaved>} : vector<32xbf16> -> vector<16xf32>
        %unpack3A_220 = tpu.unpack_subelements %bitcast3A_217, 0 {pack_format = #tpu.pack_format<interleaved>} : vector<32xbf16> -> vector<16xf32>
        %unpack3A_221 = tpu.unpack_subelements %bitcast3A_217, 1 {pack_format = #tpu.pack_format<interleaved>} : vector<32xbf16> -> vector<16xf32>
        %sub3A_222 = arith.subf %unpack3A_218, %unpack3A_220 : vector<16xf32>
        %sub3A_223 = arith.subf %unpack3A_219, %unpack3A_221 : vector<16xf32>
        %mul3A_224 = arith.mulf %sub3A_222, %sub3A_222 : vector<16xf32>
        %add3A_225 = arith.addf %add3A_209, %mul3A_224 : vector<16xf32>
        %mul3A_226 = arith.mulf %sub3A_223, %sub3A_223 : vector<16xf32>
        %add3A_227 = arith.addf %add3A_225, %mul3A_226 : vector<16xf32>
        %get3A_228 = arith.index_cast %mul3A_175 : i32 to index
        %get3A_229 = arith.constant 48 : index
        %get3A_230 = tpu.vector_load %arg13[%get3A_228, %get3A_229] {strides = array<i32>} : memref<128x64xi32, #tpu.memory_space<vmem>>, vector<16xi32>,
        %bitcast3A_231 = vector.bitcast %get3A_230 : vector<16xi32> to vector<32xbf16>
        %get3A_232 = arith.index_cast %mul3A_175 : i32 to index
        %get3A_233 = arith.constant 48 : index
        %get3A_234 = tpu.vector_load %arg14[%get3A_232, %get3A_233] {strides = array<i32>} : memref<128x64xi32, #tpu.memory_space<vmem>>, vector<16xi32>,
        %bitcast3A_235 = vector.bitcast %get3A_234 : vector<16xi32> to vector<32xbf16>
        %unpack3A_236 = tpu.unpack_subelements %bitcast3A_231, 0 {pack_format = #tpu.pack_format<interleaved>} : vector<32xbf16> -> vector<16xf32>
        %unpack3A_237 = tpu.unpack_subelements %bitcast3A_231, 1 {pack_format = #tpu.pack_format<interleaved>} : vector<32xbf16> -> vector<16xf32>
        %unpack3A_238 = tpu.unpack_subelements %bitcast3A_235, 0 {pack_format = #tpu.pack_format<interleaved>} : vector<32xbf16> -> vector<16xf32>
        %unpack3A_239 = tpu.unpack_subelements %bitcast3A_235, 1 {pack_format = #tpu.pack_format<interleaved>} : vector<32xbf16> -> vector<16xf32>
        %sub3A_240 = arith.subf %unpack3A_236, %unpack3A_238 : vector<16xf32>
        %sub3A_241 = arith.subf %unpack3A_237, %unpack3A_239 : vector<16xf32>
        %mul3A_242 = arith.mulf %sub3A_240, %sub3A_240 : vector<16xf32>
        %add3A_243 = arith.addf %add3A_227, %mul3A_242 : vector<16xf32>
        %mul3A_244 = arith.mulf %sub3A_241, %sub3A_241 : vector<16xf32>
        %add3A_245 = arith.addf %add3A_243, %mul3A_244 : vector<16xf32>
        %reduce_sum3A = arith.constant true
        %reduce_sum3A_246 = vector.broadcast %reduce_sum3A : i1 to vector<16xi1>
        %reduce_sum3A_247 = tpu.scan <sum>, %add3A_245 masked %reduce_sum3A_246 : vector<16xf32>, vector<16xi1> -> vector<16xf32>
        %reduce_sum3A_248 = vector.extract %reduce_sum3A_247[15] : f32 from vector<16xf32>
        %add3A_249 = arith.constant 9.99999996E-13 : f32
        %add3A_250 = arith.addf %reduce_sum3A_248, %add3A_249 : f32
        %add3A_251 = arith.constant 1 : i32
        %add3A_252 = arith.addi %mul3A_175, %add3A_251 : i32
        %broadcast_in_dim3A_253 = arith.constant 0.000000e+00 : f32
        %broadcast_in_dim3A_254 = vector.broadcast %broadcast_in_dim3A_253 : f32 to vector<16xf32>
        %get3A_255 = arith.index_cast %add3A_252 : i32 to index
        %get3A_256 = arith.constant 0 : index
        %get3A_257 = tpu.vector_load %arg13[%get3A_255, %get3A_256] {strides = array<i32>} : memref<128x64xi32, #tpu.memory_space<vmem>>, vector<16xi32>,
        %bitcast3A_258 = vector.bitcast %get3A_257 : vector<16xi32> to vector<32xbf16>
        %get3A_259 = arith.index_cast %add3A_252 : i32 to index
        %get3A_260 = arith.constant 0 : index
        %get3A_261 = tpu.vector_load %arg14[%get3A_259, %get3A_260] {strides = array<i32>} : memref<128x64xi32, #tpu.memory_space<vmem>>, vector<16xi32>,
        %bitcast3A_262 = vector.bitcast %get3A_261 : vector<16xi32> to vector<32xbf16>
        %unpack3A_263 = tpu.unpack_subelements %bitcast3A_258, 0 {pack_format = #tpu.pack_format<interleaved>} : vector<32xbf16> -> vector<16xf32>
        %unpack3A_264 = tpu.unpack_subelements %bitcast3A_258, 1 {pack_format = #tpu.pack_format<interleaved>} : vector<32xbf16> -> vector<16xf32>
        %unpack3A_265 = tpu.unpack_subelements %bitcast3A_262, 0 {pack_format = #tpu.pack_format<interleaved>} : vector<32xbf16> -> vector<16xf32>
        %unpack3A_266 = tpu.unpack_subelements %bitcast3A_262, 1 {pack_format = #tpu.pack_format<interleaved>} : vector<32xbf16> -> vector<16xf32>
        %sub3A_267 = arith.subf %unpack3A_263, %unpack3A_265 : vector<16xf32>
        %sub3A_268 = arith.subf %unpack3A_264, %unpack3A_266 : vector<16xf32>
        %mul3A_269 = arith.mulf %sub3A_267, %sub3A_267 : vector<16xf32>
        %add3A_270 = arith.addf %broadcast_in_dim3A_254, %mul3A_269 : vector<16xf32>
        %mul3A_271 = arith.mulf %sub3A_268, %sub3A_268 : vector<16xf32>
        %add3A_272 = arith.addf %add3A_270, %mul3A_271 : vector<16xf32>
        %get3A_273 = arith.index_cast %add3A_252 : i32 to index
        %get3A_274 = arith.constant 16 : index
        %get3A_275 = tpu.vector_load %arg13[%get3A_273, %get3A_274] {strides = array<i32>} : memref<128x64xi32, #tpu.memory_space<vmem>>, vector<16xi32>,
        %bitcast3A_276 = vector.bitcast %get3A_275 : vector<16xi32> to vector<32xbf16>
        %get3A_277 = arith.index_cast %add3A_252 : i32 to index
        %get3A_278 = arith.constant 16 : index
        %get3A_279 = tpu.vector_load %arg14[%get3A_277, %get3A_278] {strides = array<i32>} : memref<128x64xi32, #tpu.memory_space<vmem>>, vector<16xi32>,
        %bitcast3A_280 = vector.bitcast %get3A_279 : vector<16xi32> to vector<32xbf16>
        %unpack3A_281 = tpu.unpack_subelements %bitcast3A_276, 0 {pack_format = #tpu.pack_format<interleaved>} : vector<32xbf16> -> vector<16xf32>
        %unpack3A_282 = tpu.unpack_subelements %bitcast3A_276, 1 {pack_format = #tpu.pack_format<interleaved>} : vector<32xbf16> -> vector<16xf32>
        %unpack3A_283 = tpu.unpack_subelements %bitcast3A_280, 0 {pack_format = #tpu.pack_format<interleaved>} : vector<32xbf16> -> vector<16xf32>
        %unpack3A_284 = tpu.unpack_subelements %bitcast3A_280, 1 {pack_format = #tpu.pack_format<interleaved>} : vector<32xbf16> -> vector<16xf32>
        %sub3A_285 = arith.subf %unpack3A_281, %unpack3A_283 : vector<16xf32>
        %sub3A_286 = arith.subf %unpack3A_282, %unpack3A_284 : vector<16xf32>
        %mul3A_287 = arith.mulf %sub3A_285, %sub3A_285 : vector<16xf32>
        %add3A_288 = arith.addf %add3A_272, %mul3A_287 : vector<16xf32>
        %mul3A_289 = arith.mulf %sub3A_286, %sub3A_286 : vector<16xf32>
        %add3A_290 = arith.addf %add3A_288, %mul3A_289 : vector<16xf32>
        %get3A_291 = arith.index_cast %add3A_252 : i32 to index
        %get3A_292 = arith.constant 32 : index
        %get3A_293 = tpu.vector_load %arg13[%get3A_291, %get3A_292] {strides = array<i32>} : memref<128x64xi32, #tpu.memory_space<vmem>>, vector<16xi32>,
        %bitcast3A_294 = vector.bitcast %get3A_293 : vector<16xi32> to vector<32xbf16>
        %get3A_295 = arith.index_cast %add3A_252 : i32 to index
        %get3A_296 = arith.constant 32 : index
        %get3A_297 = tpu.vector_load %arg14[%get3A_295, %get3A_296] {strides = array<i32>} : memref<128x64xi32, #tpu.memory_space<vmem>>, vector<16xi32>,
        %bitcast3A_298 = vector.bitcast %get3A_297 : vector<16xi32> to vector<32xbf16>
        %unpack3A_299 = tpu.unpack_subelements %bitcast3A_294, 0 {pack_format = #tpu.pack_format<interleaved>} : vector<32xbf16> -> vector<16xf32>
        %unpack3A_300 = tpu.unpack_subelements %bitcast3A_294, 1 {pack_format = #tpu.pack_format<interleaved>} : vector<32xbf16> -> vector<16xf32>
        %unpack3A_301 = tpu.unpack_subelements %bitcast3A_298, 0 {pack_format = #tpu.pack_format<interleaved>} : vector<32xbf16> -> vector<16xf32>
        %unpack3A_302 = tpu.unpack_subelements %bitcast3A_298, 1 {pack_format = #tpu.pack_format<interleaved>} : vector<32xbf16> -> vector<16xf32>
        %sub3A_303 = arith.subf %unpack3A_299, %unpack3A_301 : vector<16xf32>
        %sub3A_304 = arith.subf %unpack3A_300, %unpack3A_302 : vector<16xf32>
        %mul3A_305 = arith.mulf %sub3A_303, %sub3A_303 : vector<16xf32>
        %add3A_306 = arith.addf %add3A_290, %mul3A_305 : vector<16xf32>
        %mul3A_307 = arith.mulf %sub3A_304, %sub3A_304 : vector<16xf32>
        %add3A_308 = arith.addf %add3A_306, %mul3A_307 : vector<16xf32>
        %get3A_309 = arith.index_cast %add3A_252 : i32 to index
        %get3A_310 = arith.constant 48 : index
        %get3A_311 = tpu.vector_load %arg13[%get3A_309, %get3A_310] {strides = array<i32>} : memref<128x64xi32, #tpu.memory_space<vmem>>, vector<16xi32>,
        %bitcast3A_312 = vector.bitcast %get3A_311 : vector<16xi32> to vector<32xbf16>
        %get3A_313 = arith.index_cast %add3A_252 : i32 to index
        %get3A_314 = arith.constant 48 : index
        %get3A_315 = tpu.vector_load %arg14[%get3A_313, %get3A_314] {strides = array<i32>} : memref<128x64xi32, #tpu.memory_space<vmem>>, vector<16xi32>,
        %bitcast3A_316 = vector.bitcast %get3A_315 : vector<16xi32> to vector<32xbf16>
        %unpack3A_317 = tpu.unpack_subelements %bitcast3A_312, 0 {pack_format = #tpu.pack_format<interleaved>} : vector<32xbf16> -> vector<16xf32>
        %unpack3A_318 = tpu.unpack_subelements %bitcast3A_312, 1 {pack_format = #tpu.pack_format<interleaved>} : vector<32xbf16> -> vector<16xf32>
        %unpack3A_319 = tpu.unpack_subelements %bitcast3A_316, 0 {pack_format = #tpu.pack_format<interleaved>} : vector<32xbf16> -> vector<16xf32>
        %unpack3A_320 = tpu.unpack_subelements %bitcast3A_316, 1 {pack_format = #tpu.pack_format<interleaved>} : vector<32xbf16> -> vector<16xf32>
        %sub3A_321 = arith.subf %unpack3A_317, %unpack3A_319 : vector<16xf32>
        %sub3A_322 = arith.subf %unpack3A_318, %unpack3A_320 : vector<16xf32>
        %mul3A_323 = arith.mulf %sub3A_321, %sub3A_321 : vector<16xf32>
        %add3A_324 = arith.addf %add3A_308, %mul3A_323 : vector<16xf32>
        %mul3A_325 = arith.mulf %sub3A_322, %sub3A_322 : vector<16xf32>
        %add3A_326 = arith.addf %add3A_324, %mul3A_325 : vector<16xf32>
        %reduce_sum3A_327 = arith.constant true
        %reduce_sum3A_328 = vector.broadcast %reduce_sum3A_327 : i1 to vector<16xi1>
        %reduce_sum3A_329 = tpu.scan <sum>, %add3A_326 masked %reduce_sum3A_328 : vector<16xf32>, vector<16xi1> -> vector<16xf32>
        %reduce_sum3A_330 = vector.extract %reduce_sum3A_329[15] : f32 from vector<16xf32>
        %add3A_331 = arith.constant 9.99999996E-13 : f32
        %add3A_332 = arith.addf %reduce_sum3A_330, %add3A_331 : f32
        %bitcast_convert_type3A = arith.bitcast %add3A_250 : f32 to i32
        %shift_right_arithmetic3A = arith.constant 1 : i32
        %shift_right_arithmetic3A_333 = arith.shrsi %bitcast_convert_type3A, %shift_right_arithmetic3A : i32
        %sub3A_334 = arith.constant 1597463007 : i32
        %sub3A_335 = arith.subi %sub3A_334, %shift_right_arithmetic3A_333 : i32
        %bitcast_convert_type3A_336 = arith.bitcast %sub3A_335 : i32 to f32
        %mul3A_337 = arith.constant 5.000000e-01 : f32
        %mul3A_338 = arith.mulf %mul3A_337, %add3A_250 : f32
        %mul3A_339 = arith.mulf %mul3A_338, %bitcast_convert_type3A_336 : f32
        %mul3A_340 = arith.mulf %mul3A_339, %bitcast_convert_type3A_336 : f32
        %sub3A_341 = arith.constant 1.500000e+00 : f32
        %sub3A_342 = arith.subf %sub3A_341, %mul3A_340 : f32
        %mul3A_343 = arith.mulf %bitcast_convert_type3A_336, %sub3A_342 : f32
        %mul3A_344 = arith.mulf %mul3A_338, %mul3A_343 : f32
        %mul3A_345 = arith.mulf %mul3A_344, %mul3A_343 : f32
        %sub3A_346 = arith.constant 1.500000e+00 : f32
        %sub3A_347 = arith.subf %sub3A_346, %mul3A_345 : f32
        %mul3A_348 = arith.mulf %mul3A_343, %sub3A_347 : f32
        %mul3A_349 = arith.mulf %mul3A_338, %mul3A_348 : f32
        %mul3A_350 = arith.mulf %mul3A_349, %mul3A_348 : f32
        %sub3A_351 = arith.constant 1.500000e+00 : f32
        %sub3A_352 = arith.subf %sub3A_351, %mul3A_350 : f32
        %mul3A_353 = arith.mulf %mul3A_348, %sub3A_352 : f32
        %mul3A_354 = arith.mulf %mul3A_338, %mul3A_353 : f32
        %mul3A_355 = arith.mulf %mul3A_354, %mul3A_353 : f32
        %sub3A_356 = arith.constant 1.500000e+00 : f32
        %sub3A_357 = arith.subf %sub3A_356, %mul3A_355 : f32
        %mul3A_358 = arith.mulf %mul3A_353, %sub3A_357 : f32
        %mul3A_359 = arith.mulf %add3A_250, %mul3A_358 : f32
        %bitcast_convert_type3A_360 = arith.bitcast %add3A_332 : f32 to i32
        %shift_right_arithmetic3A_361 = arith.constant 1 : i32
        %shift_right_arithmetic3A_362 = arith.shrsi %bitcast_convert_type3A_360, %shift_right_arithmetic3A_361 : i32
        %sub3A_363 = arith.constant 1597463007 : i32
        %sub3A_364 = arith.subi %sub3A_363, %shift_right_arithmetic3A_362 : i32
        %bitcast_convert_type3A_365 = arith.bitcast %sub3A_364 : i32 to f32
        %mul3A_366 = arith.constant 5.000000e-01 : f32
        %mul3A_367 = arith.mulf %mul3A_366, %add3A_332 : f32
        %mul3A_368 = arith.mulf %mul3A_367, %bitcast_convert_type3A_365 : f32
        %mul3A_369 = arith.mulf %mul3A_368, %bitcast_convert_type3A_365 : f32
        %sub3A_370 = arith.constant 1.500000e+00 : f32
        %sub3A_371 = arith.subf %sub3A_370, %mul3A_369 : f32
        %mul3A_372 = arith.mulf %bitcast_convert_type3A_365, %sub3A_371 : f32
        %mul3A_373 = arith.mulf %mul3A_367, %mul3A_372 : f32
        %mul3A_374 = arith.mulf %mul3A_373, %mul3A_372 : f32
        %sub3A_375 = arith.constant 1.500000e+00 : f32
        %sub3A_376 = arith.subf %sub3A_375, %mul3A_374 : f32
        %mul3A_377 = arith.mulf %mul3A_372, %sub3A_376 : f32
        %mul3A_378 = arith.mulf %mul3A_367, %mul3A_377 : f32
        %mul3A_379 = arith.mulf %mul3A_378, %mul3A_377 : f32
        %sub3A_380 = arith.constant 1.500000e+00 : f32
        %sub3A_381 = arith.subf %sub3A_380, %mul3A_379 : f32
        %mul3A_382 = arith.mulf %mul3A_377, %sub3A_381 : f32
        %mul3A_383 = arith.mulf %mul3A_367, %mul3A_382 : f32
        %mul3A_384 = arith.mulf %mul3A_383, %mul3A_382 : f32
        %sub3A_385 = arith.constant 1.500000e+00 : f32
        %sub3A_386 = arith.subf %sub3A_385, %mul3A_384 : f32
        %mul3A_387 = arith.mulf %mul3A_382, %sub3A_386 : f32
        %mul3A_388 = arith.mulf %add3A_332, %mul3A_387 : f32
        %sub3A_389 = arith.constant 1.000000e-01 : f32
        %sub3A_390 = arith.subf %sub3A_389, %mul3A_359 : f32
        %max3A = arith.constant 0.000000e+00 : f32
        %max3A_391 = arith.maximumf %max3A, %sub3A_390 : f32
        %sub3A_392 = arith.constant 1.000000e-01 : f32
        %sub3A_393 = arith.subf %sub3A_392, %mul3A_388 : f32
        %max3A_394 = arith.constant 0.000000e+00 : f32
        %max3A_395 = arith.maximumf %max3A_394, %sub3A_393 : f32
        %add3A_396 = arith.addi %add3A_159, %mul3A_175 : i32
        %lt3A_397 = arith.constant 160000 : i32
        %lt3A_398 = arith.cmpi slt, %add3A_396, %lt3A_397 : i32
        %add3A_399 = arith.addi %add3A_159, %mul3A_175 : i32
        %add3A_400 = arith.constant 1 : i32
        %add3A_401 = arith.addi %add3A_399, %add3A_400 : i32
        %lt3A_402 = arith.constant 160000 : i32
        %lt3A_403 = arith.cmpi slt, %add3A_401, %lt3A_402 : i32
        %jit3A_404 = arith.constant 0.000000e+00 : f32
        %select_n3A_405 = arith.select %lt3A_398, %add3A_250, %jit3A_404 : f32
        %add3A_406 = arith.addf %scan3A_172, %select_n3A_405 : f32
        %jit3A_407 = arith.constant 0.000000e+00 : f32
        %select_n3A_408 = arith.select %lt3A_403, %add3A_332, %jit3A_407 : f32
        %add3A_409 = arith.addf %add3A_406, %select_n3A_408 : f32
        %jit3A_410 = arith.constant 0.000000e+00 : f32
        %select_n3A_411 = arith.select %lt3A_398, %max3A_391, %jit3A_410 : f32
        %add3A_412 = arith.addf %scan3A_173, %select_n3A_411 : f32
        %jit3A_413 = arith.constant 0.000000e+00 : f32
        %select_n3A_414 = arith.select %lt3A_403, %max3A_395, %jit3A_413 : f32
        %add3A_415 = arith.addf %add3A_412, %select_n3A_414 : f32
        scf.yield %add3A_409, %add3A_415 : f32, f32
      }
      %scan3A_165 = arith.constant 64 : i32
      %lt3A_166 = arith.constant 19 : i32
      %lt3A_167 = arith.cmpi slt, %scan3A_104, %lt3A_166 : i32
      %convert_element_type3A_168 = arith.extui %lt3A_167 : i1 to i32
      %cond3A_169 = arith.constant 0 : i32
      %cond3A_170 = arith.cmpi ne, %convert_element_type3A_168, %cond3A_169 : i32
      scf.if %cond3A_170 {
        %mul3A_171 = arith.constant 2 : i32
        %mul3A_172 = arith.muli %mul3A_171, %scan3A_104 : i32
        %add3A_173 = arith.constant 3 : i32
        %add3A_174 = arith.addi %mul3A_172, %add3A_173 : i32
        %dma_start3A_175 = arith.constant 0 : i32
        %dma_start3A_176 = tpu.memref_slice %arg9[%add3A_174, %dma_start3A_175] : memref<40x128xi32, #tpu.memory_space<vmem>> -> memref<1x128xi32, #tpu.memory_space<vmem>>
        %dma_start3A_177 = tpu.memref_squeeze %dma_start3A_176 : memref<1x128xi32, #tpu.memory_space<vmem>> -> memref<128xi32, #tpu.memory_space<vmem>>
        %dma_start3A_178 = arith.constant 0 : i32
        %dma_start3A_179 = arith.constant 0 : i32
        %dma_start3A_180 = tpu.memref_slice %arg8[%dma_start3A_178, %dma_start3A_179] : memref<10000x64xi32, #tpu.memory_space<vmem_shared>> -> memref<10000x64xi32, #tpu.memory_space<vmem_shared>>
        tpu.enqueue_indirect_dma source(%dma_start3A_180 : memref<10000x64xi32, #tpu.memory_space<vmem_shared>>) target(%arg13 : memref<128x64xi32, #tpu.memory_space<vmem>>) offsets(%dma_start3A_177 : memref<128xi32, #tpu.memory_space<vmem>>) semaphore(%arg19 : memref<!tpu.dma_semaphore, #tpu.memory_space<semaphore_mem>>)
        %dma_start3A_181 = arith.constant 0 : i32
        %dma_start3A_182 = tpu.memref_slice %arg10[%add3A_174, %dma_start3A_181] : memref<40x128xi32, #tpu.memory_space<vmem>> -> memref<1x128xi32, #tpu.memory_space<vmem>>
        %dma_start3A_183 = tpu.memref_squeeze %dma_start3A_182 : memref<1x128xi32, #tpu.memory_space<vmem>> -> memref<128xi32, #tpu.memory_space<vmem>>
        %dma_start3A_184 = arith.constant 0 : i32
        %dma_start3A_185 = arith.constant 0 : i32
        %dma_start3A_186 = tpu.memref_slice %arg8[%dma_start3A_184, %dma_start3A_185] : memref<10000x64xi32, #tpu.memory_space<vmem_shared>> -> memref<10000x64xi32, #tpu.memory_space<vmem_shared>>
        tpu.enqueue_indirect_dma source(%dma_start3A_186 : memref<10000x64xi32, #tpu.memory_space<vmem_shared>>) target(%arg14 : memref<128x64xi32, #tpu.memory_space<vmem>>) offsets(%dma_start3A_183 : memref<128xi32, #tpu.memory_space<vmem>>) semaphore(%arg20 : memref<!tpu.dma_semaphore, #tpu.memory_space<semaphore_mem>>)
      } else {
      }
      scf.yield %scan3A_164#0, %scan3A_164#1 : f32, f32
    }
    %scan3A_36 = arith.constant 20 : i32
    "tpu.region"() ({
      %run_scoped3A = tpu.sem_alloc : memref<!tpu.dma_semaphore, #tpu.memory_space<semaphore_mem>>
      %dma_start3A_104 = arith.constant 0 : i32
      %dma_start3A_105 = arith.constant 0 : i32
      %dma_start3A_106 = tpu.memref_slice %arg5[%add3A, %dma_start3A_104, %dma_start3A_105] : memref<32x40x128xi32, #tpu.memory_space<hbm>> -> memref<1x40x128xi32, #tpu.memory_space<hbm>>
      %dma_start3A_107 = tpu.memref_squeeze %dma_start3A_106 : memref<1x40x128xi32, #tpu.memory_space<hbm>> -> memref<40x128xi32, #tpu.memory_space<hbm>>
      %dma_start3A_108 = arith.constant 0 : i32
      %dma_start3A_109 = arith.constant 0 : i32
      %dma_start3A_110 = tpu.memref_slice %arg5[%add3A, %dma_start3A_108, %dma_start3A_109] : memref<32x40x128xi32, #tpu.memory_space<hbm>> -> memref<1x40x128xi32, #tpu.memory_space<hbm>>
      %dma_start3A_111 = tpu.memref_squeeze %dma_start3A_110 : memref<1x40x128xi32, #tpu.memory_space<hbm>> -> memref<40x128xi32, #tpu.memory_space<hbm>>
      tpu.enqueue_dma source(%dma_start3A_111 : memref<40x128xi32, #tpu.memory_space<hbm>>) target(%arg9 : memref<40x128xi32, #tpu.memory_space<vmem>>) target_semaphore(%run_scoped3A : memref<!tpu.dma_semaphore, #tpu.memory_space<semaphore_mem>>)
      %dma_wait3A = arith.constant 0 : i32
      %dma_wait3A_112 = arith.constant 0 : i32
      %dma_wait3A_113 = tpu.memref_slice %arg5[%add3A, %dma_wait3A, %dma_wait3A_112] : memref<32x40x128xi32, #tpu.memory_space<hbm>> -> memref<1x40x128xi32, #tpu.memory_space<hbm>>
      %dma_wait3A_114 = tpu.memref_squeeze %dma_wait3A_113 : memref<1x40x128xi32, #tpu.memory_space<hbm>> -> memref<40x128xi32, #tpu.memory_space<hbm>>
      %dma_wait3A_115 = arith.constant 0 : i32
      %dma_wait3A_116 = arith.constant 0 : i32
      %dma_wait3A_117 = tpu.memref_slice %arg5[%add3A, %dma_wait3A_115, %dma_wait3A_116] : memref<32x40x128xi32, #tpu.memory_space<hbm>> -> memref<1x40x128xi32, #tpu.memory_space<hbm>>
      %dma_wait3A_118 = tpu.memref_squeeze %dma_wait3A_117 : memref<1x40x128xi32, #tpu.memory_space<hbm>> -> memref<40x128xi32, #tpu.memory_space<hbm>>
      tpu.wait_dma2 semaphore(%run_scoped3A : memref<!tpu.dma_semaphore, #tpu.memory_space<semaphore_mem>>) src(%dma_wait3A_118 : memref<40x128xi32, #tpu.memory_space<hbm>>) dst(%arg9 : memref<40x128xi32, #tpu.memory_space<vmem>>)
      tpu.yield
    }) : () -> ()
    "tpu.region"() ({
      %run_scoped3A = tpu.sem_alloc : memref<!tpu.dma_semaphore, #tpu.memory_space<semaphore_mem>>
      %dma_start3A_104 = arith.constant 0 : i32
      %dma_start3A_105 = arith.constant 0 : i32
      %dma_start3A_106 = tpu.memref_slice %arg6[%add3A, %dma_start3A_104, %dma_start3A_105] : memref<32x40x128xi32, #tpu.memory_space<hbm>> -> memref<1x40x128xi32, #tpu.memory_space<hbm>>
      %dma_start3A_107 = tpu.memref_squeeze %dma_start3A_106 : memref<1x40x128xi32, #tpu.memory_space<hbm>> -> memref<40x128xi32, #tpu.memory_space<hbm>>
      %dma_start3A_108 = arith.constant 0 : i32
      %dma_start3A_109 = arith.constant 0 : i32
      %dma_start3A_110 = tpu.memref_slice %arg6[%add3A, %dma_start3A_108, %dma_start3A_109] : memref<32x40x128xi32, #tpu.memory_space<hbm>> -> memref<1x40x128xi32, #tpu.memory_space<hbm>>
      %dma_start3A_111 = tpu.memref_squeeze %dma_start3A_110 : memref<1x40x128xi32, #tpu.memory_space<hbm>> -> memref<40x128xi32, #tpu.memory_space<hbm>>
      tpu.enqueue_dma source(%dma_start3A_111 : memref<40x128xi32, #tpu.memory_space<hbm>>) target(%arg10 : memref<40x128xi32, #tpu.memory_space<vmem>>) target_semaphore(%run_scoped3A : memref<!tpu.dma_semaphore, #tpu.memory_space<semaphore_mem>>)
      %dma_wait3A = arith.constant 0 : i32
      %dma_wait3A_112 = arith.constant 0 : i32
      %dma_wait3A_113 = tpu.memref_slice %arg6[%add3A, %dma_wait3A, %dma_wait3A_112] : memref<32x40x128xi32, #tpu.memory_space<hbm>> -> memref<1x40x128xi32, #tpu.memory_space<hbm>>
      %dma_wait3A_114 = tpu.memref_squeeze %dma_wait3A_113 : memref<1x40x128xi32, #tpu.memory_space<hbm>> -> memref<40x128xi32, #tpu.memory_space<hbm>>
      %dma_wait3A_115 = arith.constant 0 : i32
      %dma_wait3A_116 = arith.constant 0 : i32
      %dma_wait3A_117 = tpu.memref_slice %arg6[%add3A, %dma_wait3A_115, %dma_wait3A_116] : memref<32x40x128xi32, #tpu.memory_space<hbm>> -> memref<1x40x128xi32, #tpu.memory_space<hbm>>
      %dma_wait3A_118 = tpu.memref_squeeze %dma_wait3A_117 : memref<1x40x128xi32, #tpu.memory_space<hbm>> -> memref<40x128xi32, #tpu.memory_space<hbm>>
      tpu.wait_dma2 semaphore(%run_scoped3A : memref<!tpu.dma_semaphore, #tpu.memory_space<semaphore_mem>>) src(%dma_wait3A_118 : memref<40x128xi32, #tpu.memory_space<hbm>>) dst(%arg10 : memref<40x128xi32, #tpu.memory_space<vmem>>)
      tpu.yield
    }) : () -> ()
    %dma_start3A_37 = arith.constant 0 : i32
    %dma_start3A_38 = arith.constant 0 : i32
    %dma_start3A_39 = tpu.memref_slice %arg9[%dma_start3A_37, %dma_start3A_38] : memref<40x128xi32, #tpu.memory_space<vmem>> -> memref<1x128xi32, #tpu.memory_space<vmem>>
    %dma_start3A_40 = tpu.memref_squeeze %dma_start3A_39 : memref<1x128xi32, #tpu.memory_space<vmem>> -> memref<128xi32, #tpu.memory_space<vmem>>
    %dma_start3A_41 = arith.constant 0 : i32
    %dma_start3A_42 = arith.constant 0 : i32
    %dma_start3A_43 = tpu.memref_slice %arg8[%dma_start3A_41, %dma_start3A_42] : memref<10000x64xi32, #tpu.memory_space<vmem_shared>> -> memref<10000x64xi32, #tpu.memory_space<vmem_shared>>
    tpu.enqueue_indirect_dma source(%dma_start3A_43 : memref<10000x64xi32, #tpu.memory_space<vmem_shared>>) target(%arg11 : memref<128x64xi32, #tpu.memory_space<vmem>>) offsets(%dma_start3A_40 : memref<128xi32, #tpu.memory_space<vmem>>) semaphore(%arg17 : memref<!tpu.dma_semaphore, #tpu.memory_space<semaphore_mem>>)
    %dma_start3A_44 = arith.constant 0 : i32
    %dma_start3A_45 = arith.constant 0 : i32
    %dma_start3A_46 = tpu.memref_slice %arg10[%dma_start3A_44, %dma_start3A_45] : memref<40x128xi32, #tpu.memory_space<vmem>> -> memref<1x128xi32, #tpu.memory_space<vmem>>
    %dma_start3A_47 = tpu.memref_squeeze %dma_start3A_46 : memref<1x128xi32, #tpu.memory_space<vmem>> -> memref<128xi32, #tpu.memory_space<vmem>>
    %dma_start3A_48 = arith.constant 0 : i32
    %dma_start3A_49 = arith.constant 0 : i32
    %dma_start3A_50 = tpu.memref_slice %arg8[%dma_start3A_48, %dma_start3A_49] : memref<10000x64xi32, #tpu.memory_space<vmem_shared>> -> memref<10000x64xi32, #tpu.memory_space<vmem_shared>>
    tpu.enqueue_indirect_dma source(%dma_start3A_50 : memref<10000x64xi32, #tpu.memory_space<vmem_shared>>) target(%arg12 : memref<128x64xi32, #tpu.memory_space<vmem>>) offsets(%dma_start3A_47 : memref<128xi32, #tpu.memory_space<vmem>>) semaphore(%arg18 : memref<!tpu.dma_semaphore, #tpu.memory_space<semaphore_mem>>)
    %dma_start3A_51 = arith.constant 1 : i32
    %dma_start3A_52 = arith.constant 0 : i32
    %dma_start3A_53 = tpu.memref_slice %arg9[%dma_start3A_51, %dma_start3A_52] : memref<40x128xi32, #tpu.memory_space<vmem>> -> memref<1x128xi32, #tpu.memory_space<vmem>>
    %dma_start3A_54 = tpu.memref_squeeze %dma_start3A_53 : memref<1x128xi32, #tpu.memory_space<vmem>> -> memref<128xi32, #tpu.memory_space<vmem>>
    %dma_start3A_55 = arith.constant 0 : i32
    %dma_start3A_56 = arith.constant 0 : i32
    %dma_start3A_57 = tpu.memref_slice %arg8[%dma_start3A_55, %dma_start3A_56] : memref<10000x64xi32, #tpu.memory_space<vmem_shared>> -> memref<10000x64xi32, #tpu.memory_space<vmem_shared>>
    tpu.enqueue_indirect_dma source(%dma_start3A_57 : memref<10000x64xi32, #tpu.memory_space<vmem_shared>>) target(%arg13 : memref<128x64xi32, #tpu.memory_space<vmem>>) offsets(%dma_start3A_54 : memref<128xi32, #tpu.memory_space<vmem>>) semaphore(%arg19 : memref<!tpu.dma_semaphore, #tpu.memory_space<semaphore_mem>>)
    %dma_start3A_58 = arith.constant 1 : i32
    %dma_start3A_59 = arith.constant 0 : i32
    %dma_start3A_60 = tpu.memref_slice %arg10[%dma_start3A_58, %dma_start3A_59] : memref<40x128xi32, #tpu.memory_space<vmem>> -> memref<1x128xi32, #tpu.memory_space<vmem>>
    %dma_start3A_61 = tpu.memref_squeeze %dma_start3A_60 : memref<1x128xi32, #tpu.memory_space<vmem>> -> memref<128xi32, #tpu.memory_space<vmem>>
    %dma_start3A_62 = arith.constant 0 : i32
    %dma_start3A_63 = arith.constant 0 : i32
    %dma_start3A_64 = tpu.memref_slice %arg8[%dma_start3A_62, %dma_start3A_63] : memref<10000x64xi32, #tpu.memory_space<vmem_shared>> -> memref<10000x64xi32, #tpu.memory_space<vmem_shared>>
    tpu.enqueue_indirect_dma source(%dma_start3A_64 : memref<10000x64xi32, #tpu.memory_space<vmem_shared>>) target(%arg14 : memref<128x64xi32, #tpu.memory_space<vmem>>) offsets(%dma_start3A_61 : memref<128xi32, #tpu.memory_space<vmem>>) semaphore(%arg20 : memref<!tpu.dma_semaphore, #tpu.memory_space<semaphore_mem>>)
    %scan3A_65 = arith.constant 0.000000e+00 : f32
    %scan3A_66 = arith.constant 0.000000e+00 : f32
    %scan3A_67 = arith.constant 0 : i32
    %scan3A_68 = arith.constant 20 : i32
    %scan3A_69 = arith.addi %scan3A_67, %scan3A_68 : i32
    %scan3A_70 = arith.constant 1 : i32
    %scan3A_71:2 = scf.for %scan3A_104 = %scan3A_67 to %scan3A_69 step %scan3A_70 iter_args(%scan3A_105 = %scan3A_65, %scan3A_106 = %scan3A_66) -> (f32, f32)  : i32 {
      %dma_wait3A = arith.constant 0 : i32
      %dma_wait3A_107 = arith.constant 0 : i32
      %dma_wait3A_108 = tpu.memref_slice %arg9[%dma_wait3A, %dma_wait3A_107] : memref<40x128xi32, #tpu.memory_space<vmem>> -> memref<1x128xi32, #tpu.memory_space<vmem>>
      %dma_wait3A_109 = tpu.memref_squeeze %dma_wait3A_108 : memref<1x128xi32, #tpu.memory_space<vmem>> -> memref<128xi32, #tpu.memory_space<vmem>>
      %dma_wait3A_110 = arith.constant 0 : i32
      %dma_wait3A_111 = arith.constant 0 : i32
      %dma_wait3A_112 = tpu.memref_slice %arg8[%dma_wait3A_110, %dma_wait3A_111] : memref<10000x64xi32, #tpu.memory_space<vmem_shared>> -> memref<10000x64xi32, #tpu.memory_space<vmem_shared>>
      tpu.wait_indirect_dma semaphore(%arg17 : memref<!tpu.dma_semaphore, #tpu.memory_space<semaphore_mem>>) src(%dma_wait3A_112 : memref<10000x64xi32, #tpu.memory_space<vmem_shared>>) dst(%arg11 : memref<128x64xi32, #tpu.memory_space<vmem>>)
      %dma_wait3A_113 = arith.constant 0 : i32
      %dma_wait3A_114 = arith.constant 0 : i32
      %dma_wait3A_115 = tpu.memref_slice %arg10[%dma_wait3A_113, %dma_wait3A_114] : memref<40x128xi32, #tpu.memory_space<vmem>> -> memref<1x128xi32, #tpu.memory_space<vmem>>
      %dma_wait3A_116 = tpu.memref_squeeze %dma_wait3A_115 : memref<1x128xi32, #tpu.memory_space<vmem>> -> memref<128xi32, #tpu.memory_space<vmem>>
      %dma_wait3A_117 = arith.constant 0 : i32
      %dma_wait3A_118 = arith.constant 0 : i32
      %dma_wait3A_119 = tpu.memref_slice %arg8[%dma_wait3A_117, %dma_wait3A_118] : memref<10000x64xi32, #tpu.memory_space<vmem_shared>> -> memref<10000x64xi32, #tpu.memory_space<vmem_shared>>
      tpu.wait_indirect_dma semaphore(%arg18 : memref<!tpu.dma_semaphore, #tpu.memory_space<semaphore_mem>>) src(%dma_wait3A_119 : memref<10000x64xi32, #tpu.memory_space<vmem_shared>>) dst(%arg12 : memref<128x64xi32, #tpu.memory_space<vmem>>)
      %mul3A_120 = arith.constant 2 : i32
      %mul3A_121 = arith.muli %mul3A_120, %scan3A_104 : i32
      %mul3A_122 = arith.constant 5120 : i32
      %mul3A_123 = arith.muli %add3A, %mul3A_122 : i32
      %mul3A_124 = arith.constant 128 : i32
      %mul3A_125 = arith.muli %mul3A_121, %mul3A_124 : i32
      %add3A_126 = arith.addi %mul3A_123, %mul3A_125 : i32
      %scan3A_127 = arith.constant 0 : i32
      %scan3A_128 = arith.constant 64 : i32
      %scan3A_129 = arith.addi %scan3A_127, %scan3A_128 : i32
      %scan3A_130 = arith.constant 1 : i32
      %scan3A_131:2 = scf.for %scan3A_171 = %scan3A_127 to %scan3A_129 step %scan3A_130 iter_args(%scan3A_172 = %scan3A_105, %scan3A_173 = %scan3A_106) -> (f32, f32)  : i32 {
        %mul3A_174 = arith.constant 2 : i32
        %mul3A_175 = arith.muli %mul3A_174, %scan3A_171 : i32
        %broadcast_in_dim3A_176 = arith.constant 0.000000e+00 : f32
        %broadcast_in_dim3A_177 = vector.broadcast %broadcast_in_dim3A_176 : f32 to vector<16xf32>
        %get3A = arith.index_cast %mul3A_175 : i32 to index
        %get3A_178 = arith.constant 0 : index
        %get3A_179 = tpu.vector_load %arg11[%get3A, %get3A_178] {strides = array<i32>} : memref<128x64xi32, #tpu.memory_space<vmem>>, vector<16xi32>,
        %bitcast3A = vector.bitcast %get3A_179 : vector<16xi32> to vector<32xbf16>
        %get3A_180 = arith.index_cast %mul3A_175 : i32 to index
        %get3A_181 = arith.constant 0 : index
        %get3A_182 = tpu.vector_load %arg12[%get3A_180, %get3A_181] {strides = array<i32>} : memref<128x64xi32, #tpu.memory_space<vmem>>, vector<16xi32>,
        %bitcast3A_183 = vector.bitcast %get3A_182 : vector<16xi32> to vector<32xbf16>
        %unpack3A = tpu.unpack_subelements %bitcast3A, 0 {pack_format = #tpu.pack_format<interleaved>} : vector<32xbf16> -> vector<16xf32>
        %unpack3A_184 = tpu.unpack_subelements %bitcast3A, 1 {pack_format = #tpu.pack_format<interleaved>} : vector<32xbf16> -> vector<16xf32>
        %unpack3A_185 = tpu.unpack_subelements %bitcast3A_183, 0 {pack_format = #tpu.pack_format<interleaved>} : vector<32xbf16> -> vector<16xf32>
        %unpack3A_186 = tpu.unpack_subelements %bitcast3A_183, 1 {pack_format = #tpu.pack_format<interleaved>} : vector<32xbf16> -> vector<16xf32>
        %sub3A = arith.subf %unpack3A, %unpack3A_185 : vector<16xf32>
        %sub3A_187 = arith.subf %unpack3A_184, %unpack3A_186 : vector<16xf32>
        %mul3A_188 = arith.mulf %sub3A, %sub3A : vector<16xf32>
        %add3A_189 = arith.addf %broadcast_in_dim3A_177, %mul3A_188 : vector<16xf32>
        %mul3A_190 = arith.mulf %sub3A_187, %sub3A_187 : vector<16xf32>
        %add3A_191 = arith.addf %add3A_189, %mul3A_190 : vector<16xf32>
        %get3A_192 = arith.index_cast %mul3A_175 : i32 to index
        %get3A_193 = arith.constant 16 : index
        %get3A_194 = tpu.vector_load %arg11[%get3A_192, %get3A_193] {strides = array<i32>} : memref<128x64xi32, #tpu.memory_space<vmem>>, vector<16xi32>,
        %bitcast3A_195 = vector.bitcast %get3A_194 : vector<16xi32> to vector<32xbf16>
        %get3A_196 = arith.index_cast %mul3A_175 : i32 to index
        %get3A_197 = arith.constant 16 : index
        %get3A_198 = tpu.vector_load %arg12[%get3A_196, %get3A_197] {strides = array<i32>} : memref<128x64xi32, #tpu.memory_space<vmem>>, vector<16xi32>,
        %bitcast3A_199 = vector.bitcast %get3A_198 : vector<16xi32> to vector<32xbf16>
        %unpack3A_200 = tpu.unpack_subelements %bitcast3A_195, 0 {pack_format = #tpu.pack_format<interleaved>} : vector<32xbf16> -> vector<16xf32>
        %unpack3A_201 = tpu.unpack_subelements %bitcast3A_195, 1 {pack_format = #tpu.pack_format<interleaved>} : vector<32xbf16> -> vector<16xf32>
        %unpack3A_202 = tpu.unpack_subelements %bitcast3A_199, 0 {pack_format = #tpu.pack_format<interleaved>} : vector<32xbf16> -> vector<16xf32>
        %unpack3A_203 = tpu.unpack_subelements %bitcast3A_199, 1 {pack_format = #tpu.pack_format<interleaved>} : vector<32xbf16> -> vector<16xf32>
        %sub3A_204 = arith.subf %unpack3A_200, %unpack3A_202 : vector<16xf32>
        %sub3A_205 = arith.subf %unpack3A_201, %unpack3A_203 : vector<16xf32>
        %mul3A_206 = arith.mulf %sub3A_204, %sub3A_204 : vector<16xf32>
        %add3A_207 = arith.addf %add3A_191, %mul3A_206 : vector<16xf32>
        %mul3A_208 = arith.mulf %sub3A_205, %sub3A_205 : vector<16xf32>
        %add3A_209 = arith.addf %add3A_207, %mul3A_208 : vector<16xf32>
        %get3A_210 = arith.index_cast %mul3A_175 : i32 to index
        %get3A_211 = arith.constant 32 : index
        %get3A_212 = tpu.vector_load %arg11[%get3A_210, %get3A_211] {strides = array<i32>} : memref<128x64xi32, #tpu.memory_space<vmem>>, vector<16xi32>,
        %bitcast3A_213 = vector.bitcast %get3A_212 : vector<16xi32> to vector<32xbf16>
        %get3A_214 = arith.index_cast %mul3A_175 : i32 to index
        %get3A_215 = arith.constant 32 : index
        %get3A_216 = tpu.vector_load %arg12[%get3A_214, %get3A_215] {strides = array<i32>} : memref<128x64xi32, #tpu.memory_space<vmem>>, vector<16xi32>,
        %bitcast3A_217 = vector.bitcast %get3A_216 : vector<16xi32> to vector<32xbf16>
        %unpack3A_218 = tpu.unpack_subelements %bitcast3A_213, 0 {pack_format = #tpu.pack_format<interleaved>} : vector<32xbf16> -> vector<16xf32>
        %unpack3A_219 = tpu.unpack_subelements %bitcast3A_213, 1 {pack_format = #tpu.pack_format<interleaved>} : vector<32xbf16> -> vector<16xf32>
        %unpack3A_220 = tpu.unpack_subelements %bitcast3A_217, 0 {pack_format = #tpu.pack_format<interleaved>} : vector<32xbf16> -> vector<16xf32>
        %unpack3A_221 = tpu.unpack_subelements %bitcast3A_217, 1 {pack_format = #tpu.pack_format<interleaved>} : vector<32xbf16> -> vector<16xf32>
        %sub3A_222 = arith.subf %unpack3A_218, %unpack3A_220 : vector<16xf32>
        %sub3A_223 = arith.subf %unpack3A_219, %unpack3A_221 : vector<16xf32>
        %mul3A_224 = arith.mulf %sub3A_222, %sub3A_222 : vector<16xf32>
        %add3A_225 = arith.addf %add3A_209, %mul3A_224 : vector<16xf32>
        %mul3A_226 = arith.mulf %sub3A_223, %sub3A_223 : vector<16xf32>
        %add3A_227 = arith.addf %add3A_225, %mul3A_226 : vector<16xf32>
        %get3A_228 = arith.index_cast %mul3A_175 : i32 to index
        %get3A_229 = arith.constant 48 : index
        %get3A_230 = tpu.vector_load %arg11[%get3A_228, %get3A_229] {strides = array<i32>} : memref<128x64xi32, #tpu.memory_space<vmem>>, vector<16xi32>,
        %bitcast3A_231 = vector.bitcast %get3A_230 : vector<16xi32> to vector<32xbf16>
        %get3A_232 = arith.index_cast %mul3A_175 : i32 to index
        %get3A_233 = arith.constant 48 : index
        %get3A_234 = tpu.vector_load %arg12[%get3A_232, %get3A_233] {strides = array<i32>} : memref<128x64xi32, #tpu.memory_space<vmem>>, vector<16xi32>,
        %bitcast3A_235 = vector.bitcast %get3A_234 : vector<16xi32> to vector<32xbf16>
        %unpack3A_236 = tpu.unpack_subelements %bitcast3A_231, 0 {pack_format = #tpu.pack_format<interleaved>} : vector<32xbf16> -> vector<16xf32>
        %unpack3A_237 = tpu.unpack_subelements %bitcast3A_231, 1 {pack_format = #tpu.pack_format<interleaved>} : vector<32xbf16> -> vector<16xf32>
        %unpack3A_238 = tpu.unpack_subelements %bitcast3A_235, 0 {pack_format = #tpu.pack_format<interleaved>} : vector<32xbf16> -> vector<16xf32>
        %unpack3A_239 = tpu.unpack_subelements %bitcast3A_235, 1 {pack_format = #tpu.pack_format<interleaved>} : vector<32xbf16> -> vector<16xf32>
        %sub3A_240 = arith.subf %unpack3A_236, %unpack3A_238 : vector<16xf32>
        %sub3A_241 = arith.subf %unpack3A_237, %unpack3A_239 : vector<16xf32>
        %mul3A_242 = arith.mulf %sub3A_240, %sub3A_240 : vector<16xf32>
        %add3A_243 = arith.addf %add3A_227, %mul3A_242 : vector<16xf32>
        %mul3A_244 = arith.mulf %sub3A_241, %sub3A_241 : vector<16xf32>
        %add3A_245 = arith.addf %add3A_243, %mul3A_244 : vector<16xf32>
        %reduce_sum3A = arith.constant true
        %reduce_sum3A_246 = vector.broadcast %reduce_sum3A : i1 to vector<16xi1>
        %reduce_sum3A_247 = tpu.scan <sum>, %add3A_245 masked %reduce_sum3A_246 : vector<16xf32>, vector<16xi1> -> vector<16xf32>
        %reduce_sum3A_248 = vector.extract %reduce_sum3A_247[15] : f32 from vector<16xf32>
        %add3A_249 = arith.constant 9.99999996E-13 : f32
        %add3A_250 = arith.addf %reduce_sum3A_248, %add3A_249 : f32
        %add3A_251 = arith.constant 1 : i32
        %add3A_252 = arith.addi %mul3A_175, %add3A_251 : i32
        %broadcast_in_dim3A_253 = arith.constant 0.000000e+00 : f32
        %broadcast_in_dim3A_254 = vector.broadcast %broadcast_in_dim3A_253 : f32 to vector<16xf32>
        %get3A_255 = arith.index_cast %add3A_252 : i32 to index
        %get3A_256 = arith.constant 0 : index
        %get3A_257 = tpu.vector_load %arg11[%get3A_255, %get3A_256] {strides = array<i32>} : memref<128x64xi32, #tpu.memory_space<vmem>>, vector<16xi32>,
        %bitcast3A_258 = vector.bitcast %get3A_257 : vector<16xi32> to vector<32xbf16>
        %get3A_259 = arith.index_cast %add3A_252 : i32 to index
        %get3A_260 = arith.constant 0 : index
        %get3A_261 = tpu.vector_load %arg12[%get3A_259, %get3A_260] {strides = array<i32>} : memref<128x64xi32, #tpu.memory_space<vmem>>, vector<16xi32>,
        %bitcast3A_262 = vector.bitcast %get3A_261 : vector<16xi32> to vector<32xbf16>
        %unpack3A_263 = tpu.unpack_subelements %bitcast3A_258, 0 {pack_format = #tpu.pack_format<interleaved>} : vector<32xbf16> -> vector<16xf32>
        %unpack3A_264 = tpu.unpack_subelements %bitcast3A_258, 1 {pack_format = #tpu.pack_format<interleaved>} : vector<32xbf16> -> vector<16xf32>
        %unpack3A_265 = tpu.unpack_subelements %bitcast3A_262, 0 {pack_format = #tpu.pack_format<interleaved>} : vector<32xbf16> -> vector<16xf32>
        %unpack3A_266 = tpu.unpack_subelements %bitcast3A_262, 1 {pack_format = #tpu.pack_format<interleaved>} : vector<32xbf16> -> vector<16xf32>
        %sub3A_267 = arith.subf %unpack3A_263, %unpack3A_265 : vector<16xf32>
        %sub3A_268 = arith.subf %unpack3A_264, %unpack3A_266 : vector<16xf32>
        %mul3A_269 = arith.mulf %sub3A_267, %sub3A_267 : vector<16xf32>
        %add3A_270 = arith.addf %broadcast_in_dim3A_254, %mul3A_269 : vector<16xf32>
        %mul3A_271 = arith.mulf %sub3A_268, %sub3A_268 : vector<16xf32>
        %add3A_272 = arith.addf %add3A_270, %mul3A_271 : vector<16xf32>
        %get3A_273 = arith.index_cast %add3A_252 : i32 to index
        %get3A_274 = arith.constant 16 : index
        %get3A_275 = tpu.vector_load %arg11[%get3A_273, %get3A_274] {strides = array<i32>} : memref<128x64xi32, #tpu.memory_space<vmem>>, vector<16xi32>,
        %bitcast3A_276 = vector.bitcast %get3A_275 : vector<16xi32> to vector<32xbf16>
        %get3A_277 = arith.index_cast %add3A_252 : i32 to index
        %get3A_278 = arith.constant 16 : index
        %get3A_279 = tpu.vector_load %arg12[%get3A_277, %get3A_278] {strides = array<i32>} : memref<128x64xi32, #tpu.memory_space<vmem>>, vector<16xi32>,
        %bitcast3A_280 = vector.bitcast %get3A_279 : vector<16xi32> to vector<32xbf16>
        %unpack3A_281 = tpu.unpack_subelements %bitcast3A_276, 0 {pack_format = #tpu.pack_format<interleaved>} : vector<32xbf16> -> vector<16xf32>
        %unpack3A_282 = tpu.unpack_subelements %bitcast3A_276, 1 {pack_format = #tpu.pack_format<interleaved>} : vector<32xbf16> -> vector<16xf32>
        %unpack3A_283 = tpu.unpack_subelements %bitcast3A_280, 0 {pack_format = #tpu.pack_format<interleaved>} : vector<32xbf16> -> vector<16xf32>
        %unpack3A_284 = tpu.unpack_subelements %bitcast3A_280, 1 {pack_format = #tpu.pack_format<interleaved>} : vector<32xbf16> -> vector<16xf32>
        %sub3A_285 = arith.subf %unpack3A_281, %unpack3A_283 : vector<16xf32>
        %sub3A_286 = arith.subf %unpack3A_282, %unpack3A_284 : vector<16xf32>
        %mul3A_287 = arith.mulf %sub3A_285, %sub3A_285 : vector<16xf32>
        %add3A_288 = arith.addf %add3A_272, %mul3A_287 : vector<16xf32>
        %mul3A_289 = arith.mulf %sub3A_286, %sub3A_286 : vector<16xf32>
        %add3A_290 = arith.addf %add3A_288, %mul3A_289 : vector<16xf32>
        %get3A_291 = arith.index_cast %add3A_252 : i32 to index
        %get3A_292 = arith.constant 32 : index
        %get3A_293 = tpu.vector_load %arg11[%get3A_291, %get3A_292] {strides = array<i32>} : memref<128x64xi32, #tpu.memory_space<vmem>>, vector<16xi32>,
        %bitcast3A_294 = vector.bitcast %get3A_293 : vector<16xi32> to vector<32xbf16>
        %get3A_295 = arith.index_cast %add3A_252 : i32 to index
        %get3A_296 = arith.constant 32 : index
        %get3A_297 = tpu.vector_load %arg12[%get3A_295, %get3A_296] {strides = array<i32>} : memref<128x64xi32, #tpu.memory_space<vmem>>, vector<16xi32>,
        %bitcast3A_298 = vector.bitcast %get3A_297 : vector<16xi32> to vector<32xbf16>
        %unpack3A_299 = tpu.unpack_subelements %bitcast3A_294, 0 {pack_format = #tpu.pack_format<interleaved>} : vector<32xbf16> -> vector<16xf32>
        %unpack3A_300 = tpu.unpack_subelements %bitcast3A_294, 1 {pack_format = #tpu.pack_format<interleaved>} : vector<32xbf16> -> vector<16xf32>
        %unpack3A_301 = tpu.unpack_subelements %bitcast3A_298, 0 {pack_format = #tpu.pack_format<interleaved>} : vector<32xbf16> -> vector<16xf32>
        %unpack3A_302 = tpu.unpack_subelements %bitcast3A_298, 1 {pack_format = #tpu.pack_format<interleaved>} : vector<32xbf16> -> vector<16xf32>
        %sub3A_303 = arith.subf %unpack3A_299, %unpack3A_301 : vector<16xf32>
        %sub3A_304 = arith.subf %unpack3A_300, %unpack3A_302 : vector<16xf32>
        %mul3A_305 = arith.mulf %sub3A_303, %sub3A_303 : vector<16xf32>
        %add3A_306 = arith.addf %add3A_290, %mul3A_305 : vector<16xf32>
        %mul3A_307 = arith.mulf %sub3A_304, %sub3A_304 : vector<16xf32>
        %add3A_308 = arith.addf %add3A_306, %mul3A_307 : vector<16xf32>
        %get3A_309 = arith.index_cast %add3A_252 : i32 to index
        %get3A_310 = arith.constant 48 : index
        %get3A_311 = tpu.vector_load %arg11[%get3A_309, %get3A_310] {strides = array<i32>} : memref<128x64xi32, #tpu.memory_space<vmem>>, vector<16xi32>,
        %bitcast3A_312 = vector.bitcast %get3A_311 : vector<16xi32> to vector<32xbf16>
        %get3A_313 = arith.index_cast %add3A_252 : i32 to index
        %get3A_314 = arith.constant 48 : index
        %get3A_315 = tpu.vector_load %arg12[%get3A_313, %get3A_314] {strides = array<i32>} : memref<128x64xi32, #tpu.memory_space<vmem>>, vector<16xi32>,
        %bitcast3A_316 = vector.bitcast %get3A_315 : vector<16xi32> to vector<32xbf16>
        %unpack3A_317 = tpu.unpack_subelements %bitcast3A_312, 0 {pack_format = #tpu.pack_format<interleaved>} : vector<32xbf16> -> vector<16xf32>
        %unpack3A_318 = tpu.unpack_subelements %bitcast3A_312, 1 {pack_format = #tpu.pack_format<interleaved>} : vector<32xbf16> -> vector<16xf32>
        %unpack3A_319 = tpu.unpack_subelements %bitcast3A_316, 0 {pack_format = #tpu.pack_format<interleaved>} : vector<32xbf16> -> vector<16xf32>
        %unpack3A_320 = tpu.unpack_subelements %bitcast3A_316, 1 {pack_format = #tpu.pack_format<interleaved>} : vector<32xbf16> -> vector<16xf32>
        %sub3A_321 = arith.subf %unpack3A_317, %unpack3A_319 : vector<16xf32>
        %sub3A_322 = arith.subf %unpack3A_318, %unpack3A_320 : vector<16xf32>
        %mul3A_323 = arith.mulf %sub3A_321, %sub3A_321 : vector<16xf32>
        %add3A_324 = arith.addf %add3A_308, %mul3A_323 : vector<16xf32>
        %mul3A_325 = arith.mulf %sub3A_322, %sub3A_322 : vector<16xf32>
        %add3A_326 = arith.addf %add3A_324, %mul3A_325 : vector<16xf32>
        %reduce_sum3A_327 = arith.constant true
        %reduce_sum3A_328 = vector.broadcast %reduce_sum3A_327 : i1 to vector<16xi1>
        %reduce_sum3A_329 = tpu.scan <sum>, %add3A_326 masked %reduce_sum3A_328 : vector<16xf32>, vector<16xi1> -> vector<16xf32>
        %reduce_sum3A_330 = vector.extract %reduce_sum3A_329[15] : f32 from vector<16xf32>
        %add3A_331 = arith.constant 9.99999996E-13 : f32
        %add3A_332 = arith.addf %reduce_sum3A_330, %add3A_331 : f32
        %bitcast_convert_type3A = arith.bitcast %add3A_250 : f32 to i32
        %shift_right_arithmetic3A = arith.constant 1 : i32
        %shift_right_arithmetic3A_333 = arith.shrsi %bitcast_convert_type3A, %shift_right_arithmetic3A : i32
        %sub3A_334 = arith.constant 1597463007 : i32
        %sub3A_335 = arith.subi %sub3A_334, %shift_right_arithmetic3A_333 : i32
        %bitcast_convert_type3A_336 = arith.bitcast %sub3A_335 : i32 to f32
        %mul3A_337 = arith.constant 5.000000e-01 : f32
        %mul3A_338 = arith.mulf %mul3A_337, %add3A_250 : f32
        %mul3A_339 = arith.mulf %mul3A_338, %bitcast_convert_type3A_336 : f32
        %mul3A_340 = arith.mulf %mul3A_339, %bitcast_convert_type3A_336 : f32
        %sub3A_341 = arith.constant 1.500000e+00 : f32
        %sub3A_342 = arith.subf %sub3A_341, %mul3A_340 : f32
        %mul3A_343 = arith.mulf %bitcast_convert_type3A_336, %sub3A_342 : f32
        %mul3A_344 = arith.mulf %mul3A_338, %mul3A_343 : f32
        %mul3A_345 = arith.mulf %mul3A_344, %mul3A_343 : f32
        %sub3A_346 = arith.constant 1.500000e+00 : f32
        %sub3A_347 = arith.subf %sub3A_346, %mul3A_345 : f32
        %mul3A_348 = arith.mulf %mul3A_343, %sub3A_347 : f32
        %mul3A_349 = arith.mulf %mul3A_338, %mul3A_348 : f32
        %mul3A_350 = arith.mulf %mul3A_349, %mul3A_348 : f32
        %sub3A_351 = arith.constant 1.500000e+00 : f32
        %sub3A_352 = arith.subf %sub3A_351, %mul3A_350 : f32
        %mul3A_353 = arith.mulf %mul3A_348, %sub3A_352 : f32
        %mul3A_354 = arith.mulf %mul3A_338, %mul3A_353 : f32
        %mul3A_355 = arith.mulf %mul3A_354, %mul3A_353 : f32
        %sub3A_356 = arith.constant 1.500000e+00 : f32
        %sub3A_357 = arith.subf %sub3A_356, %mul3A_355 : f32
        %mul3A_358 = arith.mulf %mul3A_353, %sub3A_357 : f32
        %mul3A_359 = arith.mulf %add3A_250, %mul3A_358 : f32
        %bitcast_convert_type3A_360 = arith.bitcast %add3A_332 : f32 to i32
        %shift_right_arithmetic3A_361 = arith.constant 1 : i32
        %shift_right_arithmetic3A_362 = arith.shrsi %bitcast_convert_type3A_360, %shift_right_arithmetic3A_361 : i32
        %sub3A_363 = arith.constant 1597463007 : i32
        %sub3A_364 = arith.subi %sub3A_363, %shift_right_arithmetic3A_362 : i32
        %bitcast_convert_type3A_365 = arith.bitcast %sub3A_364 : i32 to f32
        %mul3A_366 = arith.constant 5.000000e-01 : f32
        %mul3A_367 = arith.mulf %mul3A_366, %add3A_332 : f32
        %mul3A_368 = arith.mulf %mul3A_367, %bitcast_convert_type3A_365 : f32
        %mul3A_369 = arith.mulf %mul3A_368, %bitcast_convert_type3A_365 : f32
        %sub3A_370 = arith.constant 1.500000e+00 : f32
        %sub3A_371 = arith.subf %sub3A_370, %mul3A_369 : f32
        %mul3A_372 = arith.mulf %bitcast_convert_type3A_365, %sub3A_371 : f32
        %mul3A_373 = arith.mulf %mul3A_367, %mul3A_372 : f32
        %mul3A_374 = arith.mulf %mul3A_373, %mul3A_372 : f32
        %sub3A_375 = arith.constant 1.500000e+00 : f32
        %sub3A_376 = arith.subf %sub3A_375, %mul3A_374 : f32
        %mul3A_377 = arith.mulf %mul3A_372, %sub3A_376 : f32
        %mul3A_378 = arith.mulf %mul3A_367, %mul3A_377 : f32
        %mul3A_379 = arith.mulf %mul3A_378, %mul3A_377 : f32
        %sub3A_380 = arith.constant 1.500000e+00 : f32
        %sub3A_381 = arith.subf %sub3A_380, %mul3A_379 : f32
        %mul3A_382 = arith.mulf %mul3A_377, %sub3A_381 : f32
        %mul3A_383 = arith.mulf %mul3A_367, %mul3A_382 : f32
        %mul3A_384 = arith.mulf %mul3A_383, %mul3A_382 : f32
        %sub3A_385 = arith.constant 1.500000e+00 : f32
        %sub3A_386 = arith.subf %sub3A_385, %mul3A_384 : f32
        %mul3A_387 = arith.mulf %mul3A_382, %sub3A_386 : f32
        %mul3A_388 = arith.mulf %add3A_332, %mul3A_387 : f32
        %sub3A_389 = arith.constant 1.000000e-01 : f32
        %sub3A_390 = arith.subf %sub3A_389, %mul3A_359 : f32
        %max3A = arith.constant 0.000000e+00 : f32
        %max3A_391 = arith.maximumf %max3A, %sub3A_390 : f32
        %sub3A_392 = arith.constant 1.000000e-01 : f32
        %sub3A_393 = arith.subf %sub3A_392, %mul3A_388 : f32
        %max3A_394 = arith.constant 0.000000e+00 : f32
        %max3A_395 = arith.maximumf %max3A_394, %sub3A_393 : f32
        %add3A_396 = arith.addi %add3A_126, %mul3A_175 : i32
        %lt3A_397 = arith.constant 160000 : i32
        %lt3A_398 = arith.cmpi slt, %add3A_396, %lt3A_397 : i32
        %add3A_399 = arith.addi %add3A_126, %mul3A_175 : i32
        %add3A_400 = arith.constant 1 : i32
        %add3A_401 = arith.addi %add3A_399, %add3A_400 : i32
        %lt3A_402 = arith.constant 160000 : i32
        %lt3A_403 = arith.cmpi slt, %add3A_401, %lt3A_402 : i32
        %jit3A_404 = arith.constant 0.000000e+00 : f32
        %select_n3A_405 = arith.select %lt3A_398, %add3A_250, %jit3A_404 : f32
        %add3A_406 = arith.addf %scan3A_172, %select_n3A_405 : f32
        %jit3A_407 = arith.constant 0.000000e+00 : f32
        %select_n3A_408 = arith.select %lt3A_403, %add3A_332, %jit3A_407 : f32
        %add3A_409 = arith.addf %add3A_406, %select_n3A_408 : f32
        %jit3A_410 = arith.constant 0.000000e+00 : f32
        %select_n3A_411 = arith.select %lt3A_398, %max3A_391, %jit3A_410 : f32
        %add3A_412 = arith.addf %scan3A_173, %select_n3A_411 : f32
        %jit3A_413 = arith.constant 0.000000e+00 : f32
        %select_n3A_414 = arith.select %lt3A_403, %max3A_395, %jit3A_413 : f32
        %add3A_415 = arith.addf %add3A_412, %select_n3A_414 : f32
        scf.yield %add3A_409, %add3A_415 : f32, f32
      }
      %scan3A_132 = arith.constant 64 : i32
      %lt3A = arith.constant 19 : i32
      %lt3A_133 = arith.cmpi slt, %scan3A_104, %lt3A : i32
      %convert_element_type3A_134 = arith.extui %lt3A_133 : i1 to i32
      %cond3A_135 = arith.constant 0 : i32
      %cond3A_136 = arith.cmpi ne, %convert_element_type3A_134, %cond3A_135 : i32
      scf.if %cond3A_136 {
        %mul3A_171 = arith.constant 2 : i32
        %mul3A_172 = arith.muli %mul3A_171, %scan3A_104 : i32
        %add3A_173 = arith.constant 2 : i32
        %add3A_174 = arith.addi %mul3A_172, %add3A_173 : i32
        %dma_start3A_175 = arith.constant 0 : i32
        %dma_start3A_176 = tpu.memref_slice %arg9[%add3A_174, %dma_start3A_175] : memref<40x128xi32, #tpu.memory_space<vmem>> -> memref<1x128xi32, #tpu.memory_space<vmem>>
        %dma_start3A_177 = tpu.memref_squeeze %dma_start3A_176 : memref<1x128xi32, #tpu.memory_space<vmem>> -> memref<128xi32, #tpu.memory_space<vmem>>
        %dma_start3A_178 = arith.constant 0 : i32
        %dma_start3A_179 = arith.constant 0 : i32
        %dma_start3A_180 = tpu.memref_slice %arg8[%dma_start3A_178, %dma_start3A_179] : memref<10000x64xi32, #tpu.memory_space<vmem_shared>> -> memref<10000x64xi32, #tpu.memory_space<vmem_shared>>
        tpu.enqueue_indirect_dma source(%dma_start3A_180 : memref<10000x64xi32, #tpu.memory_space<vmem_shared>>) target(%arg11 : memref<128x64xi32, #tpu.memory_space<vmem>>) offsets(%dma_start3A_177 : memref<128xi32, #tpu.memory_space<vmem>>) semaphore(%arg17 : memref<!tpu.dma_semaphore, #tpu.memory_space<semaphore_mem>>)
        %dma_start3A_181 = arith.constant 0 : i32
        %dma_start3A_182 = tpu.memref_slice %arg10[%add3A_174, %dma_start3A_181] : memref<40x128xi32, #tpu.memory_space<vmem>> -> memref<1x128xi32, #tpu.memory_space<vmem>>
        %dma_start3A_183 = tpu.memref_squeeze %dma_start3A_182 : memref<1x128xi32, #tpu.memory_space<vmem>> -> memref<128xi32, #tpu.memory_space<vmem>>
        %dma_start3A_184 = arith.constant 0 : i32
        %dma_start3A_185 = arith.constant 0 : i32
        %dma_start3A_186 = tpu.memref_slice %arg8[%dma_start3A_184, %dma_start3A_185] : memref<10000x64xi32, #tpu.memory_space<vmem_shared>> -> memref<10000x64xi32, #tpu.memory_space<vmem_shared>>
        tpu.enqueue_indirect_dma source(%dma_start3A_186 : memref<10000x64xi32, #tpu.memory_space<vmem_shared>>) target(%arg12 : memref<128x64xi32, #tpu.memory_space<vmem>>) offsets(%dma_start3A_183 : memref<128xi32, #tpu.memory_space<vmem>>) semaphore(%arg18 : memref<!tpu.dma_semaphore, #tpu.memory_space<semaphore_mem>>)
      } else {
      }
      %dma_wait3A_137 = arith.constant 0 : i32
      %dma_wait3A_138 = arith.constant 0 : i32
      %dma_wait3A_139 = tpu.memref_slice %arg9[%dma_wait3A_137, %dma_wait3A_138] : memref<40x128xi32, #tpu.memory_space<vmem>> -> memref<1x128xi32, #tpu.memory_space<vmem>>
      %dma_wait3A_140 = tpu.memref_squeeze %dma_wait3A_139 : memref<1x128xi32, #tpu.memory_space<vmem>> -> memref<128xi32, #tpu.memory_space<vmem>>
      %dma_wait3A_141 = arith.constant 0 : i32
      %dma_wait3A_142 = arith.constant 0 : i32
      %dma_wait3A_143 = tpu.memref_slice %arg8[%dma_wait3A_141, %dma_wait3A_142] : memref<10000x64xi32, #tpu.memory_space<vmem_shared>> -> memref<10000x64xi32, #tpu.memory_space<vmem_shared>>
      tpu.wait_indirect_dma semaphore(%arg19 : memref<!tpu.dma_semaphore, #tpu.memory_space<semaphore_mem>>) src(%dma_wait3A_143 : memref<10000x64xi32, #tpu.memory_space<vmem_shared>>) dst(%arg13 : memref<128x64xi32, #tpu.memory_space<vmem>>)
      %dma_wait3A_144 = arith.constant 0 : i32
      %dma_wait3A_145 = arith.constant 0 : i32
      %dma_wait3A_146 = tpu.memref_slice %arg10[%dma_wait3A_144, %dma_wait3A_145] : memref<40x128xi32, #tpu.memory_space<vmem>> -> memref<1x128xi32, #tpu.memory_space<vmem>>
      %dma_wait3A_147 = tpu.memref_squeeze %dma_wait3A_146 : memref<1x128xi32, #tpu.memory_space<vmem>> -> memref<128xi32, #tpu.memory_space<vmem>>
      %dma_wait3A_148 = arith.constant 0 : i32
      %dma_wait3A_149 = arith.constant 0 : i32
      %dma_wait3A_150 = tpu.memref_slice %arg8[%dma_wait3A_148, %dma_wait3A_149] : memref<10000x64xi32, #tpu.memory_space<vmem_shared>> -> memref<10000x64xi32, #tpu.memory_space<vmem_shared>>
      tpu.wait_indirect_dma semaphore(%arg20 : memref<!tpu.dma_semaphore, #tpu.memory_space<semaphore_mem>>) src(%dma_wait3A_150 : memref<10000x64xi32, #tpu.memory_space<vmem_shared>>) dst(%arg14 : memref<128x64xi32, #tpu.memory_space<vmem>>)
      %mul3A_151 = arith.constant 2 : i32
      %mul3A_152 = arith.muli %mul3A_151, %scan3A_104 : i32
      %add3A_153 = arith.constant 1 : i32
      %add3A_154 = arith.addi %mul3A_152, %add3A_153 : i32
      %mul3A_155 = arith.constant 5120 : i32
      %mul3A_156 = arith.muli %add3A, %mul3A_155 : i32
      %mul3A_157 = arith.constant 128 : i32
      %mul3A_158 = arith.muli %add3A_154, %mul3A_157 : i32
      %add3A_159 = arith.addi %mul3A_156, %mul3A_158 : i32
      %scan3A_160 = arith.constant 0 : i32
      %scan3A_161 = arith.constant 64 : i32
      %scan3A_162 = arith.addi %scan3A_160, %scan3A_161 : i32
      %scan3A_163 = arith.constant 1 : i32
      %scan3A_164:2 = scf.for %scan3A_171 = %scan3A_160 to %scan3A_162 step %scan3A_163 iter_args(%scan3A_172 = %scan3A_131#0, %scan3A_173 = %scan3A_131#1) -> (f32, f32)  : i32 {
        %mul3A_174 = arith.constant 2 : i32
        %mul3A_175 = arith.muli %mul3A_174, %scan3A_171 : i32
        %broadcast_in_dim3A_176 = arith.constant 0.000000e+00 : f32
        %broadcast_in_dim3A_177 = vector.broadcast %broadcast_in_dim3A_176 : f32 to vector<16xf32>
        %get3A = arith.index_cast %mul3A_175 : i32 to index
        %get3A_178 = arith.constant 0 : index
        %get3A_179 = tpu.vector_load %arg13[%get3A, %get3A_178] {strides = array<i32>} : memref<128x64xi32, #tpu.memory_space<vmem>>, vector<16xi32>,
        %bitcast3A = vector.bitcast %get3A_179 : vector<16xi32> to vector<32xbf16>
        %get3A_180 = arith.index_cast %mul3A_175 : i32 to index
        %get3A_181 = arith.constant 0 : index
        %get3A_182 = tpu.vector_load %arg14[%get3A_180, %get3A_181] {strides = array<i32>} : memref<128x64xi32, #tpu.memory_space<vmem>>, vector<16xi32>,
        %bitcast3A_183 = vector.bitcast %get3A_182 : vector<16xi32> to vector<32xbf16>
        %unpack3A = tpu.unpack_subelements %bitcast3A, 0 {pack_format = #tpu.pack_format<interleaved>} : vector<32xbf16> -> vector<16xf32>
        %unpack3A_184 = tpu.unpack_subelements %bitcast3A, 1 {pack_format = #tpu.pack_format<interleaved>} : vector<32xbf16> -> vector<16xf32>
        %unpack3A_185 = tpu.unpack_subelements %bitcast3A_183, 0 {pack_format = #tpu.pack_format<interleaved>} : vector<32xbf16> -> vector<16xf32>
        %unpack3A_186 = tpu.unpack_subelements %bitcast3A_183, 1 {pack_format = #tpu.pack_format<interleaved>} : vector<32xbf16> -> vector<16xf32>
        %sub3A = arith.subf %unpack3A, %unpack3A_185 : vector<16xf32>
        %sub3A_187 = arith.subf %unpack3A_184, %unpack3A_186 : vector<16xf32>
        %mul3A_188 = arith.mulf %sub3A, %sub3A : vector<16xf32>
        %add3A_189 = arith.addf %broadcast_in_dim3A_177, %mul3A_188 : vector<16xf32>
        %mul3A_190 = arith.mulf %sub3A_187, %sub3A_187 : vector<16xf32>
        %add3A_191 = arith.addf %add3A_189, %mul3A_190 : vector<16xf32>
        %get3A_192 = arith.index_cast %mul3A_175 : i32 to index
        %get3A_193 = arith.constant 16 : index
        %get3A_194 = tpu.vector_load %arg13[%get3A_192, %get3A_193] {strides = array<i32>} : memref<128x64xi32, #tpu.memory_space<vmem>>, vector<16xi32>,
        %bitcast3A_195 = vector.bitcast %get3A_194 : vector<16xi32> to vector<32xbf16>
        %get3A_196 = arith.index_cast %mul3A_175 : i32 to index
        %get3A_197 = arith.constant 16 : index
        %get3A_198 = tpu.vector_load %arg14[%get3A_196, %get3A_197] {strides = array<i32>} : memref<128x64xi32, #tpu.memory_space<vmem>>, vector<16xi32>,
        %bitcast3A_199 = vector.bitcast %get3A_198 : vector<16xi32> to vector<32xbf16>
        %unpack3A_200 = tpu.unpack_subelements %bitcast3A_195, 0 {pack_format = #tpu.pack_format<interleaved>} : vector<32xbf16> -> vector<16xf32>
        %unpack3A_201 = tpu.unpack_subelements %bitcast3A_195, 1 {pack_format = #tpu.pack_format<interleaved>} : vector<32xbf16> -> vector<16xf32>
        %unpack3A_202 = tpu.unpack_subelements %bitcast3A_199, 0 {pack_format = #tpu.pack_format<interleaved>} : vector<32xbf16> -> vector<16xf32>
        %unpack3A_203 = tpu.unpack_subelements %bitcast3A_199, 1 {pack_format = #tpu.pack_format<interleaved>} : vector<32xbf16> -> vector<16xf32>
        %sub3A_204 = arith.subf %unpack3A_200, %unpack3A_202 : vector<16xf32>
        %sub3A_205 = arith.subf %unpack3A_201, %unpack3A_203 : vector<16xf32>
        %mul3A_206 = arith.mulf %sub3A_204, %sub3A_204 : vector<16xf32>
        %add3A_207 = arith.addf %add3A_191, %mul3A_206 : vector<16xf32>
        %mul3A_208 = arith.mulf %sub3A_205, %sub3A_205 : vector<16xf32>
        %add3A_209 = arith.addf %add3A_207, %mul3A_208 : vector<16xf32>
        %get3A_210 = arith.index_cast %mul3A_175 : i32 to index
        %get3A_211 = arith.constant 32 : index
        %get3A_212 = tpu.vector_load %arg13[%get3A_210, %get3A_211] {strides = array<i32>} : memref<128x64xi32, #tpu.memory_space<vmem>>, vector<16xi32>,
        %bitcast3A_213 = vector.bitcast %get3A_212 : vector<16xi32> to vector<32xbf16>
        %get3A_214 = arith.index_cast %mul3A_175 : i32 to index
        %get3A_215 = arith.constant 32 : index
        %get3A_216 = tpu.vector_load %arg14[%get3A_214, %get3A_215] {strides = array<i32>} : memref<128x64xi32, #tpu.memory_space<vmem>>, vector<16xi32>,
        %bitcast3A_217 = vector.bitcast %get3A_216 : vector<16xi32> to vector<32xbf16>
        %unpack3A_218 = tpu.unpack_subelements %bitcast3A_213, 0 {pack_format = #tpu.pack_format<interleaved>} : vector<32xbf16> -> vector<16xf32>
        %unpack3A_219 = tpu.unpack_subelements %bitcast3A_213, 1 {pack_format = #tpu.pack_format<interleaved>} : vector<32xbf16> -> vector<16xf32>
        %unpack3A_220 = tpu.unpack_subelements %bitcast3A_217, 0 {pack_format = #tpu.pack_format<interleaved>} : vector<32xbf16> -> vector<16xf32>
        %unpack3A_221 = tpu.unpack_subelements %bitcast3A_217, 1 {pack_format = #tpu.pack_format<interleaved>} : vector<32xbf16> -> vector<16xf32>
        %sub3A_222 = arith.subf %unpack3A_218, %unpack3A_220 : vector<16xf32>
        %sub3A_223 = arith.subf %unpack3A_219, %unpack3A_221 : vector<16xf32>
        %mul3A_224 = arith.mulf %sub3A_222, %sub3A_222 : vector<16xf32>
        %add3A_225 = arith.addf %add3A_209, %mul3A_224 : vector<16xf32>
        %mul3A_226 = arith.mulf %sub3A_223, %sub3A_223 : vector<16xf32>
        %add3A_227 = arith.addf %add3A_225, %mul3A_226 : vector<16xf32>
        %get3A_228 = arith.index_cast %mul3A_175 : i32 to index
        %get3A_229 = arith.constant 48 : index
        %get3A_230 = tpu.vector_load %arg13[%get3A_228, %get3A_229] {strides = array<i32>} : memref<128x64xi32, #tpu.memory_space<vmem>>, vector<16xi32>,
        %bitcast3A_231 = vector.bitcast %get3A_230 : vector<16xi32> to vector<32xbf16>
        %get3A_232 = arith.index_cast %mul3A_175 : i32 to index
        %get3A_233 = arith.constant 48 : index
        %get3A_234 = tpu.vector_load %arg14[%get3A_232, %get3A_233] {strides = array<i32>} : memref<128x64xi32, #tpu.memory_space<vmem>>, vector<16xi32>,
        %bitcast3A_235 = vector.bitcast %get3A_234 : vector<16xi32> to vector<32xbf16>
        %unpack3A_236 = tpu.unpack_subelements %bitcast3A_231, 0 {pack_format = #tpu.pack_format<interleaved>} : vector<32xbf16> -> vector<16xf32>
        %unpack3A_237 = tpu.unpack_subelements %bitcast3A_231, 1 {pack_format = #tpu.pack_format<interleaved>} : vector<32xbf16> -> vector<16xf32>
        %unpack3A_238 = tpu.unpack_subelements %bitcast3A_235, 0 {pack_format = #tpu.pack_format<interleaved>} : vector<32xbf16> -> vector<16xf32>
        %unpack3A_239 = tpu.unpack_subelements %bitcast3A_235, 1 {pack_format = #tpu.pack_format<interleaved>} : vector<32xbf16> -> vector<16xf32>
        %sub3A_240 = arith.subf %unpack3A_236, %unpack3A_238 : vector<16xf32>
        %sub3A_241 = arith.subf %unpack3A_237, %unpack3A_239 : vector<16xf32>
        %mul3A_242 = arith.mulf %sub3A_240, %sub3A_240 : vector<16xf32>
        %add3A_243 = arith.addf %add3A_227, %mul3A_242 : vector<16xf32>
        %mul3A_244 = arith.mulf %sub3A_241, %sub3A_241 : vector<16xf32>
        %add3A_245 = arith.addf %add3A_243, %mul3A_244 : vector<16xf32>
        %reduce_sum3A = arith.constant true
        %reduce_sum3A_246 = vector.broadcast %reduce_sum3A : i1 to vector<16xi1>
        %reduce_sum3A_247 = tpu.scan <sum>, %add3A_245 masked %reduce_sum3A_246 : vector<16xf32>, vector<16xi1> -> vector<16xf32>
        %reduce_sum3A_248 = vector.extract %reduce_sum3A_247[15] : f32 from vector<16xf32>
        %add3A_249 = arith.constant 9.99999996E-13 : f32
        %add3A_250 = arith.addf %reduce_sum3A_248, %add3A_249 : f32
        %add3A_251 = arith.constant 1 : i32
        %add3A_252 = arith.addi %mul3A_175, %add3A_251 : i32
        %broadcast_in_dim3A_253 = arith.constant 0.000000e+00 : f32
        %broadcast_in_dim3A_254 = vector.broadcast %broadcast_in_dim3A_253 : f32 to vector<16xf32>
        %get3A_255 = arith.index_cast %add3A_252 : i32 to index
        %get3A_256 = arith.constant 0 : index
        %get3A_257 = tpu.vector_load %arg13[%get3A_255, %get3A_256] {strides = array<i32>} : memref<128x64xi32, #tpu.memory_space<vmem>>, vector<16xi32>,
        %bitcast3A_258 = vector.bitcast %get3A_257 : vector<16xi32> to vector<32xbf16>
        %get3A_259 = arith.index_cast %add3A_252 : i32 to index
        %get3A_260 = arith.constant 0 : index
        %get3A_261 = tpu.vector_load %arg14[%get3A_259, %get3A_260] {strides = array<i32>} : memref<128x64xi32, #tpu.memory_space<vmem>>, vector<16xi32>,
        %bitcast3A_262 = vector.bitcast %get3A_261 : vector<16xi32> to vector<32xbf16>
        %unpack3A_263 = tpu.unpack_subelements %bitcast3A_258, 0 {pack_format = #tpu.pack_format<interleaved>} : vector<32xbf16> -> vector<16xf32>
        %unpack3A_264 = tpu.unpack_subelements %bitcast3A_258, 1 {pack_format = #tpu.pack_format<interleaved>} : vector<32xbf16> -> vector<16xf32>
        %unpack3A_265 = tpu.unpack_subelements %bitcast3A_262, 0 {pack_format = #tpu.pack_format<interleaved>} : vector<32xbf16> -> vector<16xf32>
        %unpack3A_266 = tpu.unpack_subelements %bitcast3A_262, 1 {pack_format = #tpu.pack_format<interleaved>} : vector<32xbf16> -> vector<16xf32>
        %sub3A_267 = arith.subf %unpack3A_263, %unpack3A_265 : vector<16xf32>
        %sub3A_268 = arith.subf %unpack3A_264, %unpack3A_266 : vector<16xf32>
        %mul3A_269 = arith.mulf %sub3A_267, %sub3A_267 : vector<16xf32>
        %add3A_270 = arith.addf %broadcast_in_dim3A_254, %mul3A_269 : vector<16xf32>
        %mul3A_271 = arith.mulf %sub3A_268, %sub3A_268 : vector<16xf32>
        %add3A_272 = arith.addf %add3A_270, %mul3A_271 : vector<16xf32>
        %get3A_273 = arith.index_cast %add3A_252 : i32 to index
        %get3A_274 = arith.constant 16 : index
        %get3A_275 = tpu.vector_load %arg13[%get3A_273, %get3A_274] {strides = array<i32>} : memref<128x64xi32, #tpu.memory_space<vmem>>, vector<16xi32>,
        %bitcast3A_276 = vector.bitcast %get3A_275 : vector<16xi32> to vector<32xbf16>
        %get3A_277 = arith.index_cast %add3A_252 : i32 to index
        %get3A_278 = arith.constant 16 : index
        %get3A_279 = tpu.vector_load %arg14[%get3A_277, %get3A_278] {strides = array<i32>} : memref<128x64xi32, #tpu.memory_space<vmem>>, vector<16xi32>,
        %bitcast3A_280 = vector.bitcast %get3A_279 : vector<16xi32> to vector<32xbf16>
        %unpack3A_281 = tpu.unpack_subelements %bitcast3A_276, 0 {pack_format = #tpu.pack_format<interleaved>} : vector<32xbf16> -> vector<16xf32>
        %unpack3A_282 = tpu.unpack_subelements %bitcast3A_276, 1 {pack_format = #tpu.pack_format<interleaved>} : vector<32xbf16> -> vector<16xf32>
        %unpack3A_283 = tpu.unpack_subelements %bitcast3A_280, 0 {pack_format = #tpu.pack_format<interleaved>} : vector<32xbf16> -> vector<16xf32>
        %unpack3A_284 = tpu.unpack_subelements %bitcast3A_280, 1 {pack_format = #tpu.pack_format<interleaved>} : vector<32xbf16> -> vector<16xf32>
        %sub3A_285 = arith.subf %unpack3A_281, %unpack3A_283 : vector<16xf32>
        %sub3A_286 = arith.subf %unpack3A_282, %unpack3A_284 : vector<16xf32>
        %mul3A_287 = arith.mulf %sub3A_285, %sub3A_285 : vector<16xf32>
        %add3A_288 = arith.addf %add3A_272, %mul3A_287 : vector<16xf32>
        %mul3A_289 = arith.mulf %sub3A_286, %sub3A_286 : vector<16xf32>
        %add3A_290 = arith.addf %add3A_288, %mul3A_289 : vector<16xf32>
        %get3A_291 = arith.index_cast %add3A_252 : i32 to index
        %get3A_292 = arith.constant 32 : index
        %get3A_293 = tpu.vector_load %arg13[%get3A_291, %get3A_292] {strides = array<i32>} : memref<128x64xi32, #tpu.memory_space<vmem>>, vector<16xi32>,
        %bitcast3A_294 = vector.bitcast %get3A_293 : vector<16xi32> to vector<32xbf16>
        %get3A_295 = arith.index_cast %add3A_252 : i32 to index
        %get3A_296 = arith.constant 32 : index
        %get3A_297 = tpu.vector_load %arg14[%get3A_295, %get3A_296] {strides = array<i32>} : memref<128x64xi32, #tpu.memory_space<vmem>>, vector<16xi32>,
        %bitcast3A_298 = vector.bitcast %get3A_297 : vector<16xi32> to vector<32xbf16>
        %unpack3A_299 = tpu.unpack_subelements %bitcast3A_294, 0 {pack_format = #tpu.pack_format<interleaved>} : vector<32xbf16> -> vector<16xf32>
        %unpack3A_300 = tpu.unpack_subelements %bitcast3A_294, 1 {pack_format = #tpu.pack_format<interleaved>} : vector<32xbf16> -> vector<16xf32>
        %unpack3A_301 = tpu.unpack_subelements %bitcast3A_298, 0 {pack_format = #tpu.pack_format<interleaved>} : vector<32xbf16> -> vector<16xf32>
        %unpack3A_302 = tpu.unpack_subelements %bitcast3A_298, 1 {pack_format = #tpu.pack_format<interleaved>} : vector<32xbf16> -> vector<16xf32>
        %sub3A_303 = arith.subf %unpack3A_299, %unpack3A_301 : vector<16xf32>
        %sub3A_304 = arith.subf %unpack3A_300, %unpack3A_302 : vector<16xf32>
        %mul3A_305 = arith.mulf %sub3A_303, %sub3A_303 : vector<16xf32>
        %add3A_306 = arith.addf %add3A_290, %mul3A_305 : vector<16xf32>
        %mul3A_307 = arith.mulf %sub3A_304, %sub3A_304 : vector<16xf32>
        %add3A_308 = arith.addf %add3A_306, %mul3A_307 : vector<16xf32>
        %get3A_309 = arith.index_cast %add3A_252 : i32 to index
        %get3A_310 = arith.constant 48 : index
        %get3A_311 = tpu.vector_load %arg13[%get3A_309, %get3A_310] {strides = array<i32>} : memref<128x64xi32, #tpu.memory_space<vmem>>, vector<16xi32>,
        %bitcast3A_312 = vector.bitcast %get3A_311 : vector<16xi32> to vector<32xbf16>
        %get3A_313 = arith.index_cast %add3A_252 : i32 to index
        %get3A_314 = arith.constant 48 : index
        %get3A_315 = tpu.vector_load %arg14[%get3A_313, %get3A_314] {strides = array<i32>} : memref<128x64xi32, #tpu.memory_space<vmem>>, vector<16xi32>,
        %bitcast3A_316 = vector.bitcast %get3A_315 : vector<16xi32> to vector<32xbf16>
        %unpack3A_317 = tpu.unpack_subelements %bitcast3A_312, 0 {pack_format = #tpu.pack_format<interleaved>} : vector<32xbf16> -> vector<16xf32>
        %unpack3A_318 = tpu.unpack_subelements %bitcast3A_312, 1 {pack_format = #tpu.pack_format<interleaved>} : vector<32xbf16> -> vector<16xf32>
        %unpack3A_319 = tpu.unpack_subelements %bitcast3A_316, 0 {pack_format = #tpu.pack_format<interleaved>} : vector<32xbf16> -> vector<16xf32>
        %unpack3A_320 = tpu.unpack_subelements %bitcast3A_316, 1 {pack_format = #tpu.pack_format<interleaved>} : vector<32xbf16> -> vector<16xf32>
        %sub3A_321 = arith.subf %unpack3A_317, %unpack3A_319 : vector<16xf32>
        %sub3A_322 = arith.subf %unpack3A_318, %unpack3A_320 : vector<16xf32>
        %mul3A_323 = arith.mulf %sub3A_321, %sub3A_321 : vector<16xf32>
        %add3A_324 = arith.addf %add3A_308, %mul3A_323 : vector<16xf32>
        %mul3A_325 = arith.mulf %sub3A_322, %sub3A_322 : vector<16xf32>
        %add3A_326 = arith.addf %add3A_324, %mul3A_325 : vector<16xf32>
        %reduce_sum3A_327 = arith.constant true
        %reduce_sum3A_328 = vector.broadcast %reduce_sum3A_327 : i1 to vector<16xi1>
        %reduce_sum3A_329 = tpu.scan <sum>, %add3A_326 masked %reduce_sum3A_328 : vector<16xf32>, vector<16xi1> -> vector<16xf32>
        %reduce_sum3A_330 = vector.extract %reduce_sum3A_329[15] : f32 from vector<16xf32>
        %add3A_331 = arith.constant 9.99999996E-13 : f32
        %add3A_332 = arith.addf %reduce_sum3A_330, %add3A_331 : f32
        %bitcast_convert_type3A = arith.bitcast %add3A_250 : f32 to i32
        %shift_right_arithmetic3A = arith.constant 1 : i32
        %shift_right_arithmetic3A_333 = arith.shrsi %bitcast_convert_type3A, %shift_right_arithmetic3A : i32
        %sub3A_334 = arith.constant 1597463007 : i32
        %sub3A_335 = arith.subi %sub3A_334, %shift_right_arithmetic3A_333 : i32
        %bitcast_convert_type3A_336 = arith.bitcast %sub3A_335 : i32 to f32
        %mul3A_337 = arith.constant 5.000000e-01 : f32
        %mul3A_338 = arith.mulf %mul3A_337, %add3A_250 : f32
        %mul3A_339 = arith.mulf %mul3A_338, %bitcast_convert_type3A_336 : f32
        %mul3A_340 = arith.mulf %mul3A_339, %bitcast_convert_type3A_336 : f32
        %sub3A_341 = arith.constant 1.500000e+00 : f32
        %sub3A_342 = arith.subf %sub3A_341, %mul3A_340 : f32
        %mul3A_343 = arith.mulf %bitcast_convert_type3A_336, %sub3A_342 : f32
        %mul3A_344 = arith.mulf %mul3A_338, %mul3A_343 : f32
        %mul3A_345 = arith.mulf %mul3A_344, %mul3A_343 : f32
        %sub3A_346 = arith.constant 1.500000e+00 : f32
        %sub3A_347 = arith.subf %sub3A_346, %mul3A_345 : f32
        %mul3A_348 = arith.mulf %mul3A_343, %sub3A_347 : f32
        %mul3A_349 = arith.mulf %mul3A_338, %mul3A_348 : f32
        %mul3A_350 = arith.mulf %mul3A_349, %mul3A_348 : f32
        %sub3A_351 = arith.constant 1.500000e+00 : f32
        %sub3A_352 = arith.subf %sub3A_351, %mul3A_350 : f32
        %mul3A_353 = arith.mulf %mul3A_348, %sub3A_352 : f32
        %mul3A_354 = arith.mulf %mul3A_338, %mul3A_353 : f32
        %mul3A_355 = arith.mulf %mul3A_354, %mul3A_353 : f32
        %sub3A_356 = arith.constant 1.500000e+00 : f32
        %sub3A_357 = arith.subf %sub3A_356, %mul3A_355 : f32
        %mul3A_358 = arith.mulf %mul3A_353, %sub3A_357 : f32
        %mul3A_359 = arith.mulf %add3A_250, %mul3A_358 : f32
        %bitcast_convert_type3A_360 = arith.bitcast %add3A_332 : f32 to i32
        %shift_right_arithmetic3A_361 = arith.constant 1 : i32
        %shift_right_arithmetic3A_362 = arith.shrsi %bitcast_convert_type3A_360, %shift_right_arithmetic3A_361 : i32
        %sub3A_363 = arith.constant 1597463007 : i32
        %sub3A_364 = arith.subi %sub3A_363, %shift_right_arithmetic3A_362 : i32
        %bitcast_convert_type3A_365 = arith.bitcast %sub3A_364 : i32 to f32
        %mul3A_366 = arith.constant 5.000000e-01 : f32
        %mul3A_367 = arith.mulf %mul3A_366, %add3A_332 : f32
        %mul3A_368 = arith.mulf %mul3A_367, %bitcast_convert_type3A_365 : f32
        %mul3A_369 = arith.mulf %mul3A_368, %bitcast_convert_type3A_365 : f32
        %sub3A_370 = arith.constant 1.500000e+00 : f32
        %sub3A_371 = arith.subf %sub3A_370, %mul3A_369 : f32
        %mul3A_372 = arith.mulf %bitcast_convert_type3A_365, %sub3A_371 : f32
        %mul3A_373 = arith.mulf %mul3A_367, %mul3A_372 : f32
        %mul3A_374 = arith.mulf %mul3A_373, %mul3A_372 : f32
        %sub3A_375 = arith.constant 1.500000e+00 : f32
        %sub3A_376 = arith.subf %sub3A_375, %mul3A_374 : f32
        %mul3A_377 = arith.mulf %mul3A_372, %sub3A_376 : f32
        %mul3A_378 = arith.mulf %mul3A_367, %mul3A_377 : f32
        %mul3A_379 = arith.mulf %mul3A_378, %mul3A_377 : f32
        %sub3A_380 = arith.constant 1.500000e+00 : f32
        %sub3A_381 = arith.subf %sub3A_380, %mul3A_379 : f32
        %mul3A_382 = arith.mulf %mul3A_377, %sub3A_381 : f32
        %mul3A_383 = arith.mulf %mul3A_367, %mul3A_382 : f32
        %mul3A_384 = arith.mulf %mul3A_383, %mul3A_382 : f32
        %sub3A_385 = arith.constant 1.500000e+00 : f32
        %sub3A_386 = arith.subf %sub3A_385, %mul3A_384 : f32
        %mul3A_387 = arith.mulf %mul3A_382, %sub3A_386 : f32
        %mul3A_388 = arith.mulf %add3A_332, %mul3A_387 : f32
        %sub3A_389 = arith.constant 1.000000e-01 : f32
        %sub3A_390 = arith.subf %sub3A_389, %mul3A_359 : f32
        %max3A = arith.constant 0.000000e+00 : f32
        %max3A_391 = arith.maximumf %max3A, %sub3A_390 : f32
        %sub3A_392 = arith.constant 1.000000e-01 : f32
        %sub3A_393 = arith.subf %sub3A_392, %mul3A_388 : f32
        %max3A_394 = arith.constant 0.000000e+00 : f32
        %max3A_395 = arith.maximumf %max3A_394, %sub3A_393 : f32
        %add3A_396 = arith.addi %add3A_159, %mul3A_175 : i32
        %lt3A_397 = arith.constant 160000 : i32
        %lt3A_398 = arith.cmpi slt, %add3A_396, %lt3A_397 : i32
        %add3A_399 = arith.addi %add3A_159, %mul3A_175 : i32
        %add3A_400 = arith.constant 1 : i32
        %add3A_401 = arith.addi %add3A_399, %add3A_400 : i32
        %lt3A_402 = arith.constant 160000 : i32
        %lt3A_403 = arith.cmpi slt, %add3A_401, %lt3A_402 : i32
        %jit3A_404 = arith.constant 0.000000e+00 : f32
        %select_n3A_405 = arith.select %lt3A_398, %add3A_250, %jit3A_404 : f32
        %add3A_406 = arith.addf %scan3A_172, %select_n3A_405 : f32
        %jit3A_407 = arith.constant 0.000000e+00 : f32
        %select_n3A_408 = arith.select %lt3A_403, %add3A_332, %jit3A_407 : f32
        %add3A_409 = arith.addf %add3A_406, %select_n3A_408 : f32
        %jit3A_410 = arith.constant 0.000000e+00 : f32
        %select_n3A_411 = arith.select %lt3A_398, %max3A_391, %jit3A_410 : f32
        %add3A_412 = arith.addf %scan3A_173, %select_n3A_411 : f32
        %jit3A_413 = arith.constant 0.000000e+00 : f32
        %select_n3A_414 = arith.select %lt3A_403, %max3A_395, %jit3A_413 : f32
        %add3A_415 = arith.addf %add3A_412, %select_n3A_414 : f32
        scf.yield %add3A_409, %add3A_415 : f32, f32
      }
      %scan3A_165 = arith.constant 64 : i32
      %lt3A_166 = arith.constant 19 : i32
      %lt3A_167 = arith.cmpi slt, %scan3A_104, %lt3A_166 : i32
      %convert_element_type3A_168 = arith.extui %lt3A_167 : i1 to i32
      %cond3A_169 = arith.constant 0 : i32
      %cond3A_170 = arith.cmpi ne, %convert_element_type3A_168, %cond3A_169 : i32
      scf.if %cond3A_170 {
        %mul3A_171 = arith.constant 2 : i32
        %mul3A_172 = arith.muli %mul3A_171, %scan3A_104 : i32
        %add3A_173 = arith.constant 3 : i32
        %add3A_174 = arith.addi %mul3A_172, %add3A_173 : i32
        %dma_start3A_175 = arith.constant 0 : i32
        %dma_start3A_176 = tpu.memref_slice %arg9[%add3A_174, %dma_start3A_175] : memref<40x128xi32, #tpu.memory_space<vmem>> -> memref<1x128xi32, #tpu.memory_space<vmem>>
        %dma_start3A_177 = tpu.memref_squeeze %dma_start3A_176 : memref<1x128xi32, #tpu.memory_space<vmem>> -> memref<128xi32, #tpu.memory_space<vmem>>
        %dma_start3A_178 = arith.constant 0 : i32
        %dma_start3A_179 = arith.constant 0 : i32
        %dma_start3A_180 = tpu.memref_slice %arg8[%dma_start3A_178, %dma_start3A_179] : memref<10000x64xi32, #tpu.memory_space<vmem_shared>> -> memref<10000x64xi32, #tpu.memory_space<vmem_shared>>
        tpu.enqueue_indirect_dma source(%dma_start3A_180 : memref<10000x64xi32, #tpu.memory_space<vmem_shared>>) target(%arg13 : memref<128x64xi32, #tpu.memory_space<vmem>>) offsets(%dma_start3A_177 : memref<128xi32, #tpu.memory_space<vmem>>) semaphore(%arg19 : memref<!tpu.dma_semaphore, #tpu.memory_space<semaphore_mem>>)
        %dma_start3A_181 = arith.constant 0 : i32
        %dma_start3A_182 = tpu.memref_slice %arg10[%add3A_174, %dma_start3A_181] : memref<40x128xi32, #tpu.memory_space<vmem>> -> memref<1x128xi32, #tpu.memory_space<vmem>>
        %dma_start3A_183 = tpu.memref_squeeze %dma_start3A_182 : memref<1x128xi32, #tpu.memory_space<vmem>> -> memref<128xi32, #tpu.memory_space<vmem>>
        %dma_start3A_184 = arith.constant 0 : i32
        %dma_start3A_185 = arith.constant 0 : i32
        %dma_start3A_186 = tpu.memref_slice %arg8[%dma_start3A_184, %dma_start3A_185] : memref<10000x64xi32, #tpu.memory_space<vmem_shared>> -> memref<10000x64xi32, #tpu.memory_space<vmem_shared>>
        tpu.enqueue_indirect_dma source(%dma_start3A_186 : memref<10000x64xi32, #tpu.memory_space<vmem_shared>>) target(%arg14 : memref<128x64xi32, #tpu.memory_space<vmem>>) offsets(%dma_start3A_183 : memref<128xi32, #tpu.memory_space<vmem>>) semaphore(%arg20 : memref<!tpu.dma_semaphore, #tpu.memory_space<semaphore_mem>>)
      } else {
      }
      scf.yield %scan3A_164#0, %scan3A_164#1 : f32, f32
    }
    %scan3A_72 = arith.constant 20 : i32
    %iota3A = tpu.iota {dimensions = array<i32: 0>} : vector<16xi32>
    %eq3A_73 = arith.constant 0 : i32
    %eq3A_74 = vector.broadcast %eq3A_73 : i32 to vector<16xi32>
    %eq3A_75 = arith.cmpi eq, %iota3A, %eq3A_74 : vector<16xi32>
    %jit3A = arith.constant 0.000000e+00 : f32
    %broadcast_in_dim3A = vector.broadcast %scan3A_35#0 : f32 to vector<16xf32>
    %broadcast_in_dim3A_76 = vector.broadcast %jit3A : f32 to vector<16xf32>
    %select_n3A = arith.select %eq3A_75, %broadcast_in_dim3A, %broadcast_in_dim3A_76 : vector<16xi1>, vector<16xf32>
    %swap3A = arith.constant 0 : i32
    %swap3A_77 = arith.index_cast %swap3A : i32 to index
    %swap3A_78 = arith.constant 0 : index
    %swap3A_79 = tpu.vector_load %arg15[%swap3A_77, %swap3A_78] {strides = array<i32>} : memref<4x16xf32, #tpu.memory_space<vmem>>, vector<16xf32>,
    tpu.vector_store %arg15[%swap3A_77, %swap3A_78], %select_n3A {strides = array<i32>} : memref<4x16xf32, #tpu.memory_space<vmem>>, vector<16xf32>,
    %jit3A_80 = arith.constant 0.000000e+00 : f32
    %broadcast_in_dim3A_81 = vector.broadcast %scan3A_35#1 : f32 to vector<16xf32>
    %broadcast_in_dim3A_82 = vector.broadcast %jit3A_80 : f32 to vector<16xf32>
    %select_n3A_83 = arith.select %eq3A_75, %broadcast_in_dim3A_81, %broadcast_in_dim3A_82 : vector<16xi1>, vector<16xf32>
    %swap3A_84 = arith.constant 1 : i32
    %swap3A_85 = arith.index_cast %swap3A_84 : i32 to index
    %swap3A_86 = arith.constant 0 : index
    %swap3A_87 = tpu.vector_load %arg15[%swap3A_85, %swap3A_86] {strides = array<i32>} : memref<4x16xf32, #tpu.memory_space<vmem>>, vector<16xf32>,
    tpu.vector_store %arg15[%swap3A_85, %swap3A_86], %select_n3A_83 {strides = array<i32>} : memref<4x16xf32, #tpu.memory_space<vmem>>, vector<16xf32>,
    %jit3A_88 = arith.constant 0.000000e+00 : f32
    %broadcast_in_dim3A_89 = vector.broadcast %scan3A_71#0 : f32 to vector<16xf32>
    %broadcast_in_dim3A_90 = vector.broadcast %jit3A_88 : f32 to vector<16xf32>
    %select_n3A_91 = arith.select %eq3A_75, %broadcast_in_dim3A_89, %broadcast_in_dim3A_90 : vector<16xi1>, vector<16xf32>
    %swap3A_92 = arith.constant 2 : i32
    %swap3A_93 = arith.index_cast %swap3A_92 : i32 to index
    %swap3A_94 = arith.constant 0 : index
    %swap3A_95 = tpu.vector_load %arg15[%swap3A_93, %swap3A_94] {strides = array<i32>} : memref<4x16xf32, #tpu.memory_space<vmem>>, vector<16xf32>,
    tpu.vector_store %arg15[%swap3A_93, %swap3A_94], %select_n3A_91 {strides = array<i32>} : memref<4x16xf32, #tpu.memory_space<vmem>>, vector<16xf32>,
    %jit3A_96 = arith.constant 0.000000e+00 : f32
    %broadcast_in_dim3A_97 = vector.broadcast %scan3A_71#1 : f32 to vector<16xf32>
    %broadcast_in_dim3A_98 = vector.broadcast %jit3A_96 : f32 to vector<16xf32>
    %select_n3A_99 = arith.select %eq3A_75, %broadcast_in_dim3A_97, %broadcast_in_dim3A_98 : vector<16xi1>, vector<16xf32>
    %swap3A_100 = arith.constant 3 : i32
    %swap3A_101 = arith.index_cast %swap3A_100 : i32 to index
    %swap3A_102 = arith.constant 0 : index
    %swap3A_103 = tpu.vector_load %arg15[%swap3A_101, %swap3A_102] {strides = array<i32>} : memref<4x16xf32, #tpu.memory_space<vmem>>, vector<16xf32>,
    tpu.vector_store %arg15[%swap3A_101, %swap3A_102], %select_n3A_99 {strides = array<i32>} : memref<4x16xf32, #tpu.memory_space<vmem>>, vector<16xf32>,
    "tpu.region"() ({
      %run_scoped3A = tpu.sem_alloc : memref<!tpu.dma_semaphore, #tpu.memory_space<semaphore_mem>>
      %dma_start3A_104 = arith.constant 0 : i32
      %dma_start3A_105 = arith.constant 0 : i32
      %dma_start3A_106 = tpu.memref_slice %arg7[%add3A, %dma_start3A_104, %dma_start3A_105] : memref<32x4x16xf32, #tpu.memory_space<hbm>> -> memref<1x4x16xf32, #tpu.memory_space<hbm>>
      %dma_start3A_107 = tpu.memref_squeeze %dma_start3A_106 : memref<1x4x16xf32, #tpu.memory_space<hbm>> -> memref<4x16xf32, #tpu.memory_space<hbm>>
      %dma_start3A_108 = arith.constant 0 : i32
      %dma_start3A_109 = arith.constant 0 : i32
      %dma_start3A_110 = tpu.memref_slice %arg7[%add3A, %dma_start3A_108, %dma_start3A_109] : memref<32x4x16xf32, #tpu.memory_space<hbm>> -> memref<1x4x16xf32, #tpu.memory_space<hbm>>
      %dma_start3A_111 = tpu.memref_squeeze %dma_start3A_110 : memref<1x4x16xf32, #tpu.memory_space<hbm>> -> memref<4x16xf32, #tpu.memory_space<hbm>>
      tpu.enqueue_dma source(%arg15 : memref<4x16xf32, #tpu.memory_space<vmem>>) target(%dma_start3A_111 : memref<4x16xf32, #tpu.memory_space<hbm>>) target_semaphore(%run_scoped3A : memref<!tpu.dma_semaphore, #tpu.memory_space<semaphore_mem>>)
      %dma_wait3A = arith.constant 0 : i32
      %dma_wait3A_112 = arith.constant 0 : i32
      %dma_wait3A_113 = tpu.memref_slice %arg7[%add3A, %dma_wait3A, %dma_wait3A_112] : memref<32x4x16xf32, #tpu.memory_space<hbm>> -> memref<1x4x16xf32, #tpu.memory_space<hbm>>
      %dma_wait3A_114 = tpu.memref_squeeze %dma_wait3A_113 : memref<1x4x16xf32, #tpu.memory_space<hbm>> -> memref<4x16xf32, #tpu.memory_space<hbm>>
      %dma_wait3A_115 = arith.constant 0 : i32
      %dma_wait3A_116 = arith.constant 0 : i32
      %dma_wait3A_117 = tpu.memref_slice %arg7[%add3A, %dma_wait3A_115, %dma_wait3A_116] : memref<32x4x16xf32, #tpu.memory_space<hbm>> -> memref<1x4x16xf32, #tpu.memory_space<hbm>>
      %dma_wait3A_118 = tpu.memref_squeeze %dma_wait3A_117 : memref<1x4x16xf32, #tpu.memory_space<hbm>> -> memref<4x16xf32, #tpu.memory_space<hbm>>
      tpu.wait_dma2 semaphore(%run_scoped3A : memref<!tpu.dma_semaphore, #tpu.memory_space<semaphore_mem>>) src(%arg15 : memref<4x16xf32, #tpu.memory_space<vmem>>) dst(%dma_wait3A_118 : memref<4x16xf32, #tpu.memory_space<hbm>>)
      tpu.yield
    }) : () -> ()
    return
  }
}

module attributes {stable_mosaic.version = 14 : i64} {
  func.func @_knn_body(%arg0: i32, %arg1: memref<256x128xf32, #tpu.memory_space<vmem>>, %arg2: memref<256x128xbf16, #tpu.memory_space<vmem>>, %arg3: memref<10240x128xbf16, #tpu.memory_space<vmem>>, %arg4: memref<2xf32, #tpu.memory_space<smem>>, %arg5: memref<8x10240xf32, #tpu.memory_space<vmem>>) attributes {dimension_semantics = [#tpu.dimension_semantics<arbitrary>], iteration_bounds = array<i64: 40>, scalar_prefetch = 0 : i64, scratch_operands = 1 : i64, tpu.core_type = #tpu.core_type<tc>, window_params = [{transform_indices = @transform_0, window_bounds = array<i64: 256, 128>}, {transform_indices = @transform_1, window_bounds = array<i64: 256, 128>}, {pipeline_mode = #tpu.pipeline_mode<synchronous>, transform_indices = @transform_2, window_bounds = array<i64: 10240, 128>}, {transform_indices = @transform_3, window_bounds = array<i64: 2>}]} {
    %get3A = arith.constant 0 : index
    %get3A_0 = arith.constant 0 : index
    %get3A_1 = vector.load %arg1[%get3A, %get3A_0] : memref<256x128xf32, #tpu.memory_space<vmem>>, vector<256x128xf32>
    %get3A_2 = arith.constant 0 : index
    %get3A_3 = arith.constant 0 : index
    %get3A_4 = vector.load %arg3[%get3A_2, %get3A_3] : memref<10240x128xbf16, #tpu.memory_space<vmem>>, vector<10240x128xbf16>
    %eq3A = arith.constant 0 : i32
    %eq3A_5 = arith.cmpi eq, %arg0, %eq3A : i32
    %convert_element_type3A = arith.extui %eq3A_5 : i1 to i32
    %cond3A = arith.constant 0 : i32
    %cond3A_6 = arith.cmpi ne, %convert_element_type3A, %cond3A : i32
    scf.if %cond3A_6 {
      %broadcast_in_dim3A_126 = arith.constant 1.000000e+00 : bf16
      %broadcast_in_dim3A_127 = vector.broadcast %broadcast_in_dim3A_126 : bf16 to vector<8x128xbf16>
      %mul3A_128 = arith.mulf %get3A_4, %get3A_4 : vector<10240x128xbf16>
      %dot_general3A_129 = arith.constant dense<0.000000e+00> : vector<8x10240xf32>
      %dot_general3A_130 = tpu.matmul %broadcast_in_dim3A_127, %mul3A_128, %dot_general3A_129 {dimension_numbers = #tpu.dot_dimension_numbers<[1], [1], [0], [0], [0, 0, 1, 0], [], []>, transpose_lhs_hint = false} : vector<8x128xbf16>, vector<10240x128xbf16>, vector<8x10240xf32> -> vector<8x10240xf32>
      %swap3A_131 = arith.constant 0 : index
      %swap3A_132 = arith.constant 0 : index
      %swap3A_133 = vector.load %arg5[%swap3A_131, %swap3A_132] : memref<8x10240xf32, #tpu.memory_space<vmem>>, vector<8x10240xf32>
      tpu.vector_store %arg5[%swap3A_131, %swap3A_132], %dot_general3A_130 {strides = array<i32>} : memref<8x10240xf32, #tpu.memory_space<vmem>>, vector<8x10240xf32>,
    } else {
    }
    %get3A_7 = arith.constant 0 : index
    %get3A_8 = arith.constant 0 : index
    %get3A_9 = vector.load %arg2[%get3A_7, %get3A_8] : memref<256x128xbf16, #tpu.memory_space<vmem>>, vector<256x128xbf16>
    %mul3A = arith.constant -2.000000e+00 : bf16
    %mul3A_10 = vector.broadcast %mul3A : bf16 to vector<256x128xbf16>
    %mul3A_11 = arith.mulf %get3A_9, %mul3A_10 : vector<256x128xbf16>
    %dot_general3A = arith.constant dense<0.000000e+00> : vector<256x10240xf32>
    %dot_general3A_12 = tpu.matmul %mul3A_11, %get3A_4, %dot_general3A {dimension_numbers = #tpu.dot_dimension_numbers<[1], [1], [0], [0], [0, 0, 1, 0], [], []>, transpose_lhs_hint = false} : vector<256x128xbf16>, vector<10240x128xbf16>, vector<256x10240xf32> -> vector<256x10240xf32>
    %mul3A_13 = arith.mulf %get3A_1, %get3A_1 : vector<256x128xf32>
    %reduce_sum3A = arith.constant dense<0.000000e+00> : vector<256xf32>
    %reduce_sum3A_14 = vector.multi_reduction <add>, %mul3A_13, %reduce_sum3A [1] : vector<256x128xf32> to vector<256xf32>
    %broadcast_in_dim3A = vector.shape_cast %reduce_sum3A_14 : vector<256xf32> to vector<256x1xf32>
    %get3A_15 = arith.constant 0 : index
    %get3A_16 = arith.constant 0 : index
    %get3A_17 = vector.load %arg5[%get3A_15, %get3A_16] : memref<8x10240xf32, #tpu.memory_space<vmem>>, vector<1x10240xf32>
    %add3A = vector.broadcast %broadcast_in_dim3A : vector<256x1xf32> to vector<256x10240xf32>
    %add3A_18 = vector.broadcast %get3A_17 : vector<1x10240xf32> to vector<256x10240xf32>
    %add3A_19 = arith.addf %add3A, %add3A_18 : vector<256x10240xf32>
    %add3A_20 = arith.addf %add3A_19, %dot_general3A_12 : vector<256x10240xf32>
    %iota3A = tpu.iota {dimensions = array<i32: 1>} : vector<256x10240xi32>
    %iota3A_21 = tpu.iota {dimensions = array<i32: 0>} : vector<256x10240xi32>
    %mul3A_22 = arith.constant 256 : i32
    %mul3A_23 = arith.muli %arg0, %mul3A_22 : i32
    %add3A_24 = vector.broadcast %mul3A_23 : i32 to vector<256x10240xi32>
    %add3A_25 = arith.addi %iota3A_21, %add3A_24 : vector<256x10240xi32>
    %eq3A_26 = arith.cmpi eq, %iota3A, %add3A_25 : vector<256x10240xi32>
    %jit3A = arith.constant 1.000000e+09 : f32
    %broadcast_in_dim3A_27 = vector.broadcast %jit3A : f32 to vector<256x10240xf32>
    %select_n3A = arith.select %eq3A_26, %broadcast_in_dim3A_27, %add3A_20 : vector<256x10240xi1>, vector<256x10240xf32>
    %lt3A = arith.constant 0.00999999977 : f32
    %lt3A_28 = vector.broadcast %lt3A : f32 to vector<256x10240xf32>
    %lt3A_29 = arith.cmpf olt, %select_n3A, %lt3A_28 : vector<256x10240xf32>
    %lt3A_30 = arith.constant 0.00999999977 : f32
    %lt3A_31 = vector.broadcast %lt3A_30 : f32 to vector<256x1xf32>
    %lt3A_32 = arith.cmpf olt, %broadcast_in_dim3A, %lt3A_31 : vector<256x1xf32>
    %convert_element_type3A_33 = arith.extui %lt3A_32 : vector<256x1xi1> to vector<256x1xi32>
    %convert_element_type3A_34 = arith.sitofp %convert_element_type3A_33 : vector<256x1xi32> to vector<256x1xf32>
    %mul3A_35 = arith.constant 2.400000e+02 : f32
    %mul3A_36 = vector.broadcast %mul3A_35 : f32 to vector<256x1xf32>
    %mul3A_37 = arith.mulf %mul3A_36, %convert_element_type3A_34 : vector<256x1xf32>
    %add3A_38 = arith.constant 6.400000e+01 : f32
    %add3A_39 = vector.broadcast %add3A_38 : f32 to vector<256x10240xf32>
    %add3A_40 = arith.addf %select_n3A, %add3A_39 : vector<256x10240xf32>
    %jit3A_41 = arith.constant 0.000000e+00 : f32
    %broadcast_in_dim3A_42 = vector.broadcast %jit3A_41 : f32 to vector<256x10240xf32>
    %select_n3A_43 = arith.select %lt3A_29, %add3A_40, %broadcast_in_dim3A_42 : vector<256x10240xi1>, vector<256x10240xf32>
    %reduce_sum3A_44 = arith.constant dense<0.000000e+00> : vector<256xf32>
    %reduce_sum3A_45 = vector.multi_reduction <add>, %select_n3A_43, %reduce_sum3A_44 [1] : vector<256x10240xf32> to vector<256xf32>
    %broadcast_in_dim3A_46 = vector.shape_cast %reduce_sum3A_45 : vector<256xf32> to vector<256x1xf32>
    %add3A_47 = arith.constant 6.400000e+01 : f32
    %add3A_48 = vector.broadcast %add3A_47 : f32 to vector<256x1xf32>
    %add3A_49 = arith.addf %broadcast_in_dim3A, %add3A_48 : vector<256x1xf32>
    %mul3A_50 = arith.mulf %mul3A_37, %add3A_49 : vector<256x1xf32>
    %sub3A = arith.subf %broadcast_in_dim3A_46, %mul3A_50 : vector<256x1xf32>
    %mul3A_51 = arith.constant 1.562500e-02 : f32
    %mul3A_52 = vector.broadcast %mul3A_51 : f32 to vector<256x1xf32>
    %mul3A_53 = arith.mulf %sub3A, %mul3A_52 : vector<256x1xf32>
    %round3A = math.roundeven %mul3A_53 : vector<256x1xf32>
    %mul3A_54 = arith.constant 6.400000e+01 : f32
    %mul3A_55 = vector.broadcast %mul3A_54 : f32 to vector<256x1xf32>
    %mul3A_56 = arith.mulf %mul3A_55, %round3A : vector<256x1xf32>
    %sub3A_57 = arith.subf %sub3A, %mul3A_56 : vector<256x1xf32>
    %gt3A = arith.constant 0.000000e+00 : f32
    %gt3A_58 = vector.broadcast %gt3A : f32 to vector<256x1xf32>
    %gt3A_59 = arith.cmpf ogt, %round3A, %gt3A_58 : vector<256x1xf32>
    %add3A_60 = arith.constant 9.99999996E-13 : f32
    %add3A_61 = vector.broadcast %add3A_60 : f32 to vector<256x1xf32>
    %add3A_62 = arith.addf %sub3A_57, %add3A_61 : vector<256x1xf32>
    %sqrt3A = math.sqrt %add3A_62 : vector<256x1xf32>
    %sub3A_63 = arith.constant 1.000000e-01 : f32
    %sub3A_64 = vector.broadcast %sub3A_63 : f32 to vector<256x1xf32>
    %sub3A_65 = arith.subf %sub3A_64, %sqrt3A : vector<256x1xf32>
    %max3A = arith.constant 0.000000e+00 : f32
    %max3A_66 = vector.broadcast %max3A : f32 to vector<256x1xf32>
    %max3A_67 = arith.maximumf %max3A_66, %sub3A_65 : vector<256x1xf32>
    %jit3A_68 = arith.constant 0.000000e+00 : f32
    %broadcast_in_dim3A_69 = vector.broadcast %jit3A_68 : f32 to vector<256x1xf32>
    %select_n3A_70 = arith.select %gt3A_59, %max3A_67, %broadcast_in_dim3A_69 : vector<256x1xi1>, vector<256x1xf32>
    %iota3A_71 = tpu.iota {dimensions = array<i32: 0>} : vector<256x1xi32>
    %mul3A_72 = arith.constant 256 : i32
    %mul3A_73 = arith.muli %arg0, %mul3A_72 : i32
    %add3A_74 = vector.broadcast %mul3A_73 : i32 to vector<256x1xi32>
    %add3A_75 = arith.addi %iota3A_71, %add3A_74 : vector<256x1xi32>
    %lt3A_76 = arith.constant 10000 : i32
    %lt3A_77 = vector.broadcast %lt3A_76 : i32 to vector<256x1xi32>
    %lt3A_78 = arith.cmpi slt, %add3A_75, %lt3A_77 : vector<256x1xi32>
    %jit3A_79 = arith.constant 0.000000e+00 : f32
    %broadcast_in_dim3A_80 = vector.broadcast %jit3A_79 : f32 to vector<256x1xf32>
    %select_n3A_81 = arith.select %lt3A_78, %select_n3A_70, %broadcast_in_dim3A_80 : vector<256x1xi1>, vector<256x1xf32>
    %reduce_sum3A_82 = vector.shape_cast %select_n3A_81 : vector<256x1xf32> to vector<1x256x1xf32>
    %reduce_sum3A_83 = arith.constant dense<0.000000e+00> : vector<1xf32>
    %reduce_sum3A_84 = vector.multi_reduction <add>, %reduce_sum3A_82, %reduce_sum3A_83 [1, 2] : vector<1x256x1xf32> to vector<1xf32>
    %reduce_sum3A_85 = vector.shape_cast %reduce_sum3A_84 : vector<1xf32> to vector<1x1x1xf32>
    %reduce_sum3A_86 = vector.extract %reduce_sum3A_85[0, 0, 0] : f32 from vector<1x1x1xf32>
    %jit3A_87 = arith.constant 0.000000e+00 : f32
    %broadcast_in_dim3A_88 = vector.broadcast %jit3A_87 : f32 to vector<256x1xf32>
    %select_n3A_89 = arith.select %lt3A_78, %round3A, %broadcast_in_dim3A_88 : vector<256x1xi1>, vector<256x1xf32>
    %reduce_sum3A_90 = vector.shape_cast %select_n3A_89 : vector<256x1xf32> to vector<1x256x1xf32>
    %reduce_sum3A_91 = arith.constant dense<0.000000e+00> : vector<1xf32>
    %reduce_sum3A_92 = vector.multi_reduction <add>, %reduce_sum3A_90, %reduce_sum3A_91 [1, 2] : vector<1x256x1xf32> to vector<1xf32>
    %reduce_sum3A_93 = vector.shape_cast %reduce_sum3A_92 : vector<1xf32> to vector<1x1x1xf32>
    %reduce_sum3A_94 = vector.extract %reduce_sum3A_93[0, 0, 0] : f32 from vector<1x1x1xf32>
    %eq3A_95 = arith.constant 0 : i32
    %eq3A_96 = arith.cmpi eq, %arg0, %eq3A_95 : i32
    %convert_element_type3A_97 = arith.extui %eq3A_96 : i1 to i32
    %cond3A_98 = arith.constant 0 : i32
    %cond3A_99 = arith.cmpi ne, %convert_element_type3A_97, %cond3A_98 : i32
    scf.if %cond3A_99 {
      %swap3A_126 = arith.constant 0.000000e+00 : f32
      %swap3A_127 = arith.constant 0 : index
      %swap3A_128 = memref.load %arg4[%swap3A_127] : memref<2xf32, #tpu.memory_space<smem>>
      memref.store %swap3A_126, %arg4[%swap3A_127] : memref<2xf32, #tpu.memory_space<smem>>
      %swap3A_129 = arith.constant 0.000000e+00 : f32
      %swap3A_130 = arith.constant 1 : index
      %swap3A_131 = memref.load %arg4[%swap3A_130] : memref<2xf32, #tpu.memory_space<smem>>
      memref.store %swap3A_129, %arg4[%swap3A_130] : memref<2xf32, #tpu.memory_space<smem>>
    } else {
    }
    %get3A_100 = arith.constant 0 : index
    %get3A_101 = memref.load %arg4[%get3A_100] : memref<2xf32, #tpu.memory_space<smem>>
    %add3A_102 = arith.addf %get3A_101, %reduce_sum3A_86 : f32
    %swap3A = arith.constant 0 : index
    %swap3A_103 = memref.load %arg4[%swap3A] : memref<2xf32, #tpu.memory_space<smem>>
    memref.store %add3A_102, %arg4[%swap3A] : memref<2xf32, #tpu.memory_space<smem>>
    %get3A_104 = arith.constant 1 : index
    %get3A_105 = memref.load %arg4[%get3A_104] : memref<2xf32, #tpu.memory_space<smem>>
    %add3A_106 = arith.addf %get3A_105, %reduce_sum3A_94 : f32
    %swap3A_107 = arith.constant 1 : index
    %swap3A_108 = memref.load %arg4[%swap3A_107] : memref<2xf32, #tpu.memory_space<smem>>
    memref.store %add3A_106, %arg4[%swap3A_107] : memref<2xf32, #tpu.memory_space<smem>>
    %ge3A = arith.constant 2.000000e+00 : f32
    %ge3A_109 = vector.broadcast %ge3A : f32 to vector<256x1xf32>
    %ge3A_110 = arith.cmpf oge, %round3A, %ge3A_109 : vector<256x1xf32>
    %and3A = arith.andi %ge3A_110, %lt3A_78 : vector<256x1xi1>
    %jit3A_111 = arith.constant 1.000000e+00 : f32
    %jit3A_112 = arith.constant 0.000000e+00 : f32
    %broadcast_in_dim3A_113 = vector.broadcast %jit3A_111 : f32 to vector<256x1xf32>
    %broadcast_in_dim3A_114 = vector.broadcast %jit3A_112 : f32 to vector<256x1xf32>
    %select_n3A_115 = arith.select %and3A, %broadcast_in_dim3A_113, %broadcast_in_dim3A_114 : vector<256x1xi1>, vector<256x1xf32>
    %reduce_sum3A_116 = vector.shape_cast %select_n3A_115 : vector<256x1xf32> to vector<1x256x1xf32>
    %reduce_sum3A_117 = arith.constant dense<0.000000e+00> : vector<1xf32>
    %reduce_sum3A_118 = vector.multi_reduction <add>, %reduce_sum3A_116, %reduce_sum3A_117 [1, 2] : vector<1x256x1xf32> to vector<1xf32>
    %reduce_sum3A_119 = vector.shape_cast %reduce_sum3A_118 : vector<1xf32> to vector<1x1x1xf32>
    %reduce_sum3A_120 = vector.extract %reduce_sum3A_119[0, 0, 0] : f32 from vector<1x1x1xf32>
    %gt3A_121 = arith.constant 0.000000e+00 : f32
    %gt3A_122 = arith.cmpf ogt, %reduce_sum3A_120, %gt3A_121 : f32
    %convert_element_type3A_123 = arith.extui %gt3A_122 : i1 to i32
    %cond3A_124 = arith.constant 0 : i32
    %cond3A_125 = arith.cmpi ne, %convert_element_type3A_123, %cond3A_124 : i32
    scf.if %cond3A_125 {
      %lt3A_126 = arith.constant 10000 : i32
      %lt3A_127 = vector.broadcast %lt3A_126 : i32 to vector<256x10240xi32>
      %lt3A_128 = arith.cmpi slt, %iota3A, %lt3A_127 : vector<256x10240xi32>
      %jit3A_129 = arith.constant 1.000000e+09 : f32
      %broadcast_in_dim3A_130 = vector.broadcast %jit3A_129 : f32 to vector<256x10240xf32>
      %select_n3A_131 = arith.select %lt3A_128, %select_n3A, %broadcast_in_dim3A_130 : vector<256x10240xi1>, vector<256x10240xf32>
      %max3A_132 = arith.constant 0.000000e+00 : f32
      %max3A_133 = vector.broadcast %max3A_132 : f32 to vector<256x10240xf32>
      %max3A_134 = arith.maximumf %select_n3A_131, %max3A_133 : vector<256x10240xf32>
      %add3A_135 = arith.constant 9.99999996E-13 : f32
      %add3A_136 = vector.broadcast %add3A_135 : f32 to vector<256x10240xf32>
      %add3A_137 = arith.addf %max3A_134, %add3A_136 : vector<256x10240xf32>
      %sqrt3A_138 = math.sqrt %add3A_137 : vector<256x10240xf32>
      %sub3A_139 = arith.constant 1.000000e-01 : f32
      %sub3A_140 = vector.broadcast %sub3A_139 : f32 to vector<256x10240xf32>
      %sub3A_141 = arith.subf %sub3A_140, %sqrt3A_138 : vector<256x10240xf32>
      %max3A_142 = arith.constant 0.000000e+00 : f32
      %max3A_143 = vector.broadcast %max3A_142 : f32 to vector<256x10240xf32>
      %max3A_144 = arith.maximumf %max3A_143, %sub3A_141 : vector<256x10240xf32>
      %reduce_sum3A_145 = arith.constant dense<0.000000e+00> : vector<256xf32>
      %reduce_sum3A_146 = vector.multi_reduction <add>, %max3A_144, %reduce_sum3A_145 [1] : vector<256x10240xf32> to vector<256xf32>
      %broadcast_in_dim3A_147 = vector.shape_cast %reduce_sum3A_146 : vector<256xf32> to vector<256x1xf32>
      %jit3A_148 = arith.constant 0.000000e+00 : f32
      %broadcast_in_dim3A_149 = vector.broadcast %jit3A_148 : f32 to vector<256x1xf32>
      %select_n3A_150 = arith.select %lt3A_78, %broadcast_in_dim3A_147, %broadcast_in_dim3A_149 : vector<256x1xi1>, vector<256x1xf32>
      %reduce_sum3A_151 = vector.shape_cast %select_n3A_150 : vector<256x1xf32> to vector<1x256x1xf32>
      %reduce_sum3A_152 = arith.constant dense<0.000000e+00> : vector<1xf32>
      %reduce_sum3A_153 = vector.multi_reduction <add>, %reduce_sum3A_151, %reduce_sum3A_152 [1, 2] : vector<1x256x1xf32> to vector<1xf32>
      %reduce_sum3A_154 = vector.shape_cast %reduce_sum3A_153 : vector<1xf32> to vector<1x1x1xf32>
      %reduce_sum3A_155 = vector.extract %reduce_sum3A_154[0, 0, 0] : f32 from vector<1x1x1xf32>
      %get3A_156 = arith.constant 0 : index
      %get3A_157 = memref.load %arg4[%get3A_156] : memref<2xf32, #tpu.memory_space<smem>>
      %sub3A_158 = arith.subf %reduce_sum3A_155, %reduce_sum3A_86 : f32
      %add3A_159 = arith.addf %get3A_157, %sub3A_158 : f32
      %swap3A_160 = arith.constant 0 : index
      %swap3A_161 = memref.load %arg4[%swap3A_160] : memref<2xf32, #tpu.memory_space<smem>>
      memref.store %add3A_159, %arg4[%swap3A_160] : memref<2xf32, #tpu.memory_space<smem>>
    } else {
    }
    return
  }
  func.func @transform_0(%arg0: i32) -> (i32, i32) {
    %c0_i32 = arith.constant 0 : i32
    %c0_i32_0 = arith.constant 0 : i32
    return %arg0, %c0_i32 : i32, i32
  }
  func.func @transform_1(%arg0: i32) -> (i32, i32) {
    %c0_i32 = arith.constant 0 : i32
    %c0_i32_0 = arith.constant 0 : i32
    return %arg0, %c0_i32 : i32, i32
  }
  func.func @transform_2(%arg0: i32) -> (i32, i32) {
    %c0_i32 = arith.constant 0 : i32
    %c0_i32_0 = arith.constant 0 : i32
    %c0_i32_1 = arith.constant 0 : i32
    return %c0_i32, %c0_i32_0 : i32, i32
  }
  func.func @transform_3(%arg0: i32) -> i32 {
    %c0_i32 = arith.constant 0 : i32
    %c0_i32_0 = arith.constant 0 : i32
    return %c0_i32 : i32
  }
}

module attributes {stable_mosaic.version = 14 : i64} {
  func.func @_den_body(%arg0: i32, %arg1: memref<256x128xf32, #tpu.memory_space<vmem>>, %arg2: memref<256x128xbf16, #tpu.memory_space<vmem>>, %arg3: memref<10240x128xbf16, #tpu.memory_space<vmem>>, %arg4: memref<1xf32, #tpu.memory_space<smem>>, %arg5: memref<8x10240xf32, #tpu.memory_space<vmem>>) attributes {dimension_semantics = [#tpu.dimension_semantics<arbitrary>], iteration_bounds = array<i64: 40>, scalar_prefetch = 0 : i64, scratch_operands = 1 : i64, tpu.core_type = #tpu.core_type<tc>, window_params = [{transform_indices = @transform_0, window_bounds = array<i64: 256, 128>}, {transform_indices = @transform_1, window_bounds = array<i64: 256, 128>}, {pipeline_mode = #tpu.pipeline_mode<synchronous>, transform_indices = @transform_2, window_bounds = array<i64: 10240, 128>}, {transform_indices = @transform_3, window_bounds = array<i64: 1>}]} {
    %get3A = arith.constant 0 : index
    %get3A_0 = arith.constant 0 : index
    %get3A_1 = vector.load %arg1[%get3A, %get3A_0] : memref<256x128xf32, #tpu.memory_space<vmem>>, vector<256x128xf32>
    %get3A_2 = arith.constant 0 : index
    %get3A_3 = arith.constant 0 : index
    %get3A_4 = vector.load %arg3[%get3A_2, %get3A_3] : memref<10240x128xbf16, #tpu.memory_space<vmem>>, vector<10240x128xbf16>
    %eq3A = arith.constant 0 : i32
    %eq3A_5 = arith.cmpi eq, %arg0, %eq3A : i32
    %convert_element_type3A = arith.extui %eq3A_5 : i1 to i32
    %cond3A = arith.constant 0 : i32
    %cond3A_6 = arith.cmpi ne, %convert_element_type3A, %cond3A : i32
    scf.if %cond3A_6 {
      %broadcast_in_dim3A_62 = arith.constant 1.000000e+00 : bf16
      %broadcast_in_dim3A_63 = vector.broadcast %broadcast_in_dim3A_62 : bf16 to vector<8x128xbf16>
      %mul3A_64 = arith.mulf %get3A_4, %get3A_4 : vector<10240x128xbf16>
      %dot_general3A_65 = arith.constant dense<0.000000e+00> : vector<8x10240xf32>
      %dot_general3A_66 = tpu.matmul %broadcast_in_dim3A_63, %mul3A_64, %dot_general3A_65 {dimension_numbers = #tpu.dot_dimension_numbers<[1], [1], [0], [0], [0, 0, 1, 0], [], []>, transpose_lhs_hint = false} : vector<8x128xbf16>, vector<10240x128xbf16>, vector<8x10240xf32> -> vector<8x10240xf32>
      %swap3A_67 = arith.constant 0 : index
      %swap3A_68 = arith.constant 0 : index
      %swap3A_69 = vector.load %arg5[%swap3A_67, %swap3A_68] : memref<8x10240xf32, #tpu.memory_space<vmem>>, vector<8x10240xf32>
      tpu.vector_store %arg5[%swap3A_67, %swap3A_68], %dot_general3A_66 {strides = array<i32>} : memref<8x10240xf32, #tpu.memory_space<vmem>>, vector<8x10240xf32>,
    } else {
    }
    %get3A_7 = arith.constant 0 : index
    %get3A_8 = arith.constant 0 : index
    %get3A_9 = vector.load %arg2[%get3A_7, %get3A_8] : memref<256x128xbf16, #tpu.memory_space<vmem>>, vector<256x128xbf16>
    %mul3A = arith.constant -2.000000e+00 : bf16
    %mul3A_10 = vector.broadcast %mul3A : bf16 to vector<256x128xbf16>
    %mul3A_11 = arith.mulf %get3A_9, %mul3A_10 : vector<256x128xbf16>
    %dot_general3A = arith.constant dense<0.000000e+00> : vector<256x10240xf32>
    %dot_general3A_12 = tpu.matmul %mul3A_11, %get3A_4, %dot_general3A {dimension_numbers = #tpu.dot_dimension_numbers<[1], [1], [0], [0], [0, 0, 1, 0], [], []>, transpose_lhs_hint = false} : vector<256x128xbf16>, vector<10240x128xbf16>, vector<256x10240xf32> -> vector<256x10240xf32>
    %mul3A_13 = arith.mulf %get3A_1, %get3A_1 : vector<256x128xf32>
    %reduce_sum3A = arith.constant dense<0.000000e+00> : vector<256xf32>
    %reduce_sum3A_14 = vector.multi_reduction <add>, %mul3A_13, %reduce_sum3A [1] : vector<256x128xf32> to vector<256xf32>
    %broadcast_in_dim3A = vector.shape_cast %reduce_sum3A_14 : vector<256xf32> to vector<256x1xf32>
    %get3A_15 = arith.constant 0 : index
    %get3A_16 = arith.constant 0 : index
    %get3A_17 = vector.load %arg5[%get3A_15, %get3A_16] : memref<8x10240xf32, #tpu.memory_space<vmem>>, vector<1x10240xf32>
    %add3A = vector.broadcast %broadcast_in_dim3A : vector<256x1xf32> to vector<256x10240xf32>
    %add3A_18 = vector.broadcast %get3A_17 : vector<1x10240xf32> to vector<256x10240xf32>
    %add3A_19 = arith.addf %add3A, %add3A_18 : vector<256x10240xf32>
    %add3A_20 = arith.addf %add3A_19, %dot_general3A_12 : vector<256x10240xf32>
    %iota3A = tpu.iota {dimensions = array<i32: 1>} : vector<256x10240xi32>
    %iota3A_21 = tpu.iota {dimensions = array<i32: 0>} : vector<256x10240xi32>
    %mul3A_22 = arith.constant 256 : i32
    %mul3A_23 = arith.muli %arg0, %mul3A_22 : i32
    %add3A_24 = vector.broadcast %mul3A_23 : i32 to vector<256x10240xi32>
    %add3A_25 = arith.addi %iota3A_21, %add3A_24 : vector<256x10240xi32>
    %lt3A = arith.constant 10000 : i32
    %lt3A_26 = vector.broadcast %lt3A : i32 to vector<256x10240xi32>
    %lt3A_27 = arith.cmpi slt, %iota3A, %lt3A_26 : vector<256x10240xi32>
    %ne3A = arith.cmpi ne, %iota3A, %add3A_25 : vector<256x10240xi32>
    %and3A = arith.andi %lt3A_27, %ne3A : vector<256x10240xi1>
    %lt3A_28 = arith.constant 1.000000e+00 : f32
    %lt3A_29 = vector.broadcast %lt3A_28 : f32 to vector<256x10240xf32>
    %lt3A_30 = arith.cmpf olt, %add3A_20, %lt3A_29 : vector<256x10240xf32>
    %and3A_31 = arith.andi %lt3A_30, %and3A : vector<256x10240xi1>
    %convert_element_type3A_32 = arith.extui %and3A_31 : vector<256x10240xi1> to vector<256x10240xi32>
    %convert_element_type3A_33 = arith.sitofp %convert_element_type3A_32 : vector<256x10240xi32> to vector<256x10240xf32>
    %reduce_sum3A_34 = arith.constant dense<0.000000e+00> : vector<256xf32>
    %reduce_sum3A_35 = vector.multi_reduction <add>, %convert_element_type3A_33, %reduce_sum3A_34 [1] : vector<256x10240xf32> to vector<256xf32>
    %broadcast_in_dim3A_36 = vector.shape_cast %reduce_sum3A_35 : vector<256xf32> to vector<256x1xf32>
    %min3A = arith.constant 1.600000e+01 : f32
    %min3A_37 = vector.broadcast %min3A : f32 to vector<256x1xf32>
    %min3A_38 = arith.minimumf %broadcast_in_dim3A_36, %min3A_37 : vector<256x1xf32>
    %iota3A_39 = tpu.iota {dimensions = array<i32: 0>} : vector<256x1xi32>
    %mul3A_40 = arith.constant 256 : i32
    %mul3A_41 = arith.muli %arg0, %mul3A_40 : i32
    %add3A_42 = vector.broadcast %mul3A_41 : i32 to vector<256x1xi32>
    %add3A_43 = arith.addi %iota3A_39, %add3A_42 : vector<256x1xi32>
    %lt3A_44 = arith.constant 10000 : i32
    %lt3A_45 = vector.broadcast %lt3A_44 : i32 to vector<256x1xi32>
    %lt3A_46 = arith.cmpi slt, %add3A_43, %lt3A_45 : vector<256x1xi32>
    %jit3A = arith.constant 0.000000e+00 : f32
    %broadcast_in_dim3A_47 = vector.broadcast %jit3A : f32 to vector<256x1xf32>
    %select_n3A = arith.select %lt3A_46, %min3A_38, %broadcast_in_dim3A_47 : vector<256x1xi1>, vector<256x1xf32>
    %reduce_sum3A_48 = vector.shape_cast %select_n3A : vector<256x1xf32> to vector<1x256x1xf32>
    %reduce_sum3A_49 = arith.constant dense<0.000000e+00> : vector<1xf32>
    %reduce_sum3A_50 = vector.multi_reduction <add>, %reduce_sum3A_48, %reduce_sum3A_49 [1, 2] : vector<1x256x1xf32> to vector<1xf32>
    %reduce_sum3A_51 = vector.shape_cast %reduce_sum3A_50 : vector<1xf32> to vector<1x1x1xf32>
    %reduce_sum3A_52 = vector.extract %reduce_sum3A_51[0, 0, 0] : f32 from vector<1x1x1xf32>
    %eq3A_53 = arith.constant 0 : i32
    %eq3A_54 = arith.cmpi eq, %arg0, %eq3A_53 : i32
    %convert_element_type3A_55 = arith.extui %eq3A_54 : i1 to i32
    %cond3A_56 = arith.constant 0 : i32
    %cond3A_57 = arith.cmpi ne, %convert_element_type3A_55, %cond3A_56 : i32
    scf.if %cond3A_57 {
      %swap3A_62 = arith.constant 0.000000e+00 : f32
      %swap3A_63 = arith.constant 0 : index
      %swap3A_64 = memref.load %arg4[%swap3A_63] : memref<1xf32, #tpu.memory_space<smem>>
      memref.store %swap3A_62, %arg4[%swap3A_63] : memref<1xf32, #tpu.memory_space<smem>>
    } else {
    }
    %get3A_58 = arith.constant 0 : index
    %get3A_59 = memref.load %arg4[%get3A_58] : memref<1xf32, #tpu.memory_space<smem>>
    %add3A_60 = arith.addf %get3A_59, %reduce_sum3A_52 : f32
    %swap3A = arith.constant 0 : index
    %swap3A_61 = memref.load %arg4[%swap3A] : memref<1xf32, #tpu.memory_space<smem>>
    memref.store %add3A_60, %arg4[%swap3A] : memref<1xf32, #tpu.memory_space<smem>>
    return
  }
  func.func @transform_0(%arg0: i32) -> (i32, i32) {
    %c0_i32 = arith.constant 0 : i32
    %c0_i32_0 = arith.constant 0 : i32
    return %arg0, %c0_i32 : i32, i32
  }
  func.func @transform_1(%arg0: i32) -> (i32, i32) {
    %c0_i32 = arith.constant 0 : i32
    %c0_i32_0 = arith.constant 0 : i32
    return %arg0, %c0_i32 : i32, i32
  }
  func.func @transform_2(%arg0: i32) -> (i32, i32) {
    %c0_i32 = arith.constant 0 : i32
    %c0_i32_0 = arith.constant 0 : i32
    %c0_i32_1 = arith.constant 0 : i32
    return %c0_i32, %c0_i32_0 : i32, i32
  }
  func.func @transform_3(%arg0: i32) -> i32 {
    %c0_i32 = arith.constant 0 : i32
    %c0_i32_0 = arith.constant 0 : i32
    return %c0_i32 : i32
  }
}

</mosaic_0001>

<sc_bundles>
// kernel: kernel.4.cloned.1.call-start
scs
__scs_entry_jumppad:
0x0: {  	(pc) =	sbr.rel $0x88, $3  }
0x1: {  	(tag) =	ssettag $0x0;
	lr =	simm.s32 $0x1  }
0x2: {  	[smem:$0x3F9E] =	sst lr;
	_ =	strace $0xD0000000  }
0x3: {  	_ = 	snop  }
0x4: {  	_ = 	snop  }
0x5: {  	_ = 	snop  }
0x6: {  	_ = 	snop  }
0x7: {  	_ = 	snop  }
__scs_overlays_trampoline_lowered:
0x8: {  	[smem:$0x3FAD] =	sst s0  }
0x9: {  	[smem:$0x3FAE] =	sst s1  }
0xa: {  	[smem:$0x3FAF] =	sst s2  }
0xb: {  	[smem:$0x3FB0] =	sst s3  }
0xc: {  	[smem:$0x3FB1] =	sst s4  }
0xd: {  	[smem:$0x3FB2] =	sst s5  }
0xe: {  	[smem:$0x3FB3] =	sst s6  }
0xf: {  	[smem:$0x3FB4] =	sst s7  }
0x10: {  	[smem:$0x3FB5] =	sst s8  }
0x11: {  	[smem:$0x3FB6] =	sst s9;
	s0 =	simm.s32 @!p0 $0x0  }
0x12: {  	s1 =	sld [smem:$0x3F9C];
	s0 =	simm.s32 @p0 $0x1  }
0x13: {  	[smem:$0x3FB7] =	sst s0;
	s0 =	simm.s32 @!p1 $0x0  }
0x14: {  	s2 =	sld [smem:$0x3F9B];
	s0 =	simm.s32 @p1 $0x1  }
0x15: {  	[smem:$0x3FB8] =	sst s0;
	s0 =	simm.s32 @!p2 $0x0  }
0x16: {  	s3 =	sld [smem:$0x3FDB];
	s0 =	simm.s32 @p2 $0x1  }
0x17: {  	s4 =	simm.s32 $0x1BF5;
	[smem:$0x3FBA] =	sst s0  }
0x18: {  	s0 =	sld [smem:$0x3F9D];
	_ =	swait.ge [sflag:s4], $0x0  }
0x19: {  	s7 =	sld [smem:$0x3F9E]  }
0x1a: {  	s8 =	sadd.s32 $0xFFFFE003, lr  }
0x1b: {  	s9 =	sadd.s32 $0xFFFFFEF7, lr;
	s5 =	simm.s32 $0xFFFFFFFF;
	p2 =	slt.u32 s8, $0xFFFFF086  }
0x1c: {  	p1 =	slt.u32 s9, $0xF7A;
	s5 =	simm.s32 @!p2 $0x0  }
0x1d: {  	s5 =	simm.s32 @p1 $0x1;
	p0 =	seq.s32 s7, s2  }
0x1e: {  	s7 =	smul.u32 @!p0 $0xF7A, s2;
	p2 =	seq.s32 @!p0 s5, $0x0  }
0x1f: {  	s9 =	smul.u32 $0xF7A, s1;
	s8 =	simm.s32 @!p0 $0x1BF5;
	p2 =	por !p2, p0  }
0x20: {  	[sflag:s8] =	ssyncset.s32 @!p0 $0xFFFFF086;
	s6 =	sadd.s32 @!p0 s3, s7;
	s7 =	simm.s32 @!p0 $0x108  }
0x21: {  	s3 =	sadd.s32 s3, s9;
	s6 =	sadd.s32 @!p0 $0x88, s6;
	s7 =	simm.s32 @p2 $0x1082  }
0x22: {  	[simem:s7], [sflag:s8] =	dma.local @!p0 [hbm:s6], $0xF7A  }
0x23: {  	s9 =	sor.u32 $0xD0000000, s2;
	s6 =	simm.s32 $0x108;
	_ =	swait.ge @!p0 [sflag:s8], $0x0  }
0x24: {  	s3 =	sadd.s32 $0x88, s3;
	s6 =	simm.s32 @!p1 $0x1082;
	[sflag:s4] =	ssyncset.s32 $0xFFFFF086  }
0x25: {  	[simem:s6], [sflag:s4] =	dma.local [hbm:s3], $0xF7A  }
0x26: {  	[smem:$0x3F9E] =	sst s1;
	(tag) =	ssettag s2;
	_ =	strace s9  }
0x27: {  	s1 =	sld [smem:$0x3FAE]  }
0x28: {  	s2 =	sld [smem:$0x3FAF]  }
0x29: {  	s4 =	sld [smem:$0x3FB1]  }
0x2a: {  	p0 =	seq.s32 s5, $0x0;
	s5 =	sld [smem:$0x3FB2]  }
0x2b: {  	s6 =	sld [smem:$0x3FB3]  }
0x2c: {  	s7 =	sld [smem:$0x3FB4]  }
0x2d: {  	s3 =	simm.s32 $0x108;
	s8 =	sld [smem:$0x3FB5]  }
0x2e: {  	s3 =	simm.s32 @!p0 $0x1082;
	s9 =	sld [smem:$0x3FB6]  }
0x2f: {  	lr =	sadd.s32 s0, s3;
	s0 =	sld [smem:$0x3FAD]  }
0x30: {  	s3 =	sld [smem:$0x3FB0]  }
0x31: {  	[smem:$0x3FB9] =	sst s10  }
0x32: {  	s10 =	sld [smem:$0x3FB7];
	_ =	sdelay $0x3  }
0x33: {  	p0 =	seq.s32 s10, $0x1;
	s10 =	sld [smem:$0x3FB9];
	_ =	sdelay $0x3  }
0x34: {  	[smem:$0x3FB9] =	sst s10  }
0x35: {  	s10 =	sld [smem:$0x3FB8];
	_ =	sdelay $0x3  }
0x36: {  	p1 =	seq.s32 s10, $0x1;
	s10 =	sld [smem:$0x3FB9];
	_ =	sdelay $0x3  }
0x37: {  	[smem:$0x3FB9] =	sst s10  }
0x38: {  	s10 =	sld [smem:$0x3FBA]  }
0x39: {  	_ = 	snop;
	(pc) =	sbr.ind lr, $3  }
0x3a: {  	_ = 	snop  }
0x3b: {  	_ = 	snop  }
0x3c: {  	p2 =	seq.s32 s10, $0x1;
	s10 =	sld [smem:$0x3FB9]  }
0x3d: {  	_ =	shalt  }
0x3e: {  	_ =	shalt  }
0x3f: {  	_ =	shalt  }
0x40: {  	_ =	shalt  }
0x41: {  	_ =	shalt  }
0x42: {  	_ =	shalt  }
0x43: {  	_ =	shalt  }
0x44: {  	_ =	shalt  }
0x45: {  	_ =	shalt  }
0x46: {  	_ =	shalt  }
0x47: {  	_ =	shalt  }
0x48: {  	_ =	shalt  }
0x49: {  	_ =	shalt  }
0x4a: {  	_ =	shalt  }
0x4b: {  	_ =	shalt  }
0x4c: {  	_ =	shalt  }
0x4d: {  	_ =	shalt  }
0x4e: {  	_ =	shalt  }
0x4f: {  	_ =	shalt  }
0x50: {  	_ =	shalt  }
0x51: {  	_ =	shalt  }
0x52: {  	_ =	shalt  }
0x53: {  	_ =	shalt  }
0x54: {  	_ =	shalt  }
0x55: {  	_ =	shalt  }
0x56: {  	_ =	shalt  }
0x57: {  	_ =	shalt  }
0x58: {  	_ =	shalt  }
0x59: {  	_ =	shalt  }
0x5a: {  	_ =	shalt  }
0x5b: {  	_ =	shalt  }
0x5c: {  	_ =	shalt  }
0x5d: {  	_ =	shalt  }
0x5e: {  	_ =	shalt  }
0x5f: {  	_ =	shalt  }
0x60: {  	_ =	shalt  }
0x61: {  	_ =	shalt  }
0x62: {  	_ =	shalt  }
0x63: {  	_ =	shalt  }
0x64: {  	_ =	shalt  }
0x65: {  	_ =	shalt  }
0x66: {  	_ =	shalt  }
0x67: {  	_ =	shalt  }
0x68: {  	_ =	shalt  }
0x69: {  	_ =	shalt  }
0x6a: {  	_ =	shalt  }
0x6b: {  	_ =	shalt  }
0x6c: {  	_ =	shalt  }
0x6d: {  	_ =	shalt  }
0x6e: {  	_ =	shalt  }
0x6f: {  	_ =	shalt  }
0x70: {  	_ =	shalt  }
0x71: {  	_ =	shalt  }
0x72: {  	_ =	shalt  }
0x73: {  	_ =	shalt  }
0x74: {  	_ =	shalt  }
0x75: {  	_ =	shalt  }
0x76: {  	_ =	shalt  }
0x77: {  	_ =	shalt  }
0x78: {  	_ =	shalt  }
0x79: {  	_ =	shalt  }
0x7a: {  	_ =	shalt  }
0x7b: {  	_ =	shalt  }
0x7c: {  	_ =	shalt  }
0x7d: {  	_ =	shalt  }
0x7e: {  	_ =	shalt  }
0x7f: {  	_ =	shalt  }
0x80: {  	_ =	shalt  }
0x81: {  	_ =	shalt  }
0x82: {  	_ =	shalt  }
0x83: {  	_ =	shalt  }
0x84: {  	_ =	shalt  }
0x85: {  	_ =	shalt  }
0x86: {  	_ =	shalt  }
0x87: {  	_ =	shalt  }
.Lfunc_end0:
.L_simem_size_0:
called_computation_lowered:
.L_overlay_start_0:
0x88: {  	s2 =	sld [smem:$0x3FD9]  }
0x89: {  	s3 =	sld [smem:$0x3FFE];
	_ =	sdelay $0x1  }
0x8a: {  	s1 =	srdreg.scid  }
0x8b: {  	s0 =	sand.u32 $0x1, s1  }
0x8c: {  	s16 =	sshll.u32 s0, $0xA;
	s2 =	sadd.s32 s3, s2  }
0x8d: {  	s2 =	sadd.s32 s2, s16  }
0x8e: {  	[smem:$0x3FC5] =	sst s2  }
0x8f: {  	_ = 	snop  }
0x90: {  	(tm) =	ssettm $0x1  }
0x91: {  	s17 =	sld [smem:$0x3FFB];
	_ =	sdelay $0x3  }
0x92: {  	_ =	strace s17  }
0x93: {  	s2 =	sld [smem:$0x3FFC];
	_ =	sdelay $0x3  }
0x94: {  	_ =	strace s2  }
0x95: {  	s2 =	sld [smem:$0x3FFD];
	_ =	sdelay $0x3  }
0x96: {  	_ =	strace s2  }
0x97: {  	_ =	strace $0x8FFFFFFF  }
0x98: {  	s18 =	sld [smem:$0x3FDB];
	_ =	sdelay $0x1  }
0x99: {  	s19 =	simm.s32 $_scs_section_size  }
0x9a: {  	s4 =	simm.s32 $_size__tile_overlayer_lowered;
	s5 =	simm.s32 $_tile_overlayer_lowered  }
0x9b: {  	s22 =	simm.s32 $0x1BFF;
	s21 =	sshll.u32 s5, $0x1;
	s2 =	sadd.s32 s19, s18  }
0x9c: {  	s6 =	simm.s32 $0x0;
	s20 =	sshll.u32 s4, $0x1;
	s4 =	sadd.s32 s21, s2  }
0x9d: {  	[timem:s6], [sflag:s22] =	dma.local [hbm:s4], s20  }
0x9e: {  	_ =	swait.ge [sflag:s22], s20  }
0x9f: {  	s3 =	ssub.s32 $0x0, s20;
	[sflag:s22] =	ssyncset.done $0x0  }
0xa0: {  	[sflag:s22] =	ssyncadd.s32 s3;
	_ =	sdelay $0x1  }
0xa1: {  	s23 =	simm.s32 $0x1B8B  }
0xa2: {  	_ =	swait.ge [sflag:s23], $0x1  }
0xa3: {  	[sflag:s23] =	ssyncset.done $0x0  }
0xa4: {  	s25 =	simm.s32 $0x1B8E;
	s24 =	sld [smem:$0x3FFE];
	[sflag:s23] =	ssyncadd.s32 $0xFFFFFFFF  }
0xa5: {  	s26 =	simm.s32 $execute0_lowered;
	[smem:$0x3FD2] =	sst s25  }
0xa6: {  	s4 =	sshll.u32 s26, $0x1;
	_ =	strace $0x80000046;
	[dreg:$0x1] =	wrdreg $0xFFFFFFFF  }
0xa7: {  	s28 =	simm.s32 $_size_execute0_lowered;
	s2 =	sadd.s32 s2, s4;
	[dreg:$0x0] =	wrdreg $0x0  }
0xa8: {  	s4 =	sshll.u32 s28, $0x1;
	[dreg:$0x2] =	wrdreg s2  }
0xa9: {  	[dreg:$0x3] =	wrdreg s4  }
0xaa: {  	[dreg:$0x4] =	wrdreg $0xC0  }
0xab: {  	_ =	task [dreg:s6], $0x5FFFF  }
0xac: {  	[dreg:$0x1] =	wrdreg $0xFFFFFFFF  }
0xad: {  	[dreg:$0x0] =	wrdreg $0x60  }
0xae: {  	[dreg:$0x2] =	wrdreg s24  }
0xaf: {  	[dreg:$0x3] =	wrdreg $0x0  }
0xb0: {  	[dreg:$0x4] =	wrdreg $0x9  }
0xb1: {  	_ =	task.clear_ibuf [dreg:s6], $0x5FFFF;
	_ =	strace $0x90000046  }
0xb2: {  	s29 =	simm.s32 $0x9;
	_ =	strace $0x80000048  }
0xb3: {  	_ =	swait.ge [sflag:s29], $0x1  }
0xb4: {  	[sflag:s29] =	ssyncadd.s32 $0xFFFFFFFF  }
0xb5: {  	_ =	strace $0x90000048  }
0xb6: {  	_ =	sfence  }
0xb7: {  	s30 =	sld [smem:$0x0];
	_ =	sdelay $0x2  }
0xb8: {  	s31 =	sshll.u32 s1, $0xD;
	s1 =	sshrl.u32 s1, $0x2  }
0xb9: {  	s3 =	sand.u32 $0x4000, s31;
	s1 =	sadd.s32 s1, s30  }
0xba: {  	s0 =	sor.u32 s3, s0;
	s1 =	sshll.u32 s1, $0x11  }
0xbb: {  	s0 =	sor.u32 s1, s0  }
0xbc: {  	s0 =	sadd.s32 $0x8F2B, s0  }
0xbd: {  	[sflag:s0] =	ssyncadd.remote.s32 $0x1  }
0xbe: {  	_ =	sfence.sel $0xFFFF  }
0xbf: {  	[dreg:$0x0] =	wrdreg $0xFFFFFFFF;
	(pc) =	sbr.abs _section_cstart, $3  }
0xc0: {  	[dreg:$0x1] =	wrdreg $0xFFFFFFFF  }
0xc1: {  	_ =	task.clear_ibuf [dreg:s6], $0x2FFFF;
	_ =	strace $0x9FFFFFFF  }
0xc2: {  	(tm) =	ssettm $0x7FFFFFFF  }
0xc3: {  	_ =	shalt  }
tec
execute0_lowered:
.L_overlay_start_1:
0x0: {  	(tag) =	ssettag $0x1  }
0x1: {  	s0 =	srdreg.scid  }
0x2: {  	s1 =	stileid.u32;
	s2 =	rddreg [dreg:$0x0]  }
0x3: {  	s7 =	rddreg [dreg:$0x1];
	s8 =	simm.s32 $0x0;
	s0 =	sand.u32 $0x1, s0  }
0x4: {  	s3 =	sshll.u32 s1, $0x1;
	[smem:$0x7FF] =	sst s8;
	s24 =	smul.u32 $0x2800, s1  }
0x5: {  	s3 =	sor.u32 s0, s3;
	s5 =	ssub.s32 $0x2, s0;
	s0 =	smul.u32 $0x1400, s0  }
0x6: {  	_ =	strace $0x80000047;
	s4 =	smul.u32 $0x1400, s3;
	s3 =	sshll.u32 s3, $0x6  }
0x7: {  	s6 =	sshrl.u32 s5, $0x1;
	s3 =	sadd.s32 s3, s2;
	s0 =	sadd.s32 s0, s24  }
0x8: {  	s5 =	ssub.s32 s5, s6;
	s30 =	sadd.s32 $0x3B200, s3;
	[dreg:$0x9] =	wrdreg s0  }
0x9: {  	p0 =	sne.s32 s1, $0x0;
	s31 =	smax.u32 s5, $0x1;
	[dreg:$0x7] =	wrdreg s30  }
0xa: {  	s4 =	sshrl.u32 s4, $0x3;
	s0 =	sor.u32 $0x80, s0;
	[dreg:$0x8] =	wrdreg s31  }
0xb: {  	s4 =	sadd.s32 s4, s2;
	[dreg:$0xa] =	wrdreg s0;
	s0 =	sshrl.u32 @!p0 s7, $0x3  }
.Ltmp0:
0xc: {  	s25 =	sadd.s32 $0x27200, s4;
	[dreg:$0xb] =	wrdreg s0;
	(pc) =	sbr.rel .LBB2_1-.Ltmp0, $4  }
0xd: {  	s26 =	sadd.s32 $0x2C200, s4;
	[dreg:$0x3] =	wrdreg s25  }
0xe: {  	s28 =	sadd.s32 $0x31200, s4;
	[dreg:$0x4] =	wrdreg s26  }
0xf: {  	s29 =	sadd.s32 $0x36200, s4;
	[dreg:$0x5] =	wrdreg s28  }
0x10: {  	vm0 =	vcmask $0x300;
	s1 =	simm.s32 $0x0;
	s3 =	simm.s32 $0x6;
	[dreg:$0x6] =	wrdreg s29  }
.LBB2_15:
0x11: {  	v1 =	vmov s30  }
0x12: {  	v60 =	vmov s4;
	v59 =	vnsel vm0, $0x0, v1  }
0x13: {  	s0 =	rddreg [dreg:$0xd];
	v62 =	vmov s18;
	v61 =	vnsel vm0, $0x0, v60;
	[tilespmem:$0x1C4C0] =	vst v59  }
0x14: {  	v0 =	vmov s0;
	v63 =	vnsel vm0, $0x0, v62;
	[tilespmem:$0x1C540] =	vst v61  }
0x15: {  	s8 =	simm.s32 $0x0;
	v0 =	vnsel vm0, $0x0, v0;
	[tilespmem:$0x1C5C0] =	vst v63  }
0x16: {  	s29 =	rddreg [dreg:$0x7];
	s1 =	simm.s32 $0x1C440;
	s3 =	simm.s32 $0x6;
	[tilespmem:$0x1C440] =	vst v0  }
0x17: {  	[hbm4b:s29+s8] =	stream.linear.scatter [tilespmem:s1], [sflag:$0x6], $0x200, $0x38;
	[tilespmem:$0x1C640] =	vst v63  }
0x18: {  	_ =	swait.ge [sflag:s3], $0x200  }
0x19: {  	s30 =	rddreg [dreg:$0xc]  }
0x1a: {  	s31 =	rddreg [dreg:$0x8];
	s1 =	sadd.s32 $0x1, s30  }
0x1b: {  	p1 =	sne.s32 s1, s31  }
.Ltmp1:
0x1c: {  	_ = 	snop;
	(pc) =	sbr.rel @!p1 .LBB2_16-.Ltmp1, $3  }
0x1d: {  	_ =	sdelay $0x1  }
0x1e: {  	[sflag:s3] =	ssyncset.done $0x0  }
0x1f: {  	[sflag:s3] =	ssyncadd.s32 $0xFFFFFE00  }
.LBB2_1:
0x20: {  	[dreg:$0xc] =	wrdreg s1  }
0x21: {  	s1 =	rddreg [dreg:$0x0]  }
0x22: {  	s0 =	simm.s32 @!p0 $0x1C01;
	s2 =	rddreg [dreg:$0xb]  }
0x23: {  	[spmem:s2], [sflag:s0] =	dma.local @!p0 [hbm:s1], $0x27100  }
0x24: {  	s0 =	simm.s32 @!p0 $0x1  }
0x25: {  	_ =	swait.ge @!p0 [sflag:s0], $0x27100  }
0x26: {  	[sflag:s0] =	ssyncset.done @!p0 $0x0  }
0x27: {  	[sflag:s0] =	ssyncadd.s32 @!p0 $0xFFFD8F00  }
0x28: {  	[bflag:$0x0] =	sbarrier.arrive $0xFFFF  }
0x29: {  	s20 =	simm.s32 $0x9C40;
	s19 =	rddreg [dreg:$0x3]  }
0x2a: {  	[tilespmem:s20], [sflag:$0x6] =	stream.linear.gather [hbm4b:s19+s8], $0x1400, $0x38;
	[tilespmem:$0x1C640] =	vst v63  }
0x2b: {  	_ =	swait.ge [sflag:s3], $0x1400  }
0x2c: {  	[sflag:s3] =	ssyncset.done $0x0  }
0x2d: {  	s22 =	simm.s32 $0xB040;
	s21 =	rddreg [dreg:$0x4];
	[sflag:s3] =	ssyncadd.s32 $0xFFFFEC00  }
0x2e: {  	[tilespmem:s22], [sflag:$0x6] =	stream.linear.gather [hbm4b:s21+s8], $0x1400, $0x38;
	[tilespmem:$0x1C640] =	vst v63  }
0x2f: {  	_ =	swait.ge [sflag:s3], $0x1400  }
0x30: {  	[sflag:s3] =	ssyncset.done $0x0  }
0x31: {  	s24 =	simm.s32 $0x80;
	[sflag:s3] =	ssyncadd.s32 $0xFFFFEC00  }
0x32: {  	s4 =	simm.s32 $0xC440;
	s25 =	simm.s32 $0x10440;
	s23 =	rddreg [dreg:$0x1]  }
0x33: {  	[tilespmem:s4], [sflag:$0x2] =	stream.indirect.gather [spmem:s23], $0x40, s20, s24, $0xb8;
	[tilespmem:$0x1C640] =	vst v63  }
0x34: {  	s26 =	simm.s32 $0x9CC0;
	s28 =	simm.s32 $0x14440;
	s29 =	simm.s32 $0xB0C0  }
0x35: {  	[tilespmem:s25], [sflag:$0x3] =	stream.indirect.gather [spmem:s23], $0x40, s22, s24, $0xb8;
	[tilespmem:$0x1C640] =	vst v63  }
0x36: {  	s31 =	simm.s32 $0x18440;
	s30 =	simm.f32 $0.0e+00;
	s0 =	rddreg [dreg:$0xa]  }
0x37: {  	[tilespmem:s28], [sflag:$0x4] =	stream.indirect.gather [spmem:s23], $0x40, s26, s24, $0xb8;
	[tilespmem:$0x1C640] =	vst v63  }
0x38: {  	s18 =	simm.f32 $0.0e+00;
	s2 =	simm.s32 $0x0;
	s10 =	rddreg [dreg:$0x9]  }
0x39: {  	[tilespmem:s31], [sflag:$0x5] =	stream.indirect.gather [spmem:s23], $0x40, s29, s24, $0xb8;
	[tilespmem:$0x1C640] =	vst v63  }
.LBB2_2:
0x3a: {  	s1 =	simm.s32 $0x2  }
0x3b: {  	_ =	swait.ge [sflag:s1], $0x2000  }
0x3c: {  	[sflag:s1] =	ssyncset.done $0x0  }
0x3d: {  	s11 =	simm.s32 $0x3;
	[sflag:s1] =	ssyncadd.s32 $0xFFFFE000  }
0x3e: {  	_ =	swait.ge [sflag:s11], $0x2000  }
0x3f: {  	[sflag:s11] =	ssyncset.done $0x0  }
0x40: {  	s12 =	simm.s32 $0x0;
	[sflag:s11] =	ssyncadd.s32 $0xFFFFE000  }
0x41: {  	v0 =	vld [tilespmem:s12+$0x10470]  }
0x42: {  	v1 =	vld [tilespmem:s12+$0x10460]  }
0x43: {  	v2 =	vld [tilespmem:s12+$0xC4D0]  }
0x44: {  	v3 =	vld [tilespmem:s12+$0x104D0]  }
0x45: {  	v4 =	vld [tilespmem:s12+$0xC460]  }
0x46: {  	v5 =	vld [tilespmem:s12+$0x104C0]  }
0x47: {  	v6 =	vld [tilespmem:s12+$0xC4C0]  }
0x48: {  	v7 =	vld [tilespmem:s12+$0xC450]  }
0x49: {  	v12 =	vld [tilespmem:s12+$0x10440]  }
0x4a: {  	s13 =	simm.s32 $0x100;
	v16 =	vld [tilespmem:s12+$0x10450]  }
0x4b: {  	v23 =	vld [tilespmem:s13+$0x10450];
	v8 =	vunpack.i.u.bf16.f32 v0  }
0x4c: {  	v35 =	vld [tilespmem:s13+$0x104E0];
	v10 =	vunpack.i.u.bf16.f32 v2;
	v11 =	vunpack.i.l.bf16.f32 v3;
	v13 =	vunpack.i.l.bf16.f32 v4  }
0x4d: {  	s14 =	simm.s32 $0x200;
	v26 =	vld [tilespmem:s13+$0x104F0];
	v14 =	vunpack.i.l.bf16.f32 v1;
	v2 =	vunpack.i.l.bf16.f32 v2;
	v15 =	vunpack.i.l.bf16.f32 v5  }
0x4e: {  	v38 =	vld [tilespmem:s14+$0xC450];
	v3 =	vunpack.i.u.bf16.f32 v3;
	v17 =	vunpack.i.l.bf16.f32 v6;
	v5 =	vunpack.i.u.bf16.f32 v5  }
0x4f: {  	v42 =	vld [tilespmem:s14+$0xC4F0];
	v6 =	vunpack.i.u.bf16.f32 v6;
	v1 =	vunpack.i.u.bf16.f32 v1;
	v18 =	vunpack.i.u.bf16.f32 v12  }
0x50: {  	v12 =	vunpack.i.l.bf16.f32 v12;
	v19 =	vunpack.i.u.bf16.f32 v16;
	v16 =	vunpack.i.l.bf16.f32 v16  }
0x51: {  	v9 =	vld [tilespmem:s12+$0xC440];
	v21 =	vunpack.i.l.bf16.f32 v7;
	v7 =	vunpack.i.u.bf16.f32 v7;
	v4 =	vunpack.i.u.bf16.f32 v4  }
0x52: {  	v20 =	vld [tilespmem:s12+$0x104F0];
	v0 =	vunpack.i.l.bf16.f32 v0;
	v25 =	vunpack.i.u.bf16.f32 v23;
	v23 =	vunpack.i.l.bf16.f32 v23  }
0x53: {  	v28 =	vunpack.i.l.bf16.f32 v35;
	v37 =	vunpack.i.l.bf16.f32 v26;
	v40 =	vunpack.i.l.bf16.f32 v38  }
0x54: {  	v45 =	vunpack.i.l.bf16.f32 v42;
	v13 =	vsub.f32 v13, v14;
	v15 =	vsub.f32 v17, v15  }
0x55: {  	v47 =	vunpack.i.u.bf16.f32 v42;
	v3 =	vsub.f32 v10, v3;
	v5 =	vsub.f32 v6, v5  }
0x56: {  	v17 =	vunpack.i.l.bf16.f32 v9;
	v2 =	vsub.f32 v2, v11;
	v16 =	vsub.f32 v21, v16  }
0x57: {  	v10 =	vld [tilespmem:s12+$0xC4E0];
	v9 =	vunpack.i.u.bf16.f32 v9;
	v7 =	vsub.f32 v7, v19;
	v19 =	vunpack.i.l.bf16.f32 v20  }
0x58: {  	v6 =	vld [tilespmem:s12+$0x104E0];
	v1 =	vsub.f32 v4, v1;
	v15 =	vmul.f32 v15, v15;
	v5 =	vmul.f32 v5, v5  }
0x59: {  	v12 =	vsub.f32 v17, v12;
	v2 =	vmul.f32 v2, v2;
	v16 =	vmul.f32 v16, v16  }
0x5a: {  	v14 =	vld [tilespmem:s12+$0xC470];
	v9 =	vsub.f32 v9, v18;
	v3 =	vmul.f32 v3, v3;
	v7 =	vmul.f32 v7, v7  }
0x5b: {  	v18 =	vunpack.i.u.bf16.f32 v20;
	v13 =	vmul.f32 v13, v13;
	v1 =	vmul.f32 v1, v1  }
0x5c: {  	v11 =	vld [tilespmem:s12+$0xC4F0];
	v9 =	vmul.f32 v9, v9;
	v12 =	vmul.f32 v12, v12;
	v5 =	vadd.f32 v15, v5  }
0x5d: {  	v15 =	vunpack.i.l.bf16.f32 v10;
	v21 =	vunpack.i.l.bf16.f32 v6;
	v10 =	vunpack.i.u.bf16.f32 v10  }
0x5e: {  	v6 =	vunpack.i.u.bf16.f32 v6;
	v9 =	vadd.f32 v12, v9;
	v15 =	vsub.f32 v15, v21  }
0x5f: {  	v17 =	vunpack.i.l.bf16.f32 v14;
	v12 =	vld [tilespmem:s13+$0xC4D0];
	v6 =	vsub.f32 v10, v6;
	v2 =	vadd.f32 v2, v5  }
0x60: {  	v14 =	vunpack.i.u.bf16.f32 v14;
	v0 =	vsub.f32 v17, v0;
	v5 =	vld [tilespmem:s13+$0x104D0];
	v9 =	vadd.f32 v16, v9  }
0x61: {  	v16 =	vld [tilespmem:s13+$0xC460];
	v10 =	vmul.f32 v15, v15;
	v15 =	vunpack.i.l.bf16.f32 v11;
	v2 =	vadd.f32 v2, v3  }
0x62: {  	v11 =	vunpack.i.u.bf16.f32 v11;
	v3 =	vsub.f32 v14, v8;
	v8 =	vld [tilespmem:s13+$0xC4C0];
	v15 =	vsub.f32 v15, v19  }
0x63: {  	v6 =	vmul.f32 v6, v6;
	v14 =	vld [tilespmem:s13+$0xC440];
	v4 =	vsub.f32 v11, v18;
	v7 =	vadd.f32 v9, v7  }
0x64: {  	v0 =	vmul.f32 v0, v0;
	v19 =	vld [tilespmem:s13+$0x10470];
	v2 =	vadd.f32 v10, v2;
	v9 =	vmul.f32 v3, v3  }
0x65: {  	v11 =	vmul.f32 v15, v15;
	v4 =	vmul.f32 v4, v4;
	v7 =	vadd.f32 v13, v7  }
0x66: {  	v3 =	vld [tilespmem:s13+$0xC450];
	v13 =	vunpack.i.u.bf16.f32 v12;
	v18 =	vunpack.i.l.bf16.f32 v5;
	v5 =	vunpack.i.u.bf16.f32 v5  }
0x67: {  	v15 =	vld [tilespmem:s13+$0x10460];
	v21 =	vunpack.i.l.bf16.f32 v16;
	v5 =	vsub.f32 v13, v5;
	v2 =	vadd.f32 v2, v6  }
0x68: {  	v1 =	vadd.f32 v7, v1;
	v7 =	vunpack.i.l.bf16.f32 v12;
	v24 =	vunpack.i.l.bf16.f32 v8  }
0x69: {  	v13 =	vunpack.i.l.bf16.f32 v14;
	v14 =	vunpack.i.u.bf16.f32 v14;
	v10 =	vunpack.i.u.bf16.f32 v19  }
0x6a: {  	v17 =	vld [tilespmem:s13+$0x104C0];
	v7 =	vsub.f32 v7, v18;
	v19 =	vunpack.i.l.bf16.f32 v19;
	v5 =	vmul.f32 v5, v5  }
0x6b: {  	v2 =	vadd.f32 v11, v2;
	v1 =	vadd.f32 v0, v1;
	v0 =	vunpack.i.u.bf16.f32 v8  }
0x6c: {  	v20 =	vld [tilespmem:s13+$0x10440];
	v18 =	vunpack.i.l.bf16.f32 v3;
	v3 =	vunpack.i.u.bf16.f32 v3;
	v22 =	vunpack.i.l.bf16.f32 v15  }
0x6d: {  	v15 =	vunpack.i.u.bf16.f32 v15;
	v18 =	vsub.f32 v18, v23;
	v36 =	vsub.f32 v3, v25  }
0x6e: {  	v23 =	vunpack.i.u.bf16.f32 v35;
	v2 =	vadd.f32 v2, v4;
	v12 =	vsub.f32 v21, v22  }
0x6f: {  	v22 =	vunpack.i.l.bf16.f32 v17;
	v17 =	vunpack.i.u.bf16.f32 v17;
	v1 =	vadd.f32 v1, v9  }
0x70: {  	v8 =	vld [tilespmem:s13+$0xC4E0];
	v7 =	vmul.f32 v7, v7;
	v22 =	vsub.f32 v24, v22;
	v0 =	vsub.f32 v0, v17  }
0x71: {  	v21 =	vld [tilespmem:s13+$0xC470];
	v17 =	vunpack.i.l.bf16.f32 v20;
	v20 =	vunpack.i.u.bf16.f32 v20;
	v18 =	vmul.f32 v18, v18  }
0x72: {  	v13 =	vsub.f32 v13, v17;
	v14 =	vsub.f32 v14, v20;
	v12 =	vmul.f32 v12, v12  }
0x73: {  	v24 =	vunpack.i.u.bf16.f32 v38;
	v22 =	vmul.f32 v22, v22;
	v0 =	vmul.f32 v0, v0  }
0x74: {  	v27 =	vld [tilespmem:s13+$0xC4F0];
	v20 =	vunpack.i.u.bf16.f32 v26;
	v14 =	vmul.f32 v14, v14;
	v13 =	vmul.f32 v13, v13  }
0x75: {  	(xrf2) =	vadd.scan.msk.f32 $0xffff, v1;
	v22 =	vadd.f32 v22, v0;
	v0 =	vunpack.i.l.bf16.f32 v8;
	v8 =	vunpack.i.u.bf16.f32 v8  }
0x76: {  	v17 =	vunpack.i.l.bf16.f32 v21;
	v0 =	vsub.f32 v0, v28;
	v8 =	vsub.f32 v8, v23  }
0x77: {  	v13 =	vadd.f32 v13, v14;
	v17 =	vsub.f32 v17, v19;
	v19 =	vunpack.i.u.bf16.f32 v21  }
0x78: {  	v6 =	vld [tilespmem:s14+$0xC460];
	(xrf2) =	vadd.scan.msk.f32 $0xffff, v2;
	v21 =	vmul.f32 v36, v36;
	v7 =	vadd.f32 v7, v22;
	v10 =	vsub.f32 v19, v10  }
0x79: {  	v14 =	vld [tilespmem:s14+$0xC4D0];
	v3 =	vmul.f32 v8, v8;
	v8 =	vunpack.i.u.bf16.f32 v16;
	v16 =	vunpack.i.u.bf16.f32 v27  }
0x7a: {  	v23 =	vmul.f32 v0, v0;
	v8 =	vsub.f32 v8, v15;
	v15 =	vsub.f32 v16, v20;
	v16 =	vld [tilespmem:s14+$0x10470]  }
0x7b: {  	v0 =	vunpack.i.l.bf16.f32 v27;
	v13 =	vadd.f32 v18, v13;
	v9 =	vmul.f32 v17, v17;
	v20 =	vld [tilespmem:s14+$0x10460]  }
0x7c: {  	v0 =	vsub.f32 v0, v37;
	v5 =	vadd.f32 v7, v5;
	v7 =	vld [tilespmem:s14+$0x104D0];
	v10 =	vmul.f32 v10, v10  }
0x7d: {  	v13 =	vadd.f32 v13, v21;
	v21 =	vunpack.i.l.bf16.f32 v6;
	v6 =	vunpack.i.u.bf16.f32 v6  }
0x7e: {  	v18 =	vld [tilespmem:s14+$0x104C0];
	v0 =	vmul.f32 v0, v0;
	v15 =	vmul.f32 v15, v15;
	v5 =	vadd.f32 v23, v5  }
0x7f: {  	v17 =	vld [tilespmem:s14+$0xC4C0];
	v8 =	vmul.f32 v8, v8;
	v4 =	vunpack.i.u.bf16.f32 v14;
	v12 =	vadd.f32 v12, v13;
	v41, _, _ =	vpop (xrf2)  }
0x80: {  	v2 =	vunpack.i.l.bf16.f32 v14;
	(v2sf) =	vpush v41, $0xF;
	v3 =	vadd.f32 v5, v3  }
0x81: {  	v1 =	vld [tilespmem:s14+$0xC440];
	v11 =	vunpack.i.u.bf16.f32 v16;
	v13 =	vunpack.i.l.bf16.f32 v7;
	v22 =	vunpack.i.l.bf16.f32 v20  }
0x82: {  	v19 =	vld [tilespmem:s14+$0x10440];
	v44, _, _ =	vpop (xrf2);
	v8 =	vadd.f32 v12, v8;
	v7 =	vunpack.i.u.bf16.f32 v7;
	v20 =	vunpack.i.u.bf16.f32 v20  }
0x83: {  	v23 =	vld [tilespmem:s14+$0x10450];
	(v2sf) =	vpush v44, $0xF;
	v16 =	vunpack.i.l.bf16.f32 v16;
	v12 =	vsub.f32 v21, v22  }
0x84: {  	v21 =	vunpack.i.l.bf16.f32 v18;
	v22 =	vunpack.i.l.bf16.f32 v17;
	v7 =	vsub.f32 v4, v7  }
0x85: {  	v14 =	vld [tilespmem:s14+$0xC470];
	v18 =	vunpack.i.u.bf16.f32 v18;
	v2 =	vsub.f32 v2, v13;
	v6 =	vsub.f32 v6, v20  }
0x86: {  	v0 =	vadd.f32 v0, v3;
	v8 =	vadd.f32 v9, v8;
	v9 =	vunpack.i.u.bf16.f32 v17  }
0x87: {  	v17 =	vsub.f32 v22, v21;
	v21 =	vunpack.i.l.bf16.f32 v1;
	v22 =	vunpack.i.l.bf16.f32 v19  }
0x88: {  	v19 =	vunpack.i.u.bf16.f32 v19;
	v39 =	vunpack.i.u.bf16.f32 v23;
	v23 =	vunpack.i.l.bf16.f32 v23  }
0x89: {  	v1 =	vunpack.i.u.bf16.f32 v1;
	v9 =	vsub.f32 v9, v18;
	v21 =	vsub.f32 v21, v22  }
0x8a: {  	v13 =	vld [tilespmem:s14+$0x104F0];
	v22 =	vunpack.i.l.bf16.f32 v14;
	v23 =	vsub.f32 v40, v23;
	v2 =	vmul.f32 v2, v2  }
0x8b: {  	v4 =	vld [tilespmem:s14+$0xC4E0];
	v19 =	vsub.f32 v1, v19;
	v7 =	vmul.f32 v7, v7;
	v12 =	vmul.f32 v12, v12  }
0x8c: {  	v18 =	vld [tilespmem:s14+$0x104E0];
	v14 =	vunpack.i.u.bf16.f32 v14;
	v5 =	vmul.f32 v6, v6;
	v0 =	vadd.f32 v0, v15  }
0x8d: {  	v17 =	vmul.f32 v17, v17;
	v8 =	vadd.f32 v8, v10;
	v9 =	vmul.f32 v9, v9  }
0x8e: {  	s5 =	simm.s32 $0x300;
	v11 =	vsub.f32 v14, v11;
	v19 =	vmul.f32 v19, v19;
	v20 =	vmul.f32 v21, v21  }
0x8f: {  	v14 =	vld [tilespmem:s5+$0xC4C0];
	v46 =	vunpack.i.l.bf16.f32 v13;
	v13 =	vunpack.i.u.bf16.f32 v13;
	v9 =	vadd.f32 v17, v9  }
0x90: {  	v21 =	vld [tilespmem:s5+$0x10470];
	v17 =	vunpack.i.l.bf16.f32 v4;
	v4 =	vunpack.i.u.bf16.f32 v4;
	v13 =	vsub.f32 v47, v13  }
0x91: {  	v19 =	vadd.f32 v20, v19;
	v43 =	vunpack.i.l.bf16.f32 v18;
	v18 =	vunpack.i.u.bf16.f32 v18  }
0x92: {  	v23 =	vmul.f32 v23, v23;
	v20 =	vld [tilespmem:s5+$0x10450];
	v17 =	vsub.f32 v17, v43;
	v4 =	vsub.f32 v4, v18  }
0x93: {  	v48 =	vld [tilespmem:s5+$0x10460];
	(xrf2) =	vadd.scan.msk.f32 $0xffff, v8;
	v8 =	vmul.f32 v11, v11;
	v18 =	vsub.f32 v24, v39;
	v9 =	vadd.f32 v2, v9  }
0x94: {  	v10 =	vld [tilespmem:s5+$0xC460];
	v2 =	vmul.f32 v13, v13;
	v13 =	vsub.f32 v22, v16;
	v22 =	vunpack.i.l.bf16.f32 v14  }
0x95: {  	v16 =	vld [tilespmem:s5+$0xC4D0];
	v11 =	vunpack.i.u.bf16.f32 v21;
	v1 =	vmul.f32 v4, v4;
	v4 =	vsub.f32 v45, v46  }
0x96: {  	v6 =	vld [tilespmem:s5+$0x104C0];
	v7 =	vadd.f32 v9, v7;
	v9 =	vmul.f32 v18, v18;
	v18 =	vadd.f32 v23, v19  }
0x97: {  	v17 =	vmul.f32 v17, v17;
	v19 =	vld [tilespmem:s5+$0x104D0];
	v13 =	vmul.f32 v13, v13;
	v51 =	vunpack.i.u.bf16.f32 v20  }
0x98: {  	v23 =	vld [tilespmem:s5+$0xC450];
	v20 =	vunpack.i.l.bf16.f32 v20;
	v4 =	vmul.f32 v4, v4;
	v9 =	vadd.f32 v18, v9  }
0x99: {  	v7 =	vadd.f32 v17, v7;
	v17 =	vunpack.i.l.bf16.f32 v10;
	v18 =	vunpack.i.l.bf16.f32 v48  }
0x9a: {  	(xrf2) =	vadd.scan.msk.f32 $0xffff, v0;
	v0 =	vunpack.i.l.bf16.f32 v16;
	v3 =	vadd.f32 v12, v9;
	v12 =	vunpack.i.u.bf16.f32 v16  }
0x9b: {  	v16 =	vsub.f32 v17, v18;
	v18 =	vunpack.i.l.bf16.f32 v6;
	v7 =	vadd.f32 v7, v1  }
0x9c: {  	v9 =	vld [tilespmem:s5+$0xC440];
	v15 =	vunpack.i.l.bf16.f32 v19;
	v19 =	vunpack.i.u.bf16.f32 v19;
	v3 =	vadd.f32 v3, v5  }
0x9d: {  	v17 =	vld [tilespmem:s5+$0xC470];
	v12 =	vsub.f32 v12, v19;
	v0 =	vsub.f32 v0, v15;
	v15 =	vunpack.i.l.bf16.f32 v23  }
0x9e: {  	s15 =	spop (v2sf);
	v6 =	vunpack.i.u.bf16.f32 v6;
	v5 =	vld [tilespmem:s5+$0x10440];
	v7 =	vadd.f32 v4, v7;
	v15 =	vsub.f32 v15, v20  }
0x9f: {  	s1 =	sadd.f32 $9.999999960e-13, s15;
	v20 =	vunpack.i.u.bf16.f32 v23;
	v13 =	vadd.f32 v13, v3;
	v3 =	vunpack.i.u.bf16.f32 v14  }
0xa0: {  	v14 =	vsub.f32 v22, v18;
	v22 =	vunpack.i.u.bf16.f32 v48;
	v20 =	vsub.f32 v20, v51  }
0xa1: {  	s16 =	spop (v2sf);
	s4 =	sshra.s32 s1, $0x1;
	s3 =	smul.f32 $5.000000000e-01, s1;
	v18 =	vld [tilespmem:s5+$0xC4E0];
	v12 =	vmul.f32 v12, v12;
	v2 =	vadd.f32 v7, v2;
	v19 =	vunpack.i.l.bf16.f32 v9  }
0xa2: {  	s19 =	sadd.f32 $9.999999960e-13, s16;
	s6 =	ssub.s32 $0x5F3759DF, s4;
	v3 =	vsub.f32 v3, v6;
	v6 =	vld [tilespmem:s5+$0x104E0];
	v50 =	vunpack.i.l.bf16.f32 v17;
	v9 =	vunpack.i.u.bf16.f32 v9  }
0xa3: {  	s7 =	smul.f32 s6, s3;
	v15 =	vmul.f32 v15, v15;
	v49 =	vunpack.i.u.bf16.f32 v5;
	v5 =	vunpack.i.l.bf16.f32 v5  }
0xa4: {  	v53 =	vld [tilespmem:s5+$0x104F0];
	s8 =	sshra.s32 s19, $0x1;
	s4 =	smul.f32 $5.000000000e-01, s19;
	v14 =	vmul.f32 v14, v14;
	v3 =	vmul.f32 v3, v3;
	v9 =	vsub.f32 v9, v49  }
0xa5: {  	s17 =	ssub.s32 $0x5F3759DF, s8;
	s7 =	smul.f32 s6, s7;
	v20 =	vmul.f32 v20, v20;
	v13 =	vadd.f32 v13, v8;
	v19 =	vsub.f32 v19, v5  }
0xa6: {  	v52 =	vld [tilespmem:s5+$0xC4F0];
	s8 =	smul.f32 s17, s4;
	v14 =	vadd.f32 v14, v3;
	v3 =	vunpack.i.l.bf16.f32 v18;
	v5, _, _ =	vpop (xrf2);
	v9 =	vmul.f32 v9, v9  }
0xa7: {  	s7 =	ssub.f32 $1.500000000e+00, s7;
	v19 =	vmul.f32 v19, v19;
	(v2sf) =	vpush v5, $0xF;
	v5 =	vunpack.i.l.bf16.f32 v6  }
0xa8: {  	s22 =	simm.s32 $0x400;
	s20 =	smul.f32 s17, s8;
	v23, _, _ =	vpop (xrf2);
	v6 =	vunpack.i.u.bf16.f32 v6;
	v3 =	vsub.f32 v3, v5;
	v5 =	vunpack.i.u.bf16.f32 v18  }
0xa9: {  	v59 =	vld [tilespmem:s22+$0xC4F0];
	s6 =	smul.f32 s6, s7;
	(v2sf) =	vpush v23, $0xF;
	v18 =	vmul.f32 v0, v0;
	v23 =	vunpack.i.l.bf16.f32 v53  }
0xaa: {  	v7 =	vld [tilespmem:s22+$0xC440];
	s7 =	ssub.f32 $1.500000000e+00, s20;
	v9 =	vadd.f32 v19, v9;
	v0 =	vsub.f32 v5, v6;
	v6 =	vmul.f32 v3, v3  }
0xab: {  	(xrf2) =	vadd.scan.msk.f32 $0xffff, v13;
	s21 =	smul.f32 s6, s3;
	v19 =	vld [tilespmem:s22+$0x10460];
	v3 =	vunpack.i.l.bf16.f32 v52;
	v14 =	vadd.f32 v18, v14;
	v18 =	vunpack.i.l.bf16.f32 v21  }
0xac: {  	s9 =	smul.f32 s17, s7;
	(xrf2) =	vadd.scan.msk.f32 $0xffff, v2;
	v2 =	vld [tilespmem:s22+$0x10440];
	v9 =	vadd.f32 v15, v9;
	v5 =	vmul.f32 v0, v0;
	v0 =	vsub.f32 v3, v23  }
0xad: {  	s8 =	smul.f32 s21, s6;
	v21 =	vld [tilespmem:s22+$0xC4D0];
	v3 =	vunpack.i.u.bf16.f32 v10;
	v10 =	vunpack.i.u.bf16.f32 v52;
	v23 =	vunpack.i.u.bf16.f32 v53  }
0xae: {  	s24 =	smul.f32 s9, s4;
	v15 =	vunpack.i.u.bf16.f32 v17;
	v17 =	vld [tilespmem:s22+$0x104C0];
	v22 =	vsub.f32 v3, v22;
	v10 =	vsub.f32 v10, v23  }
0xaf: {  	v16 =	vmul.f32 v16, v16;
	s23 =	ssub.f32 $1.500000000e+00, s8;
	v12 =	vadd.f32 v14, v12;
	v14 =	vld [tilespmem:s22+$0x104D0];
	v9 =	vadd.f32 v9, v20  }
0xb0: {  	v18 =	vsub.f32 v50, v18;
	s25 =	smul.f32 s24, s9;
	v20 =	vld [tilespmem:s22+$0xC4C0];
	v1 =	vmul.f32 v10, v10;
	v10 =	vsub.f32 v15, v11  }
0xb1: {  	s12 =	smul.f32 s23, s6;
	v11 =	vld [tilespmem:s22+$0xC460];
	v15 =	vmul.f32 v22, v22;
	v8 =	vadd.f32 v6, v12;
	v6 =	vadd.f32 v16, v9  }
0xb2: {  	v3 =	vld [tilespmem:s22+$0x10470];
	s11 =	ssub.f32 $1.500000000e+00, s25  }
0xb3: {  	v23 =	vld [tilespmem:s22+$0x10450];
	v18 =	vmul.f32 v18, v18;
	v16 =	vunpack.i.l.bf16.f32 v19;
	s6 =	smul.f32 s12, s3;
	v6 =	vadd.f32 v6, v15  }
0xb4: {  	v9 =	vld [tilespmem:s22+$0xC450];
	v12 =	vunpack.i.u.bf16.f32 v21;
	v21 =	vunpack.i.l.bf16.f32 v21;
	s11 =	smul.f32 s11, s9;
	v13 =	vunpack.i.l.bf16.f32 v14  }
0xb5: {  	v22 =	vld [tilespmem:s22+$0xC470];
	v14 =	vunpack.i.u.bf16.f32 v14;
	s6 =	smul.f32 s6, s12;
	v55 =	vadd.f32 v18, v6;
	v6 =	vunpack.i.u.bf16.f32 v20  }
0xb6: {  	v12 =	vsub.f32 v12, v14;
	v14 =	vld [tilespmem:s22+$0xC4E0];
	v13 =	vsub.f32 v21, v13;
	s21 =	smul.f32 s11, s4;
	v15 =	vunpack.i.l.bf16.f32 v11  }
0xb7: {  	v21 =	vld [tilespmem:s22+$0x104F0];
	s28 =	ssub.f32 $1.500000000e+00, s6;
	v15 =	vsub.f32 v15, v16;
	v16 =	vunpack.i.l.bf16.f32 v17;
	v17 =	vunpack.i.u.bf16.f32 v17  }
0xb8: {  	v6 =	vsub.f32 v6, v17;
	v17 =	vld [tilespmem:s22+$0x104E0];
	s22 =	smul.f32 s21, s11  }
0xb9: {  	s26 =	spop (v2sf);
	s31 =	smul.f32 s28, s12  }
0xba: {  	s5 =	sadd.f32 $9.999999960e-13, s26;
	s29 =	spop (v2sf)  }
0xbb: {  	v0 =	vmul.f32 v0, v0;
	v19 =	vunpack.i.u.bf16.f32 v19;
	v4 =	vmul.f32 v10, v10;
	s6 =	sadd.f32 $9.999999960e-13, s29;
	s3 =	smul.f32 s31, s3  }
0xbc: {  	v10 =	vunpack.i.u.bf16.f32 v3;
	v54 =	vunpack.i.l.bf16.f32 v20;
	v18 =	vunpack.i.l.bf16.f32 v7;
	s8 =	smul.f32 $5.000000000e-01, s5  }
0xbd: {  	v20 =	vunpack.i.u.bf16.f32 v2;
	v2 =	vunpack.i.l.bf16.f32 v2;
	v7 =	vunpack.i.u.bf16.f32 v7;
	s13 =	sshra.s32 s5, $0x1;
	s9 =	smul.f32 $5.000000000e-01, s6  }
0xbe: {  	v18 =	vsub.f32 v18, v2;
	v56 =	vunpack.i.l.bf16.f32 v22;
	v58 =	vunpack.i.l.bf16.f32 v9;
	s14 =	ssub.s32 $0x5F3759DF, s13;
	s17 =	sshra.s32 s6, $0x1;
	s3 =	smul.f32 s3, s31  }
0xbf: {  	v9 =	vunpack.i.u.bf16.f32 v9;
	v7 =	vsub.f32 v7, v20;
	v62 =	vmul.f32 v13, v13;
	s15 =	smul.f32 s14, s8;
	s12 =	ssub.s32 $0x5F3759DF, s17  }
0xc0: {  	p1 =	slt.u32 s10, $0x27100;
	s23 =	sadd.s32 $0x2, s10;
	v57, _, _ =	vpop (xrf2);
	v12 =	vmul.f32 v12, v12;
	v16 =	vsub.f32 v54, v16;
	v2 =	vmul.f32 v6, v6;
	s16 =	smul.f32 s12, s9  }
0xc1: {  	p2 =	slt.u32 s23, $0x27100;
	v6 =	vunpack.i.u.bf16.f32 v23;
	v23 =	vunpack.i.l.bf16.f32 v23;
	(v2sf) =	vpush v57, $0xF;
	s3 =	ssub.f32 $1.500000000e+00, s3;
	s15 =	smul.f32 s14, s15  }
0xc2: {  	v61, _, _ =	vpop (xrf2);
	v18 =	vmul.f32 v18, v18;
	v16 =	vmul.f32 v16, v16;
	s25 =	ssub.f32 $1.500000000e+00, s22;
	v23 =	vsub.f32 v58, v23;
	s17 =	smov.u32 s1;
	s16 =	smul.f32 s12, s16  }
0xc3: {  	(v2sf) =	vpush v61, $0xF;
	v63 =	vsub.f32 v9, v6;
	v6 =	vunpack.i.l.bf16.f32 v59;
	s17 =	simm.s32 @!p1 $0x0;
	s13 =	smul.f32 s3, s31;
	s15 =	ssub.f32 $1.500000000e+00, s15  }
0xc4: {  	v9 =	vunpack.i.l.bf16.f32 v21;
	v16 =	vadd.f32 v16, v2;
	v2 =	vunpack.i.l.bf16.f32 v14;
	s20 =	sadd.f32 s17, s18;
	s17 =	smov.u32 s19;
	s3 =	smul.f32 s25, s11  }
0xc5: {  	v14 =	vunpack.i.u.bf16.f32 v14;
	v6 =	vsub.f32 v6, v9;
	v9 =	vunpack.i.u.bf16.f32 v11;
	s17 =	simm.s32 @!p1 $0x0;
	p1 =	por p1, p1;
	s14 =	smul.f32 s14, s15  }
0xc6: {  	v60 =	vunpack.i.l.bf16.f32 v17;
	v17 =	vunpack.i.u.bf16.f32 v17;
	v9 =	vsub.f32 v9, v19;
	s7 =	sadd.f32 s17, s20;
	s20 =	smov.u32 s5;
	s1 =	smul.f32 s13, s1  }
0xc7: {  	v11 =	vunpack.i.u.bf16.f32 v59;
	v2 =	vsub.f32 v2, v60;
	v13 =	vsub.f32 v14, v17;
	s17 =	sshll.u32 s2, $0x8;
	p3 =	por p1, p1;
	s24 =	smul.f32 s14, s8  }
0xc8: {  	v19 =	vunpack.i.l.bf16.f32 v3;
	v20 =	vmul.f32 v23, v23;
	v6 =	vmul.f32 v6, v6;
	s20 =	simm.s32 @!p2 $0x0;
	s16 =	ssub.f32 $1.500000000e+00, s16;
	s28 =	smul.f32 s3, s4  }
0xc9: {  	v17 =	vmul.f32 v2, v2;
	v2 =	vmul.f32 v13, v13;
	v13 =	vunpack.i.u.bf16.f32 v21;
	s13 =	smov.u32 s6;
	s7 =	sadd.f32 s20, s7;
	s26 =	smul.f32 s24, s14  }
0xca: {  	v14 =	vmul.f32 v7, v7;
	v19 =	vsub.f32 v56, v19;
	v11 =	vsub.f32 v11, v13;
	s11 =	smul.f32 s12, s16;
	s12 =	simm.s32 $0x500;
	s29 =	ssub.f32 $1.000000010e-01, s1  }
0xcb: {  	v21 =	vunpack.i.u.bf16.f32 v22;
	v13 =	vmul.f32 v15, v15;
	v15 =	vadd.f32 v62, v16;
	s13 =	simm.s32 @!p2 $0x0;
	s16 =	smul.f32 s28, s3;
	v3 =	vld [tilespmem:s12+$0x10470];
	s15 =	ssub.f32 $1.500000000e+00, s26  }
0xcc: {  	v22 =	vadd.f32 v18, v14;
	v14 =	vmul.f32 v19, v19;
	v7 =	vmul.f32 v11, v11;
	s4 =	sadd.s32 $0x2, s23;
	s21 =	sadd.f32 s13, s7;
	v11 =	vld [tilespmem:s12+$0x104C0];
	s31 =	smul.f32 s11, s9  }
0xcd: {  	v16 =	vmul.f32 v9, v9;
	v21 =	vsub.f32 v21, v10;
	v12 =	vadd.f32 v15, v12;
	p2 =	por p2, p2;
	v9 =	vld [tilespmem:s12+$0x10460];
	s7 =	smax.f32 s29, $0.0e+00;
	s1 =	smul.f32 s15, s14  }
0xce: {  	v18 =	vmul.f32 v63, v63;
	v19 =	vadd.f32 v20, v22;
	v20 =	vadd.f32 v8, v5;
	s18 =	sadd.s32 $0x2, s4;
	v15 =	vld [tilespmem:s12+$0xC4C0];
	s16 =	ssub.f32 $1.500000000e+00, s16;
	s14 =	smul.f32 s31, s11  }
0xcf: {  	v10 =	vadd.f32 v17, v12;
	v12 =	vadd.f32 v55, v4;
	v4 =	vmul.f32 v21, v21;
	v17 =	vld [tilespmem:s12+$0xC4D0];
	s7 =	simm.s32 @!p3 $0x0;
	s15 =	simm.s32 $0x1800;
	s20 =	smul.f32 s1, s8  }
.LBB2_3:
0xd0: {  	s22 =	spop (v2sf)  }
0xd1: {  	v8 =	vunpack.i.u.bf16.f32 v3;
	v21 =	vld [tilespmem:s12+$0x104D0];
	s23 =	ssub.f32 $1.500000000e+00, s14;
	v5 =	vmov v10;
	s14 =	smov.u32 s15;
	s13 =	sadd.s32 $0x400, s15  }
0xd2: {  	p1 =	sne.s32 s15, $0xFC00;
	v10 =	vld [tilespmem:s12+$0xC460];
	v18 =	vadd.f32 v19, v18;
	v19 =	vadd.f32 v0, v20;
	s15 =	sadd.f32 $9.999999960e-13, s22;
	s20 =	smul.f32 s20, s1;
	v0 =	vmov v6  }
0xd3: {  	s16 =	smul.f32 s16, s3;
	s22 =	spop (v2sf)  }
0xd4: {  	p4 =	slt.u32 s4, $0x27100;
	s11 =	smul.f32 s23, s11;
	s20 =	ssub.f32 $1.500000000e+00, s20  }
0xd5: {  	v6 =	vld [tilespmem:s12+$0xC450];
	(xrf2) =	vadd.scan.msk.f32 $0xffff, v12;
	s23 =	sshra.s32 s15, $0x1;
	s24 =	smul.f32 $5.000000000e-01, s15;
	s25 =	smov.u32 s15  }
0xd6: {  	v20 =	vld [tilespmem:s12+$0xC440];
	v12 =	vadd.f32 v13, v18;
	v13 =	vadd.f32 v19, v1;
	v1 =	vmov v7;
	s22 =	sadd.f32 $9.999999960e-13, s22;
	s3 =	ssub.s32 $0x5F3759DF, s23;
	s1 =	smul.f32 s20, s1  }
0xd7: {  	s4 =	smov.u32 s18;
	s25 =	simm.s32 @!p4 $0x0;
	s23 =	smul.f32 s3, s24  }
0xd8: {  	v18 =	vunpack.i.u.bf16.f32 v17;
	v7 =	vld [tilespmem:s12+$0x10450];
	v19 =	vunpack.i.l.bf16.f32 v21;
	v12 =	vadd.f32 v12, v16;
	(xrf2) =	vadd.scan.msk.f32 $0xffff, v13;
	s20 =	sadd.f32 s25, s21;
	s21 =	smov.u32 s22;
	s25 =	smul.f32 s16, s19  }
0xd9: {  	v22 =	vunpack.i.l.bf16.f32 v9;
	v17 =	vunpack.i.l.bf16.f32 v17;
	s19 =	smov.u32 s6;
	s16 =	smul.f32 $5.000000000e-01, s22;
	v13 =	vld [tilespmem:s12+$0x10440];
	v16 =	vunpack.i.l.bf16.f32 v10;
	s21 =	simm.s32 @!p4 $0x0  }
0xda: {  	v23 =	vunpack.i.l.bf16.f32 v11;
	v21 =	vunpack.i.u.bf16.f32 v21;
	s6 =	sshra.s32 s22, $0x1;
	v16 =	vsub.f32 v16, v22;
	v22 =	vld [tilespmem:s12+$0xC470];
	s21 =	sadd.f32 s21, s20;
	s26 =	smul.f32 s1, s8  }
0xdb: {  	v11 =	vunpack.i.u.bf16.f32 v11;
	v24 =	vunpack.i.l.bf16.f32 v15;
	v12 =	vadd.f32 v14, v12;
	s20 =	ssub.s32 $0x5F3759DF, s6;
	s6 =	ssub.f32 $1.000000010e-01, s25;
	s23 =	smul.f32 s3, s23  }
0xdc: {  	v18 =	vsub.f32 v18, v21;
	v14 =	vunpack.i.u.bf16.f32 v15;
	v15 =	vsub.f32 v24, v23;
	s25 =	smul.f32 s20, s16;
	v21 =	vld [tilespmem:s12+$0xC4E0]  }
0xdd: {  	s7 =	sadd.f32 s7, s30;
	v9 =	vunpack.i.u.bf16.f32 v9;
	s8 =	smov.u32 s24;
	v23 =	vunpack.i.l.bf16.f32 v20;
	v11 =	vsub.f32 v14, v11;
	s24 =	smax.f32 s6, $0.0e+00;
	v14 =	vld [tilespmem:s12+$0x104E0]  }
0xde: {  	v15 =	vmul.f32 v15, v15;
	s6 =	smov.u32 s22;
	s23 =	ssub.f32 $1.500000000e+00, s23;
	s22 =	smul.f32 s20, s25;
	v24 =	vunpack.i.u.bf16.f32 v13;
	v26 =	vunpack.i.l.bf16.f32 v13  }
0xdf: {  	v11 =	vmul.f32 v11, v11;
	s24 =	simm.s32 @!p3 $0x0;
	p3 =	por p2, p2;
	s25 =	smul.f32 s26, s1;
	v23 =	vsub.f32 v23, v26;
	v25 =	vunpack.i.l.bf16.f32 v22;
	v13, _, _ =	vpop (xrf2)  }
0xe0: {  	v17 =	vsub.f32 v17, v19;
	p2 =	por p4, p4;
	s30 =	sadd.f32 s24, s7;
	s7 =	smul.f32 s3, s23;
	v26 =	vunpack.i.u.bf16.f32 v7;
	v7 =	vunpack.i.l.bf16.f32 v7;
	v19 =	vld [tilespmem:s12+$0x104F0]  }
0xe1: {  	v27 =	vunpack.i.l.bf16.f32 v6;
	v11 =	vadd.f32 v15, v11;
	s22 =	ssub.f32 $1.500000000e+00, s22;
	v15 =	vunpack.i.l.bf16.f32 v21;
	v28 =	vld [tilespmem:s12+$0xC4F0];
	s12 =	smul.f32 s11, s9  }
0xe2: {  	s3 =	ssub.f32 $1.500000000e+00, s25;
	v27 =	vsub.f32 v27, v7;
	s23 =	smul.f32 s7, s8;
	v7 =	vunpack.i.l.bf16.f32 v14;
	(v2sf) =	vpush v13, $0xF;
	v13, _, _ =	vpop (xrf2)  }
0xe3: {  	v6 =	vunpack.i.u.bf16.f32 v6;
	v20 =	vunpack.i.u.bf16.f32 v20;
	v7 =	vsub.f32 v15, v7;
	s12 =	smul.f32 s12, s11  }
0xe4: {  	s1 =	smul.f32 s3, s1;
	v14 =	vunpack.i.u.bf16.f32 v14;
	v15 =	vunpack.i.u.bf16.f32 v21;
	(v2sf) =	vpush v13, $0xF  }
0xe5: {  	v17 =	vmul.f32 v17, v17;
	v13 =	vsub.f32 v15, v14;
	v21 =	vmul.f32 v7, v7  }
0xe6: {  	v26 =	vsub.f32 v6, v26;
	s1 =	smul.f32 s1, s5;
	v7 =	vunpack.i.l.bf16.f32 v19;
	s3 =	ssub.f32 $1.500000000e+00, s12;
	v6 =	vunpack.i.l.bf16.f32 v28  }
0xe7: {  	v14 =	vsub.f32 v20, v24;
	s12 =	smul.f32 s23, s7;
	v24 =	vmul.f32 v13, v13;
	v6 =	vsub.f32 v6, v7  }
0xe8: {  	v13 =	vunpack.i.u.bf16.f32 v19;
	v7 =	vunpack.i.u.bf16.f32 v10;
	v10 =	vunpack.i.u.bf16.f32 v28;
	s3 =	smul.f32 s3, s11  }
0xe9: {  	s5 =	smov.u32 s15;
	s23 =	ssub.f32 $1.500000000e+00, s12;
	s11 =	smul.f32 s20, s22;
	v9 =	vsub.f32 v7, v9;
	v7 =	vsub.f32 v10, v13;
	v6 =	vmul.f32 v6, v6  }
0xea: {  	s12 =	sshra.s32 s14, $0x2;
	v10 =	vmul.f32 v14, v14;
	v13 =	vmul.f32 v16, v16;
	v14 =	vadd.f32 v17, v11;
	s14 =	smul.f32 s3, s9  }
0xeb: {  	v15 =	vmul.f32 v18, v18;
	v11 =	vunpack.i.l.bf16.f32 v3;
	s9 =	ssub.f32 $1.000000010e-01, s1;
	s1 =	smul.f32 s23, s7;
	v7 =	vmul.f32 v7, v7  }
.Ltmp2:
0xec: {  	v17 =	vmul.f32 v23, v23;
	v18 =	vsub.f32 v25, v11;
	v16 =	vmul.f32 v9, v9;
	v3 =	vld [tilespmem:s12+$0x10470];
	(pc) =	sbr.rel @p1 .LBB2_3-.Ltmp2, $4  }
0xed: {  	v20 =	vunpack.i.u.bf16.f32 v22;
	v19 =	vmul.f32 v27, v27;
	s15 =	smul.f32 s11, s16;
	v22 =	vadd.f32 v14, v15;
	s7 =	smax.f32 s9, $0.0e+00;
	s9 =	smov.u32 s16;
	v11 =	vld [tilespmem:s12+$0x104C0]  }
0xee: {  	v8 =	vsub.f32 v20, v8;
	v23 =	vadd.f32 v17, v10;
	v14 =	vmul.f32 v18, v18;
	s16 =	smul.f32 s14, s3;
	s7 =	simm.s32 @!p3 $0x0;
	v9 =	vld [tilespmem:s12+$0x10460]  }
0xef: {  	s18 =	sadd.s32 $0x2, s18;
	v12 =	vadd.f32 v12, v4;
	v18 =	vmul.f32 v26, v26;
	s14 =	smul.f32 s15, s11;
	v10 =	vadd.f32 v21, v22;
	v15 =	vld [tilespmem:s12+$0xC4C0]  }
0xf0: {  	v20 =	vadd.f32 v5, v2;
	v4 =	vmul.f32 v8, v8;
	v2 =	vmovc v24;
	s20 =	smul.f32 s1, s8;
	s15 =	smov.u32 s13;
	v19 =	vadd.f32 v19, v23;
	s16 =	ssub.f32 $1.500000000e+00, s16;
	v17 =	vld [tilespmem:s12+$0xC4D0]  }
0xf1: {  	v5 =	vld [tilespmem:s12+$0x104D0]  }
0xf2: {  	v8 =	vld [tilespmem:s12+$0xC460];
	v2 =	vadd.f32 v10, v2  }
0xf3: {  	v27 =	vld [tilespmem:s12+$0x104F0];
	v18 =	vadd.f32 v19, v18;
	v0 =	vadd.f32 v0, v20;
	v19 =	vunpack.i.u.bf16.f32 v3  }
0xf4: {  	v62 =	vld [tilespmem:s12+$0xC470];
	v3 =	vunpack.i.l.bf16.f32 v3;
	v23 =	vunpack.i.l.bf16.f32 v9;
	v2 =	vadd.f32 v6, v2  }
0xf5: {  	v9 =	vunpack.i.u.bf16.f32 v9;
	v13 =	vadd.f32 v13, v18;
	v0 =	vadd.f32 v0, v1  }
0xf6: {  	v20 =	vld [tilespmem:s12+$0xC450];
	v25 =	vunpack.i.l.bf16.f32 v15;
	v1 =	vunpack.i.u.bf16.f32 v17;
	v17 =	vunpack.i.l.bf16.f32 v17  }
0xf7: {  	v2 =	vadd.f32 v2, v7;
	v21 =	vunpack.i.l.bf16.f32 v5;
	v13 =	vadd.f32 v13, v16  }
0xf8: {  	v22 =	vunpack.i.l.bf16.f32 v8;
	v5 =	vunpack.i.u.bf16.f32 v5;
	v32 =	vunpack.i.l.bf16.f32 v27  }
0xf9: {  	v18 =	vld [tilespmem:s12+$0xC440];
	v8 =	vunpack.i.u.bf16.f32 v8;
	v6 =	vunpack.i.u.bf16.f32 v62;
	v7 =	vunpack.i.u.bf16.f32 v27  }
0xfa: {  	v16 =	vld [tilespmem:s12+$0x10440];
	v22 =	vsub.f32 v22, v23;
	v23 =	vunpack.i.l.bf16.f32 v11;
	v11 =	vunpack.i.u.bf16.f32 v11  }
0xfb: {  	v1 =	vsub.f32 v1, v5;
	v17 =	vsub.f32 v17, v21;
	v21 =	vunpack.i.l.bf16.f32 v20  }
0xfc: {  	v24 =	vld [tilespmem:s12+$0x10450];
	v20 =	vunpack.i.u.bf16.f32 v20;
	v8 =	vsub.f32 v8, v9;
	v6 =	vsub.f32 v6, v19  }
0xfd: {  	v13 =	vadd.f32 v14, v13;
	v14 =	vunpack.i.u.bf16.f32 v15;
	v15 =	vsub.f32 v25, v23  }
0xfe: {  	v5 =	vunpack.i.l.bf16.f32 v18;
	v11 =	vsub.f32 v14, v11;
	v18 =	vunpack.i.u.bf16.f32 v18  }
0xff: {  	v17 =	vmul.f32 v17, v17;
	v14 =	vunpack.i.u.bf16.f32 v16;
	v16 =	vunpack.i.l.bf16.f32 v16  }
0x100: {  	v26 =	vld [tilespmem:s12+$0xC4E0];
	(xrf2) =	vadd.scan.msk.f32 $0xffff, v12;
	v9 =	vmul.f32 v22, v22;
	v5 =	vsub.f32 v5, v16;
	v14 =	vsub.f32 v18, v14  }
0x101: {  	(xrf2) =	vadd.scan.msk.f32 $0xffff, v0;
	v23 =	vld [tilespmem:s12+$0x104E0];
	v1 =	vmul.f32 v1, v1;
	v0 =	vmul.f32 v8, v8;
	v16 =	vunpack.i.l.bf16.f32 v24  }
0x102: {  	v16 =	vsub.f32 v21, v16;
	v14 =	vmul.f32 v14, v14;
	v5 =	vmul.f32 v5, v5  }
0x103: {  	v15 =	vmul.f32 v15, v15;
	v11 =	vmul.f32 v11, v11;
	v24 =	vunpack.i.u.bf16.f32 v24  }
0x104: {  	v20 =	vsub.f32 v20, v24;
	v16 =	vmul.f32 v16, v16;
	v5 =	vadd.f32 v5, v14  }
0x105: {  	v63 =	vld [tilespmem:s12+$0xC4F0];
	v4 =	vadd.f32 v13, v4;
	v11 =	vadd.f32 v15, v11;
	v15 =	vunpack.i.l.bf16.f32 v26  }
0x106: {  	v28 =	vunpack.i.l.bf16.f32 v23;
	v20 =	vmul.f32 v20, v20;
	v5 =	vadd.f32 v16, v5  }
0x107: {  	v21 =	vunpack.i.l.bf16.f32 v62;
	v15 =	vsub.f32 v15, v28;
	v10 =	vadd.f32 v17, v11  }
0x108: {  	s20 =	smul.f32 s20, s1;
	v26 =	vunpack.i.u.bf16.f32 v26;
	v23 =	vunpack.i.u.bf16.f32 v23;
	v5 =	vadd.f32 v5, v20  }
0x109: {  	s13 =	ssub.f32 $1.500000000e+00, s14;
	v18 =	vsub.f32 v26, v23;
	v15 =	vmul.f32 v15, v15;
	v1 =	vadd.f32 v10, v1  }
0x10a: {  	s3 =	smul.f32 s16, s3;
	s22 =	ssub.f32 $1.500000000e+00, s20;
	(xrf2) =	vadd.scan.msk.f32 $0xffff, v4;
	v23 =	vunpack.i.l.bf16.f32 v63;
	v3 =	vsub.f32 v21, v3;
	v4 =	vadd.f32 v9, v5  }
0x10b: {  	s13 =	smul.f32 s13, s11;
	v18 =	vmul.f32 v18, v18;
	v14 =	vsub.f32 v23, v32;
	v1 =	vadd.f32 v15, v1  }
0x10c: {  	s15 =	spop (v2sf);
	s1 =	smul.f32 s22, s1;
	v3 =	vmul.f32 v3, v3;
	v5 =	vunpack.i.u.bf16.f32 v63;
	v0 =	vadd.f32 v4, v0  }
0x10d: {  	s11 =	smul.f32 s3, s19;
	s12 =	sadd.f32 $9.999999960e-13, s15;
	(xrf2) =	vadd.scan.msk.f32 $0xffff, v2;
	v1 =	vadd.f32 v1, v18;
	v2 =	vsub.f32 v5, v7  }
0x10e: {  	s15 =	spop (v2sf);
	s8 =	smul.f32 s1, s8;
	v5 =	vmul.f32 v6, v6;
	v4 =	vmul.f32 v14, v14;
	v0 =	vadd.f32 v3, v0  }
0x10f: {  	s14 =	sadd.f32 $9.999999960e-13, s15;
	s29 =	smul.f32 $5.000000000e-01, s12  }
0x110: {  	s23 =	sshra.s32 s12, $0x1;
	s8 =	smul.f32 s8, s1;
	v2 =	vmul.f32 v2, v2;
	v1 =	vadd.f32 v4, v1;
	v0 =	vadd.f32 v0, v5  }
0x111: {  	s24 =	ssub.s32 $0x5F3759DF, s23;
	s26 =	sshra.s32 s14, $0x1;
	s22 =	smul.f32 $5.000000000e-01, s14  }
0x112: {  	s25 =	smul.f32 s24, s29;
	s3 =	ssub.s32 $0x5F3759DF, s26;
	v3, _, _ =	vpop (xrf2);
	(xrf2) =	vadd.scan.msk.f32 $0xffff, v0;
	v0 =	vadd.f32 v1, v2  }
0x113: {  	s28 =	smul.f32 s3, s22  }
0x114: {  	s15 =	smul.f32 s24, s25;
	v1, _, _ =	vpop (xrf2);
	(xrf2) =	vadd.scan.msk.f32 $0xffff, v0  }
0x115: {  	s31 =	smul.f32 s13, s9;
	s8 =	ssub.f32 $1.500000000e+00, s8  }
0x116: {  	s19 =	smul.f32 s3, s28;
	s15 =	ssub.f32 $1.500000000e+00, s15  }
0x117: {  	s1 =	smul.f32 s8, s1;
	(v2sf) =	vpush v3, $0xF  }
0x118: {  	s26 =	ssub.f32 $1.500000000e+00, s19;
	s23 =	smul.f32 s24, s15  }
0x119: {  	s24 =	smul.f32 s31, s13  }
0x11a: {  	s3 =	smul.f32 s3, s26  }
0x11b: {  	s16 =	smul.f32 s23, s29;
	s25 =	ssub.f32 $1.500000000e+00, s24;
	(v2sf) =	vpush v1, $0xF;
	v1, _, _ =	vpop (xrf2)  }
0x11c: {  	s24 =	smul.f32 s3, s22;
	(v2sf) =	vpush v1, $0xF;
	v0, _, _ =	vpop (xrf2)  }
0x11d: {  	s13 =	smul.f32 s25, s13;
	(v2sf) =	vpush v0, $0xF;
	v0, _, _ =	vpop (xrf2)  }
0x11e: {  	s28 =	smul.f32 s16, s23;
	(v2sf) =	vpush v0, $0xF;
	v0, _, _ =	vpop (xrf2)  }
0x11f: {  	s26 =	smul.f32 s13, s9;
	(v2sf) =	vpush v0, $0xF  }
0x120: {  	s24 =	smul.f32 s24, s3;
	s19 =	ssub.f32 $1.500000000e+00, s28  }
0x121: {  	[dreg:$0x10] =	wrdreg s2;
	p1 =	seq.s32 s2, $0x13;
	s9 =	smul.f32 s26, s13  }
0x122: {  	s2 =	rddreg [dreg:$0x1];
	s8 =	sadd.s32 @!p1 $0x9D40, s17;
	s25 =	smul.f32 s19, s23  }
0x123: {  	s1 =	smul.f32 s1, s5;
	s28 =	ssub.f32 $1.500000000e+00, s24;
	s24 =	simm.s32 @!p1 $0x80  }
0x124: {  	s26 =	ssub.f32 $1.500000000e+00, s9;
	s23 =	smul.f32 s25, s29;
	s9 =	simm.s32 @!p1 $0xC440  }
0x125: {  	[tilespmem:s9], [sflag:$0x2] =	stream.indirect.gather @!p1 [spmem:s2], $0x40, s8, s24, $0xb8;
	[tilespmem:$0x1C640] =	vst v63  }
0x126: {  	s8 =	sadd.s32 @!p1 $0xB140, s17;
	s23 =	smul.f32 s23, s25;
	s31 =	spop (v2sf)  }
0x127: {  	s13 =	smul.f32 s26, s13;
	s19 =	sadd.f32 $9.999999960e-13, s31;
	s31 =	simm.s32 @!p1 $0x10440  }
0x128: {  	[tilespmem:s31], [sflag:$0x3] =	stream.indirect.gather @!p1 [spmem:s2], $0x40, s8, s24, $0xb8;
	[tilespmem:$0x1C640] =	vst v63  }
0x129: {  	s31 =	smul.f32 s28, s3  }
0x12a: {  	s28 =	ssub.f32 $1.500000000e+00, s23;
	s20 =	spop (v2sf)  }
0x12b: {  	s5 =	sshra.s32 s19, $0x1;
	s23 =	smul.f32 $5.000000000e-01, s19;
	s16 =	spop (v2sf)  }
0x12c: {  	s26 =	ssub.s32 $0x5F3759DF, s5;
	s5 =	smul.f32 s28, s25;
	s15 =	spop (v2sf)  }
0x12d: {  	s28 =	smul.f32 s31, s22;
	s9 =	spop (v2sf)  }
0x12e: {  	s24 =	simm.s32 $0x4;
	s3 =	smul.f32 s26, s23;
	s8 =	spop (v2sf)  }
0x12f: {  	s2 =	smul.f32 s28, s31;
	_ =	swait.ge [sflag:s24], $0x2000  }
0x130: {  	s25 =	smul.f32 s26, s3;
	[sflag:s24] =	ssyncset.done $0x0  }
0x131: {  	s3 =	sadd.f32 $9.999999960e-13, s20;
	[sflag:s24] =	ssyncadd.s32 $0xFFFFE000;
	s24 =	simm.s32 $0x5  }
0x132: {  	s13 =	smul.f32 s13, s6;
	s2 =	ssub.f32 $1.500000000e+00, s2;
	_ =	swait.ge [sflag:s24], $0x2000  }
0x133: {  	s29 =	smul.f32 s5, s29;
	s25 =	ssub.f32 $1.500000000e+00, s25;
	[sflag:s24] =	ssyncset.done $0x0  }
0x134: {  	s20 =	smul.f32 $5.000000000e-01, s3;
	[sflag:s24] =	ssyncadd.s32 $0xFFFFE000;
	s24 =	simm.s32 $0x0  }
0x135: {  	s28 =	sshra.s32 s3, $0x1;
	s6 =	smul.f32 s26, s25;
	v0 =	vld [tilespmem:s24+$0x18470]  }
0x136: {  	s26 =	ssub.s32 $0x5F3759DF, s28;
	s25 =	smul.f32 s2, s31;
	v1 =	vld [tilespmem:s24+$0x18460]  }
0x137: {  	s28 =	smul.f32 s26, s20;
	v2 =	vld [tilespmem:s24+$0x144D0]  }
0x138: {  	s31 =	smul.f32 s6, s23;
	v3 =	vld [tilespmem:s24+$0x184D0]  }
0x139: {  	s2 =	smul.f32 s26, s28;
	v4 =	vld [tilespmem:s24+$0x14460]  }
0x13a: {  	s28 =	smul.f32 s31, s6;
	v5 =	vld [tilespmem:s24+$0x184C0]  }
0x13b: {  	s2 =	ssub.f32 $1.500000000e+00, s2;
	v6 =	vld [tilespmem:s24+$0x144C0]  }
0x13c: {  	s29 =	smul.f32 s29, s5;
	s28 =	ssub.f32 $1.500000000e+00, s28;
	v7 =	vld [tilespmem:s24+$0x14450]  }
0x13d: {  	s2 =	smul.f32 s26, s2;
	v12 =	vld [tilespmem:s24+$0x18440]  }
0x13e: {  	s28 =	smul.f32 s28, s6;
	v16 =	vld [tilespmem:s24+$0x18450];
	v8 =	vunpack.i.u.bf16.f32 v0;
	v10 =	vunpack.i.u.bf16.f32 v2  }
0x13f: {  	s31 =	smul.f32 s2, s20;
	v11 =	vunpack.i.l.bf16.f32 v3;
	v13 =	vunpack.i.l.bf16.f32 v4;
	v14 =	vunpack.i.l.bf16.f32 v1  }
0x140: {  	s26 =	ssub.f32 $1.500000000e+00, s29;
	s29 =	smul.f32 s28, s23;
	v2 =	vunpack.i.l.bf16.f32 v2;
	v15 =	vunpack.i.l.bf16.f32 v5;
	v3 =	vunpack.i.u.bf16.f32 v3  }
0x141: {  	s6 =	smul.f32 s31, s2;
	v9 =	vld [tilespmem:s24+$0x14440];
	v17 =	vunpack.i.l.bf16.f32 v6;
	v5 =	vunpack.i.u.bf16.f32 v5;
	v6 =	vunpack.i.u.bf16.f32 v6  }
0x142: {  	v20 =	vld [tilespmem:s24+$0x184F0];
	s31 =	smul.f32 s29, s28;
	s29 =	simm.s32 $0x100;
	v1 =	vunpack.i.u.bf16.f32 v1;
	v18 =	vunpack.i.u.bf16.f32 v12;
	v12 =	vunpack.i.l.bf16.f32 v12  }
0x143: {  	v23 =	vld [tilespmem:s29+$0x18450];
	v19 =	vunpack.i.u.bf16.f32 v16;
	v16 =	vunpack.i.l.bf16.f32 v16;
	v21 =	vunpack.i.l.bf16.f32 v7  }
0x144: {  	v7 =	vunpack.i.u.bf16.f32 v7;
	v4 =	vunpack.i.u.bf16.f32 v4;
	v13 =	vsub.f32 v13, v14  }
0x145: {  	v0 =	vunpack.i.l.bf16.f32 v0;
	v15 =	vsub.f32 v17, v15;
	v10 =	vsub.f32 v10, v3  }
0x146: {  	v17 =	vunpack.i.l.bf16.f32 v9;
	v5 =	vsub.f32 v6, v5;
	v2 =	vsub.f32 v2, v11  }
0x147: {  	s22 =	smul.f32 s25, s22;
	v14 =	vld [tilespmem:s24+$0x14470];
	v16 =	vsub.f32 v21, v16;
	v9 =	vunpack.i.u.bf16.f32 v9;
	v7 =	vsub.f32 v7, v19  }
0x148: {  	v3 =	vld [tilespmem:s24+$0x144E0];
	v19 =	vunpack.i.l.bf16.f32 v20;
	v1 =	vsub.f32 v4, v1;
	v35 =	vunpack.i.u.bf16.f32 v23  }
0x149: {  	s22 =	smul.f32 s22, s25;
	v6 =	vld [tilespmem:s24+$0x184E0];
	v12 =	vsub.f32 v17, v12;
	v15 =	vmul.f32 v15, v15;
	v5 =	vmul.f32 v5, v5  }
0x14a: {  	s5 =	smul.f32 s26, s5;
	s26 =	ssub.f32 $1.500000000e+00, s6;
	v9 =	vsub.f32 v9, v18;
	v16 =	vmul.f32 v16, v16;
	v10 =	vmul.f32 v10, v10  }
0x14b: {  	s22 =	ssub.f32 $1.500000000e+00, s22;
	v23 =	vunpack.i.l.bf16.f32 v23;
	v7 =	vmul.f32 v7, v7;
	v13 =	vmul.f32 v13, v13  }
0x14c: {  	s6 =	sadd.f32 $9.999999960e-13, s16;
	v11 =	vld [tilespmem:s24+$0x144F0];
	s24 =	smul.f32 s26, s2;
	v18 =	vunpack.i.u.bf16.f32 v20;
	v9 =	vmul.f32 v9, v9;
	v12 =	vmul.f32 v12, v12  }
0x14d: {  	s26 =	smul.f32 s22, s25;
	v5 =	vadd.f32 v15, v5;
	v17 =	vunpack.i.l.bf16.f32 v14;
	v15 =	vunpack.i.l.bf16.f32 v3  }
0x14e: {  	s16 =	sshra.s32 s6, $0x1;
	s2 =	ssub.f32 $1.500000000e+00, s31;
	s22 =	smul.f32 $5.000000000e-01, s6;
	v21 =	vunpack.i.l.bf16.f32 v6;
	v3 =	vunpack.i.u.bf16.f32 v3;
	v6 =	vunpack.i.u.bf16.f32 v6  }
0x14f: {  	s31 =	ssub.s32 $0x5F3759DF, s16;
	s16 =	smul.f32 s5, s12;
	v9 =	vadd.f32 v12, v9;
	v14 =	vunpack.i.u.bf16.f32 v14;
	v15 =	vsub.f32 v15, v21  }
0x150: {  	s25 =	smul.f32 s2, s28;
	v12 =	vld [tilespmem:s29+$0x144D0];
	v21 =	vmul.f32 v2, v2;
	v2 =	vsub.f32 v3, v6;
	v0 =	vsub.f32 v17, v0  }
0x151: {  	s5 =	sadd.f32 $9.999999960e-13, s15;
	s28 =	smul.f32 s31, s22;
	v17 =	vld [tilespmem:s29+$0x184D0];
	v8 =	vsub.f32 v14, v8;
	v9 =	vadd.f32 v16, v9;
	v6 =	vmul.f32 v15, v15  }
0x152: {  	s15 =	smul.f32 s26, s14;
	v15 =	vunpack.i.l.bf16.f32 v11;
	v11 =	vunpack.i.u.bf16.f32 v11;
	v5 =	vadd.f32 v21, v5  }
0x153: {  	p4 =	slt.u32 s4, $0x27100;
	s4 =	smov.u32 s12;
	v1 =	vmul.f32 v1, v1;
	s12 =	smul.f32 $5.000000000e-01, s5;
	v16 =	vld [tilespmem:s29+$0x14460];
	v15 =	vsub.f32 v15, v19;
	v11 =	vsub.f32 v11, v18  }
0x154: {  	s2 =	smul.f32 s31, s28;
	s28 =	sshra.s32 s5, $0x1;
	v3 =	vmul.f32 v2, v2;
	v2 =	vld [tilespmem:s29+$0x18470];
	v0 =	vmul.f32 v0, v0;
	v14 =	vadd.f32 v9, v7  }
0x155: {  	s7 =	sadd.f32 s7, s30;
	s23 =	smul.f32 s25, s23;
	s26 =	ssub.s32 $0x5F3759DF, s28;
	v10 =	vadd.f32 v5, v10;
	v4 =	vmul.f32 v15, v15;
	v15 =	vld [tilespmem:s29+$0x18460];
	v5 =	vmul.f32 v11, v11  }
0x156: {  	s2 =	ssub.f32 $1.500000000e+00, s2;
	s28 =	smul.f32 s26, s12;
	v11 =	vld [tilespmem:s29+$0x144C0];
	v13 =	vadd.f32 v13, v14;
	v14 =	vunpack.i.u.bf16.f32 v12;
	v19 =	vunpack.i.l.bf16.f32 v17  }
0x157: {  	s11 =	ssub.f32 $1.000000010e-01, s11;
	s4 =	simm.s32 @!p4 $0x0;
	s23 =	smul.f32 s23, s25;
	v18 =	vld [tilespmem:s29+$0x184C0];
	v12 =	vunpack.i.l.bf16.f32 v12;
	v17 =	vunpack.i.u.bf16.f32 v17;
	v9 =	vadd.f32 v6, v10  }
0x158: {  	s21 =	sadd.f32 s4, s21;
	s4 =	smul.f32 s31, s2;
	v7 =	vmul.f32 v8, v8;
	v6 =	vld [tilespmem:s29+$0x14450];
	v14 =	vsub.f32 v14, v17;
	v12 =	vsub.f32 v12, v19  }
0x159: {  	s11 =	smax.f32 s11, $0.0e+00;
	s31 =	smul.f32 s24, s20;
	v10 =	vld [tilespmem:s29+$0x14440];
	v21 =	vunpack.i.l.bf16.f32 v16;
	v8 =	vunpack.i.u.bf16.f32 v2;
	v1 =	vadd.f32 v13, v1  }
0x15a: {  	s14 =	simm.s32 @!p4 $0x0;
	s23 =	ssub.f32 $1.500000000e+00, s23;
	s2 =	smul.f32 s26, s28;
	v12 =	vmul.f32 v12, v12;
	v14 =	vmul.f32 v14, v14;
	v3 =	vadd.f32 v9, v3  }
0x15b: {  	v20 =	vld [tilespmem:s29+$0x18440];
	s14 =	sadd.f32 s14, s21;
	s21 =	smul.f32 s31, s24;
	v34 =	vadd.f32 v0, v1;
	v22 =	vunpack.i.l.bf16.f32 v15;
	v33 =	vunpack.i.l.bf16.f32 v11  }
0x15c: {  	s23 =	smul.f32 s23, s25;
	s2 =	ssub.f32 $1.500000000e+00, s2;
	v0 =	vunpack.i.u.bf16.f32 v11;
	v15 =	vunpack.i.u.bf16.f32 v15;
	v3 =	vadd.f32 v4, v3  }
0x15d: {  	v36 =	vld [tilespmem:s29+$0x184F0];
	s25 =	ssub.f32 $1.000000010e-01, s1;
	s28 =	smul.f32 s4, s22;
	v13 =	vsub.f32 v21, v22;
	v22 =	vunpack.i.l.bf16.f32 v18;
	v18 =	vunpack.i.u.bf16.f32 v18  }
0x15e: {  	s11 =	simm.s32 @!p3 $0x0;
	s21 =	ssub.f32 $1.500000000e+00, s21;
	s1 =	smul.f32 s26, s2;
	v17 =	vunpack.i.l.bf16.f32 v10;
	v19 =	vunpack.i.l.bf16.f32 v6;
	v10 =	vunpack.i.u.bf16.f32 v10  }
0x15f: {  	s7 =	sadd.f32 s11, s7;
	s11 =	smul.f32 s23, s19;
	v21 =	vld [tilespmem:s29+$0x14470];
	v6 =	vunpack.i.u.bf16.f32 v6;
	v7 =	vadd.f32 v34, v7;
	v11 =	vsub.f32 v33, v22  }
0x160: {  	s21 =	smul.f32 s21, s24;
	v1 =	vld [tilespmem:s29+$0x144E0];
	v0 =	vsub.f32 v0, v18;
	v18 =	vunpack.i.l.bf16.f32 v20;
	v19 =	vsub.f32 v19, v23  }
0x161: {  	p3 =	slt.u32 s18, $0x27100;
	s13 =	ssub.f32 $1.000000010e-01, s13;
	s24 =	smul.f32 s1, s12;
	v22 =	vld [tilespmem:s29+$0x184E0];
	v20 =	vunpack.i.u.bf16.f32 v20;
	v23 =	vsub.f32 v6, v35;
	v3 =	vadd.f32 v3, v5  }
0x162: {  	v37 =	vld [tilespmem:s29+$0x144F0];
	s16 =	ssub.f32 $1.000000010e-01, s16;
	s19 =	simm.s32 @!p3 $0x0;
	s29 =	smul.f32 s28, s4;
	v6 =	vunpack.i.l.bf16.f32 v36;
	v17 =	vsub.f32 v17, v18;
	v10 =	vsub.f32 v10, v20  }
0x163: {  	p2 =	por p2, p2;
	s2 =	smax.f32 s25, $0.0e+00;
	s14 =	sadd.f32 s19, s14;
	v20 =	vunpack.i.u.bf16.f32 v36;
	v11 =	vmul.f32 v11, v11;
	v0 =	vmul.f32 v0, v0  }
0x164: {  	s2 =	simm.s32 @!p2 $0x0;
	s26 =	smul.f32 s24, s1;
	s31 =	ssub.f32 $1.500000000e+00, s29;
	v10 =	vmul.f32 v10, v10;
	v17 =	vmul.f32 v17, v17;
	v18 =	vunpack.i.l.bf16.f32 v21  }
0x165: {  	s19 =	smov.u32 s3;
	s2 =	sadd.f32 s2, s7;
	s20 =	smul.f32 s21, s20;
	(xrf2) =	vadd.scan.msk.f32 $0xffff, v7;
	v11 =	vadd.f32 v11, v0;
	v0 =	vunpack.i.l.bf16.f32 v1;
	v1 =	vunpack.i.u.bf16.f32 v1  }
0x166: {  	s19 =	simm.s32 @!p3 $0x0;
	s29 =	ssub.f32 $1.500000000e+00, s26;
	(xrf2) =	vadd.scan.msk.f32 $0xffff, v3;
	s23 =	smul.f32 s31, s4;
	v38 =	vunpack.i.l.bf16.f32 v22;
	v22 =	vunpack.i.u.bf16.f32 v22;
	v10 =	vadd.f32 v17, v10  }
0x167: {  	s25 =	smul.f32 s20, s21;
	s4 =	sadd.f32 s19, s14;
	s14 =	simm.s32 $0x200;
	v0 =	vsub.f32 v0, v38;
	v11 =	vadd.f32 v12, v11;
	v12 =	vunpack.i.l.bf16.f32 v2  }
0x168: {  	s7 =	sadd.f32 $9.999999960e-13, s9;
	v13 =	vmul.f32 v13, v13;
	v17 =	vld [tilespmem:s14+$0x144D0];
	v1 =	vsub.f32 v1, v22;
	s28 =	smul.f32 s23, s22;
	v12 =	vsub.f32 v18, v12  }
0x169: {  	s20 =	smax.f32 s13, $0.0e+00;
	s13 =	smul.f32 s29, s1;
	v39 =	vld [tilespmem:s14+$0x14450];
	v18 =	vunpack.i.u.bf16.f32 v21;
	v22 =	vmul.f32 v0, v0;
	v0 =	vunpack.i.l.bf16.f32 v37  }
0x16a: {  	s9 =	sadd.s32 $0x2, s18;
	s19 =	ssub.f32 $1.500000000e+00, s25;
	v1 =	vmul.f32 v1, v1;
	s31 =	smul.f32 s28, s23;
	v11 =	vadd.f32 v11, v14;
	v8 =	vsub.f32 v18, v8  }
0x16b: {  	s20 =	simm.s32 @!p2 $0x0;
	s26 =	sshra.s32 s7, $0x1;
	s1 =	smul.f32 $5.000000000e-01, s7;
	v14 =	vld [tilespmem:s14+$0x184D0];
	v0 =	vsub.f32 v0, v6;
	v6 =	vunpack.i.u.bf16.f32 v16;
	v16 =	vunpack.i.u.bf16.f32 v37  }
0x16c: {  	s21 =	smul.f32 s19, s21;
	s28 =	ssub.s32 $0x5F3759DF, s26;
	v12 =	vmul.f32 v12, v12;
	v15 =	vsub.f32 v6, v15;
	v16 =	vsub.f32 v16, v20;
	s25 =	ssub.f32 $1.500000000e+00, s31  }
0x16d: {  	p2 =	slt.u32 s9, $0x27100;
	s19 =	sadd.f32 s20, s2;
	s29 =	smul.f32 s28, s1;
	v9 =	vadd.f32 v22, v11;
	v5 =	vunpack.i.u.bf16.f32 v17;
	v3 =	vunpack.i.l.bf16.f32 v17  }
0x16e: {  	s20 =	smax.f32 s16, $0.0e+00;
	s16 =	smov.u32 s6;
	v20 =	vld [tilespmem:s14+$0x18460];
	v41 =	vunpack.i.l.bf16.f32 v39;
	v0 =	vmul.f32 v0, v0;
	v2 =	vmul.f32 v16, v16;
	s18 =	smul.f32 s25, s23  }
0x16f: {  	s16 =	simm.s32 @!p2 $0x0;
	v6 =	vld [tilespmem:s14+$0x18470];
	v24 =	vunpack.i.u.bf16.f32 v39;
	v43, _, _ =	vpop (xrf2);
	v16 =	vmul.f32 v19, v19;
	v19 =	vmul.f32 v23, v23;
	s23 =	smul.f32 s28, s29  }
0x170: {  	s31 =	sadd.f32 s16, s4;
	v23 =	vld [tilespmem:s14+$0x18450];
	(v2sf) =	vpush v43, $0xF;
	v45, _, _ =	vpop (xrf2);
	v1 =	vadd.f32 v9, v1;
	v11 =	vunpack.i.l.bf16.f32 v14;
	s22 =	smul.f32 s18, s22  }
0x171: {  	s16 =	smul.f32 s21, s3;
	v14 =	vunpack.i.u.bf16.f32 v14;
	(v2sf) =	vpush v45, $0xF;
	v10 =	vadd.f32 v16, v10;
	v16 =	vld [tilespmem:s14+$0x14460];
	s23 =	ssub.f32 $1.500000000e+00, s23  }
0x172: {  	v15 =	vmul.f32 v15, v15;
	v5 =	vsub.f32 v5, v14;
	v3 =	vsub.f32 v3, v11;
	v11 =	vld [tilespmem:s14+$0x184F0];
	s22 =	smul.f32 s22, s18  }
0x173: {  	v21 =	vld [tilespmem:s14+$0x184C0];
	s4 =	sadd.f32 $9.999999960e-13, s8;
	v0 =	vadd.f32 v0, v1;
	v22 =	vunpack.i.l.bf16.f32 v20;
	v20 =	vunpack.i.u.bf16.f32 v20;
	s21 =	smul.f32 s28, s23  }
0x174: {  	v18 =	vld [tilespmem:s14+$0x144C0];
	s3 =	smov.u32 s5;
	v19 =	vadd.f32 v10, v19;
	v10 =	vmul.f32 v8, v8;
	v8 =	vunpack.i.u.bf16.f32 v6;
	s28 =	smul.f32 s13, s12  }
0x175: {  	s3 =	simm.s32 @!p2 $0x0;
	s8 =	smul.f32 $5.000000000e-01, s4;
	s26 =	sshra.s32 s4, $0x1;
	v46 =	vmul.f32 v3, v3;
	v5 =	vmul.f32 v5, v5;
	v0 =	vadd.f32 v0, v2  }
0x176: {  	v40 =	vunpack.i.u.bf16.f32 v23;
	v23 =	vunpack.i.l.bf16.f32 v23;
	v7 =	vadd.f32 v13, v19;
	s25 =	ssub.f32 $1.500000000e+00, s22;
	s22 =	ssub.s32 $0x5F3759DF, s26;
	s24 =	smul.f32 s28, s13  }
0x177: {  	p4 =	por p4, p4;
	v4 =	vld [tilespmem:s14+$0x14440];
	s3 =	sadd.f32 s3, s31;
	v23 =	vsub.f32 v41, v23;
	v19 =	vunpack.i.l.bf16.f32 v16;
	s31 =	smul.f32 s22, s8;
	v47 =	vunpack.i.l.bf16.f32 v11  }
0x178: {  	p4 =	por p4, p4;
	v13 =	vld [tilespmem:s14+$0x18440];
	v16 =	vunpack.i.u.bf16.f32 v16;
	v11 =	vunpack.i.u.bf16.f32 v11;
	v7 =	vadd.f32 v7, v15;
	s18 =	smul.f32 s25, s18  }
0x179: {  	s20 =	simm.s32 @!p4 $0x0;
	v17 =	vld [tilespmem:s14+$0x14470];
	s29 =	ssub.f32 $1.000000010e-01, s15;
	v15 =	vsub.f32 v19, v22;
	v19 =	vunpack.i.l.bf16.f32 v21;
	v22 =	vunpack.i.l.bf16.f32 v18;
	s25 =	smul.f32 s21, s1  }
0x17a: {  	v42 =	vld [tilespmem:s14+$0x144F0];
	s19 =	sadd.f32 s20, s19;
	v21 =	vunpack.i.u.bf16.f32 v21;
	v16 =	vsub.f32 v16, v20;
	v23 =	vmul.f32 v23, v23;
	s28 =	smul.f32 s22, s31  }
0x17b: {  	v14 =	vld [tilespmem:s14+$0x144E0];
	s2 =	smax.f32 s29, $0.0e+00;
	s29 =	ssub.f32 $1.500000000e+00, s24;
	v12 =	vadd.f32 v12, v7;
	v7 =	vunpack.i.u.bf16.f32 v18;
	v18 =	vsub.f32 v22, v19  }
0x17c: {  	v19 =	vunpack.i.l.bf16.f32 v4;
	v4 =	vunpack.i.u.bf16.f32 v4;
	v7 =	vsub.f32 v7, v21;
	v21 =	vld [tilespmem:s14+$0x184E0];
	s14 =	smul.f32 s25, s21;
	s31 =	ssub.f32 $1.500000000e+00, s28  }
0x17d: {  	s26 =	ssub.f32 $1.000000010e-01, s11;
	s11 =	smul.f32 s29, s13;
	v22 =	vunpack.i.l.bf16.f32 v13;
	v13 =	vunpack.i.u.bf16.f32 v13;
	v18 =	vmul.f32 v18, v18  }
0x17e: {  	v19 =	vsub.f32 v19, v22;
	v22 =	vunpack.i.l.bf16.f32 v17;
	v4 =	vsub.f32 v4, v13;
	s15 =	ssub.f32 $1.500000000e+00, s14;
	s22 =	smul.f32 s22, s31  }
0x17f: {  	p3 =	por p3, p3;
	v17 =	vunpack.i.u.bf16.f32 v17;
	v10 =	vadd.f32 v12, v10;
	v7 =	vmul.f32 v7, v7;
	s14 =	smax.f32 s26, $0.0e+00;
	s26 =	smul.f32 s11, s12  }
0x180: {  	s16 =	ssub.f32 $1.000000010e-01, s16;
	s2 =	simm.s32 @!p4 $0x0;
	v15 =	vmul.f32 v15, v15;
	v8 =	vsub.f32 v17, v8;
	v20 =	vmul.f32 v4, v4;
	s25 =	smul.f32 s15, s21  }
0x181: {  	p3 =	por p3, p3;
	s13 =	sadd.f32 s2, s19;
	v19 =	vmul.f32 v19, v19;
	(xrf2) =	vadd.scan.msk.f32 $0xffff, v10;
	v7 =	vadd.f32 v18, v7;
	v18 =	vunpack.i.l.bf16.f32 v14;
	s31 =	smul.f32 s22, s8  }
0x182: {  	s29 =	sadd.s32 $0x2, s9;
	s12 =	simm.s32 $0x300;
	v14 =	vunpack.i.u.bf16.f32 v14;
	s19 =	smul.f32 s26, s11;
	v44 =	vunpack.i.l.bf16.f32 v21;
	v21 =	vunpack.i.u.bf16.f32 v21  }
0x183: {  	s9 =	smax.f32 s16, $0.0e+00;
	s14 =	simm.s32 @!p3 $0x0;
	v48 =	vld [tilespmem:s12+$0x18460];
	(xrf2) =	vadd.scan.msk.f32 $0xffff, v0;
	v18 =	vsub.f32 v18, v44;
	v3 =	vsub.f32 v14, v21;
	v21 =	vunpack.i.l.bf16.f32 v42;
	s28 =	smul.f32 s25, s1  }
0x184: {  	s24 =	sadd.f32 s14, s13;
	v19 =	vadd.f32 v19, v20;
	v20 =	vld [tilespmem:s12+$0x144D0];
	s16 =	smul.f32 s31, s22;
	v13 =	vsub.f32 v21, v47;
	v21 =	vunpack.i.u.bf16.f32 v42  }
0x185: {  	s6 =	smul.f32 s18, s6;
	v17 =	vld [tilespmem:s12+$0x144C0];
	s19 =	ssub.f32 $1.500000000e+00, s19;
	v14 =	vmul.f32 v18, v18;
	v18 =	vsub.f32 v24, v40;
	v11 =	vsub.f32 v21, v11  }
0x186: {  	s9 =	simm.s32 @!p3 $0x0;
	v21 =	vunpack.i.l.bf16.f32 v6;
	s20 =	smul.f32 s28, s25;
	s16 =	ssub.f32 $1.500000000e+00, s16;
	v4 =	vmul.f32 v13, v13;
	v13 =	vadd.f32 v46, v7;
	v7 =	vld [tilespmem:s12+$0x18470]  }
0x187: {  	v16 =	vmul.f32 v16, v16;
	p3 =	slt.u32 s29, $0x27100;
	v12 =	vld [tilespmem:s12+$0x14460];
	s14 =	spop (v2sf);
	s23 =	smul.f32 s19, s11;
	v6 =	vmul.f32 v11, v11;
	v11 =	vsub.f32 v22, v21  }
0x188: {  	s21 =	smov.u32 s7;
	s20 =	ssub.f32 $1.500000000e+00, s20;
	v21 =	vld [tilespmem:s12+$0x184C0];
	s15 =	smul.f32 s16, s22;
	v5 =	vadd.f32 v13, v5;
	v13 =	vmul.f32 v18, v18;
	v18 =	vadd.f32 v23, v19  }
0x189: {  	v8 =	vmul.f32 v8, v8;
	s26 =	ssub.f32 $1.000000010e-01, s6;
	s21 =	simm.s32 @!p3 $0x0;
	v2 =	vunpack.i.u.bf16.f32 v20;
	v0 =	vunpack.i.l.bf16.f32 v20;
	s19 =	smul.f32 s23, s5;
	v20 =	vld [tilespmem:s12+$0x18450]  }
0x18a: {  	s18 =	smov.u32 s4;
	s3 =	sadd.f32 s21, s3;
	v3 =	vmul.f32 v3, v3;
	v22 =	vunpack.i.l.bf16.f32 v17;
	v19 =	vld [tilespmem:s12+$0x184D0];
	s2 =	smul.f32 s20, s25;
	v13 =	vadd.f32 v18, v13  }
0x18b: {  	s18 =	simm.s32 @!p3 $0x0;
	s21 =	spop (v2sf);
	v23 =	vld [tilespmem:s12+$0x14450];
	v11 =	vmul.f32 v11, v11;
	s31 =	smul.f32 s15, s8;
	v9 =	vadd.f32 v14, v5;
	v50, _, _ =	vpop (xrf2);
	v10 =	vunpack.i.u.bf16.f32 v7  }
0x18c: {  	v5 =	vld [tilespmem:s12+$0x14440];
	s22 =	smul.f32 s2, s1;
	s1 =	sadd.f32 s18, s3;
	(v2sf) =	vpush v50, $0xF;
	v7 =	vunpack.i.l.bf16.f32 v7;
	v1 =	vadd.f32 v15, v13  }
0x18d: {  	v14 =	vld [tilespmem:s12+$0x18440];
	s3 =	sadd.f32 $9.999999960e-13, s14;
	s13 =	smul.f32 s31, s15;
	v54, _, _ =	vpop (xrf2);
	v15 =	vunpack.i.l.bf16.f32 v12;
	v18 =	vunpack.i.l.bf16.f32 v21;
	v21 =	vunpack.i.u.bf16.f32 v21  }
0x18e: {  	s6 =	sadd.f32 $9.999999960e-13, s21;
	v51 =	vunpack.i.u.bf16.f32 v20;
	v20 =	vunpack.i.l.bf16.f32 v20;
	(v2sf) =	vpush v54, $0xF;
	s29 =	smul.f32 s22, s2  }
0x18f: {  	v3 =	vadd.f32 v9, v3;
	v13 =	vunpack.i.l.bf16.f32 v19;
	v19 =	vunpack.i.u.bf16.f32 v19;
	s28 =	sshra.s32 s3, $0x1;
	s11 =	smul.f32 $5.000000000e-01, s3  }
0x190: {  	s5 =	smul.f32 $5.000000000e-01, s6;
	v1 =	vadd.f32 v1, v16;
	v16 =	vunpack.i.l.bf16.f32 v48;
	v2 =	vsub.f32 v2, v19;
	s31 =	ssub.s32 $0x5F3759DF, s28;
	s25 =	ssub.f32 $1.500000000e+00, s29  }
0x191: {  	v0 =	vsub.f32 v0, v13;
	v13 =	vunpack.i.l.bf16.f32 v23;
	v3 =	vadd.f32 v4, v3;
	s29 =	ssub.f32 $1.500000000e+00, s13;
	s22 =	smul.f32 s31, s11  }
0x192: {  	v15 =	vsub.f32 v15, v16;
	v19 =	vunpack.i.l.bf16.f32 v5;
	v49 =	vunpack.i.u.bf16.f32 v14;
	s2 =	smul.f32 s25, s2  }
0x193: {  	s9 =	sadd.f32 s9, s24;
	s24 =	sshra.s32 s6, $0x1;
	v14 =	vunpack.i.l.bf16.f32 v14;
	v13 =	vsub.f32 v13, v20;
	v5 =	vunpack.i.u.bf16.f32 v5;
	s13 =	smul.f32 s29, s15  }
0x194: {  	v16 =	vld [tilespmem:s12+$0x14470];
	v11 =	vadd.f32 v11, v1;
	v1 =	vunpack.i.u.bf16.f32 v17;
	v17 =	vsub.f32 v22, v18;
	s23 =	smul.f32 s31, s22;
	s25 =	ssub.s32 $0x5F3759DF, s24  }
0x195: {  	s16 =	smax.f32 s26, $0.0e+00;
	v23 =	vunpack.i.u.bf16.f32 v23;
	v18 =	vld [tilespmem:s12+$0x144E0];
	v14 =	vsub.f32 v19, v14;
	v24 =	vsub.f32 v5, v49;
	s28 =	smul.f32 s25, s5  }
0x196: {  	v2 =	vmul.f32 v2, v2;
	v1 =	vsub.f32 v1, v21;
	v21 =	vld [tilespmem:s12+$0x184E0];
	v15 =	vmul.f32 v15, v15;
	s26 =	ssub.f32 $1.500000000e+00, s23;
	s8 =	smul.f32 s13, s8  }
0x197: {  	p2 =	por p2, p2;
	v52 =	vld [tilespmem:s12+$0x144F0];
	v22 =	vunpack.i.u.bf16.f32 v48;
	v17 =	vmul.f32 v17, v17;
	v24 =	vmul.f32 v24, v24;
	s15 =	smul.f32 s25, s28  }
0x198: {  	p2 =	por p2, p2;
	v53 =	vld [tilespmem:s12+$0x184F0];
	v3 =	vadd.f32 v3, v6;
	v14 =	vmul.f32 v14, v14;
	v1 =	vmul.f32 v1, v1;
	s12 =	smul.f32 s31, s26  }
0x199: {  	s16 =	simm.s32 @!p2 $0x0;
	v13 =	vmul.f32 v13, v13;
	v8 =	vadd.f32 v11, v8;
	v19 =	vunpack.i.l.bf16.f32 v16;
	s8 =	smul.f32 s8, s13  }
0x19a: {  	s9 =	sadd.f32 s16, s9;
	v14 =	vadd.f32 v14, v24;
	v17 =	vadd.f32 v17, v1;
	v1 =	vunpack.i.l.bf16.f32 v18;
	s29 =	smul.f32 s12, s11  }
0x19b: {  	s2 =	smul.f32 s2, s7;
	v18 =	vunpack.i.u.bf16.f32 v18;
	v7 =	vsub.f32 v19, v7;
	v20 =	vunpack.i.l.bf16.f32 v21;
	s15 =	ssub.f32 $1.500000000e+00, s15  }
0x19c: {  	(xrf2) =	vadd.scan.msk.f32 $0xffff, v8;
	v13 =	vadd.f32 v13, v14;
	v14 =	vunpack.i.u.bf16.f32 v16;
	v1 =	vsub.f32 v1, v20;
	s8 =	ssub.f32 $1.500000000e+00, s8;
	s16 =	smul.f32 s29, s12  }
0x19d: {  	s14 =	ssub.f32 $1.000000010e-01, s19;
	(xrf2) =	vadd.scan.msk.f32 $0xffff, v3;
	v20 =	vunpack.i.u.bf16.f32 v21;
	v21 =	vmul.f32 v0, v0;
	v9 =	vsub.f32 v14, v10;
	s18 =	smul.f32 s25, s15  }
0x19e: {  	s7 =	simm.s32 $0x400;
	v7 =	vmul.f32 v7, v7;
	v0 =	vsub.f32 v18, v20;
	v20 =	vsub.f32 v23, v51;
	s8 =	smul.f32 s8, s13;
	s31 =	ssub.f32 $1.500000000e+00, s16  }
0x19f: {  	s14 =	smax.f32 s14, $0.0e+00;
	v6 =	vld [tilespmem:s7+$0x14440];
	v23 =	vunpack.i.l.bf16.f32 v53;
	v18 =	vmul.f32 v1, v1;
	v1 =	vunpack.i.l.bf16.f32 v52;
	s20 =	smul.f32 s18, s5  }
0x1a0: {  	s14 =	simm.s32 @!p2 $0x0;
	v14 =	vld [tilespmem:s7+$0x184C0];
	v17 =	vadd.f32 v21, v17;
	v5 =	vmul.f32 v0, v0;
	v0 =	vsub.f32 v1, v23;
	s21 =	smul.f32 s31, s12  }
0x1a1: {  	s15 =	sadd.f32 s14, s9;
	v21 =	vld [tilespmem:s7+$0x18460];
	v1 =	vunpack.i.u.bf16.f32 v12;
	v12 =	vunpack.i.u.bf16.f32 v52;
	v23 =	vunpack.i.u.bf16.f32 v53;
	s9 =	smul.f32 s20, s18  }
0x1a2: {  	v19 =	vmul.f32 v20, v20;
	v20 =	vld [tilespmem:s7+$0x144D0];
	s22 =	spop (v2sf);
	v22 =	vsub.f32 v1, v22;
	v12 =	vsub.f32 v12, v23;
	s12 =	smul.f32 s21, s11  }
0x1a3: {  	v4 =	vmul.f32 v9, v9;
	v16 =	vadd.f32 v17, v2;
	v17 =	vld [tilespmem:s7+$0x184D0];
	s4 =	smul.f32 s8, s4;
	v0 =	vmul.f32 v0, v0;
	s9 =	ssub.f32 $1.500000000e+00, s9  }
0x1a4: {  	v10 =	vld [tilespmem:s7+$0x14460];
	s8 =	sadd.f32 $9.999999960e-13, s22;
	v2 =	vmul.f32 v12, v12;
	v12 =	vadd.f32 v13, v19;
	v13 =	vmul.f32 v22, v22;
	s23 =	smul.f32 s12, s21  }
0x1a5: {  	s2 =	ssub.f32 $1.000000010e-01, s2;
	v1 =	vld [tilespmem:s7+$0x18470];
	v11 =	vadd.f32 v18, v16;
	v22 =	vunpack.i.l.bf16.f32 v14;
	v14 =	vunpack.i.u.bf16.f32 v14;
	s12 =	smul.f32 s9, s18  }
0x1a6: {  	s25 =	spop (v2sf);
	v19 =	vld [tilespmem:s7+$0x144C0];
	s26 =	sshra.s32 s8, $0x1;
	v18 =	vunpack.i.l.bf16.f32 v21;
	v21 =	vunpack.i.u.bf16.f32 v21;
	v58, _, _ =	vpop (xrf2);
	v12 =	vadd.f32 v15, v12;
	s18 =	smul.f32 $5.000000000e-01, s8  }
0x1a7: {  	p6 =	por p3, p3;
	v3 =	vld [tilespmem:s7+$0x18440];
	s28 =	ssub.s32 $0x5F3759DF, s26;
	v8 =	vunpack.i.u.bf16.f32 v20;
	v20 =	vunpack.i.l.bf16.f32 v20;
	(v2sf) =	vpush v58, $0xF;
	v62, _, _ =	vpop (xrf2);
	s9 =	sadd.f32 $9.999999960e-13, s25  }
0x1a8: {  	p2 =	por p6, p6;
	s16 =	smax.f32 s2, $0.0e+00;
	v16 =	vunpack.i.l.bf16.f32 v17;
	v17 =	vunpack.i.u.bf16.f32 v17;
	(v2sf) =	vpush v62, $0xF;
	s31 =	smul.f32 s28, s18  }
0x1a9: {  	s16 =	simm.s32 @!p2 $0x0;
	v15 =	vld [tilespmem:s7+$0x14450];
	v12 =	vadd.f32 v12, v13;
	v13 =	vunpack.i.l.bf16.f32 v10;
	v8 =	vsub.f32 v8, v17;
	s24 =	ssub.f32 $1.500000000e+00, s23;
	s19 =	smul.f32 $5.000000000e-01, s9  }
0x1aa: {  	s29 =	ssub.f32 $1.000000010e-01, s4;
	v9 =	vunpack.i.u.bf16.f32 v1;
	v16 =	vsub.f32 v20, v16;
	v13 =	vsub.f32 v13, v18;
	s22 =	sshra.s32 s9, $0x1;
	s25 =	smul.f32 s12, s5  }
0x1ab: {  	v23 =	vld [tilespmem:s7+$0x18450];
	s16 =	sadd.f32 s16, s15;
	v55 =	vunpack.i.l.bf16.f32 v19;
	v56 =	vadd.f32 v7, v12;
	v7 =	vunpack.i.u.bf16.f32 v19;
	s13 =	ssub.s32 $0x5F3759DF, s22;
	s14 =	smul.f32 s24, s21  }
0x1ac: {  	s2 =	smax.f32 s29, $0.0e+00;
	v17 =	vld [tilespmem:s7+$0x144E0];
	v12 =	vsub.f32 v55, v22;
	v19 =	vunpack.i.l.bf16.f32 v6;
	v22 =	vunpack.i.u.bf16.f32 v3;
	s23 =	smul.f32 s13, s19  }
0x1ad: {  	s2 =	simm.s32 @!p2 $0x0;
	v3 =	vunpack.i.l.bf16.f32 v3;
	v6 =	vunpack.i.u.bf16.f32 v6;
	v7 =	vsub.f32 v7, v14;
	v14 =	vld [tilespmem:s7+$0x184E0];
	s24 =	smul.f32 s28, s31  }
0x1ae: {  	s4 =	sadd.f32 s2, s16;
	v18 =	vld [tilespmem:s7+$0x14470];
	v16 =	vmul.f32 v16, v16;
	v19 =	vsub.f32 v19, v3;
	v59 =	vunpack.i.l.bf16.f32 v15;
	s11 =	smul.f32 s14, s11  }
0x1af: {  	v20 =	vld [tilespmem:s7+$0x184F0];
	v15 =	vunpack.i.u.bf16.f32 v15;
	v12 =	vmul.f32 v12, v12;
	v3 =	vmul.f32 v7, v7;
	s15 =	smul.f32 s13, s23;
	s16 =	ssub.f32 $1.500000000e+00, s24  }
0x1b0: {  	s30 =	simm.s32 $0x500;
	s26 =	sadd.s32 $0x2, s0;
	v6 =	vsub.f32 v6, v22;
	v7 =	vunpack.i.u.bf16.f32 v23;
	v23 =	vunpack.i.l.bf16.f32 v23;
	s11 =	smul.f32 s11, s14  }
0x1b1: {  	p2 =	slt.u32 s0, $0x27100;
	s2 =	smov.u32 s3;
	v23 =	vsub.f32 v59, v23;
	v60 =	vadd.f32 v12, v3;
	v3 =	vunpack.i.l.bf16.f32 v17;
	v12 =	vld [tilespmem:s7+$0x144F0];
	s16 =	smul.f32 s28, s16  }
0x1b2: {  	s2 =	simm.s32 @!p2 $0x0;
	s7 =	smul.f32 s25, s12;
	v17 =	vunpack.i.u.bf16.f32 v17;
	v61 =	vunpack.i.l.bf16.f32 v14;
	v14 =	vunpack.i.u.bf16.f32 v14;
	s11 =	ssub.f32 $1.500000000e+00, s11  }
0x1b3: {  	s1 =	sadd.f32 s2, s1;
	s2 =	smov.u32 s6;
	v57 =	vunpack.i.l.bf16.f32 v18;
	v3 =	vsub.f32 v3, v61;
	v14 =	vsub.f32 v17, v14;
	s28 =	smul.f32 s16, s18  }
0x1b4: {  	s2 =	simm.s32 @!p2 $0x0;
	v15 =	vsub.f32 v15, v7;
	v18 =	vunpack.i.u.bf16.f32 v18;
	v17 =	vunpack.i.l.bf16.f32 v20;
	s7 =	ssub.f32 $1.500000000e+00, s7;
	s14 =	smul.f32 s11, s14  }
0x1b5: {  	p4 =	slt.u32 s26, $0x27100;
	s1 =	sadd.f32 s2, s1;
	v63 =	vmul.f32 v3, v3;
	v3 =	vmul.f32 v14, v14;
	v14 =	vunpack.i.u.bf16.f32 v20;
	s2 =	smul.f32 s28, s16  }
0x1b6: {  	p2 =	por p2, p2;
	s15 =	ssub.f32 $1.500000000e+00, s15;
	v20 =	vmul.f32 v6, v6;
	v6 =	vadd.f32 v16, v60;
	v7 =	vunpack.i.l.bf16.f32 v12;
	s11 =	smul.f32 s7, s12  }
0x1b7: {  	s21 =	smov.u32 s8;
	p3 =	por p2, p2;
	v16 =	vmul.f32 v8, v8;
	v12 =	vunpack.i.u.bf16.f32 v12;
	v7 =	vsub.f32 v7, v17;
	s3 =	smul.f32 s14, s3  }
0x1b8: {  	v10 =	vunpack.i.u.bf16.f32 v10;
	s21 =	simm.s32 @!p4 $0x0;
	v22 =	vsub.f32 v18, v9;
	v14 =	vsub.f32 v12, v14;
	s2 =	ssub.f32 $1.500000000e+00, s2;
	s14 =	smul.f32 s13, s15  }
0x1b9: {  	p2 =	por p4, p4;
	s1 =	sadd.f32 s21, s1;
	v17 =	vsub.f32 v10, v21;
	v16 =	vadd.f32 v6, v16;
	s5 =	smul.f32 s11, s5;
	v10 =	vmul.f32 v7, v7  }
0x1ba: {  	v9 =	vld [tilespmem:s30+$0x144C0];
	s7 =	smov.u32 s9;
	s12 =	sadd.s32 $0x2, s26;
	v7 =	vunpack.i.l.bf16.f32 v1;
	v8 =	vmul.f32 v14, v14;
	v14 =	vmul.f32 v19, v19;
	s15 =	smul.f32 s2, s16  }
0x1bb: {  	v12 =	vmul.f32 v13, v13;
	s7 =	simm.s32 @!p4 $0x0;
	v6 =	vld [tilespmem:s30+$0x18460];
	v13 =	vmul.f32 v17, v17;
	s3 =	ssub.f32 $1.000000010e-01, s3;
	v17 =	vsub.f32 v57, v7;
	s29 =	smul.f32 s14, s19  }
0x1bc: {  	v21 =	vmul.f32 v23, v23;
	s13 =	simm.s32 $0x1800;
	s7 =	sadd.f32 s7, s1;
	v1 =	vld [tilespmem:s30+$0x18470];
	v16 =	vadd.f32 v63, v16;
	s31 =	smul.f32 s5, s11;
	v20 =	vadd.f32 v14, v20  }
0x1bd: {  	v19 =	vadd.f32 v56, v4;
	v4 =	vmul.f32 v22, v22;
	v7 =	vld [tilespmem:s30+$0x184C0];
	s5 =	sadd.s32 $0x2, s12;
	s21 =	smax.f32 s3, $0.0e+00;
	v14 =	vmul.f32 v17, v17;
	s3 =	smul.f32 s29, s14  }
0x1be: {  	v17 =	vmul.f32 v15, v15;
	v15 =	vld [tilespmem:s30+$0x144D0];
	s20 =	smul.f32 s15, s18;
	s16 =	ssub.f32 $1.500000000e+00, s31;
	s21 =	simm.s32 @!p3 $0x0;
	v18 =	vadd.f32 v21, v20;
	v20 =	vadd.f32 v11, v5  }
.LBB2_5:
0x1bf: {  	s2 =	spop (v2sf)  }
0x1c0: {  	s22 =	ssub.f32 $1.500000000e+00, s3;
	s3 =	smov.u32 s13;
	s1 =	sadd.s32 $0x400, s13  }
0x1c1: {  	v11 =	vunpack.i.u.bf16.f32 v1;
	v21 =	vld [tilespmem:s30+$0x184D0];
	v5 =	vmov v16;
	p4 =	sne.s32 s13, $0xFC00;
	s13 =	sadd.f32 $9.999999960e-13, s2;
	s2 =	smul.f32 s20, s15  }
0x1c2: {  	p5 =	slt.u32 s12, $0x27100;
	v16 =	vld [tilespmem:s30+$0x14460];
	v17 =	vadd.f32 v18, v17;
	v18 =	vadd.f32 v0, v20;
	v0 =	vmov v10;
	s16 =	smul.f32 s16, s11  }
0x1c3: {  	s12 =	smov.u32 s5;
	v10 =	vld [tilespmem:s30+$0x14450];
	(xrf2) =	vadd.scan.msk.f32 $0xffff, v19;
	s20 =	spop (v2sf);
	s14 =	smul.f32 s22, s14  }
0x1c4: {  	v19 =	vld [tilespmem:s30+$0x14440];
	v12 =	vadd.f32 v12, v17;
	v17 =	vadd.f32 v18, v2;
	s22 =	sshra.s32 s13, $0x1;
	s2 =	ssub.f32 $1.500000000e+00, s2;
	v2 =	vmov v8;
	s24 =	smov.u32 s13  }
0x1c5: {  	s23 =	smul.f32 $5.000000000e-01, s13;
	s25 =	sadd.f32 $9.999999960e-13, s20;
	s24 =	simm.s32 @!p5 $0x0  }
0x1c6: {  	v18 =	vunpack.i.u.bf16.f32 v15;
	s20 =	ssub.s32 $0x5F3759DF, s22;
	v8 =	vld [tilespmem:s30+$0x18450];
	v20 =	vunpack.i.l.bf16.f32 v21;
	v12 =	vadd.f32 v12, v13;
	(xrf2) =	vadd.scan.msk.f32 $0xffff, v17;
	s11 =	smul.f32 s2, s15  }
0x1c7: {  	v22 =	vunpack.i.l.bf16.f32 v6;
	v23 =	vunpack.i.l.bf16.f32 v15;
	s2 =	smul.f32 s20, s23;
	s7 =	sadd.f32 s24, s7;
	s15 =	smov.u32 s25;
	v13 =	vld [tilespmem:s30+$0x18440];
	v17 =	vunpack.i.l.bf16.f32 v16  }
0x1c8: {  	v24 =	vunpack.i.l.bf16.f32 v7;
	s22 =	smul.f32 s16, s6;
	s6 =	smov.u32 s9;
	v21 =	vunpack.i.u.bf16.f32 v21;
	s15 =	simm.s32 @!p5 $0x0;
	v17 =	vsub.f32 v17, v22;
	v22 =	vld [tilespmem:s30+$0x14470]  }
0x1c9: {  	v7 =	vunpack.i.u.bf16.f32 v7;
	v25 =	vunpack.i.l.bf16.f32 v9;
	s9 =	sshra.s32 s25, $0x1;
	s16 =	smul.f32 $5.000000000e-01, s25;
	v15 =	vadd.f32 v14, v12;
	s7 =	sadd.f32 s15, s7  }
0x1ca: {  	v9 =	vunpack.i.u.bf16.f32 v9;
	v12 =	vsub.f32 v25, v24;
	v14 =	vsub.f32 v18, v21;
	s15 =	ssub.s32 $0x5F3759DF, s9;
	s24 =	smul.f32 s11, s18;
	s9 =	ssub.f32 $1.000000010e-01, s22;
	v18 =	vld [tilespmem:s30+$0x144E0]  }
0x1cb: {  	s4 =	sadd.f32 s21, s4;
	v6 =	vunpack.i.u.bf16.f32 v6;
	v7 =	vsub.f32 v9, v7;
	s18 =	smov.u32 s23;
	v21 =	vunpack.i.l.bf16.f32 v19;
	s22 =	smul.f32 s15, s16;
	v9 =	vld [tilespmem:s30+$0x184E0]  }
0x1cc: {  	s2 =	smul.f32 s20, s2;
	v12 =	vmul.f32 v12, v12;
	s21 =	smax.f32 s9, $0.0e+00;
	s9 =	smov.u32 s25;
	v24 =	vunpack.i.u.bf16.f32 v13;
	v13 =	vunpack.i.l.bf16.f32 v13  }
0x1cd: {  	v7 =	vmul.f32 v7, v7;
	s22 =	smul.f32 s15, s22;
	s21 =	simm.s32 @!p3 $0x0;
	p3 =	por p2, p2;
	v13 =	vsub.f32 v21, v13;
	v21 =	vunpack.i.l.bf16.f32 v22;
	v25, _, _ =	vpop (xrf2)  }
0x1ce: {  	v20 =	vsub.f32 v23, v20;
	s2 =	ssub.f32 $1.500000000e+00, s2;
	s23 =	smul.f32 s24, s11;
	v26 =	vunpack.i.u.bf16.f32 v8;
	v8 =	vunpack.i.l.bf16.f32 v8;
	p2 =	por p5, p5;
	v23 =	vld [tilespmem:s30+$0x184F0]  }
0x1cf: {  	v27 =	vunpack.i.l.bf16.f32 v10;
	s24 =	smul.f32 s14, s19;
	v7 =	vadd.f32 v12, v7;
	s4 =	sadd.f32 s21, s4;
	v12 =	vunpack.i.l.bf16.f32 v18;
	v28 =	vld [tilespmem:s30+$0x144F0]  }
0x1d0: {  	v27 =	vsub.f32 v27, v8;
	s2 =	smul.f32 s20, s2;
	s20 =	ssub.f32 $1.500000000e+00, s22;
	v8 =	vunpack.i.l.bf16.f32 v9;
	(v2sf) =	vpush v25, $0xF;
	v25, _, _ =	vpop (xrf2)  }
0x1d1: {  	v10 =	vunpack.i.u.bf16.f32 v10;
	v19 =	vunpack.i.u.bf16.f32 v19;
	s21 =	ssub.f32 $1.500000000e+00, s23;
	s22 =	smul.f32 s24, s14;
	v8 =	vsub.f32 v12, v8  }
0x1d2: {  	s23 =	smul.f32 s2, s18;
	v9 =	vunpack.i.u.bf16.f32 v9;
	v12 =	vunpack.i.u.bf16.f32 v18;
	(v2sf) =	vpush v25, $0xF  }
0x1d3: {  	s21 =	smul.f32 s21, s11;
	v18 =	vmul.f32 v20, v20;
	v9 =	vsub.f32 v12, v9;
	v20 =	vmul.f32 v8, v8  }
0x1d4: {  	s11 =	ssub.f32 $1.500000000e+00, s22;
	s22 =	smul.f32 s23, s2;
	v25 =	vsub.f32 v10, v26;
	v10 =	vunpack.i.l.bf16.f32 v23;
	v8 =	vunpack.i.l.bf16.f32 v28  }
0x1d5: {  	s21 =	smul.f32 s21, s8;
	v12 =	vsub.f32 v19, v24;
	v24 =	vmul.f32 v9, v9;
	v8 =	vsub.f32 v8, v10  }
0x1d6: {  	s11 =	smul.f32 s11, s14;
	v9 =	vunpack.i.u.bf16.f32 v16;
	v16 =	vunpack.i.u.bf16.f32 v23;
	v10 =	vunpack.i.u.bf16.f32 v28  }
0x1d7: {  	s8 =	smov.u32 s13;
	s14 =	smul.f32 s15, s20;
	s22 =	ssub.f32 $1.500000000e+00, s22;
	v6 =	vsub.f32 v9, v6;
	v9 =	vsub.f32 v10, v16;
	v10 =	vmul.f32 v8, v8  }
0x1d8: {  	s30 =	sshra.s32 s3, $0x2;
	s3 =	smul.f32 s11, s19;
	v16 =	vmul.f32 v12, v12;
	v12 =	vmul.f32 v17, v17;
	v17 =	vadd.f32 v18, v7  }
0x1d9: {  	v14 =	vmul.f32 v14, v14;
	s13 =	ssub.f32 $1.000000010e-01, s21;
	s15 =	smul.f32 s22, s2;
	v7 =	vunpack.i.l.bf16.f32 v1;
	v8 =	vmul.f32 v9, v9  }
.Ltmp3:
0x1da: {  	v18 =	vsub.f32 v21, v7;
	v9 =	vmul.f32 v13, v13;
	v13 =	vmul.f32 v6, v6;
	v1 =	vld [tilespmem:s30+$0x18470];
	(pc) =	sbr.rel @p4 .LBB2_5-.Ltmp3, $4  }
0x1db: {  	v19 =	vunpack.i.u.bf16.f32 v22;
	s19 =	smov.u32 s16;
	s2 =	smul.f32 s14, s16;
	s21 =	smax.f32 s13, $0.0e+00;
	v21 =	vmul.f32 v27, v27;
	v22 =	vadd.f32 v17, v14;
	v7 =	vld [tilespmem:s30+$0x184C0]  }
0x1dc: {  	v11 =	vsub.f32 v19, v11;
	s13 =	smul.f32 s3, s11;
	s21 =	simm.s32 @!p3 $0x0;
	v14 =	vmul.f32 v18, v18;
	v23 =	vadd.f32 v9, v16;
	v6 =	vld [tilespmem:s30+$0x18460]  }
0x1dd: {  	s5 =	sadd.s32 $0x2, s5;
	v19 =	vadd.f32 v15, v4;
	s3 =	smul.f32 s2, s14;
	v17 =	vmul.f32 v25, v25;
	v16 =	vadd.f32 v20, v22;
	v9 =	vld [tilespmem:s30+$0x144C0]  }
0x1de: {  	v4 =	vmul.f32 v11, v11;
	s20 =	smul.f32 s15, s18;
	s16 =	ssub.f32 $1.500000000e+00, s13;
	s13 =	smov.u32 s1;
	v20 =	vadd.f32 v5, v3;
	v3 =	vmovc v24;
	v18 =	vadd.f32 v21, v23;
	v15 =	vld [tilespmem:s30+$0x144D0]  }
0x1df: {  	s1 =	ssub.f32 $1.500000000e+00, s3  }
0x1e0: {  	s2 =	spop (v2sf);
	s24 =	smul.f32 s20, s15  }
0x1e1: {  	s13 =	sadd.f32 $9.999999960e-13, s2;
	s26 =	smul.f32 s16, s11  }
0x1e2: {  	s1 =	smul.f32 s1, s14  }
0x1e3: {  	s25 =	ssub.f32 $1.500000000e+00, s24;
	s20 =	smul.f32 $5.000000000e-01, s13  }
0x1e4: {  	s29 =	spop (v2sf);
	s28 =	sshra.s32 s13, $0x1;
	s3 =	smul.f32 s26, s6  }
0x1e5: {  	(xrf2) =	vadd.scan.msk.f32 $0xffff, v19;
	s11 =	sadd.f32 $9.999999960e-13, s29;
	s22 =	ssub.s32 $0x5F3759DF, s28;
	s2 =	smul.f32 s25, s15  }
0x1e6: {  	s31 =	smul.f32 s22, s20  }
0x1e7: {  	v0 =	vadd.f32 v0, v20;
	s23 =	sshra.s32 s11, $0x1;
	s16 =	smul.f32 $5.000000000e-01, s11  }
0x1e8: {  	s6 =	ssub.s32 $0x5F3759DF, s23;
	s23 =	smul.f32 s1, s19  }
0x1e9: {  	v0 =	vadd.f32 v0, v2;
	s15 =	smul.f32 s2, s18  }
0x1ea: {  	s14 =	smul.f32 s22, s31  }
0x1eb: {  	(xrf2) =	vadd.scan.msk.f32 $0xffff, v0;
	s24 =	smul.f32 s6, s16  }
0x1ec: {  	s25 =	smul.f32 s23, s1;
	s14 =	ssub.f32 $1.500000000e+00, s14  }
0x1ed: {  	s15 =	smul.f32 s15, s2  }
0x1ee: {  	s14 =	smul.f32 s22, s14  }
0x1ef: {  	s18 =	smul.f32 s6, s24;
	v58, _, _ =	vpop (xrf2);
	s15 =	ssub.f32 $1.500000000e+00, s15  }
0x1f0: {  	s28 =	ssub.f32 $1.500000000e+00, s25;
	(v2sf) =	vpush v58, $0xF;
	s26 =	smul.f32 s14, s20  }
0x1f1: {  	s18 =	ssub.f32 $1.500000000e+00, s18;
	s2 =	smul.f32 s15, s2  }
0x1f2: {  	s15 =	smul.f32 s28, s1  }
0x1f3: {  	s6 =	smul.f32 s6, s18  }
0x1f4: {  	v60 =	vadd.f32 v18, v17;
	s29 =	smul.f32 s26, s14  }
0x1f5: {  	v59, _, _ =	vpop (xrf2);
	s19 =	smul.f32 s15, s19  }
0x1f6: {  	v61 =	vld [tilespmem:s30+$0x184D0];
	v0 =	vadd.f32 v12, v60;
	s22 =	smul.f32 s6, s16;
	(v2sf) =	vpush v59, $0xF  }
0x1f7: {  	v5 =	vld [tilespmem:s30+$0x14460];
	s8 =	smul.f32 s2, s8;
	s31 =	ssub.f32 $1.500000000e+00, s29  }
0x1f8: {  	v11 =	vld [tilespmem:s30+$0x14440];
	v0 =	vadd.f32 v0, v13;
	s1 =	smul.f32 s22, s6  }
0x1f9: {  	v22 =	vld [tilespmem:s30+$0x18440];
	s14 =	smul.f32 s31, s14  }
0x1fa: {  	v3 =	vadd.f32 v16, v3;
	v62 =	vunpack.i.u.bf16.f32 v1;
	v26 =	vld [tilespmem:s30+$0x14470];
	v0 =	vadd.f32 v14, v0;
	s18 =	smul.f32 s19, s15;
	s25 =	ssub.f32 $1.500000000e+00, s1  }
0x1fb: {  	v27 =	vld [tilespmem:s30+$0x18450];
	v53 =	vunpack.i.l.bf16.f32 v1;
	v28 =	vunpack.i.l.bf16.f32 v7;
	v31 =	vunpack.i.u.bf16.f32 v7;
	s23 =	smul.f32 s14, s20  }
0x1fc: {  	v30 =	vld [tilespmem:s30+$0x14450];
	v3 =	vadd.f32 v10, v3;
	v24 =	vunpack.i.l.bf16.f32 v6;
	v0 =	vadd.f32 v0, v4;
	s24 =	ssub.f32 $1.500000000e+00, s18;
	s18 =	smul.f32 s25, s6  }
0x1fd: {  	v33 =	vld [tilespmem:s30+$0x144E0];
	v35 =	vunpack.i.u.bf16.f32 v6;
	v29 =	vunpack.i.l.bf16.f32 v9;
	v32 =	vunpack.i.u.bf16.f32 v9;
	s19 =	smul.f32 s23, s14  }
0x1fe: {  	v36 =	vld [tilespmem:s30+$0x184E0];
	v63 =	vunpack.i.u.bf16.f32 v15;
	v25 =	vunpack.i.l.bf16.f32 v15;
	v3 =	vadd.f32 v3, v8;
	(xrf2) =	vadd.scan.msk.f32 $0xffff, v0;
	s22 =	smul.f32 s24, s15  }
0x1ff: {  	v45 =	vld [tilespmem:s30+$0x144F0];
	v16 =	vsub.f32 v29, v28;
	v7 =	vsub.f32 v32, v31;
	v21 =	vunpack.i.l.bf16.f32 v61;
	s28 =	ssub.f32 $1.500000000e+00, s19;
	s26 =	spop (v2sf)  }
0x200: {  	v43 =	vld [tilespmem:s30+$0x184F0];
	v23 =	vunpack.i.l.bf16.f32 v5;
	v2 =	vunpack.i.u.bf16.f32 v61;
	v34 =	vunpack.i.l.bf16.f32 v11;
	s9 =	smul.f32 s22, s9;
	s1 =	sadd.f32 $9.999999960e-13, s26  }
0x201: {  	v37 =	vunpack.i.u.bf16.f32 v22;
	v10 =	vunpack.i.l.bf16.f32 v22;
	v38 =	vunpack.i.l.bf16.f32 v26;
	s19 =	smul.f32 s28, s14  }
0x202: {  	v39 =	vunpack.i.u.bf16.f32 v27;
	v8 =	vunpack.i.l.bf16.f32 v27;
	v40 =	vunpack.i.l.bf16.f32 v30;
	(xrf2) =	vadd.scan.msk.f32 $0xffff, v3;
	s29 =	sshra.s32 s1, $0x1;
	s15 =	smul.f32 $5.000000000e-01, s1  }
0x203: {  	v11 =	vunpack.i.u.bf16.f32 v11;
	v41 =	vunpack.i.l.bf16.f32 v33;
	v44 =	vunpack.i.l.bf16.f32 v36;
	s20 =	smul.f32 s19, s20;
	s24 =	ssub.s32 $0x5F3759DF, s29  }
0x204: {  	v18 =	vunpack.i.u.bf16.f32 v30;
	v9 =	vunpack.i.u.bf16.f32 v36;
	v50 =	vunpack.i.l.bf16.f32 v45;
	s25 =	smul.f32 s24, s15  }
0x205: {  	v51 =	vunpack.i.l.bf16.f32 v43;
	v10 =	vsub.f32 v34, v10;
	v11 =	vsub.f32 v11, v37;
	s31 =	spop (v2sf);
	s20 =	smul.f32 s20, s19  }
0x206: {  	v5 =	vunpack.i.u.bf16.f32 v5;
	v54 =	vunpack.i.u.bf16.f32 v26;
	v2 =	vsub.f32 v63, v2;
	s6 =	sadd.f32 $9.999999960e-13, s31;
	s2 =	smul.f32 s24, s25  }
0x207: {  	v8 =	vsub.f32 v40, v8;
	v11 =	vmul.f32 v11, v11;
	v10 =	vmul.f32 v10, v10;
	s25 =	smul.f32 s18, s16  }
0x208: {  	v16 =	vmul.f32 v16, v16;
	v15 =	vsub.f32 v41, v44;
	v46 =	vsub.f32 v18, v39;
	v42, _, _ =	vpop (xrf2);
	s20 =	ssub.f32 $1.500000000e+00, s20;
	s14 =	smul.f32 $5.000000000e-01, s6  }
0x209: {  	v8 =	vmul.f32 v8, v8;
	v10 =	vadd.f32 v10, v11;
	(v2sf) =	vpush v42, $0xF;
	s26 =	sshra.s32 s6, $0x1;
	s29 =	smul.f32 s25, s18  }
0x20a: {  	v7 =	vmul.f32 v7, v7;
	v5 =	vsub.f32 v5, v35;
	v13 =	vsub.f32 v23, v24;
	s22 =	ssub.s32 $0x5F3759DF, s26;
	s2 =	ssub.f32 $1.500000000e+00, s2;
	s19 =	smul.f32 s20, s19  }
0x20b: {  	v49 =	vmul.f32 v46, v46;
	v8 =	vadd.f32 v8, v10;
	v0 =	vsub.f32 v25, v21;
	s28 =	smul.f32 s22, s14  }
0x20c: {  	v1 =	vsub.f32 v38, v53;
	v7 =	vadd.f32 v16, v7;
	v52 =	vmul.f32 v13, v13;
	v47, _, _ =	vpop (xrf2);
	s2 =	smul.f32 s24, s2  }
0x20d: {  	v8 =	vadd.f32 v8, v49;
	v0 =	vmul.f32 v0, v0;
	(v2sf) =	vpush v47, $0xF;
	s26 =	ssub.f32 $1.500000000e+00, s29;
	s23 =	smul.f32 s22, s28  }
0x20e: {  	v55 =	vsub.f32 v54, v62;
	v2 =	vmul.f32 v2, v2;
	v5 =	vmul.f32 v5, v5;
	s31 =	smul.f32 s2, s15  }
0x20f: {  	v3 =	vunpack.i.u.bf16.f32 v33;
	v6 =	vadd.f32 v52, v8;
	v0 =	vadd.f32 v0, v7;
	s18 =	smul.f32 s26, s18;
	s23 =	ssub.f32 $1.500000000e+00, s23  }
0x210: {  	v57 =	vsub.f32 v50, v51;
	v48 =	vmul.f32 v15, v15;
	v3 =	vsub.f32 v3, v9;
	s28 =	smul.f32 s31, s2  }
0x211: {  	v1 =	vmul.f32 v1, v1;
	v56 =	vadd.f32 v6, v5;
	v0 =	vadd.f32 v0, v2;
	s22 =	smul.f32 s22, s23  }
0x212: {  	v58 =	vunpack.i.u.bf16.f32 v45;
	v59 =	vunpack.i.u.bf16.f32 v43;
	v3 =	vmul.f32 v3, v3;
	s16 =	smul.f32 s18, s16  }
0x213: {  	v2 =	vmul.f32 v55, v55;
	v1 =	vadd.f32 v1, v56;
	v0 =	vadd.f32 v48, v0;
	s31 =	smul.f32 s22, s14  }
0x214: {  	v60 =	vsub.f32 v58, v59;
	s29 =	ssub.f32 $1.500000000e+00, s28;
	s24 =	smul.f32 s16, s18  }
0x215: {  	v5 =	vmul.f32 v57, v57;
	v1 =	vadd.f32 v1, v2;
	v0 =	vadd.f32 v0, v3;
	s25 =	smul.f32 s31, s22  }
0x216: {  	s2 =	smul.f32 s29, s2;
	s28 =	ssub.f32 $1.500000000e+00, s24  }
0x217: {  	v61 =	vmul.f32 v60, v60;
	(xrf2) =	vadd.scan.msk.f32 $0xffff, v1;
	v0 =	vadd.f32 v5, v0;
	s23 =	smov.u32 s13;
	s13 =	smul.f32 s19, s13;
	s16 =	ssub.f32 $1.500000000e+00, s25  }
0x218: {  	s29 =	spop (v2sf);
	s26 =	smul.f32 s2, s15  }
0x219: {  	p4 =	slt.u32 s12, $0x27100;
	v0 =	vadd.f32 v0, v61;
	s12 =	sadd.f32 $9.999999960e-13, s29;
	s20 =	smul.f32 s16, s22  }
0x21a: {  	s4 =	sadd.f32 s21, s4;
	s23 =	simm.s32 @!p4 $0x0;
	s22 =	smul.f32 s28, s18  }
0x21b: {  	(xrf2) =	vadd.scan.msk.f32 $0xffff, v0;
	s24 =	sadd.f32 s23, s7;
	s25 =	sshra.s32 s12, $0x1;
	s18 =	smul.f32 $5.000000000e-01, s12  }
0x21c: {  	s31 =	smul.f32 s26, s2;
	s26 =	spop (v2sf);
	s28 =	ssub.s32 $0x5F3759DF, s25  }
0x21d: {  	s7 =	sadd.f32 $9.999999960e-13, s26;
	s29 =	smul.f32 s28, s18  }
0x21e: {  	s3 =	ssub.f32 $1.000000010e-01, s3;
	s16 =	smul.f32 s22, s11  }
0x21f: {  	s25 =	smov.u32 s11;
	s19 =	ssub.f32 $1.500000000e+00, s31;
	s11 =	smul.f32 $5.000000000e-01, s7  }
0x220: {  	s3 =	smax.f32 s3, $0.0e+00;
	s31 =	sshra.s32 s7, $0x1;
	s26 =	smul.f32 s20, s14  }
0x221: {  	v62, _, _ =	vpop (xrf2);
	s25 =	simm.s32 @!p4 $0x0;
	s2 =	smul.f32 s19, s2;
	s22 =	ssub.s32 $0x5F3759DF, s31  }
0x222: {  	(v2sf) =	vpush v62, $0xF;
	s19 =	sadd.f32 s25, s24;
	s25 =	smul.f32 s22, s11  }
0x223: {  	s3 =	simm.s32 @!p3 $0x0;
	s23 =	smul.f32 s28, s29  }
0x224: {  	s3 =	sadd.f32 s3, s4;
	s4 =	smul.f32 s26, s20  }
0x225: {  	v63, _, _ =	vpop (xrf2);
	s15 =	smul.f32 s2, s15  }
0x226: {  	(v2sf) =	vpush v63, $0xF;
	s21 =	smul.f32 s22, s25;
	s23 =	ssub.f32 $1.500000000e+00, s23  }
0x227: {  	s4 =	ssub.f32 $1.500000000e+00, s4;
	s15 =	smul.f32 s15, s2  }
0x228: {  	s23 =	smul.f32 s28, s23  }
0x229: {  	s9 =	ssub.f32 $1.000000010e-01, s9;
	s4 =	smul.f32 s4, s20  }
0x22a: {  	s15 =	ssub.f32 $1.500000000e+00, s15;
	s28 =	smul.f32 s23, s18  }
0x22b: {  	p3 =	por p2, p2;
	s29 =	ssub.f32 $1.500000000e+00, s21;
	s14 =	smul.f32 s4, s14  }
0x22c: {  	p2 =	slt.u32 s5, $0x27100;
	s8 =	ssub.f32 $1.000000010e-01, s8;
	s2 =	smul.f32 s15, s2  }
0x22d: {  	s9 =	smax.f32 s9, $0.0e+00;
	s20 =	smov.u32 s1;
	s15 =	smul.f32 s22, s29  }
0x22e: {  	s24 =	smax.f32 s8, $0.0e+00;
	s20 =	simm.s32 @!p2 $0x0;
	s8 =	smul.f32 s28, s23  }
0x22f: {  	s19 =	sadd.f32 s20, s19;
	s31 =	smul.f32 s15, s11  }
0x230: {  	s14 =	smul.f32 s14, s4;
	s8 =	ssub.f32 $1.500000000e+00, s8  }
0x231: {  	s26 =	spop (v2sf);
	s22 =	smul.f32 s31, s15  }
0x232: {  	s24 =	simm.s32 @!p3 $0x0;
	s14 =	ssub.f32 $1.500000000e+00, s14;
	s21 =	smul.f32 s8, s23  }
0x233: {  	s31 =	sadd.f32 s24, s3;
	s8 =	smul.f32 s2, s1  }
0x234: {  	s1 =	sadd.f32 $9.999999960e-13, s26;
	s14 =	smul.f32 s14, s4  }
0x235: {  	s24 =	spop (v2sf);
	s23 =	smul.f32 s21, s18  }
0x236: {  	s3 =	sadd.f32 $9.999999960e-13, s24;
	s4 =	smul.f32 $5.000000000e-01, s1  }
0x237: {  	s20 =	smov.u32 s6;
	s25 =	ssub.f32 $1.500000000e+00, s22;
	s6 =	smul.f32 s14, s6  }
0x238: {  	s20 =	simm.s32 @!p2 $0x0;
	s14 =	sadd.s32 $0x2, s5;
	s5 =	smul.f32 $5.000000000e-01, s3  }
0x239: {  	s9 =	simm.s32 @!p3 $0x0;
	s19 =	sadd.f32 s20, s19;
	s2 =	smul.f32 s25, s15  }
0x23a: {  	s9 =	sadd.f32 s9, s31;
	s28 =	smul.f32 s23, s21;
	s23 =	sshra.s32 s1, $0x1  }
0x23b: {  	s22 =	smov.u32 s12;
	s25 =	ssub.s32 $0x5F3759DF, s23;
	s31 =	smul.f32 s2, s11  }
0x23c: {  	p3 =	slt.u32 s14, $0x27100;
	s29 =	ssub.f32 $1.500000000e+00, s28;
	s26 =	smul.f32 s25, s4  }
0x23d: {  	s22 =	simm.s32 @!p3 $0x0;
	s23 =	smul.f32 s31, s2  }
0x23e: {  	s19 =	sadd.f32 s22, s19;
	s28 =	sshra.s32 s3, $0x1;
	s15 =	smul.f32 s29, s21  }
0x23f: {  	s22 =	smov.u32 s7;
	s20 =	ssub.s32 $0x5F3759DF, s28;
	s21 =	smul.f32 s25, s26  }
0x240: {  	s22 =	simm.s32 @!p3 $0x0;
	s29 =	smul.f32 s20, s5  }
0x241: {  	s19 =	sadd.f32 s22, s19;
	s18 =	smul.f32 s15, s18  }
0x242: {  	s21 =	ssub.f32 $1.500000000e+00, s21;
	s24 =	smul.f32 s20, s29  }
0x243: {  	s22 =	ssub.f32 $1.500000000e+00, s23;
	s18 =	smul.f32 s18, s15  }
0x244: {  	s13 =	ssub.f32 $1.000000010e-01, s13;
	s21 =	smul.f32 s25, s21  }
0x245: {  	s2 =	smul.f32 s22, s2;
	s26 =	ssub.f32 $1.500000000e+00, s24  }
0x246: {  	s18 =	ssub.f32 $1.500000000e+00, s18;
	s25 =	smul.f32 s21, s4  }
0x247: {  	p4 =	por p4, p4;
	s16 =	ssub.f32 $1.000000010e-01, s16;
	s28 =	smul.f32 s20, s26  }
0x248: {  	s13 =	smax.f32 s13, $0.0e+00;
	p4 =	por p4, p4;
	s15 =	smul.f32 s18, s15  }
0x249: {  	s13 =	simm.s32 @!p4 $0x0;
	s16 =	smax.f32 s16, $0.0e+00;
	s18 =	smul.f32 s25, s21  }
0x24a: {  	s9 =	sadd.f32 s13, s9;
	s20 =	smul.f32 s28, s5  }
0x24b: {  	s11 =	smul.f32 s2, s11;
	s18 =	ssub.f32 $1.500000000e+00, s18  }
0x24c: {  	s16 =	simm.s32 @!p4 $0x0;
	s29 =	smul.f32 s20, s28  }
0x24d: {  	s9 =	sadd.f32 s16, s9;
	s18 =	smul.f32 s18, s21  }
0x24e: {  	s11 =	smul.f32 s11, s2;
	s16 =	ssub.f32 $1.500000000e+00, s29  }
0x24f: {  	s31 =	smul.f32 s18, s4  }
0x250: {  	s8 =	ssub.f32 $1.000000010e-01, s8;
	s13 =	smul.f32 s16, s28  }
0x251: {  	s21 =	smul.f32 s31, s18  }
0x252: {  	s8 =	smax.f32 s8, $0.0e+00;
	s22 =	smul.f32 s13, s5  }
0x253: {  	s12 =	smul.f32 s15, s12;
	s23 =	ssub.f32 $1.500000000e+00, s21  }
0x254: {  	s11 =	ssub.f32 $1.500000000e+00, s11;
	s24 =	smul.f32 s22, s13  }
0x255: {  	p2 =	por p2, p2;
	s6 =	ssub.f32 $1.000000010e-01, s6;
	s15 =	smul.f32 s23, s18  }
0x256: {  	p4 =	por p2, p2;
	s2 =	smul.f32 s11, s2;
	s25 =	ssub.f32 $1.500000000e+00, s24  }
0x257: {  	s8 =	simm.s32 @!p4 $0x0;
	s6 =	smax.f32 s6, $0.0e+00;
	s4 =	smul.f32 s15, s4  }
0x258: {  	s8 =	sadd.f32 s8, s9;
	s26 =	smul.f32 s25, s13  }
0x259: {  	s6 =	simm.s32 @!p4 $0x0;
	s4 =	smul.f32 s4, s15  }
0x25a: {  	s6 =	sadd.f32 s6, s8;
	s5 =	smul.f32 s26, s5  }
0x25b: {  	s2 =	smul.f32 s2, s7;
	s4 =	ssub.f32 $1.500000000e+00, s4  }
0x25c: {  	s14 =	sadd.s32 $0x2, s14;
	s28 =	ssub.f32 $1.000000010e-01, s12;
	s5 =	smul.f32 s5, s26  }
0x25d: {  	p2 =	slt.u32 s14, $0x27100;
	s2 =	ssub.f32 $1.000000010e-01, s2;
	s4 =	smul.f32 s4, s15  }
0x25e: {  	s14 =	smov.u32 s1;
	p3 =	por p3, p3;
	s5 =	ssub.f32 $1.500000000e+00, s5  }
0x25f: {  	p3 =	por p3, p3;
	s7 =	smax.f32 s28, $0.0e+00;
	s1 =	smul.f32 s4, s1  }
0x260: {  	s7 =	simm.s32 @!p3 $0x0;
	s29 =	smul.f32 s5, s26  }
0x261: {  	s2 =	smax.f32 s2, $0.0e+00;
	s31 =	sadd.f32 s7, s6  }
0x262: {  	s2 =	simm.s32 @!p3 $0x0;
	s1 =	ssub.f32 $1.000000010e-01, s1;
	s4 =	smul.f32 s29, s3  }
0x263: {  	p6 =	por p2, p2;
	s2 =	sadd.f32 s2, s31  }
0x264: {  	p3 =	por p6, p6;
	s1 =	smax.f32 s1, $0.0e+00;
	s4 =	ssub.f32 $1.000000010e-01, s4  }
.Ltmp4:
0x265: {  	s1 =	simm.s32 @!p3 $0x0;
	(pc) =	sbr.rel @p1 .LBB2_8-.Ltmp4, $4  }
0x266: {  	s14 =	simm.s32 @!p2 $0x0;
	s1 =	sadd.f32 s1, s2;
	s2 =	smax.f32 s4, $0.0e+00  }
0x267: {  	s14 =	sadd.f32 s14, s19;
	s2 =	simm.s32 @!p3 $0x0  }
0x268: {  	s3 =	simm.s32 @!p2 $0x0;
	s30 =	sadd.f32 s2, s1  }
0x269: {  	s18 =	sadd.f32 s3, s14  }
0x26a: {  	s1 =	sadd.s32 $0x9DC0, s17;
	s2 =	rddreg [dreg:$0x1]  }
.Ltmp5:
0x26b: {  	s3 =	simm.s32 $0x80;
	s4 =	simm.s32 $0x14440;
	(pc) =	sbr.rel .LBB2_2-.Ltmp5, $4  }
0x26c: {  	[tilespmem:s4], [sflag:$0x4] =	stream.indirect.gather [spmem:s2], $0x40, s1, s3, $0xb8;
	[tilespmem:$0x1C640] =	vst v63  }
0x26d: {  	s28 =	sadd.s32 $0xB1C0, s17;
	s29 =	simm.s32 $0x18440;
	s31 =	rddreg [dreg:$0x10]  }
0x26e: {  	[tilespmem:s29], [sflag:$0x5] =	stream.indirect.gather [spmem:s2], $0x40, s28, s3, $0xb8;
	[tilespmem:$0x1C640] =	vst v63  }
0x26f: {  	s10 =	sadd.s32 $0x100, s10;
	s0 =	sadd.s32 $0x100, s0;
	s2 =	sadd.s32 $0x1, s31  }
.LBB2_8:
0x270: {  	s10 =	simm.s32 $0x0;
	s0 =	rddreg [dreg:$0x5]  }
0x271: {  	s1 =	simm.s32 $0x9C40;
	s2 =	simm.s32 $0x6;
	[dreg:$0xd] =	wrdreg s18  }
0x272: {  	[tilespmem:s1], [sflag:$0x6] =	stream.linear.gather [hbm4b:s0+s10], $0x1400, $0x38;
	[tilespmem:$0x1C640] =	vst v63  }
0x273: {  	_ =	swait.ge [sflag:s2], $0x1400  }
0x274: {  	[sflag:s2] =	ssyncset.done $0x0  }
0x275: {  	s3 =	simm.s32 $0xB040;
	s21 =	rddreg [dreg:$0x6];
	[sflag:s2] =	ssyncadd.s32 $0xFFFFEC00  }
0x276: {  	[tilespmem:s3], [sflag:$0x6] =	stream.linear.gather [hbm4b:s21+s10], $0x1400, $0x38;
	[tilespmem:$0x1C640] =	vst v63  }
0x277: {  	_ =	swait.ge [sflag:s2], $0x1400  }
0x278: {  	[sflag:s2] =	ssyncset.done $0x0  }
0x279: {  	[sflag:s2] =	ssyncadd.s32 $0xFFFFEC00  }
0x27a: {  	s23 =	simm.s32 $0x80;
	s4 =	simm.s32 $0xC440;
	s22 =	rddreg [dreg:$0x1]  }
0x27b: {  	[tilespmem:s4], [sflag:$0x2] =	stream.indirect.gather [spmem:s22], $0x40, s1, s23, $0xb8;
	[tilespmem:$0x1C640] =	vst v63  }
0x27c: {  	s24 =	simm.s32 $0x10440;
	s25 =	simm.s32 $0x9CC0;
	s26 =	simm.s32 $0x14440  }
0x27d: {  	[tilespmem:s24], [sflag:$0x3] =	stream.indirect.gather [spmem:s22], $0x40, s3, s23, $0xb8;
	[tilespmem:$0x1C640] =	vst v63  }
0x27e: {  	s29 =	simm.s32 $0xB0C0;
	s31 =	simm.s32 $0x18440;
	s28 =	rddreg [dreg:$0x9]  }
0x27f: {  	[tilespmem:s26], [sflag:$0x4] =	stream.indirect.gather [spmem:s22], $0x40, s25, s23, $0xb8;
	[tilespmem:$0x1C640] =	vst v63  }
0x280: {  	s18 =	simm.f32 $0.0e+00;
	s4 =	simm.f32 $0.0e+00;
	s25 =	rddreg [dreg:$0xa]  }
0x281: {  	[tilespmem:s31], [sflag:$0x5] =	stream.indirect.gather [spmem:s22], $0x40, s29, s23, $0xb8;
	[tilespmem:$0x1C640] =	vst v63  }
.LBB2_9:
0x282: {  	[dreg:$0xf] =	wrdreg s25;
	s0 =	simm.s32 $0x2  }
0x283: {  	_ =	swait.ge [sflag:s0], $0x2000  }
0x284: {  	[sflag:s0] =	ssyncset.done $0x0  }
0x285: {  	s11 =	simm.s32 $0x3;
	[sflag:s0] =	ssyncadd.s32 $0xFFFFE000  }
0x286: {  	_ =	swait.ge [sflag:s11], $0x2000  }
0x287: {  	[sflag:s11] =	ssyncset.done $0x0  }
0x288: {  	s1 =	simm.s32 $0x0;
	[sflag:s11] =	ssyncadd.s32 $0xFFFFE000  }
0x289: {  	v0 =	vld [tilespmem:s1+$0x10470]  }
0x28a: {  	v1 =	vld [tilespmem:s1+$0x10460]  }
0x28b: {  	v2 =	vld [tilespmem:s1+$0xC4D0]  }
0x28c: {  	v3 =	vld [tilespmem:s1+$0x104D0]  }
0x28d: {  	v4 =	vld [tilespmem:s1+$0xC460]  }
0x28e: {  	v5 =	vld [tilespmem:s1+$0x104C0]  }
0x28f: {  	v6 =	vld [tilespmem:s1+$0xC4C0]  }
0x290: {  	v7 =	vld [tilespmem:s1+$0xC450]  }
0x291: {  	v12 =	vld [tilespmem:s1+$0x10440]  }
0x292: {  	s12 =	simm.s32 $0x100;
	v16 =	vld [tilespmem:s1+$0x10450]  }
0x293: {  	v23 =	vld [tilespmem:s12+$0x10450]  }
0x294: {  	v35 =	vld [tilespmem:s12+$0x104E0];
	v8 =	vunpack.i.u.bf16.f32 v0;
	v10 =	vunpack.i.u.bf16.f32 v2  }
0x295: {  	s13 =	simm.s32 $0x200;
	v26 =	vld [tilespmem:s12+$0x104F0];
	v11 =	vunpack.i.l.bf16.f32 v3;
	v13 =	vunpack.i.l.bf16.f32 v4;
	v14 =	vunpack.i.l.bf16.f32 v1  }
0x296: {  	v38 =	vld [tilespmem:s13+$0xC450];
	v2 =	vunpack.i.l.bf16.f32 v2;
	v15 =	vunpack.i.l.bf16.f32 v5;
	v3 =	vunpack.i.u.bf16.f32 v3  }
0x297: {  	v42 =	vld [tilespmem:s13+$0xC4F0];
	v17 =	vunpack.i.l.bf16.f32 v6;
	v5 =	vunpack.i.u.bf16.f32 v5;
	v6 =	vunpack.i.u.bf16.f32 v6  }
0x298: {  	v1 =	vunpack.i.u.bf16.f32 v1;
	v18 =	vunpack.i.u.bf16.f32 v12;
	v12 =	vunpack.i.l.bf16.f32 v12  }
0x299: {  	v9 =	vld [tilespmem:s1+$0xC440];
	v19 =	vunpack.i.u.bf16.f32 v16;
	v16 =	vunpack.i.l.bf16.f32 v16;
	v21 =	vunpack.i.l.bf16.f32 v7  }
0x29a: {  	v7 =	vunpack.i.u.bf16.f32 v7;
	v4 =	vunpack.i.u.bf16.f32 v4;
	v0 =	vunpack.i.l.bf16.f32 v0  }
0x29b: {  	v20 =	vld [tilespmem:s1+$0x104F0];
	v25 =	vunpack.i.u.bf16.f32 v23;
	v23 =	vunpack.i.l.bf16.f32 v23;
	v28 =	vunpack.i.l.bf16.f32 v35  }
0x29c: {  	v37 =	vunpack.i.l.bf16.f32 v26;
	v40 =	vunpack.i.l.bf16.f32 v38;
	v45 =	vunpack.i.l.bf16.f32 v42  }
0x29d: {  	v47 =	vunpack.i.u.bf16.f32 v42;
	v13 =	vsub.f32 v13, v14;
	v15 =	vsub.f32 v17, v15  }
0x29e: {  	v3 =	vsub.f32 v10, v3;
	v17 =	vunpack.i.l.bf16.f32 v9;
	v5 =	vsub.f32 v6, v5  }
0x29f: {  	v14 =	vld [tilespmem:s1+$0xC470];
	v2 =	vsub.f32 v2, v11;
	v16 =	vsub.f32 v21, v16;
	v9 =	vunpack.i.u.bf16.f32 v9  }
0x2a0: {  	v10 =	vld [tilespmem:s1+$0xC4E0];
	v7 =	vsub.f32 v7, v19;
	v19 =	vunpack.i.l.bf16.f32 v20;
	v15 =	vmul.f32 v15, v15  }
0x2a1: {  	v6 =	vld [tilespmem:s1+$0x104E0];
	v1 =	vsub.f32 v4, v1;
	v5 =	vmul.f32 v5, v5;
	v2 =	vmul.f32 v2, v2  }
0x2a2: {  	v9 =	vsub.f32 v9, v18;
	v16 =	vmul.f32 v16, v16;
	v3 =	vmul.f32 v3, v3  }
0x2a3: {  	v12 =	vsub.f32 v17, v12;
	v7 =	vmul.f32 v7, v7;
	v13 =	vmul.f32 v13, v13  }
0x2a4: {  	v18 =	vunpack.i.u.bf16.f32 v20;
	v1 =	vmul.f32 v1, v1;
	v9 =	vmul.f32 v9, v9  }
0x2a5: {  	v11 =	vld [tilespmem:s1+$0xC4F0];
	v12 =	vmul.f32 v12, v12;
	v5 =	vadd.f32 v15, v5;
	v17 =	vunpack.i.l.bf16.f32 v14  }
0x2a6: {  	v15 =	vunpack.i.l.bf16.f32 v10;
	v21 =	vunpack.i.l.bf16.f32 v6;
	v10 =	vunpack.i.u.bf16.f32 v10  }
0x2a7: {  	v6 =	vunpack.i.u.bf16.f32 v6;
	v9 =	vadd.f32 v12, v9;
	v15 =	vsub.f32 v15, v21  }
0x2a8: {  	v12 =	vld [tilespmem:s12+$0xC4D0];
	v14 =	vunpack.i.u.bf16.f32 v14;
	v6 =	vsub.f32 v10, v6;
	v2 =	vadd.f32 v2, v5  }
0x2a9: {  	v0 =	vsub.f32 v17, v0;
	v5 =	vld [tilespmem:s12+$0x104D0];
	v9 =	vadd.f32 v16, v9;
	v10 =	vmul.f32 v15, v15  }
0x2aa: {  	v16 =	vld [tilespmem:s12+$0xC460];
	v15 =	vunpack.i.l.bf16.f32 v11;
	v6 =	vmul.f32 v6, v6;
	v2 =	vadd.f32 v2, v3  }
0x2ab: {  	v11 =	vunpack.i.u.bf16.f32 v11;
	v3 =	vsub.f32 v14, v8;
	v8 =	vld [tilespmem:s12+$0xC4C0];
	v7 =	vadd.f32 v9, v7  }
0x2ac: {  	v0 =	vmul.f32 v0, v0;
	v14 =	vld [tilespmem:s12+$0xC440];
	v15 =	vsub.f32 v15, v19;
	v4 =	vsub.f32 v11, v18  }
0x2ad: {  	v19 =	vld [tilespmem:s12+$0x10470];
	v2 =	vadd.f32 v10, v2;
	v9 =	vmul.f32 v3, v3;
	v7 =	vadd.f32 v13, v7  }
0x2ae: {  	v13 =	vunpack.i.u.bf16.f32 v12;
	v18 =	vunpack.i.l.bf16.f32 v5;
	v5 =	vunpack.i.u.bf16.f32 v5  }
0x2af: {  	v3 =	vld [tilespmem:s12+$0xC450];
	v11 =	vmul.f32 v15, v15;
	v4 =	vmul.f32 v4, v4;
	v5 =	vsub.f32 v13, v5  }
0x2b0: {  	v15 =	vld [tilespmem:s12+$0x10460];
	v21 =	vunpack.i.l.bf16.f32 v16;
	v2 =	vadd.f32 v2, v6;
	v1 =	vadd.f32 v7, v1  }
0x2b1: {  	v7 =	vunpack.i.l.bf16.f32 v12;
	v24 =	vunpack.i.l.bf16.f32 v8;
	v13 =	vunpack.i.l.bf16.f32 v14  }
0x2b2: {  	v17 =	vld [tilespmem:s12+$0x104C0];
	v14 =	vunpack.i.u.bf16.f32 v14;
	v10 =	vunpack.i.u.bf16.f32 v19;
	v7 =	vsub.f32 v7, v18  }
0x2b3: {  	v19 =	vunpack.i.l.bf16.f32 v19;
	v5 =	vmul.f32 v5, v5;
	v2 =	vadd.f32 v11, v2  }
0x2b4: {  	v20 =	vld [tilespmem:s12+$0x10440];
	v1 =	vadd.f32 v0, v1;
	v0 =	vunpack.i.u.bf16.f32 v8;
	v18 =	vunpack.i.l.bf16.f32 v3  }
0x2b5: {  	v3 =	vunpack.i.u.bf16.f32 v3;
	v22 =	vunpack.i.l.bf16.f32 v15;
	v15 =	vunpack.i.u.bf16.f32 v15  }
0x2b6: {  	v18 =	vsub.f32 v18, v23;
	v23 =	vunpack.i.u.bf16.f32 v35;
	v7 =	vmul.f32 v7, v7  }
0x2b7: {  	v36 =	vsub.f32 v3, v25;
	v12 =	vsub.f32 v21, v22;
	v22 =	vunpack.i.l.bf16.f32 v17  }
0x2b8: {  	v8 =	vld [tilespmem:s12+$0xC4E0];
	v2 =	vadd.f32 v2, v4;
	v17 =	vunpack.i.u.bf16.f32 v17;
	v22 =	vsub.f32 v24, v22  }
0x2b9: {  	v21 =	vld [tilespmem:s12+$0xC470];
	v0 =	vsub.f32 v0, v17;
	v17 =	vunpack.i.l.bf16.f32 v20;
	v20 =	vunpack.i.u.bf16.f32 v20  }
0x2ba: {  	v18 =	vmul.f32 v18, v18;
	v13 =	vsub.f32 v13, v17;
	v14 =	vsub.f32 v14, v20  }
0x2bb: {  	v1 =	vadd.f32 v1, v9;
	v22 =	vmul.f32 v22, v22;
	v0 =	vmul.f32 v0, v0  }
0x2bc: {  	v24 =	vunpack.i.u.bf16.f32 v38;
	v14 =	vmul.f32 v14, v14;
	v13 =	vmul.f32 v13, v13  }
0x2bd: {  	v27 =	vld [tilespmem:s12+$0xC4F0];
	v22 =	vadd.f32 v22, v0;
	v0 =	vunpack.i.l.bf16.f32 v8;
	v8 =	vunpack.i.u.bf16.f32 v8  }
0x2be: {  	(xrf2) =	vadd.scan.msk.f32 $0xffff, v1;
	v17 =	vunpack.i.l.bf16.f32 v21;
	v0 =	vsub.f32 v0, v28;
	v8 =	vsub.f32 v8, v23  }
0x2bf: {  	v20 =	vunpack.i.u.bf16.f32 v26;
	v13 =	vadd.f32 v13, v14;
	v17 =	vsub.f32 v17, v19  }
0x2c0: {  	(xrf2) =	vadd.scan.msk.f32 $0xffff, v2;
	v19 =	vunpack.i.u.bf16.f32 v21;
	v21 =	vmul.f32 v36, v36;
	v7 =	vadd.f32 v7, v22  }
0x2c1: {  	v6 =	vld [tilespmem:s13+$0xC460];
	v10 =	vsub.f32 v19, v10;
	v23 =	vmul.f32 v0, v0;
	v3 =	vmul.f32 v8, v8  }
0x2c2: {  	v14 =	vld [tilespmem:s13+$0xC4D0];
	v8 =	vunpack.i.u.bf16.f32 v16;
	v16 =	vunpack.i.u.bf16.f32 v27;
	v13 =	vadd.f32 v18, v13  }
0x2c3: {  	v0 =	vunpack.i.l.bf16.f32 v27;
	v8 =	vsub.f32 v8, v15;
	v15 =	vsub.f32 v16, v20;
	v16 =	vld [tilespmem:s13+$0x10470]  }
0x2c4: {  	v12 =	vmul.f32 v12, v12;
	v9 =	vmul.f32 v17, v17;
	v0 =	vsub.f32 v0, v37;
	v20 =	vld [tilespmem:s13+$0x10460]  }
0x2c5: {  	v5 =	vadd.f32 v7, v5;
	v7 =	vld [tilespmem:s13+$0x104D0];
	v10 =	vmul.f32 v10, v10;
	v13 =	vadd.f32 v13, v21  }
0x2c6: {  	v21 =	vunpack.i.l.bf16.f32 v6;
	v6 =	vunpack.i.u.bf16.f32 v6;
	v0 =	vmul.f32 v0, v0  }
0x2c7: {  	v18 =	vld [tilespmem:s13+$0x104C0];
	v15 =	vmul.f32 v15, v15;
	v8 =	vmul.f32 v8, v8;
	v5 =	vadd.f32 v23, v5  }
0x2c8: {  	v17 =	vld [tilespmem:s13+$0xC4C0];
	v4 =	vunpack.i.u.bf16.f32 v14;
	v2 =	vunpack.i.l.bf16.f32 v14;
	v12 =	vadd.f32 v12, v13;
	v41, _, _ =	vpop (xrf2)  }
0x2c9: {  	(v2sf) =	vpush v41, $0xF;
	v3 =	vadd.f32 v5, v3;
	v11 =	vunpack.i.u.bf16.f32 v16  }
0x2ca: {  	v1 =	vld [tilespmem:s13+$0xC440];
	v44, _, _ =	vpop (xrf2);
	v13 =	vunpack.i.l.bf16.f32 v7;
	v22 =	vunpack.i.l.bf16.f32 v20;
	v8 =	vadd.f32 v12, v8  }
0x2cb: {  	v19 =	vld [tilespmem:s13+$0x10440];
	v7 =	vunpack.i.u.bf16.f32 v7;
	v20 =	vunpack.i.u.bf16.f32 v20;
	(v2sf) =	vpush v44, $0xF  }
0x2cc: {  	v23 =	vld [tilespmem:s13+$0x10450];
	v16 =	vunpack.i.l.bf16.f32 v16;
	v12 =	vsub.f32 v21, v22;
	v21 =	vunpack.i.l.bf16.f32 v18  }
0x2cd: {  	v14 =	vld [tilespmem:s13+$0xC470];
	v22 =	vunpack.i.l.bf16.f32 v17;
	v7 =	vsub.f32 v4, v7;
	v2 =	vsub.f32 v2, v13  }
0x2ce: {  	v18 =	vunpack.i.u.bf16.f32 v18;
	v6 =	vsub.f32 v6, v20;
	v0 =	vadd.f32 v0, v3  }
0x2cf: {  	v8 =	vadd.f32 v9, v8;
	v9 =	vunpack.i.u.bf16.f32 v17;
	v17 =	vsub.f32 v22, v21  }
0x2d0: {  	v21 =	vunpack.i.l.bf16.f32 v1;
	v22 =	vunpack.i.l.bf16.f32 v19;
	v19 =	vunpack.i.u.bf16.f32 v19  }
0x2d1: {  	v39 =	vunpack.i.u.bf16.f32 v23;
	v23 =	vunpack.i.l.bf16.f32 v23;
	v1 =	vunpack.i.u.bf16.f32 v1  }
0x2d2: {  	v9 =	vsub.f32 v9, v18;
	v21 =	vsub.f32 v21, v22;
	v22 =	vunpack.i.l.bf16.f32 v14  }
0x2d3: {  	v13 =	vld [tilespmem:s13+$0x104F0];
	v23 =	vsub.f32 v40, v23;
	v2 =	vmul.f32 v2, v2;
	v19 =	vsub.f32 v1, v19  }
0x2d4: {  	v4 =	vld [tilespmem:s13+$0xC4E0];
	v7 =	vmul.f32 v7, v7;
	v12 =	vmul.f32 v12, v12;
	v14 =	vunpack.i.u.bf16.f32 v14  }
0x2d5: {  	v18 =	vld [tilespmem:s13+$0x104E0];
	v5 =	vmul.f32 v6, v6;
	v0 =	vadd.f32 v0, v15;
	v17 =	vmul.f32 v17, v17  }
0x2d6: {  	s6 =	simm.s32 $0x300;
	v8 =	vadd.f32 v8, v10;
	v9 =	vmul.f32 v9, v9;
	v19 =	vmul.f32 v19, v19  }
0x2d7: {  	v11 =	vsub.f32 v14, v11;
	v14 =	vld [tilespmem:s6+$0xC4C0];
	v20 =	vmul.f32 v21, v21;
	v23 =	vmul.f32 v23, v23  }
0x2d8: {  	v21 =	vld [tilespmem:s6+$0x10470];
	v46 =	vunpack.i.l.bf16.f32 v13;
	v13 =	vunpack.i.u.bf16.f32 v13;
	v9 =	vadd.f32 v17, v9  }
0x2d9: {  	v17 =	vunpack.i.l.bf16.f32 v4;
	v4 =	vunpack.i.u.bf16.f32 v4;
	v13 =	vsub.f32 v47, v13  }
0x2da: {  	v19 =	vadd.f32 v20, v19;
	v43 =	vunpack.i.l.bf16.f32 v18;
	v18 =	vunpack.i.u.bf16.f32 v18  }
0x2db: {  	(xrf2) =	vadd.scan.msk.f32 $0xffff, v8;
	v8 =	vmul.f32 v11, v11;
	v20 =	vld [tilespmem:s6+$0x10450];
	v17 =	vsub.f32 v17, v43;
	v4 =	vsub.f32 v4, v18  }
0x2dc: {  	v48 =	vld [tilespmem:s6+$0x10460];
	v18 =	vsub.f32 v24, v39;
	v9 =	vadd.f32 v2, v9;
	v2 =	vmul.f32 v13, v13  }
0x2dd: {  	v10 =	vld [tilespmem:s6+$0xC460];
	v13 =	vsub.f32 v22, v16;
	v22 =	vunpack.i.l.bf16.f32 v14;
	v11 =	vunpack.i.u.bf16.f32 v21  }
0x2de: {  	v16 =	vld [tilespmem:s6+$0xC4D0];
	v7 =	vadd.f32 v9, v7;
	v9 =	vmul.f32 v18, v18;
	v18 =	vadd.f32 v23, v19  }
0x2df: {  	v6 =	vld [tilespmem:s6+$0x104C0];
	v17 =	vmul.f32 v17, v17;
	v1 =	vmul.f32 v4, v4;
	v4 =	vsub.f32 v45, v46  }
0x2e0: {  	v19 =	vld [tilespmem:s6+$0x104D0];
	v13 =	vmul.f32 v13, v13;
	v51 =	vunpack.i.u.bf16.f32 v20;
	v9 =	vadd.f32 v18, v9  }
0x2e1: {  	v23 =	vld [tilespmem:s6+$0xC450];
	v20 =	vunpack.i.l.bf16.f32 v20;
	v4 =	vmul.f32 v4, v4;
	v7 =	vadd.f32 v17, v7;
	s14 =	spop (v2sf)  }
0x2e2: {  	v17 =	vunpack.i.l.bf16.f32 v10;
	v18 =	vunpack.i.l.bf16.f32 v48;
	v3 =	vadd.f32 v12, v9;
	s1 =	sadd.f32 $9.999999960e-13, s14  }
0x2e3: {  	(xrf2) =	vadd.scan.msk.f32 $0xffff, v0;
	v0 =	vunpack.i.l.bf16.f32 v16;
	v12 =	vunpack.i.u.bf16.f32 v16;
	v16 =	vsub.f32 v17, v18  }
0x2e4: {  	v18 =	vunpack.i.l.bf16.f32 v6;
	v6 =	vunpack.i.u.bf16.f32 v6;
	v3 =	vadd.f32 v3, v5;
	v5 =	vld [tilespmem:s6+$0x10440];
	s2 =	sshra.s32 s1, $0x1;
	s3 =	smul.f32 $5.000000000e-01, s1  }
0x2e5: {  	v9 =	vld [tilespmem:s6+$0xC440];
	v7 =	vadd.f32 v7, v1;
	v15 =	vunpack.i.l.bf16.f32 v19;
	v19 =	vunpack.i.u.bf16.f32 v19;
	s2 =	ssub.s32 $0x5F3759DF, s2  }
0x2e6: {  	v17 =	vld [tilespmem:s6+$0xC470];
	v12 =	vsub.f32 v12, v19;
	v0 =	vsub.f32 v0, v15;
	v15 =	vunpack.i.l.bf16.f32 v23;
	s7 =	smul.f32 s2, s3  }
0x2e7: {  	v7 =	vadd.f32 v4, v7;
	v15 =	vsub.f32 v15, v20;
	v20 =	vunpack.i.u.bf16.f32 v23  }
0x2e8: {  	v13 =	vadd.f32 v13, v3;
	v3 =	vunpack.i.u.bf16.f32 v14;
	v14 =	vsub.f32 v22, v18;
	s7 =	smul.f32 s2, s7  }
0x2e9: {  	v22 =	vunpack.i.u.bf16.f32 v48;
	v49 =	vunpack.i.u.bf16.f32 v5;
	v5 =	vunpack.i.l.bf16.f32 v5  }
0x2ea: {  	s5 =	spop (v2sf);
	v18 =	vld [tilespmem:s6+$0xC4E0];
	v20 =	vsub.f32 v20, v51;
	v12 =	vmul.f32 v12, v12;
	v2 =	vadd.f32 v7, v2;
	s7 =	ssub.f32 $1.500000000e+00, s7  }
0x2eb: {  	s21 =	sadd.f32 $9.999999960e-13, s5;
	v19 =	vunpack.i.l.bf16.f32 v9;
	v3 =	vsub.f32 v3, v6;
	v6 =	vld [tilespmem:s6+$0x104E0];
	v50 =	vunpack.i.l.bf16.f32 v17  }
0x2ec: {  	v9 =	vunpack.i.u.bf16.f32 v9;
	v15 =	vmul.f32 v15, v15;
	v19 =	vsub.f32 v19, v5;
	v5, _, _ =	vpop (xrf2);
	s2 =	smul.f32 s2, s7  }
0x2ed: {  	v53 =	vld [tilespmem:s6+$0x104F0];
	s8 =	sshra.s32 s21, $0x1;
	s5 =	smul.f32 $5.000000000e-01, s21;
	v14 =	vmul.f32 v14, v14;
	v3 =	vmul.f32 v3, v3;
	(v2sf) =	vpush v5, $0xF  }
0x2ee: {  	v52 =	vld [tilespmem:s6+$0xC4F0];
	s15 =	ssub.s32 $0x5F3759DF, s8;
	v20 =	vmul.f32 v20, v20;
	v13 =	vadd.f32 v13, v8;
	v9 =	vsub.f32 v9, v49;
	v23, _, _ =	vpop (xrf2);
	s17 =	smul.f32 s2, s3  }
0x2ef: {  	s8 =	smul.f32 s15, s5;
	v14 =	vadd.f32 v14, v3;
	v3 =	vunpack.i.l.bf16.f32 v18;
	(v2sf) =	vpush v23, $0xF  }
0x2f0: {  	v9 =	vmul.f32 v9, v9;
	v19 =	vmul.f32 v19, v19;
	v5 =	vunpack.i.l.bf16.f32 v6;
	s9 =	smul.f32 s17, s2  }
0x2f1: {  	s16 =	smul.f32 s15, s8;
	v6 =	vunpack.i.u.bf16.f32 v6;
	v3 =	vsub.f32 v3, v5;
	v5 =	vunpack.i.u.bf16.f32 v18  }
0x2f2: {  	v18 =	vmul.f32 v0, v0;
	v23 =	vunpack.i.l.bf16.f32 v53;
	v9 =	vadd.f32 v19, v9;
	s20 =	ssub.f32 $1.500000000e+00, s9  }
0x2f3: {  	s19 =	simm.s32 $0x400;
	s7 =	ssub.f32 $1.500000000e+00, s16;
	v0 =	vsub.f32 v5, v6;
	v6 =	vmul.f32 v3, v3;
	v3 =	vunpack.i.l.bf16.f32 v52  }
0x2f4: {  	v7 =	vld [tilespmem:s19+$0xC440];
	v14 =	vadd.f32 v18, v14;
	v18 =	vunpack.i.l.bf16.f32 v21;
	v9 =	vadd.f32 v15, v9;
	s2 =	smul.f32 s20, s2  }
0x2f5: {  	s7 =	smul.f32 s15, s7;
	v19 =	vld [tilespmem:s19+$0x10460];
	v5 =	vmul.f32 v0, v0;
	v0 =	vsub.f32 v3, v23;
	v3 =	vunpack.i.u.bf16.f32 v10  }
0x2f6: {  	v21 =	vld [tilespmem:s19+$0xC4D0];
	v10 =	vunpack.i.u.bf16.f32 v52;
	v23 =	vunpack.i.u.bf16.f32 v53;
	v18 =	vsub.f32 v50, v18;
	s24 =	smul.f32 s2, s3  }
0x2f7: {  	v16 =	vmul.f32 v16, v16;
	s22 =	smul.f32 s7, s5;
	v22 =	vsub.f32 v3, v22;
	v10 =	vsub.f32 v10, v23;
	v3 =	vld [tilespmem:s19+$0x10470]  }
0x2f8: {  	v15 =	vunpack.i.u.bf16.f32 v17;
	v12 =	vadd.f32 v14, v12;
	v14 =	vld [tilespmem:s19+$0x104D0];
	v9 =	vadd.f32 v9, v20;
	s9 =	smul.f32 s24, s2  }
0x2f9: {  	(xrf2) =	vadd.scan.msk.f32 $0xffff, v13;
	s23 =	smul.f32 s22, s7;
	v20 =	vld [tilespmem:s19+$0xC4C0];
	v0 =	vmul.f32 v0, v0;
	v1 =	vmul.f32 v10, v10;
	v10 =	vsub.f32 v15, v11  }
0x2fa: {  	(xrf2) =	vadd.scan.msk.f32 $0xffff, v2;
	v2 =	vld [tilespmem:s19+$0x10440];
	v15 =	vmul.f32 v22, v22;
	v8 =	vadd.f32 v6, v12;
	v6 =	vadd.f32 v16, v9;
	s25 =	ssub.f32 $1.500000000e+00, s9  }
0x2fb: {  	v17 =	vld [tilespmem:s19+$0x104C0];
	v18 =	vmul.f32 v18, v18;
	s12 =	ssub.f32 $1.500000000e+00, s23;
	v16 =	vunpack.i.l.bf16.f32 v19;
	v19 =	vunpack.i.u.bf16.f32 v19  }
0x2fc: {  	v11 =	vld [tilespmem:s19+$0xC460];
	v12 =	vunpack.i.u.bf16.f32 v21;
	v21 =	vunpack.i.l.bf16.f32 v21;
	v6 =	vadd.f32 v6, v15;
	s11 =	spop (v2sf);
	s14 =	smul.f32 s25, s2  }
0x2fd: {  	v9 =	vld [tilespmem:s19+$0xC450];
	v4 =	vmul.f32 v10, v10;
	v10 =	vunpack.i.u.bf16.f32 v3;
	v13 =	vunpack.i.l.bf16.f32 v14;
	s6 =	sadd.f32 $9.999999960e-13, s11;
	s11 =	smul.f32 s12, s7  }
0x2fe: {  	v22 =	vld [tilespmem:s19+$0xC470];
	v14 =	vunpack.i.u.bf16.f32 v14;
	v54 =	vunpack.i.l.bf16.f32 v20;
	v55 =	vadd.f32 v18, v6;
	s26 =	spop (v2sf);
	s3 =	smul.f32 s14, s3  }
0x2ff: {  	v6 =	vunpack.i.u.bf16.f32 v20;
	v12 =	vsub.f32 v12, v14;
	v18 =	vunpack.i.l.bf16.f32 v7;
	s7 =	sadd.f32 $9.999999960e-13, s26;
	s9 =	smul.f32 $5.000000000e-01, s6  }
0x300: {  	v20 =	vunpack.i.u.bf16.f32 v2;
	v2 =	vunpack.i.l.bf16.f32 v2;
	v13 =	vsub.f32 v21, v13;
	s0 =	smul.f32 s11, s5  }
0x301: {  	p1 =	slt.u32 s28, $0x27100;
	v23 =	vld [tilespmem:s19+$0x10450];
	v7 =	vunpack.i.u.bf16.f32 v7;
	v15 =	vunpack.i.l.bf16.f32 v11;
	v18 =	vsub.f32 v18, v2;
	s13 =	sshra.s32 s6, $0x1;
	s12 =	smul.f32 $5.000000000e-01, s7  }
0x302: {  	v59 =	vld [tilespmem:s19+$0xC4F0];
	s17 =	smov.u32 s1;
	v15 =	vsub.f32 v15, v16;
	v16 =	vunpack.i.l.bf16.f32 v17;
	v17 =	vunpack.i.u.bf16.f32 v17;
	s15 =	ssub.s32 $0x5F3759DF, s13;
	s3 =	smul.f32 s3, s14  }
0x303: {  	s17 =	simm.s32 @!p1 $0x0;
	v14 =	vld [tilespmem:s19+$0xC4E0];
	v56 =	vunpack.i.l.bf16.f32 v22;
	v58 =	vunpack.i.l.bf16.f32 v9;
	v6 =	vsub.f32 v6, v17;
	s31 =	sshra.s32 s7, $0x1;
	s29 =	smul.f32 s15, s9  }
0x304: {  	s4 =	sadd.f32 s17, s4;
	v21 =	vld [tilespmem:s19+$0x104F0];
	v9 =	vunpack.i.u.bf16.f32 v9;
	v7 =	vsub.f32 v7, v20;
	v62 =	vmul.f32 v13, v13;
	s13 =	ssub.s32 $0x5F3759DF, s31;
	s17 =	smul.f32 s0, s11  }
0x305: {  	v57, _, _ =	vpop (xrf2);
	v12 =	vmul.f32 v12, v12;
	v16 =	vsub.f32 v54, v16;
	v2 =	vmul.f32 v6, v6;
	s16 =	smul.f32 s13, s12  }
0x306: {  	v17 =	vld [tilespmem:s19+$0x104E0];
	v6 =	vunpack.i.u.bf16.f32 v23;
	v23 =	vunpack.i.l.bf16.f32 v23;
	(v2sf) =	vpush v57, $0xF;
	s3 =	ssub.f32 $1.500000000e+00, s3;
	s2 =	smul.f32 s15, s29  }
0x307: {  	s8 =	smov.u32 s21;
	v61, _, _ =	vpop (xrf2);
	v18 =	vmul.f32 v18, v18;
	v16 =	vmul.f32 v16, v16;
	v23 =	vsub.f32 v58, v23;
	s23 =	ssub.f32 $1.500000000e+00, s17;
	s16 =	smul.f32 s13, s16  }
0x308: {  	s8 =	simm.s32 @!p1 $0x0;
	(v2sf) =	vpush v61, $0xF;
	v63 =	vsub.f32 v9, v6;
	v6 =	vunpack.i.l.bf16.f32 v59;
	s14 =	smul.f32 s3, s14;
	s2 =	ssub.f32 $1.500000000e+00, s2  }
0x309: {  	s4 =	sadd.f32 s8, s4;
	s19 =	sadd.s32 $0x2, s28;
	v9 =	vunpack.i.l.bf16.f32 v21;
	v16 =	vadd.f32 v16, v2;
	v2 =	vunpack.i.l.bf16.f32 v14;
	s3 =	smul.f32 s23, s11  }
0x30a: {  	p2 =	slt.u32 s19, $0x27100;
	v14 =	vunpack.i.u.bf16.f32 v14;
	s20 =	smov.u32 s6;
	v6 =	vsub.f32 v6, v9;
	v9 =	vunpack.i.u.bf16.f32 v11;
	s2 =	smul.f32 s15, s2  }
0x30b: {  	v60 =	vunpack.i.l.bf16.f32 v17;
	v17 =	vunpack.i.u.bf16.f32 v17;
	s20 =	simm.s32 @!p2 $0x0;
	v9 =	vsub.f32 v9, v19;
	s1 =	smul.f32 s14, s1  }
0x30c: {  	p1 =	por p1, p1;
	v11 =	vunpack.i.u.bf16.f32 v59;
	v2 =	vsub.f32 v2, v60;
	v13 =	vsub.f32 v14, v17;
	s4 =	sadd.f32 s20, s4;
	s22 =	smul.f32 s2, s9  }
0x30d: {  	p3 =	por p1, p1;
	v19 =	vunpack.i.l.bf16.f32 v3;
	v20 =	vmul.f32 v23, v23;
	v6 =	vmul.f32 v6, v6;
	s24 =	ssub.f32 $1.500000000e+00, s16;
	s25 =	smul.f32 s3, s5  }
0x30e: {  	v17 =	vmul.f32 v2, v2;
	v2 =	vmul.f32 v13, v13;
	v13 =	vunpack.i.u.bf16.f32 v21;
	s17 =	sshll.u32 s10, $0x8;
	s14 =	smov.u32 s7;
	s8 =	smul.f32 s22, s2  }
0x30f: {  	v14 =	vmul.f32 v7, v7;
	v19 =	vsub.f32 v56, v19;
	v11 =	vsub.f32 v11, v13;
	s16 =	simm.s32 $0x1800;
	s11 =	smul.f32 s13, s24;
	s13 =	simm.s32 $0x500  }
0x310: {  	v21 =	vunpack.i.u.bf16.f32 v22;
	v13 =	vmul.f32 v15, v15;
	v15 =	vadd.f32 v62, v16;
	s14 =	simm.s32 @!p2 $0x0;
	v3 =	vld [tilespmem:s13+$0x10470];
	s31 =	smul.f32 s25, s3;
	s8 =	ssub.f32 $1.500000000e+00, s8  }
0x311: {  	v22 =	vadd.f32 v18, v14;
	v14 =	vmul.f32 v19, v19;
	v7 =	vmul.f32 v11, v11;
	s5 =	sadd.s32 $0x2, s19;
	s26 =	ssub.f32 $1.000000010e-01, s1;
	v11 =	vld [tilespmem:s13+$0x104C0];
	s29 =	smul.f32 s11, s12  }
0x312: {  	v16 =	vmul.f32 v9, v9;
	v21 =	vsub.f32 v21, v10;
	v12 =	vadd.f32 v15, v12;
	p2 =	por p2, p2;
	s4 =	sadd.f32 s14, s4;
	v9 =	vld [tilespmem:s13+$0x10460];
	s1 =	smul.f32 s8, s2  }
0x313: {  	v18 =	vmul.f32 v63, v63;
	v19 =	vadd.f32 v20, v22;
	v20 =	vadd.f32 v8, v5;
	s19 =	sadd.s32 $0x2, s5;
	v15 =	vld [tilespmem:s13+$0xC4C0];
	s15 =	smul.f32 s29, s11;
	s8 =	smax.f32 s26, $0.0e+00  }
0x314: {  	v10 =	vadd.f32 v17, v12;
	v12 =	vadd.f32 v55, v4;
	v4 =	vmul.f32 v21, v21;
	v17 =	vld [tilespmem:s13+$0xC4D0];
	s20 =	ssub.f32 $1.500000000e+00, s31;
	s8 =	simm.s32 @!p3 $0x0;
	s22 =	smul.f32 s1, s9  }
.LBB2_10:
0x315: {  	s2 =	spop (v2sf);
	s23 =	ssub.f32 $1.500000000e+00, s15  }
0x316: {  	v8 =	vunpack.i.u.bf16.f32 v3;
	v21 =	vld [tilespmem:s13+$0x104D0];
	v5 =	vmov v10;
	s15 =	smov.u32 s16;
	s14 =	sadd.s32 $0x400, s16;
	p1 =	sne.s32 s16, $0xFC00  }
0x317: {  	p4 =	slt.u32 s5, $0x27100;
	v10 =	vld [tilespmem:s13+$0xC460];
	v18 =	vadd.f32 v19, v18;
	v19 =	vadd.f32 v0, v20;
	s16 =	sadd.f32 $9.999999960e-13, s2;
	s2 =	smul.f32 s22, s1;
	v0 =	vmov v6  }
0x318: {  	s5 =	smov.u32 s19;
	s20 =	smul.f32 s20, s3;
	s22 =	spop (v2sf)  }
0x319: {  	v6 =	vld [tilespmem:s13+$0xC450];
	(xrf2) =	vadd.scan.msk.f32 $0xffff, v12;
	s11 =	smul.f32 s23, s11;
	s23 =	sshra.s32 s16, $0x1;
	s2 =	ssub.f32 $1.500000000e+00, s2  }
0x31a: {  	v20 =	vld [tilespmem:s13+$0xC440];
	v12 =	vadd.f32 v13, v18;
	v13 =	vadd.f32 v19, v1;
	v1 =	vmov v7;
	s24 =	smul.f32 $5.000000000e-01, s16;
	s25 =	smov.u32 s16;
	s26 =	sadd.f32 $9.999999960e-13, s22  }
0x31b: {  	s25 =	simm.s32 @!p4 $0x0;
	s3 =	ssub.s32 $0x5F3759DF, s23;
	s23 =	smul.f32 s20, s21  }
0x31c: {  	v18 =	vunpack.i.u.bf16.f32 v17;
	v7 =	vld [tilespmem:s13+$0x10450];
	v19 =	vunpack.i.l.bf16.f32 v21;
	v12 =	vadd.f32 v12, v16;
	(xrf2) =	vadd.scan.msk.f32 $0xffff, v13;
	s1 =	smul.f32 s2, s1;
	s4 =	sadd.f32 s25, s4;
	s22 =	smov.u32 s26  }
0x31d: {  	v22 =	vunpack.i.l.bf16.f32 v9;
	v17 =	vunpack.i.l.bf16.f32 v17;
	s21 =	smov.u32 s7;
	s2 =	smul.f32 s3, s24;
	v13 =	vld [tilespmem:s13+$0x10440];
	v16 =	vunpack.i.l.bf16.f32 v10;
	s22 =	simm.s32 @!p4 $0x0  }
0x31e: {  	v23 =	vunpack.i.l.bf16.f32 v11;
	v21 =	vunpack.i.u.bf16.f32 v21;
	s7 =	sshra.s32 s26, $0x1;
	s20 =	smul.f32 $5.000000000e-01, s26;
	v16 =	vsub.f32 v16, v22;
	v22 =	vld [tilespmem:s13+$0xC470];
	s4 =	sadd.f32 s22, s4  }
0x31f: {  	v11 =	vunpack.i.u.bf16.f32 v11;
	v24 =	vunpack.i.l.bf16.f32 v15;
	v12 =	vadd.f32 v14, v12;
	s22 =	ssub.s32 $0x5F3759DF, s7;
	s25 =	smul.f32 s1, s9;
	s7 =	ssub.f32 $1.000000010e-01, s23  }
0x320: {  	s8 =	sadd.f32 s8, s18;
	v18 =	vsub.f32 v18, v21;
	v14 =	vunpack.i.u.bf16.f32 v15;
	v15 =	vsub.f32 v24, v23;
	s2 =	smul.f32 s3, s2;
	v21 =	vld [tilespmem:s13+$0xC4E0]  }
0x321: {  	v9 =	vunpack.i.u.bf16.f32 v9;
	s9 =	smov.u32 s24;
	v23 =	vunpack.i.l.bf16.f32 v20;
	v11 =	vsub.f32 v14, v11;
	s23 =	smul.f32 s22, s20;
	s18 =	smax.f32 s7, $0.0e+00;
	v14 =	vld [tilespmem:s13+$0x104E0]  }
0x322: {  	v15 =	vmul.f32 v15, v15;
	s7 =	smov.u32 s26;
	s2 =	ssub.f32 $1.500000000e+00, s2;
	s24 =	smul.f32 s25, s1;
	v24 =	vunpack.i.u.bf16.f32 v13;
	v26 =	vunpack.i.l.bf16.f32 v13  }
0x323: {  	v11 =	vmul.f32 v11, v11;
	s23 =	smul.f32 s22, s23;
	s18 =	simm.s32 @!p3 $0x0;
	p3 =	por p2, p2;
	v23 =	vsub.f32 v23, v26;
	v25 =	vunpack.i.l.bf16.f32 v22;
	v13, _, _ =	vpop (xrf2)  }
0x324: {  	v17 =	vsub.f32 v17, v19;
	p2 =	por p4, p4;
	s18 =	sadd.f32 s18, s8;
	s2 =	smul.f32 s3, s2;
	v26 =	vunpack.i.u.bf16.f32 v7;
	v7 =	vunpack.i.l.bf16.f32 v7;
	v19 =	vld [tilespmem:s13+$0x104F0]  }
0x325: {  	v27 =	vunpack.i.l.bf16.f32 v6;
	s3 =	ssub.f32 $1.500000000e+00, s24;
	v11 =	vadd.f32 v15, v11;
	v15 =	vunpack.i.l.bf16.f32 v21;
	v28 =	vld [tilespmem:s13+$0xC4F0];
	s13 =	smul.f32 s11, s12  }
0x326: {  	s8 =	ssub.f32 $1.500000000e+00, s23;
	v27 =	vsub.f32 v27, v7;
	s23 =	smul.f32 s2, s9;
	v7 =	vunpack.i.l.bf16.f32 v14;
	(v2sf) =	vpush v13, $0xF;
	v13, _, _ =	vpop (xrf2)  }
0x327: {  	v6 =	vunpack.i.u.bf16.f32 v6;
	v20 =	vunpack.i.u.bf16.f32 v20;
	v7 =	vsub.f32 v15, v7;
	s13 =	smul.f32 s13, s11  }
0x328: {  	s1 =	smul.f32 s3, s1;
	v14 =	vunpack.i.u.bf16.f32 v14;
	v15 =	vunpack.i.u.bf16.f32 v21;
	(v2sf) =	vpush v13, $0xF  }
0x329: {  	v17 =	vmul.f32 v17, v17;
	v13 =	vsub.f32 v15, v14;
	v21 =	vmul.f32 v7, v7  }
0x32a: {  	v26 =	vsub.f32 v6, v26;
	s1 =	smul.f32 s1, s6;
	v7 =	vunpack.i.l.bf16.f32 v19;
	s3 =	ssub.f32 $1.500000000e+00, s13;
	v6 =	vunpack.i.l.bf16.f32 v28  }
0x32b: {  	v14 =	vsub.f32 v20, v24;
	s13 =	smul.f32 s23, s2;
	v24 =	vmul.f32 v13, v13;
	v6 =	vsub.f32 v6, v7  }
0x32c: {  	v13 =	vunpack.i.u.bf16.f32 v19;
	v7 =	vunpack.i.u.bf16.f32 v10;
	v10 =	vunpack.i.u.bf16.f32 v28;
	s3 =	smul.f32 s3, s11  }
0x32d: {  	s6 =	smov.u32 s16;
	s23 =	ssub.f32 $1.500000000e+00, s13;
	s11 =	smul.f32 s22, s8;
	v9 =	vsub.f32 v7, v9;
	v7 =	vsub.f32 v10, v13;
	v6 =	vmul.f32 v6, v6  }
0x32e: {  	s13 =	sshra.s32 s15, $0x2;
	v10 =	vmul.f32 v14, v14;
	v13 =	vmul.f32 v16, v16;
	v14 =	vadd.f32 v17, v11;
	s15 =	smul.f32 s3, s12  }
0x32f: {  	v15 =	vmul.f32 v18, v18;
	s8 =	ssub.f32 $1.000000010e-01, s1;
	v11 =	vunpack.i.l.bf16.f32 v3;
	s1 =	smul.f32 s23, s2;
	v7 =	vmul.f32 v7, v7  }
.Ltmp6:
0x330: {  	v17 =	vmul.f32 v23, v23;
	v18 =	vsub.f32 v25, v11;
	v16 =	vmul.f32 v9, v9;
	v3 =	vld [tilespmem:s13+$0x10470];
	(pc) =	sbr.rel @p1 .LBB2_10-.Ltmp6, $4  }
0x331: {  	v20 =	vunpack.i.u.bf16.f32 v22;
	v19 =	vmul.f32 v27, v27;
	s2 =	smul.f32 s11, s20;
	s8 =	smax.f32 s8, $0.0e+00;
	s12 =	smov.u32 s20;
	v22 =	vadd.f32 v14, v15;
	v11 =	vld [tilespmem:s13+$0x104C0]  }
0x332: {  	v8 =	vsub.f32 v20, v8;
	v23 =	vadd.f32 v17, v10;
	s8 =	simm.s32 @!p3 $0x0;
	v14 =	vmul.f32 v18, v18;
	s16 =	smul.f32 s15, s3;
	v9 =	vld [tilespmem:s13+$0x10460]  }
0x333: {  	s19 =	sadd.s32 $0x2, s19;
	v12 =	vadd.f32 v12, v4;
	v18 =	vmul.f32 v26, v26;
	s15 =	smul.f32 s2, s11;
	v10 =	vadd.f32 v21, v22;
	v15 =	vld [tilespmem:s13+$0xC4C0]  }
0x334: {  	v20 =	vadd.f32 v5, v2;
	v4 =	vmul.f32 v8, v8;
	v2 =	vmovc v24;
	s22 =	smul.f32 s1, s9;
	v19 =	vadd.f32 v19, v23;
	s20 =	ssub.f32 $1.500000000e+00, s16;
	s16 =	smov.u32 s14;
	v17 =	vld [tilespmem:s13+$0xC4D0]  }
0x335: {  	v5 =	vld [tilespmem:s13+$0x104D0]  }
0x336: {  	v8 =	vld [tilespmem:s13+$0xC460];
	v2 =	vadd.f32 v10, v2  }
0x337: {  	v27 =	vld [tilespmem:s13+$0x104F0];
	v18 =	vadd.f32 v19, v18;
	v0 =	vadd.f32 v0, v20;
	v19 =	vunpack.i.u.bf16.f32 v3  }
0x338: {  	v62 =	vld [tilespmem:s13+$0xC470];
	v3 =	vunpack.i.l.bf16.f32 v3;
	v23 =	vunpack.i.l.bf16.f32 v9;
	v2 =	vadd.f32 v6, v2  }
0x339: {  	v9 =	vunpack.i.u.bf16.f32 v9;
	v13 =	vadd.f32 v13, v18;
	v0 =	vadd.f32 v0, v1  }
0x33a: {  	v20 =	vld [tilespmem:s13+$0xC450];
	v25 =	vunpack.i.l.bf16.f32 v15;
	v1 =	vunpack.i.u.bf16.f32 v17;
	v17 =	vunpack.i.l.bf16.f32 v17  }
0x33b: {  	v2 =	vadd.f32 v2, v7;
	v21 =	vunpack.i.l.bf16.f32 v5;
	v13 =	vadd.f32 v13, v16  }
0x33c: {  	v22 =	vunpack.i.l.bf16.f32 v8;
	v5 =	vunpack.i.u.bf16.f32 v5;
	v32 =	vunpack.i.l.bf16.f32 v27  }
0x33d: {  	v18 =	vld [tilespmem:s13+$0xC440];
	v8 =	vunpack.i.u.bf16.f32 v8;
	v6 =	vunpack.i.u.bf16.f32 v62;
	v7 =	vunpack.i.u.bf16.f32 v27  }
0x33e: {  	v16 =	vld [tilespmem:s13+$0x10440];
	v22 =	vsub.f32 v22, v23;
	v23 =	vunpack.i.l.bf16.f32 v11;
	v11 =	vunpack.i.u.bf16.f32 v11  }
0x33f: {  	v1 =	vsub.f32 v1, v5;
	v17 =	vsub.f32 v17, v21;
	v21 =	vunpack.i.l.bf16.f32 v20  }
0x340: {  	v24 =	vld [tilespmem:s13+$0x10450];
	v20 =	vunpack.i.u.bf16.f32 v20;
	v8 =	vsub.f32 v8, v9;
	v6 =	vsub.f32 v6, v19  }
0x341: {  	v13 =	vadd.f32 v14, v13;
	v14 =	vunpack.i.u.bf16.f32 v15;
	v15 =	vsub.f32 v25, v23  }
0x342: {  	v5 =	vunpack.i.l.bf16.f32 v18;
	v11 =	vsub.f32 v14, v11;
	v18 =	vunpack.i.u.bf16.f32 v18  }
0x343: {  	v17 =	vmul.f32 v17, v17;
	v14 =	vunpack.i.u.bf16.f32 v16;
	v16 =	vunpack.i.l.bf16.f32 v16  }
0x344: {  	v26 =	vld [tilespmem:s13+$0xC4E0];
	(xrf2) =	vadd.scan.msk.f32 $0xffff, v12;
	v9 =	vmul.f32 v22, v22;
	v5 =	vsub.f32 v5, v16;
	v14 =	vsub.f32 v18, v14  }
0x345: {  	(xrf2) =	vadd.scan.msk.f32 $0xffff, v0;
	v23 =	vld [tilespmem:s13+$0x104E0];
	v1 =	vmul.f32 v1, v1;
	v0 =	vmul.f32 v8, v8;
	v16 =	vunpack.i.l.bf16.f32 v24  }
0x346: {  	v16 =	vsub.f32 v21, v16;
	v14 =	vmul.f32 v14, v14;
	v5 =	vmul.f32 v5, v5  }
0x347: {  	v15 =	vmul.f32 v15, v15;
	v11 =	vmul.f32 v11, v11;
	v24 =	vunpack.i.u.bf16.f32 v24  }
0x348: {  	v20 =	vsub.f32 v20, v24;
	v16 =	vmul.f32 v16, v16;
	v5 =	vadd.f32 v5, v14  }
0x349: {  	v63 =	vld [tilespmem:s13+$0xC4F0];
	v4 =	vadd.f32 v13, v4;
	v11 =	vadd.f32 v15, v11;
	v15 =	vunpack.i.l.bf16.f32 v26  }
0x34a: {  	v28 =	vunpack.i.l.bf16.f32 v23;
	v20 =	vmul.f32 v20, v20;
	v5 =	vadd.f32 v16, v5  }
0x34b: {  	v21 =	vunpack.i.l.bf16.f32 v62;
	v15 =	vsub.f32 v15, v28;
	v10 =	vadd.f32 v17, v11  }
0x34c: {  	v26 =	vunpack.i.u.bf16.f32 v26;
	v23 =	vunpack.i.u.bf16.f32 v23;
	v5 =	vadd.f32 v5, v20  }
0x34d: {  	v18 =	vsub.f32 v26, v23;
	v15 =	vmul.f32 v15, v15;
	v1 =	vadd.f32 v10, v1  }
0x34e: {  	(xrf2) =	vadd.scan.msk.f32 $0xffff, v4;
	v23 =	vunpack.i.l.bf16.f32 v63;
	v3 =	vsub.f32 v21, v3;
	v4 =	vadd.f32 v9, v5  }
0x34f: {  	s2 =	ssub.f32 $1.500000000e+00, s15;
	v18 =	vmul.f32 v18, v18;
	v14 =	vsub.f32 v23, v32;
	v1 =	vadd.f32 v15, v1  }
0x350: {  	s25 =	spop (v2sf);
	s26 =	smul.f32 s22, s1;
	v3 =	vmul.f32 v3, v3;
	v5 =	vunpack.i.u.bf16.f32 v63;
	v0 =	vadd.f32 v4, v0  }
0x351: {  	s14 =	sadd.f32 $9.999999960e-13, s25;
	s3 =	smul.f32 s20, s3;
	(xrf2) =	vadd.scan.msk.f32 $0xffff, v2;
	v1 =	vadd.f32 v1, v18;
	v2 =	vsub.f32 v5, v7  }
0x352: {  	s2 =	smul.f32 s2, s11;
	v5 =	vmul.f32 v6, v6;
	v4 =	vmul.f32 v14, v14;
	v0 =	vadd.f32 v3, v0  }
0x353: {  	s29 =	ssub.f32 $1.500000000e+00, s26;
	s24 =	smul.f32 $5.000000000e-01, s14  }
0x354: {  	s31 =	spop (v2sf);
	s22 =	smul.f32 s2, s12;
	v2 =	vmul.f32 v2, v2;
	v1 =	vadd.f32 v4, v1;
	v0 =	vadd.f32 v0, v5  }
0x355: {  	s20 =	sadd.f32 $9.999999960e-13, s31;
	s11 =	smul.f32 s29, s1  }
0x356: {  	s1 =	smul.f32 s3, s21;
	v3, _, _ =	vpop (xrf2);
	(xrf2) =	vadd.scan.msk.f32 $0xffff, v0;
	v0 =	vadd.f32 v1, v2  }
0x357: {  	s23 =	smul.f32 $5.000000000e-01, s20  }
0x358: {  	s21 =	sshra.s32 s20, $0x1;
	s25 =	smul.f32 s22, s2;
	v1, _, _ =	vpop (xrf2);
	(xrf2) =	vadd.scan.msk.f32 $0xffff, v0  }
0x359: {  	s3 =	ssub.s32 $0x5F3759DF, s21;
	s13 =	sshra.s32 s14, $0x1;
	s9 =	smul.f32 s11, s9  }
0x35a: {  	s16 =	smul.f32 s3, s23;
	s13 =	ssub.s32 $0x5F3759DF, s13;
	(v2sf) =	vpush v3, $0xF  }
0x35b: {  	s0 =	smul.f32 s13, s24  }
0x35c: {  	s9 =	smul.f32 s9, s11  }
0x35d: {  	s29 =	ssub.f32 $1.500000000e+00, s25;
	s16 =	smul.f32 s3, s16  }
0x35e: {  	s15 =	smul.f32 s13, s0;
	s9 =	ssub.f32 $1.500000000e+00, s9;
	(v2sf) =	vpush v1, $0xF  }
0x35f: {  	s2 =	smul.f32 s29, s2;
	s31 =	ssub.f32 $1.500000000e+00, s16;
	v1, _, _ =	vpop (xrf2)  }
0x360: {  	s15 =	ssub.f32 $1.500000000e+00, s15;
	s9 =	smul.f32 s9, s11;
	(v2sf) =	vpush v1, $0xF;
	v0, _, _ =	vpop (xrf2)  }
0x361: {  	s3 =	smul.f32 s3, s31;
	(v2sf) =	vpush v0, $0xF;
	v0, _, _ =	vpop (xrf2)  }
0x362: {  	s13 =	smul.f32 s13, s15;
	(v2sf) =	vpush v0, $0xF;
	v0, _, _ =	vpop (xrf2)  }
0x363: {  	s11 =	smul.f32 s2, s12;
	(v2sf) =	vpush v0, $0xF  }
0x364: {  	s26 =	smul.f32 s13, s24  }
0x365: {  	s31 =	smul.f32 s3, s23  }
0x366: {  	s21 =	smul.f32 s26, s13  }
0x367: {  	[dreg:$0xe] =	wrdreg s10;
	s12 =	smul.f32 s31, s3  }
0x368: {  	s29 =	smul.f32 s9, s6;
	s21 =	ssub.f32 $1.500000000e+00, s21  }
0x369: {  	p1 =	seq.s32 s10, $0x13;
	s6 =	ssub.f32 $1.500000000e+00, s12;
	s0 =	spop (v2sf)  }
0x36a: {  	s22 =	simm.s32 @!p1 $0xC440;
	s26 =	smul.f32 s21, s13;
	s13 =	sadd.f32 $9.999999960e-13, s0  }
0x36b: {  	s12 =	sadd.s32 @!p1 $0x9D40, s17;
	s21 =	simm.s32 @!p1 $0x80;
	s0 =	rddreg [dreg:$0x1]  }
0x36c: {  	[tilespmem:s22], [sflag:$0x2] =	stream.indirect.gather @!p1 [spmem:s0], $0x40, s12, s21, $0xb8;
	[tilespmem:$0x1C640] =	vst v63  }
0x36d: {  	s31 =	simm.s32 @!p1 $0x10440;
	s22 =	sadd.s32 @!p1 $0xB140, s17;
	s15 =	spop (v2sf)  }
0x36e: {  	[tilespmem:s31], [sflag:$0x3] =	stream.indirect.gather @!p1 [spmem:s0], $0x40, s22, s21, $0xb8;
	[tilespmem:$0x1C640] =	vst v63  }
0x36f: {  	s25 =	smul.f32 s11, s2;
	s16 =	spop (v2sf)  }
0x370: {  	s9 =	smul.f32 s26, s24;
	s11 =	spop (v2sf)  }
0x371: {  	s25 =	ssub.f32 $1.500000000e+00, s25;
	s12 =	spop (v2sf)  }
0x372: {  	s10 =	simm.s32 $0x4;
	s0 =	smul.f32 s9, s26;
	s9 =	spop (v2sf)  }
0x373: {  	_ =	swait.ge [sflag:s10], $0x2000  }
0x374: {  	s2 =	smul.f32 s25, s2;
	[sflag:s10] =	ssyncset.done $0x0  }
0x375: {  	s31 =	smul.f32 s6, s3;
	[sflag:s10] =	ssyncadd.s32 $0xFFFFE000;
	s10 =	simm.s32 $0x5  }
0x376: {  	s6 =	sshra.s32 s13, $0x1;
	s22 =	ssub.f32 $1.500000000e+00, s0;
	_ =	swait.ge [sflag:s10], $0x2000  }
0x377: {  	s21 =	smul.f32 $5.000000000e-01, s13;
	s25 =	ssub.s32 $0x5F3759DF, s6;
	[sflag:s10] =	ssyncset.done $0x0  }
0x378: {  	s6 =	smul.f32 s22, s26;
	s26 =	simm.s32 $0x0;
	[sflag:s10] =	ssyncadd.s32 $0xFFFFE000  }
0x379: {  	v0 =	vld [tilespmem:s26+$0x18470]  }
0x37a: {  	s3 =	smul.f32 s25, s21;
	v1 =	vld [tilespmem:s26+$0x18460]  }
0x37b: {  	v2 =	vld [tilespmem:s26+$0x144D0]  }
0x37c: {  	s22 =	smul.f32 s25, s3;
	v3 =	vld [tilespmem:s26+$0x184D0]  }
0x37d: {  	s10 =	smul.f32 s31, s23;
	v4 =	vld [tilespmem:s26+$0x14460]  }
0x37e: {  	s3 =	sadd.f32 $9.999999960e-13, s15;
	s15 =	smul.f32 s2, s7;
	v5 =	vld [tilespmem:s26+$0x184C0]  }
0x37f: {  	s7 =	ssub.f32 $1.500000000e+00, s22;
	v6 =	vld [tilespmem:s26+$0x144C0];
	s0 =	smul.f32 s10, s31  }
0x380: {  	s22 =	smul.f32 $5.000000000e-01, s3;
	v12 =	vld [tilespmem:s26+$0x18440];
	s10 =	sshra.s32 s3, $0x1  }
0x381: {  	s2 =	smul.f32 s25, s7;
	v16 =	vld [tilespmem:s26+$0x18450];
	s7 =	ssub.s32 $0x5F3759DF, s10;
	s0 =	ssub.f32 $1.500000000e+00, s0;
	v8 =	vunpack.i.u.bf16.f32 v0  }
0x382: {  	v7 =	vld [tilespmem:s26+$0x14450];
	s10 =	smul.f32 s7, s22;
	v10 =	vunpack.i.u.bf16.f32 v2;
	v11 =	vunpack.i.l.bf16.f32 v3;
	v13 =	vunpack.i.l.bf16.f32 v4  }
0x383: {  	s25 =	smul.f32 s0, s31;
	v14 =	vunpack.i.l.bf16.f32 v1;
	v2 =	vunpack.i.l.bf16.f32 v2;
	v15 =	vunpack.i.l.bf16.f32 v5  }
0x384: {  	v9 =	vld [tilespmem:s26+$0x14440];
	s10 =	smul.f32 s7, s10;
	v3 =	vunpack.i.u.bf16.f32 v3;
	v17 =	vunpack.i.l.bf16.f32 v6;
	v5 =	vunpack.i.u.bf16.f32 v5  }
0x385: {  	s31 =	smul.f32 s2, s21;
	v6 =	vunpack.i.u.bf16.f32 v6;
	v1 =	vunpack.i.u.bf16.f32 v1;
	v18 =	vunpack.i.u.bf16.f32 v12  }
0x386: {  	s24 =	smul.f32 s6, s24;
	v20 =	vld [tilespmem:s26+$0x184F0];
	v12 =	vunpack.i.l.bf16.f32 v12;
	v19 =	vunpack.i.u.bf16.f32 v16;
	v16 =	vunpack.i.l.bf16.f32 v16  }
0x387: {  	v21 =	vunpack.i.l.bf16.f32 v7;
	v7 =	vunpack.i.u.bf16.f32 v7;
	v4 =	vunpack.i.u.bf16.f32 v4;
	s0 =	ssub.f32 $1.500000000e+00, s10;
	s10 =	smul.f32 s31, s2  }
0x388: {  	v0 =	vunpack.i.l.bf16.f32 v0;
	v13 =	vsub.f32 v13, v14;
	v15 =	vsub.f32 v17, v15;
	s31 =	smul.f32 s24, s6  }
0x389: {  	v10 =	vsub.f32 v10, v3;
	v17 =	vunpack.i.l.bf16.f32 v9;
	v5 =	vsub.f32 v6, v5;
	s23 =	smul.f32 s25, s23  }
0x38a: {  	v3 =	vld [tilespmem:s26+$0x144E0];
	v2 =	vsub.f32 v2, v11;
	v16 =	vsub.f32 v21, v16;
	v9 =	vunpack.i.u.bf16.f32 v9;
	s0 =	smul.f32 s7, s0;
	s10 =	ssub.f32 $1.500000000e+00, s10  }
0x38b: {  	v6 =	vld [tilespmem:s26+$0x184E0];
	v7 =	vsub.f32 v7, v19;
	v19 =	vunpack.i.l.bf16.f32 v20;
	v1 =	vsub.f32 v4, v1;
	s23 =	smul.f32 s23, s25  }
0x38c: {  	v12 =	vsub.f32 v17, v12;
	v15 =	vmul.f32 v15, v15;
	v5 =	vmul.f32 v5, v5;
	s7 =	ssub.f32 $1.500000000e+00, s31;
	s2 =	smul.f32 s10, s2  }
0x38d: {  	v14 =	vld [tilespmem:s26+$0x14470];
	v9 =	vsub.f32 v9, v18;
	v16 =	vmul.f32 v16, v16;
	v10 =	vmul.f32 v10, v10;
	s24 =	smul.f32 s0, s22  }
0x38e: {  	v11 =	vld [tilespmem:s26+$0x144F0];
	v18 =	vunpack.i.u.bf16.f32 v20;
	v7 =	vmul.f32 v7, v7;
	v13 =	vmul.f32 v13, v13;
	s6 =	smul.f32 s7, s6  }
0x38f: {  	v9 =	vmul.f32 v9, v9;
	v12 =	vmul.f32 v12, v12;
	v5 =	vadd.f32 v15, v5;
	s7 =	sadd.f32 $9.999999960e-13, s16;
	s10 =	smul.f32 s24, s0  }
0x390: {  	v15 =	vunpack.i.l.bf16.f32 v3;
	v21 =	vunpack.i.l.bf16.f32 v6;
	v3 =	vunpack.i.u.bf16.f32 v3;
	s26 =	smul.f32 s2, s21  }
0x391: {  	v6 =	vunpack.i.u.bf16.f32 v6;
	v9 =	vadd.f32 v12, v9;
	v15 =	vsub.f32 v15, v21;
	s16 =	smul.f32 $5.000000000e-01, s7;
	s10 =	ssub.f32 $1.500000000e+00, s10  }
0x392: {  	v17 =	vunpack.i.l.bf16.f32 v14;
	s23 =	ssub.f32 $1.500000000e+00, s23;
	v21 =	vmul.f32 v2, v2;
	v2 =	vsub.f32 v3, v6;
	s31 =	smul.f32 s26, s2  }
0x393: {  	v9 =	vadd.f32 v16, v9;
	v6 =	vmul.f32 v15, v15;
	v15 =	vunpack.i.l.bf16.f32 v11;
	s24 =	smul.f32 s10, s0  }
0x394: {  	v14 =	vunpack.i.u.bf16.f32 v14;
	v5 =	vadd.f32 v21, v5;
	v15 =	vsub.f32 v15, v19;
	s26 =	ssub.f32 $1.500000000e+00, s31;
	s10 =	smul.f32 s23, s25;
	s25 =	simm.s32 $0x100  }
0x395: {  	v8 =	vsub.f32 v14, v8;
	v3 =	vmul.f32 v2, v2;
	v11 =	vunpack.i.u.bf16.f32 v11;
	s31 =	sshra.s32 s7, $0x1;
	s23 =	smul.f32 s6, s14;
	v2 =	vld [tilespmem:s25+$0x18470]  }
0x396: {  	v14 =	vadd.f32 v9, v7;
	v10 =	vadd.f32 v5, v10;
	v4 =	vmul.f32 v15, v15;
	s31 =	ssub.s32 $0x5F3759DF, s31;
	v15 =	vld [tilespmem:s25+$0x18460];
	s26 =	smul.f32 s26, s2  }
0x397: {  	v0 =	vsub.f32 v17, v0;
	v11 =	vsub.f32 v11, v18;
	v12 =	vld [tilespmem:s25+$0x144D0];
	s2 =	smul.f32 s31, s16  }
0x398: {  	v1 =	vmul.f32 v1, v1;
	s6 =	sadd.f32 $9.999999960e-13, s11;
	v13 =	vadd.f32 v13, v14;
	v17 =	vld [tilespmem:s25+$0x184D0];
	v9 =	vadd.f32 v6, v10;
	s11 =	smul.f32 s10, s20  }
0x399: {  	v0 =	vmul.f32 v0, v0;
	v16 =	vld [tilespmem:s25+$0x14460];
	s0 =	smul.f32 s31, s2  }
0x39a: {  	v5 =	vmul.f32 v11, v11;
	v11 =	vld [tilespmem:s25+$0x144C0];
	v1 =	vadd.f32 v13, v1;
	v3 =	vadd.f32 v9, v3;
	s2 =	smul.f32 s26, s21  }
0x39b: {  	p4 =	slt.u32 s5, $0x27100;
	v23 =	vld [tilespmem:s25+$0x18450];
	s21 =	smul.f32 $5.000000000e-01, s6;
	s0 =	ssub.f32 $1.500000000e+00, s0  }
0x39c: {  	v7 =	vmul.f32 v8, v8;
	s14 =	simm.s32 @!p4 $0x0;
	v18 =	vld [tilespmem:s25+$0x184C0];
	v34 =	vadd.f32 v0, v1;
	v3 =	vadd.f32 v4, v3;
	s2 =	smul.f32 s2, s26  }
0x39d: {  	v10 =	vld [tilespmem:s25+$0x14440];
	s5 =	sshra.s32 s6, $0x1;
	s10 =	sadd.f32 s14, s4;
	v8 =	vunpack.i.u.bf16.f32 v2;
	v14 =	vunpack.i.u.bf16.f32 v12;
	v19 =	vunpack.i.l.bf16.f32 v17;
	s4 =	smul.f32 s31, s0  }
0x39e: {  	s8 =	sadd.f32 s8, s18;
	v6 =	vld [tilespmem:s25+$0x14450];
	s14 =	ssub.s32 $0x5F3759DF, s5;
	v21 =	vunpack.i.l.bf16.f32 v16;
	v22 =	vunpack.i.l.bf16.f32 v15;
	v12 =	vunpack.i.l.bf16.f32 v12;
	s31 =	smul.f32 s24, s22  }
0x39f: {  	s1 =	ssub.f32 $1.000000010e-01, s1;
	s20 =	simm.s32 @!p4 $0x0;
	v17 =	vunpack.i.u.bf16.f32 v17;
	v33 =	vunpack.i.l.bf16.f32 v11;
	v0 =	vunpack.i.u.bf16.f32 v11;
	s0 =	smul.f32 s14, s21  }
0x3a0: {  	v20 =	vld [tilespmem:s25+$0x18440];
	s5 =	sadd.f32 s20, s10;
	v15 =	vunpack.i.u.bf16.f32 v15;
	v35 =	vunpack.i.u.bf16.f32 v23;
	v23 =	vunpack.i.l.bf16.f32 v23;
	s10 =	smul.f32 s31, s24  }
0x3a1: {  	v36 =	vld [tilespmem:s25+$0x184F0];
	v7 =	vadd.f32 v34, v7;
	v13 =	vsub.f32 v21, v22;
	v22 =	vunpack.i.l.bf16.f32 v18;
	s2 =	ssub.f32 $1.500000000e+00, s2  }
0x3a2: {  	v18 =	vunpack.i.u.bf16.f32 v18;
	v14 =	vsub.f32 v14, v17;
	v17 =	vunpack.i.l.bf16.f32 v10;
	s0 =	smul.f32 s14, s0;
	s20 =	ssub.f32 $1.500000000e+00, s10  }
0x3a3: {  	s18 =	smax.f32 s1, $0.0e+00;
	v12 =	vsub.f32 v12, v19;
	v19 =	vunpack.i.l.bf16.f32 v6;
	v10 =	vunpack.i.u.bf16.f32 v10;
	s31 =	smul.f32 s2, s26  }
0x3a4: {  	v1 =	vld [tilespmem:s25+$0x144E0];
	v6 =	vunpack.i.u.bf16.f32 v6;
	v3 =	vadd.f32 v3, v5;
	v11 =	vsub.f32 v33, v22;
	s0 =	ssub.f32 $1.500000000e+00, s0;
	s1 =	smul.f32 s20, s24  }
0x3a5: {  	s18 =	simm.s32 @!p3 $0x0;
	v21 =	vld [tilespmem:s25+$0x14470];
	v0 =	vsub.f32 v0, v18;
	v18 =	vunpack.i.l.bf16.f32 v20;
	v20 =	vunpack.i.u.bf16.f32 v20;
	s24 =	smul.f32 s4, s16  }
0x3a6: {  	s18 =	sadd.f32 s18, s8;
	v22 =	vld [tilespmem:s25+$0x184E0];
	v19 =	vsub.f32 v19, v23;
	v23 =	vsub.f32 v6, v35;
	v6 =	vunpack.i.l.bf16.f32 v36;
	s8 =	smul.f32 s14, s0  }
0x3a7: {  	p2 =	por p2, p2;
	v12 =	vmul.f32 v12, v12;
	v10 =	vsub.f32 v10, v20;
	v13 =	vmul.f32 v13, v13;
	s20 =	ssub.f32 $1.000000010e-01, s29;
	s14 =	smul.f32 s31, s13  }
0x3a8: {  	p3 =	slt.u32 s19, $0x27100;
	v37 =	vld [tilespmem:s25+$0x144F0];
	(xrf2) =	vadd.scan.msk.f32 $0xffff, v7;
	v17 =	vsub.f32 v17, v18;
	v11 =	vmul.f32 v11, v11;
	v0 =	vmul.f32 v0, v0;
	s31 =	ssub.f32 $1.000000010e-01, s15;
	s25 =	smul.f32 s24, s4  }
0x3a9: {  	v20 =	vunpack.i.u.bf16.f32 v36;
	v14 =	vmul.f32 v14, v14;
	v10 =	vmul.f32 v10, v10;
	s10 =	smov.u32 s3;
	s0 =	smax.f32 s20, $0.0e+00;
	s26 =	smul.f32 s1, s22  }
0x3aa: {  	(xrf2) =	vadd.scan.msk.f32 $0xffff, v3;
	v17 =	vmul.f32 v17, v17;
	v18 =	vunpack.i.l.bf16.f32 v21;
	v11 =	vadd.f32 v11, v0;
	s13 =	simm.s32 @!p3 $0x0;
	s29 =	smul.f32 s8, s21;
	s2 =	ssub.f32 $1.500000000e+00, s25  }
0x3ab: {  	v0 =	vunpack.i.l.bf16.f32 v1;
	v1 =	vunpack.i.u.bf16.f32 v1;
	v38 =	vunpack.i.l.bf16.f32 v22;
	s5 =	sadd.f32 s13, s5;
	s0 =	simm.s32 @!p2 $0x0;
	s13 =	smul.f32 s26, s1  }
0x3ac: {  	v22 =	vunpack.i.u.bf16.f32 v22;
	s10 =	simm.s32 @!p3 $0x0;
	v10 =	vadd.f32 v17, v10;
	v0 =	vsub.f32 v0, v38;
	s0 =	sadd.f32 s0, s18;
	s2 =	smul.f32 s2, s4  }
0x3ad: {  	v1 =	vsub.f32 v1, v22;
	v11 =	vadd.f32 v12, v11;
	v12 =	vunpack.i.l.bf16.f32 v2;
	s4 =	sadd.f32 s10, s5;
	s5 =	smul.f32 s29, s8  }
0x3ae: {  	s15 =	simm.s32 $0x200;
	v12 =	vsub.f32 v18, v12;
	v18 =	vunpack.i.u.bf16.f32 v21;
	v22 =	vmul.f32 v0, v0;
	s10 =	smax.f32 s31, $0.0e+00;
	s24 =	ssub.f32 $1.500000000e+00, s13  }
0x3af: {  	v17 =	vld [tilespmem:s15+$0x144D0];
	v0 =	vunpack.i.l.bf16.f32 v37;
	v1 =	vmul.f32 v1, v1;
	v11 =	vadd.f32 v11, v14;
	s29 =	ssub.f32 $1.000000010e-01, s23;
	s20 =	smul.f32 s2, s16  }
0x3b0: {  	v39 =	vld [tilespmem:s15+$0x14450];
	v0 =	vsub.f32 v0, v6;
	v6 =	vunpack.i.u.bf16.f32 v16;
	v16 =	vunpack.i.u.bf16.f32 v37;
	s22 =	ssub.f32 $1.500000000e+00, s5;
	s26 =	smul.f32 s24, s1  }
0x3b1: {  	v14 =	vld [tilespmem:s15+$0x184D0];
	v8 =	vsub.f32 v18, v8;
	v12 =	vmul.f32 v12, v12;
	v16 =	vsub.f32 v16, v20;
	s5 =	sadd.f32 $9.999999960e-13, s12;
	s12 =	sadd.s32 $0x2, s19;
	s18 =	smul.f32 s20, s2  }
0x3b2: {  	v15 =	vsub.f32 v6, v15;
	v9 =	vadd.f32 v22, v11;
	v43, _, _ =	vpop (xrf2);
	v0 =	vmul.f32 v0, v0;
	s10 =	simm.s32 @!p2 $0x0;
	p2 =	slt.u32 s12, $0x27100;
	s13 =	smul.f32 s22, s8  }
0x3b3: {  	v20 =	vld [tilespmem:s15+$0x18460];
	(v2sf) =	vpush v43, $0xF;
	v2 =	vmul.f32 v16, v16;
	v16 =	vmul.f32 v19, v19;
	s31 =	sshra.s32 s5, $0x1;
	s1 =	smul.f32 $5.000000000e-01, s5;
	s8 =	smov.u32 s7  }
0x3b4: {  	v45, _, _ =	vpop (xrf2);
	v19 =	vmul.f32 v23, v23;
	v15 =	vmul.f32 v15, v15;
	v5 =	vunpack.i.u.bf16.f32 v17;
	s22 =	ssub.s32 $0x5F3759DF, s31;
	s8 =	simm.s32 @!p2 $0x0;
	s25 =	ssub.f32 $1.500000000e+00, s18  }
0x3b5: {  	v6 =	vld [tilespmem:s15+$0x18470];
	v3 =	vunpack.i.l.bf16.f32 v17;
	v41 =	vunpack.i.l.bf16.f32 v39;
	(v2sf) =	vpush v45, $0xF;
	s23 =	smul.f32 s22, s1;
	s24 =	sadd.f32 s8, s4  }
0x3b6: {  	v23 =	vld [tilespmem:s15+$0x18450];
	v1 =	vadd.f32 v9, v1;
	v11 =	vunpack.i.l.bf16.f32 v14;
	v14 =	vunpack.i.u.bf16.f32 v14;
	s4 =	sadd.f32 $9.999999960e-13, s9;
	s9 =	smul.f32 s26, s3  }
0x3b7: {  	v24 =	vunpack.i.u.bf16.f32 v39;
	v10 =	vadd.f32 v16, v10;
	v16 =	vld [tilespmem:s15+$0x14460];
	v5 =	vsub.f32 v5, v14;
	s31 =	smul.f32 s13, s21  }
0x3b8: {  	v3 =	vsub.f32 v3, v11;
	v11 =	vld [tilespmem:s15+$0x184F0];
	v0 =	vadd.f32 v0, v1;
	v22 =	vunpack.i.l.bf16.f32 v20;
	s2 =	smul.f32 s25, s2  }
0x3b9: {  	v21 =	vld [tilespmem:s15+$0x184C0];
	s19 =	smax.f32 s29, $0.0e+00;
	v20 =	vunpack.i.u.bf16.f32 v20;
	v19 =	vadd.f32 v10, v19;
	v10 =	vmul.f32 v8, v8;
	s3 =	smov.u32 s6;
	s25 =	smul.f32 s22, s23  }
0x3ba: {  	v18 =	vld [tilespmem:s15+$0x144C0];
	v8 =	vunpack.i.u.bf16.f32 v6;
	v46 =	vmul.f32 v3, v3;
	v5 =	vmul.f32 v5, v5;
	s18 =	sadd.f32 s10, s0;
	s3 =	simm.s32 @!p2 $0x0;
	s8 =	smul.f32 $5.000000000e-01, s4  }
0x3bb: {  	v0 =	vadd.f32 v0, v2;
	v40 =	vunpack.i.u.bf16.f32 v23;
	v23 =	vunpack.i.l.bf16.f32 v23;
	s3 =	sadd.f32 s3, s24;
	s16 =	smul.f32 s2, s16  }
0x3bc: {  	v4 =	vld [tilespmem:s15+$0x14440];
	v7 =	vadd.f32 v13, v19;
	v23 =	vsub.f32 v41, v23;
	v19 =	vunpack.i.l.bf16.f32 v16;
	s10 =	ssub.f32 $1.500000000e+00, s25;
	s25 =	smul.f32 s31, s13  }
0x3bd: {  	v13 =	vld [tilespmem:s15+$0x18440];
	v47 =	vunpack.i.l.bf16.f32 v11;
	v16 =	vunpack.i.u.bf16.f32 v16;
	v11 =	vunpack.i.u.bf16.f32 v11;
	s29 =	sshra.s32 s4, $0x1;
	s23 =	ssub.f32 $1.000000010e-01, s11;
	s16 =	smul.f32 s16, s2  }
0x3be: {  	v7 =	vadd.f32 v7, v15;
	v15 =	vsub.f32 v19, v22;
	v19 =	vunpack.i.l.bf16.f32 v21;
	s20 =	smul.f32 s22, s10;
	s10 =	ssub.s32 $0x5F3759DF, s29;
	s11 =	ssub.f32 $1.500000000e+00, s25  }
0x3bf: {  	v17 =	vld [tilespmem:s15+$0x14470];
	v22 =	vunpack.i.l.bf16.f32 v18;
	v21 =	vunpack.i.u.bf16.f32 v21;
	v16 =	vsub.f32 v16, v20;
	s24 =	smul.f32 s10, s8;
	s26 =	ssub.f32 $1.500000000e+00, s16  }
0x3c0: {  	p4 =	por p4, p4;
	s14 =	ssub.f32 $1.000000010e-01, s14;
	v23 =	vmul.f32 v23, v23;
	v12 =	vadd.f32 v12, v7;
	v7 =	vunpack.i.u.bf16.f32 v18;
	s11 =	smul.f32 s11, s13  }
0x3c1: {  	p4 =	por p4, p4;
	v14 =	vld [tilespmem:s15+$0x144E0];
	v18 =	vsub.f32 v22, v19;
	v19 =	vunpack.i.l.bf16.f32 v4;
	v4 =	vunpack.i.u.bf16.f32 v4;
	s16 =	smul.f32 s26, s2  }
0x3c2: {  	s14 =	smax.f32 s14, $0.0e+00;
	s19 =	simm.s32 @!p4 $0x0;
	v7 =	vsub.f32 v7, v21;
	v21 =	vld [tilespmem:s15+$0x184E0];
	v22 =	vunpack.i.l.bf16.f32 v13;
	v13 =	vunpack.i.u.bf16.f32 v13;
	s26 =	smul.f32 s20, s1  }
0x3c3: {  	v42 =	vld [tilespmem:s15+$0x144F0];
	s18 =	sadd.f32 s19, s18;
	v15 =	vmul.f32 v15, v15;
	v18 =	vmul.f32 v18, v18;
	v4 =	vsub.f32 v4, v13;
	s2 =	smul.f32 s10, s24  }
0x3c4: {  	p3 =	por p3, p3;
	s0 =	smax.f32 s23, $0.0e+00;
	v19 =	vsub.f32 v19, v22;
	v22 =	vunpack.i.l.bf16.f32 v17;
	v7 =	vmul.f32 v7, v7;
	s23 =	smul.f32 s11, s21  }
0x3c5: {  	p3 =	por p3, p3;
	v17 =	vunpack.i.u.bf16.f32 v17;
	v10 =	vadd.f32 v12, v10;
	v20 =	vmul.f32 v4, v4;
	s15 =	smul.f32 s26, s20;
	s2 =	ssub.f32 $1.500000000e+00, s2  }
0x3c6: {  	s14 =	simm.s32 @!p3 $0x0;
	s22 =	ssub.f32 $1.000000010e-01, s9;
	v19 =	vmul.f32 v19, v19;
	v7 =	vadd.f32 v18, v7;
	v18 =	vunpack.i.l.bf16.f32 v14;
	s7 =	smul.f32 s16, s7  }
0x3c7: {  	s9 =	simm.s32 $0x300;
	v14 =	vunpack.i.u.bf16.f32 v14;
	v44 =	vunpack.i.l.bf16.f32 v21;
	v21 =	vunpack.i.u.bf16.f32 v21;
	s29 =	ssub.f32 $1.500000000e+00, s15;
	s31 =	smul.f32 s10, s2  }
0x3c8: {  	s19 =	smov.u32 s5;
	s0 =	simm.s32 @!p4 $0x0;
	v19 =	vadd.f32 v19, v20;
	v20 =	vld [tilespmem:s9+$0x144D0];
	v3 =	vsub.f32 v14, v21;
	v21 =	vunpack.i.l.bf16.f32 v42;
	s10 =	smul.f32 s23, s11  }
0x3c9: {  	s25 =	sadd.s32 $0x2, s12;
	v48 =	vld [tilespmem:s9+$0x18460];
	s12 =	smax.f32 s22, $0.0e+00;
	v18 =	vsub.f32 v18, v44;
	v13 =	vsub.f32 v21, v47;
	v21 =	vunpack.i.u.bf16.f32 v42;
	s20 =	smul.f32 s29, s20  }
0x3ca: {  	v16 =	vmul.f32 v16, v16;
	v12 =	vld [tilespmem:s9+$0x14460];
	v8 =	vsub.f32 v17, v8;
	s13 =	sadd.f32 s0, s18;
	s12 =	simm.s32 @!p3 $0x0;
	v11 =	vsub.f32 v21, v11;
	s26 =	smul.f32 s31, s8  }
0x3cb: {  	v17 =	vld [tilespmem:s9+$0x144C0];
	p3 =	slt.u32 s25, $0x27100;
	v14 =	vmul.f32 v18, v18;
	v18 =	vsub.f32 v24, v40;
	v21 =	vunpack.i.l.bf16.f32 v6;
	s10 =	ssub.f32 $1.500000000e+00, s10;
	s24 =	smul.f32 s20, s1  }
0x3cc: {  	(xrf2) =	vadd.scan.msk.f32 $0xffff, v10;
	s19 =	simm.s32 @!p3 $0x0;
	s14 =	sadd.f32 s14, s13;
	v4 =	vmul.f32 v13, v13;
	v13 =	vadd.f32 v46, v7;
	v7 =	vld [tilespmem:s9+$0x18470];
	v6 =	vmul.f32 v11, v11;
	s2 =	smul.f32 s26, s31  }
0x3cd: {  	(xrf2) =	vadd.scan.msk.f32 $0xffff, v0;
	s3 =	sadd.f32 s19, s3;
	v11 =	vsub.f32 v22, v21;
	v21 =	vld [tilespmem:s9+$0x184C0];
	v2 =	vunpack.i.u.bf16.f32 v20;
	v0 =	vunpack.i.l.bf16.f32 v20;
	s11 =	smul.f32 s10, s11  }
0x3ce: {  	s7 =	ssub.f32 $1.000000010e-01, s7;
	v20 =	vld [tilespmem:s9+$0x18450];
	v5 =	vadd.f32 v13, v5;
	v13 =	vmul.f32 v18, v18;
	v18 =	vadd.f32 v23, v19;
	s18 =	smul.f32 s24, s20  }
0x3cf: {  	v8 =	vmul.f32 v8, v8;
	v3 =	vmul.f32 v3, v3;
	v19 =	vld [tilespmem:s9+$0x184D0];
	s2 =	ssub.f32 $1.500000000e+00, s2  }
0x3d0: {  	v22 =	vunpack.i.l.bf16.f32 v17;
	v23 =	vld [tilespmem:s9+$0x14450];
	v11 =	vmul.f32 v11, v11;
	v13 =	vadd.f32 v18, v13;
	s21 =	smul.f32 s11, s6;
	s29 =	ssub.f32 $1.500000000e+00, s18  }
0x3d1: {  	v9 =	vadd.f32 v14, v5;
	v5 =	vld [tilespmem:s9+$0x14440];
	s26 =	sadd.f32 s12, s14;
	v10 =	vunpack.i.u.bf16.f32 v7;
	v7 =	vunpack.i.l.bf16.f32 v7;
	s2 =	smul.f32 s2, s31  }
0x3d2: {  	s16 =	smov.u32 s4;
	v14 =	vld [tilespmem:s9+$0x18440];
	v1 =	vadd.f32 v15, v13;
	v15 =	vunpack.i.l.bf16.f32 v12;
	v18 =	vunpack.i.l.bf16.f32 v21;
	s0 =	smul.f32 s29, s20;
	s20 =	spop (v2sf)  }
0x3d3: {  	s16 =	simm.s32 @!p3 $0x0;
	v21 =	vunpack.i.u.bf16.f32 v21;
	v51 =	vunpack.i.u.bf16.f32 v20;
	v20 =	vunpack.i.l.bf16.f32 v20;
	s19 =	smul.f32 s2, s8;
	s24 =	spop (v2sf)  }
0x3d4: {  	v3 =	vadd.f32 v9, v3;
	v13 =	vunpack.i.l.bf16.f32 v19;
	v19 =	vunpack.i.u.bf16.f32 v19;
	s31 =	smul.f32 s0, s1;
	s1 =	sadd.f32 s16, s3  }
0x3d5: {  	v1 =	vadd.f32 v1, v16;
	v16 =	vunpack.i.l.bf16.f32 v48;
	v2 =	vsub.f32 v2, v19;
	s3 =	sadd.f32 $9.999999960e-13, s20;
	s13 =	smul.f32 s19, s2  }
0x3d6: {  	v0 =	vsub.f32 v0, v13;
	v13 =	vunpack.i.l.bf16.f32 v23;
	v15 =	vsub.f32 v15, v16;
	s6 =	sadd.f32 $9.999999960e-13, s24;
	s18 =	smul.f32 s31, s0  }
0x3d7: {  	s12 =	smax.f32 s7, $0.0e+00;
	v19 =	vunpack.i.l.bf16.f32 v5;
	v49 =	vunpack.i.u.bf16.f32 v14;
	v14 =	vunpack.i.l.bf16.f32 v14;
	s15 =	sshra.s32 s3, $0x1;
	s11 =	smul.f32 $5.000000000e-01, s3  }
0x3d8: {  	v13 =	vsub.f32 v13, v20;
	v5 =	vunpack.i.u.bf16.f32 v5;
	v11 =	vadd.f32 v11, v1;
	s23 =	ssub.f32 $1.500000000e+00, s13;
	s7 =	smul.f32 $5.000000000e-01, s6;
	s15 =	ssub.s32 $0x5F3759DF, s15  }
0x3d9: {  	v50, _, _ =	vpop (xrf2);
	v16 =	vld [tilespmem:s9+$0x14470];
	v1 =	vunpack.i.u.bf16.f32 v17;
	v17 =	vsub.f32 v22, v18;
	v14 =	vsub.f32 v19, v14;
	s16 =	sshra.s32 s6, $0x1;
	s25 =	smul.f32 s15, s11  }
0x3da: {  	v23 =	vunpack.i.u.bf16.f32 v23;
	v18 =	vld [tilespmem:s9+$0x144E0];
	v24 =	vsub.f32 v5, v49;
	(v2sf) =	vpush v50, $0xF;
	s31 =	ssub.s32 $0x5F3759DF, s16;
	s22 =	ssub.f32 $1.500000000e+00, s18;
	s13 =	smul.f32 s23, s2  }
0x3db: {  	v2 =	vmul.f32 v2, v2;
	v1 =	vsub.f32 v1, v21;
	v21 =	vld [tilespmem:s9+$0x184E0];
	v13 =	vmul.f32 v13, v13;
	s16 =	smul.f32 s31, s7  }
0x3dc: {  	v3 =	vadd.f32 v4, v3;
	v24 =	vmul.f32 v24, v24;
	v14 =	vmul.f32 v14, v14;
	s0 =	smul.f32 s22, s0  }
0x3dd: {  	v53 =	vld [tilespmem:s9+$0x184F0];
	v54, _, _ =	vpop (xrf2);
	v22 =	vunpack.i.u.bf16.f32 v48;
	v17 =	vmul.f32 v17, v17;
	v1 =	vmul.f32 v1, v1;
	s29 =	smul.f32 s15, s25  }
0x3de: {  	p2 =	por p2, p2;
	v52 =	vld [tilespmem:s9+$0x144F0];
	(v2sf) =	vpush v54, $0xF;
	v19 =	vunpack.i.l.bf16.f32 v16;
	v14 =	vadd.f32 v14, v24;
	s8 =	smul.f32 s13, s8  }
0x3df: {  	p2 =	por p2, p2;
	v17 =	vadd.f32 v17, v1;
	v1 =	vunpack.i.l.bf16.f32 v18;
	v18 =	vunpack.i.u.bf16.f32 v18;
	s0 =	smul.f32 s0, s5;
	s10 =	ssub.f32 $1.500000000e+00, s29  }
0x3e0: {  	s12 =	simm.s32 @!p2 $0x0;
	s14 =	ssub.f32 $1.000000010e-01, s21;
	v7 =	vsub.f32 v19, v7;
	v20 =	vunpack.i.l.bf16.f32 v21;
	v13 =	vadd.f32 v13, v14;
	s8 =	smul.f32 s8, s13  }
0x3e1: {  	s2 =	sadd.f32 s12, s26;
	v1 =	vsub.f32 v1, v20;
	v20 =	vunpack.i.u.bf16.f32 v21;
	v21 =	vmul.f32 v0, v0;
	s9 =	smul.f32 s15, s10  }
0x3e2: {  	v0 =	vsub.f32 v18, v20;
	v20 =	vsub.f32 v23, v51;
	v23 =	vunpack.i.l.bf16.f32 v53;
	s10 =	smul.f32 s31, s16;
	s8 =	ssub.f32 $1.500000000e+00, s8  }
0x3e3: {  	s12 =	smax.f32 s14, $0.0e+00;
	v18 =	vmul.f32 v1, v1;
	v1 =	vunpack.i.l.bf16.f32 v52;
	v17 =	vadd.f32 v21, v17;
	s5 =	simm.s32 $0x400;
	s18 =	smul.f32 s9, s11  }
0x3e4: {  	s12 =	simm.s32 @!p2 $0x0;
	v5 =	vmul.f32 v0, v0;
	v0 =	vsub.f32 v1, v23;
	v1 =	vunpack.i.u.bf16.f32 v12;
	v21 =	vld [tilespmem:s5+$0x18460];
	s10 =	ssub.f32 $1.500000000e+00, s10;
	s8 =	smul.f32 s8, s13  }
0x3e5: {  	s19 =	sadd.f32 s12, s2;
	v12 =	vunpack.i.u.bf16.f32 v52;
	v23 =	vunpack.i.u.bf16.f32 v53;
	v19 =	vmul.f32 v20, v20;
	v20 =	vld [tilespmem:s5+$0x144D0];
	s14 =	smul.f32 s18, s9  }
0x3e6: {  	v14 =	vunpack.i.u.bf16.f32 v16;
	v12 =	vsub.f32 v12, v23;
	v16 =	vadd.f32 v17, v2;
	v17 =	vld [tilespmem:s5+$0x184D0];
	s0 =	ssub.f32 $1.000000010e-01, s0;
	s10 =	smul.f32 s31, s10  }
0x3e7: {  	v15 =	vmul.f32 v15, v15;
	v8 =	vadd.f32 v11, v8;
	v9 =	vsub.f32 v14, v10;
	v14 =	vld [tilespmem:s5+$0x184C0];
	s4 =	smul.f32 s8, s4;
	s14 =	ssub.f32 $1.500000000e+00, s14  }
0x3e8: {  	p6 =	por p3, p3;
	v22 =	vsub.f32 v1, v22;
	v10 =	vld [tilespmem:s5+$0x14460];
	v2 =	vmul.f32 v12, v12;
	v12 =	vadd.f32 v13, v19;
	s16 =	smax.f32 s0, $0.0e+00;
	s20 =	smul.f32 s10, s7  }
0x3e9: {  	v3 =	vadd.f32 v3, v6;
	p2 =	por p6, p6;
	v7 =	vmul.f32 v7, v7;
	s22 =	spop (v2sf);
	s21 =	smul.f32 s14, s9  }
0x3ea: {  	(xrf2) =	vadd.scan.msk.f32 $0xffff, v8;
	v13 =	vmul.f32 v22, v22;
	v19 =	vld [tilespmem:s5+$0x144C0];
	v11 =	vadd.f32 v18, v16;
	s16 =	simm.s32 @!p2 $0x0;
	v12 =	vadd.f32 v15, v12;
	s8 =	sadd.f32 $9.999999960e-13, s22;
	s2 =	smul.f32 s20, s10  }
0x3eb: {  	(xrf2) =	vadd.scan.msk.f32 $0xffff, v3;
	v6 =	vld [tilespmem:s5+$0x14440];
	v8 =	vunpack.i.u.bf16.f32 v20;
	v16 =	vunpack.i.l.bf16.f32 v17;
	v18 =	vunpack.i.l.bf16.f32 v21;
	s31 =	sadd.f32 s16, s19;
	s9 =	smul.f32 s21, s11  }
0x3ec: {  	v3 =	vld [tilespmem:s5+$0x18440];
	v20 =	vunpack.i.l.bf16.f32 v20;
	v22 =	vunpack.i.l.bf16.f32 v14;
	v17 =	vunpack.i.u.bf16.f32 v17;
	s18 =	smul.f32 $5.000000000e-01, s8;
	s2 =	ssub.f32 $1.500000000e+00, s2  }
0x3ed: {  	v1 =	vld [tilespmem:s5+$0x18470];
	v12 =	vadd.f32 v12, v13;
	v13 =	vunpack.i.l.bf16.f32 v10;
	v8 =	vsub.f32 v8, v17;
	s26 =	ssub.f32 $1.000000010e-01, s4;
	s25 =	sshra.s32 s8, $0x1;
	s9 =	smul.f32 s9, s21  }
0x3ee: {  	v23 =	vld [tilespmem:s5+$0x18450];
	v14 =	vunpack.i.u.bf16.f32 v14;
	s24 =	spop (v2sf);
	v16 =	vsub.f32 v20, v16;
	v13 =	vsub.f32 v13, v18;
	s12 =	smul.f32 s2, s10;
	s10 =	ssub.s32 $0x5F3759DF, s25  }
0x3ef: {  	v15 =	vld [tilespmem:s5+$0x14450];
	v55 =	vunpack.i.l.bf16.f32 v19;
	v56 =	vadd.f32 v7, v12;
	v7 =	vunpack.i.u.bf16.f32 v19;
	s0 =	smax.f32 s26, $0.0e+00;
	s29 =	smul.f32 s10, s18  }
0x3f0: {  	v17 =	vld [tilespmem:s5+$0x144E0];
	v12 =	vsub.f32 v55, v22;
	v7 =	vsub.f32 v7, v14;
	s23 =	ssub.f32 $1.500000000e+00, s9;
	s20 =	smul.f32 s12, s7  }
0x3f1: {  	v20 =	vld [tilespmem:s5+$0x184F0];
	v19 =	vunpack.i.l.bf16.f32 v6;
	v22 =	vunpack.i.u.bf16.f32 v3;
	v3 =	vunpack.i.l.bf16.f32 v3;
	s0 =	simm.s32 @!p2 $0x0;
	s9 =	sadd.f32 $9.999999960e-13, s24;
	s2 =	smul.f32 s10, s29  }
0x3f2: {  	v18 =	vld [tilespmem:s5+$0x14470];
	v19 =	vsub.f32 v19, v3;
	v12 =	vmul.f32 v12, v12;
	s4 =	sadd.f32 s0, s31;
	v3 =	vmul.f32 v7, v7;
	s14 =	smul.f32 s23, s21  }
0x3f3: {  	v14 =	vld [tilespmem:s5+$0x184E0];
	s0 =	smov.u32 s3;
	s25 =	rddreg [dreg:$0xf];
	s19 =	smul.f32 $5.000000000e-01, s9  }
0x3f4: {  	v58, _, _ =	vpop (xrf2);
	v60 =	vadd.f32 v12, v3;
	v12 =	vld [tilespmem:s5+$0x144F0];
	p2 =	slt.u32 s25, $0x27100;
	s15 =	sshra.s32 s9, $0x1;
	s5 =	smul.f32 s20, s12  }
0x3f5: {  	v4 =	vmul.f32 v9, v9;
	v0 =	vmul.f32 v0, v0;
	v62, _, _ =	vpop (xrf2);
	(v2sf) =	vpush v58, $0xF;
	s13 =	ssub.s32 $0x5F3759DF, s15;
	s2 =	ssub.f32 $1.500000000e+00, s2;
	s11 =	smul.f32 s14, s11  }
0x3f6: {  	v9 =	vunpack.i.u.bf16.f32 v1;
	v21 =	vunpack.i.u.bf16.f32 v21;
	(v2sf) =	vpush v62, $0xF;
	s0 =	simm.s32 @!p2 $0x0;
	s16 =	smul.f32 s13, s19  }
0x3f7: {  	v6 =	vunpack.i.u.bf16.f32 v6;
	v16 =	vmul.f32 v16, v16;
	v59 =	vunpack.i.l.bf16.f32 v15;
	s0 =	sadd.f32 s0, s1;
	s1 =	smov.u32 s6;
	s2 =	smul.f32 s10, s2  }
0x3f8: {  	v15 =	vunpack.i.u.bf16.f32 v15;
	v7 =	vunpack.i.u.bf16.f32 v23;
	v23 =	vunpack.i.l.bf16.f32 v23;
	s1 =	simm.s32 @!p2 $0x0;
	s11 =	smul.f32 s11, s14  }
0x3f9: {  	v6 =	vsub.f32 v6, v22;
	v23 =	vsub.f32 v59, v23;
	v3 =	vunpack.i.l.bf16.f32 v17;
	s0 =	sadd.f32 s1, s0;
	s23 =	smul.f32 s2, s18  }
0x3fa: {  	v17 =	vunpack.i.u.bf16.f32 v17;
	v61 =	vunpack.i.l.bf16.f32 v14;
	v14 =	vunpack.i.u.bf16.f32 v14;
	s15 =	smul.f32 s13, s16;
	s21 =	ssub.f32 $1.500000000e+00, s11  }
0x3fb: {  	v57 =	vunpack.i.l.bf16.f32 v18;
	v3 =	vsub.f32 v3, v61;
	v14 =	vsub.f32 v17, v14;
	s5 =	ssub.f32 $1.500000000e+00, s5;
	s1 =	smul.f32 s23, s2  }
0x3fc: {  	v15 =	vsub.f32 v15, v7;
	v18 =	vunpack.i.u.bf16.f32 v18;
	v17 =	vunpack.i.l.bf16.f32 v20;
	s15 =	ssub.f32 $1.500000000e+00, s15;
	s10 =	smul.f32 s21, s14  }
0x3fd: {  	s22 =	sadd.s32 $0x2, s25;
	v63 =	vmul.f32 v3, v3;
	v3 =	vmul.f32 v14, v14;
	v14 =	vunpack.i.u.bf16.f32 v20;
	s14 =	smul.f32 s5, s12  }
0x3fe: {  	p4 =	slt.u32 s22, $0x27100;
	p2 =	por p2, p2;
	v20 =	vmul.f32 v6, v6;
	v6 =	vadd.f32 v16, v60;
	v7 =	vunpack.i.l.bf16.f32 v12;
	s15 =	smul.f32 s13, s15  }
0x3ff: {  	v16 =	vmul.f32 v8, v8;
	v12 =	vunpack.i.u.bf16.f32 v12;
	p3 =	por p2, p2;
	p2 =	por p4, p4;
	v7 =	vsub.f32 v7, v17;
	s24 =	smul.f32 s10, s3  }
0x400: {  	v10 =	vunpack.i.u.bf16.f32 v10;
	v22 =	vsub.f32 v18, v9;
	v14 =	vsub.f32 v12, v14;
	s16 =	smov.u32 s8;
	s1 =	ssub.f32 $1.500000000e+00, s1;
	s26 =	smul.f32 s14, s7  }
0x401: {  	v17 =	vsub.f32 v10, v21;
	v16 =	vadd.f32 v6, v16;
	v10 =	vmul.f32 v7, v7;
	s16 =	simm.s32 @!p4 $0x0;
	s3 =	simm.s32 $0x500;
	s29 =	smul.f32 s15, s19  }
0x402: {  	v7 =	vunpack.i.l.bf16.f32 v1;
	v8 =	vmul.f32 v14, v14;
	v14 =	vmul.f32 v19, v19;
	s0 =	sadd.f32 s16, s0;
	s10 =	smov.u32 s9;
	v1 =	vld [tilespmem:s3+$0x18470];
	s16 =	smul.f32 s1, s2  }
0x403: {  	v12 =	vmul.f32 v13, v13;
	v13 =	vmul.f32 v17, v17;
	v17 =	vsub.f32 v57, v7;
	s10 =	simm.s32 @!p4 $0x0;
	v7 =	vld [tilespmem:s3+$0x184C0];
	s5 =	ssub.f32 $1.000000010e-01, s24;
	s31 =	smul.f32 s26, s14  }
0x404: {  	v21 =	vmul.f32 v23, v23;
	v16 =	vadd.f32 v63, v16;
	v20 =	vadd.f32 v14, v20;
	s12 =	sadd.s32 $0x2, s22;
	v6 =	vld [tilespmem:s3+$0x18460];
	s7 =	sadd.f32 s10, s0;
	s11 =	smul.f32 s29, s15  }
0x405: {  	v19 =	vadd.f32 v56, v4;
	v4 =	vmul.f32 v22, v22;
	v14 =	vmul.f32 v17, v17;
	s13 =	simm.s32 $0x1800;
	v9 =	vld [tilespmem:s3+$0x144C0];
	s22 =	smul.f32 s16, s18;
	s21 =	smax.f32 s5, $0.0e+00  }
0x406: {  	v17 =	vmul.f32 v15, v15;
	v18 =	vadd.f32 v21, v20;
	v20 =	vadd.f32 v11, v5;
	v15 =	vld [tilespmem:s3+$0x144D0];
	s5 =	sadd.s32 $0x2, s12;
	s20 =	ssub.f32 $1.500000000e+00, s31;
	s21 =	simm.s32 @!p3 $0x0  }
.LBB2_12:
0x407: {  	s0 =	spop (v2sf)  }
0x408: {  	s2 =	ssub.f32 $1.500000000e+00, s11;
	s11 =	smov.u32 s13;
	s1 =	sadd.s32 $0x400, s13  }
0x409: {  	v11 =	vunpack.i.u.bf16.f32 v1;
	v21 =	vld [tilespmem:s3+$0x184D0];
	v5 =	vmov v16;
	p4 =	sne.s32 s13, $0xFC00;
	s13 =	sadd.f32 $9.999999960e-13, s0;
	s0 =	smul.f32 s22, s16  }
0x40a: {  	p5 =	slt.u32 s12, $0x27100;
	v16 =	vld [tilespmem:s3+$0x14460];
	v17 =	vadd.f32 v18, v17;
	v18 =	vadd.f32 v0, v20;
	v0 =	vmov v10;
	s20 =	smul.f32 s20, s14  }
0x40b: {  	s12 =	smov.u32 s5;
	v10 =	vld [tilespmem:s3+$0x14450];
	(xrf2) =	vadd.scan.msk.f32 $0xffff, v19;
	s10 =	spop (v2sf);
	s15 =	smul.f32 s2, s15  }
0x40c: {  	v19 =	vld [tilespmem:s3+$0x14440];
	v12 =	vadd.f32 v12, v17;
	v17 =	vadd.f32 v18, v2;
	s2 =	sshra.s32 s13, $0x1;
	s0 =	ssub.f32 $1.500000000e+00, s0;
	v2 =	vmov v8;
	s24 =	smov.u32 s13  }
0x40d: {  	s23 =	smul.f32 $5.000000000e-01, s13;
	s10 =	sadd.f32 $9.999999960e-13, s10;
	s24 =	simm.s32 @!p5 $0x0  }
0x40e: {  	v18 =	vunpack.i.u.bf16.f32 v15;
	s22 =	ssub.s32 $0x5F3759DF, s2;
	v8 =	vld [tilespmem:s3+$0x18450];
	v20 =	vunpack.i.l.bf16.f32 v21;
	v12 =	vadd.f32 v12, v13;
	(xrf2) =	vadd.scan.msk.f32 $0xffff, v17;
	s14 =	smul.f32 s0, s16  }
0x40f: {  	v22 =	vunpack.i.l.bf16.f32 v6;
	v23 =	vunpack.i.l.bf16.f32 v15;
	s0 =	smul.f32 s22, s23;
	s2 =	sadd.f32 s24, s7;
	s7 =	smov.u32 s10;
	v13 =	vld [tilespmem:s3+$0x18440];
	v17 =	vunpack.i.l.bf16.f32 v16  }
0x410: {  	v24 =	vunpack.i.l.bf16.f32 v7;
	v21 =	vunpack.i.u.bf16.f32 v21;
	s24 =	smul.f32 s20, s6;
	s6 =	smov.u32 s9;
	s7 =	simm.s32 @!p5 $0x0;
	v17 =	vsub.f32 v17, v22;
	v22 =	vld [tilespmem:s3+$0x14470]  }
0x411: {  	v7 =	vunpack.i.u.bf16.f32 v7;
	v25 =	vunpack.i.l.bf16.f32 v9;
	s9 =	sshra.s32 s10, $0x1;
	s20 =	smul.f32 $5.000000000e-01, s10;
	v15 =	vadd.f32 v14, v12;
	s7 =	sadd.f32 s7, s2  }
0x412: {  	v9 =	vunpack.i.u.bf16.f32 v9;
	s16 =	ssub.s32 $0x5F3759DF, s9;
	v12 =	vsub.f32 v25, v24;
	v14 =	vsub.f32 v18, v21;
	s2 =	smul.f32 s14, s18;
	s9 =	ssub.f32 $1.000000010e-01, s24;
	v18 =	vld [tilespmem:s3+$0x144E0]  }
0x413: {  	s4 =	sadd.f32 s21, s4;
	v6 =	vunpack.i.u.bf16.f32 v6;
	v7 =	vsub.f32 v9, v7;
	s24 =	smul.f32 s16, s20;
	s18 =	smov.u32 s23;
	v21 =	vunpack.i.l.bf16.f32 v19;
	v9 =	vld [tilespmem:s3+$0x184E0]  }
0x414: {  	s0 =	smul.f32 s22, s0;
	v12 =	vmul.f32 v12, v12;
	s21 =	smax.f32 s9, $0.0e+00;
	s9 =	smov.u32 s10;
	v24 =	vunpack.i.u.bf16.f32 v13;
	v13 =	vunpack.i.l.bf16.f32 v13  }
0x415: {  	v7 =	vmul.f32 v7, v7;
	s10 =	smul.f32 s16, s24;
	s21 =	simm.s32 @!p3 $0x0;
	p3 =	por p2, p2;
	v13 =	vsub.f32 v21, v13;
	v21 =	vunpack.i.l.bf16.f32 v22;
	v25, _, _ =	vpop (xrf2)  }
0x416: {  	v20 =	vsub.f32 v23, v20;
	s0 =	ssub.f32 $1.500000000e+00, s0;
	s2 =	smul.f32 s2, s14;
	v26 =	vunpack.i.u.bf16.f32 v8;
	v8 =	vunpack.i.l.bf16.f32 v8;
	p2 =	por p5, p5;
	v23 =	vld [tilespmem:s3+$0x184F0]  }
0x417: {  	v27 =	vunpack.i.l.bf16.f32 v10;
	v7 =	vadd.f32 v12, v7;
	s4 =	sadd.f32 s21, s4;
	v12 =	vunpack.i.l.bf16.f32 v18;
	v28 =	vld [tilespmem:s3+$0x144F0];
	s3 =	smul.f32 s15, s19  }
0x418: {  	v27 =	vsub.f32 v27, v8;
	s0 =	smul.f32 s22, s0;
	s10 =	ssub.f32 $1.500000000e+00, s10;
	v8 =	vunpack.i.l.bf16.f32 v9;
	(v2sf) =	vpush v25, $0xF;
	v25, _, _ =	vpop (xrf2)  }
0x419: {  	v10 =	vunpack.i.u.bf16.f32 v10;
	v19 =	vunpack.i.u.bf16.f32 v19;
	s2 =	ssub.f32 $1.500000000e+00, s2;
	v8 =	vsub.f32 v12, v8;
	s3 =	smul.f32 s3, s15  }
0x41a: {  	s21 =	smul.f32 s0, s18;
	v9 =	vunpack.i.u.bf16.f32 v9;
	v12 =	vunpack.i.u.bf16.f32 v18;
	(v2sf) =	vpush v25, $0xF  }
0x41b: {  	s2 =	smul.f32 s2, s14;
	v18 =	vmul.f32 v20, v20;
	v9 =	vsub.f32 v12, v9;
	v20 =	vmul.f32 v8, v8  }
0x41c: {  	s21 =	smul.f32 s21, s0;
	v25 =	vsub.f32 v10, v26;
	v10 =	vunpack.i.l.bf16.f32 v23;
	s3 =	ssub.f32 $1.500000000e+00, s3;
	v8 =	vunpack.i.l.bf16.f32 v28  }
0x41d: {  	s2 =	smul.f32 s2, s8;
	v12 =	vsub.f32 v19, v24;
	v24 =	vmul.f32 v9, v9;
	v8 =	vsub.f32 v8, v10  }
0x41e: {  	s21 =	ssub.f32 $1.500000000e+00, s21;
	v9 =	vunpack.i.u.bf16.f32 v16;
	v16 =	vunpack.i.u.bf16.f32 v23;
	v10 =	vunpack.i.u.bf16.f32 v28;
	s14 =	smul.f32 s3, s15  }
0x41f: {  	s8 =	smov.u32 s13;
	v6 =	vsub.f32 v9, v6;
	s15 =	smul.f32 s16, s10;
	v9 =	vsub.f32 v10, v16;
	v10 =	vmul.f32 v8, v8  }
0x420: {  	s16 =	smul.f32 s21, s0;
	v16 =	vmul.f32 v12, v12;
	v12 =	vmul.f32 v17, v17;
	v17 =	vadd.f32 v18, v7  }
0x421: {  	v14 =	vmul.f32 v14, v14;
	s2 =	ssub.f32 $1.000000010e-01, s2;
	s3 =	sshra.s32 s11, $0x2;
	v7 =	vunpack.i.l.bf16.f32 v1;
	s10 =	smul.f32 s14, s19;
	v8 =	vmul.f32 v9, v9  }
.Ltmp7:
0x422: {  	v18 =	vsub.f32 v21, v7;
	v9 =	vmul.f32 v13, v13;
	v13 =	vmul.f32 v6, v6;
	v1 =	vld [tilespmem:s3+$0x18470];
	(pc) =	sbr.rel @p4 .LBB2_12-.Ltmp7, $4  }
0x423: {  	v19 =	vunpack.i.u.bf16.f32 v22;
	s21 =	smax.f32 s2, $0.0e+00;
	v21 =	vmul.f32 v27, v27;
	s0 =	smul.f32 s15, s20;
	s19 =	smov.u32 s20;
	v22 =	vadd.f32 v17, v14;
	v7 =	vld [tilespmem:s3+$0x184C0]  }
0x424: {  	v11 =	vsub.f32 v19, v11;
	s21 =	simm.s32 @!p3 $0x0;
	v14 =	vmul.f32 v18, v18;
	s2 =	smul.f32 s10, s14;
	v23 =	vadd.f32 v9, v16;
	v6 =	vld [tilespmem:s3+$0x18460]  }
0x425: {  	s5 =	sadd.s32 $0x2, s5;
	v19 =	vadd.f32 v15, v4;
	v17 =	vmul.f32 v25, v25;
	s11 =	smul.f32 s0, s15;
	v16 =	vadd.f32 v20, v22;
	v9 =	vld [tilespmem:s3+$0x144C0]  }
0x426: {  	s13 =	smov.u32 s1;
	v4 =	vmul.f32 v11, v11;
	s22 =	smul.f32 s16, s18;
	v20 =	vadd.f32 v5, v3;
	v3 =	vmovc v24;
	s20 =	ssub.f32 $1.500000000e+00, s2;
	v18 =	vadd.f32 v21, v23;
	v15 =	vld [tilespmem:s3+$0x144D0]  }
0x427: {  	s0 =	ssub.f32 $1.500000000e+00, s11  }
0x428: {  	s1 =	spop (v2sf);
	s2 =	smul.f32 s22, s16  }
0x429: {  	s13 =	sadd.f32 $9.999999960e-13, s1;
	s0 =	smul.f32 s0, s15  }
0x42a: {  	s15 =	smul.f32 s20, s14  }
0x42b: {  	s22 =	smul.f32 $5.000000000e-01, s13  }
0x42c: {  	s11 =	ssub.f32 $1.500000000e+00, s2;
	s6 =	smul.f32 s15, s6  }
0x42d: {  	(xrf2) =	vadd.scan.msk.f32 $0xffff, v19;
	s20 =	spop (v2sf);
	s10 =	sshra.s32 s13, $0x1;
	s31 =	smul.f32 s0, s19  }
0x42e: {  	s10 =	ssub.s32 $0x5F3759DF, s10;
	s1 =	smul.f32 s11, s16;
	s11 =	sadd.f32 $9.999999960e-13, s20  }
0x42f: {  	v0 =	vadd.f32 v0, v20;
	s23 =	smul.f32 s10, s22  }
0x430: {  	s20 =	smul.f32 $5.000000000e-01, s11  }
0x431: {  	v0 =	vadd.f32 v0, v2;
	s26 =	smul.f32 s1, s18  }
0x432: {  	s24 =	sshra.s32 s11, $0x1;
	s14 =	smul.f32 s10, s23  }
0x433: {  	(xrf2) =	vadd.scan.msk.f32 $0xffff, v0;
	s23 =	smul.f32 s31, s0;
	s2 =	ssub.s32 $0x5F3759DF, s24  }
0x434: {  	s29 =	smul.f32 s2, s20  }
0x435: {  	s14 =	ssub.f32 $1.500000000e+00, s14;
	s15 =	smul.f32 s26, s1  }
0x436: {  	s26 =	ssub.f32 $1.500000000e+00, s23;
	s16 =	smul.f32 s2, s29  }
0x437: {  	v58, _, _ =	vpop (xrf2);
	s10 =	smul.f32 s10, s14  }
0x438: {  	(v2sf) =	vpush v58, $0xF;
	s15 =	ssub.f32 $1.500000000e+00, s15;
	s0 =	smul.f32 s26, s0  }
0x439: {  	s24 =	smul.f32 s10, s22  }
0x43a: {  	v60 =	vadd.f32 v18, v17;
	s1 =	smul.f32 s15, s1  }
0x43b: {  	s29 =	ssub.f32 $1.500000000e+00, s16;
	s18 =	smul.f32 s0, s19  }
0x43c: {  	v0 =	vadd.f32 v12, v60;
	s31 =	smul.f32 s24, s10  }
0x43d: {  	v59, _, _ =	vpop (xrf2);
	s2 =	smul.f32 s2, s29  }
0x43e: {  	v0 =	vadd.f32 v0, v13;
	s15 =	smul.f32 s18, s0;
	(v2sf) =	vpush v59, $0xF  }
0x43f: {  	s14 =	smul.f32 s1, s8;
	s16 =	ssub.f32 $1.500000000e+00, s31  }
0x440: {  	v61 =	vld [tilespmem:s3+$0x184D0];
	v0 =	vadd.f32 v14, v0;
	s19 =	smul.f32 s2, s20  }
0x441: {  	v5 =	vld [tilespmem:s3+$0x14460];
	s10 =	smul.f32 s16, s10  }
0x442: {  	v3 =	vadd.f32 v16, v3;
	v11 =	vld [tilespmem:s3+$0x14440];
	v0 =	vadd.f32 v0, v4;
	s15 =	ssub.f32 $1.500000000e+00, s15;
	s23 =	smul.f32 s19, s2  }
0x443: {  	v62 =	vunpack.i.u.bf16.f32 v1;
	v22 =	vld [tilespmem:s3+$0x18440];
	v53 =	vunpack.i.l.bf16.f32 v1;
	v28 =	vunpack.i.l.bf16.f32 v7;
	s24 =	smul.f32 s10, s22  }
0x444: {  	v26 =	vld [tilespmem:s3+$0x14470];
	v31 =	vunpack.i.u.bf16.f32 v7;
	v3 =	vadd.f32 v10, v3;
	v24 =	vunpack.i.l.bf16.f32 v6;
	(xrf2) =	vadd.scan.msk.f32 $0xffff, v0;
	s0 =	smul.f32 s15, s0  }
0x445: {  	v27 =	vld [tilespmem:s3+$0x18450];
	v35 =	vunpack.i.u.bf16.f32 v6;
	v29 =	vunpack.i.l.bf16.f32 v9;
	v32 =	vunpack.i.u.bf16.f32 v9;
	s31 =	smul.f32 s24, s10  }
0x446: {  	v30 =	vld [tilespmem:s3+$0x14450];
	v63 =	vunpack.i.u.bf16.f32 v15;
	v25 =	vunpack.i.l.bf16.f32 v15;
	v3 =	vadd.f32 v3, v8;
	s26 =	ssub.f32 $1.500000000e+00, s23;
	s9 =	smul.f32 s0, s9  }
0x447: {  	v16 =	vsub.f32 v29, v28;
	v7 =	vsub.f32 v32, v31;
	v21 =	vunpack.i.l.bf16.f32 v61;
	s19 =	ssub.f32 $1.500000000e+00, s31;
	s29 =	spop (v2sf)  }
0x448: {  	v33 =	vld [tilespmem:s3+$0x144E0];
	v23 =	vunpack.i.l.bf16.f32 v5;
	v2 =	vunpack.i.u.bf16.f32 v61;
	v34 =	vunpack.i.l.bf16.f32 v11;
	s18 =	smul.f32 s26, s2;
	s1 =	sadd.f32 $9.999999960e-13, s29  }
0x449: {  	v37 =	vunpack.i.u.bf16.f32 v22;
	v10 =	vunpack.i.l.bf16.f32 v22;
	v11 =	vunpack.i.u.bf16.f32 v11;
	(xrf2) =	vadd.scan.msk.f32 $0xffff, v3;
	s19 =	smul.f32 s19, s10  }
0x44a: {  	v38 =	vunpack.i.l.bf16.f32 v26;
	v10 =	vsub.f32 v34, v10;
	v11 =	vsub.f32 v11, v37;
	s23 =	sshra.s32 s1, $0x1;
	s16 =	smul.f32 $5.000000000e-01, s1  }
0x44b: {  	v39 =	vunpack.i.u.bf16.f32 v27;
	v8 =	vunpack.i.l.bf16.f32 v27;
	v40 =	vunpack.i.l.bf16.f32 v30;
	s10 =	smul.f32 s19, s22;
	s23 =	ssub.s32 $0x5F3759DF, s23  }
0x44c: {  	v8 =	vsub.f32 v40, v8;
	v11 =	vmul.f32 v11, v11;
	v10 =	vmul.f32 v10, v10;
	s26 =	smul.f32 s23, s16  }
0x44d: {  	v41 =	vunpack.i.l.bf16.f32 v33;
	v18 =	vunpack.i.u.bf16.f32 v30;
	v5 =	vunpack.i.u.bf16.f32 v5;
	s24 =	spop (v2sf);
	s10 =	smul.f32 s10, s19  }
0x44e: {  	v46 =	vsub.f32 v18, v39;
	v8 =	vmul.f32 v8, v8;
	v10 =	vadd.f32 v10, v11;
	v42, _, _ =	vpop (xrf2);
	s8 =	sadd.f32 $9.999999960e-13, s24;
	s24 =	smul.f32 s18, s20  }
0x44f: {  	v54 =	vunpack.i.u.bf16.f32 v26;
	v2 =	vsub.f32 v63, v2;
	(v2sf) =	vpush v42, $0xF;
	s2 =	smul.f32 s23, s26  }
0x450: {  	v36 =	vld [tilespmem:s3+$0x184E0];
	v13 =	vsub.f32 v23, v24;
	v49 =	vmul.f32 v46, v46;
	v8 =	vadd.f32 v8, v10;
	s10 =	ssub.f32 $1.500000000e+00, s10;
	s15 =	smul.f32 $5.000000000e-01, s8  }
0x451: {  	v43 =	vld [tilespmem:s3+$0x184F0];
	v16 =	vmul.f32 v16, v16;
	v7 =	vmul.f32 v7, v7;
	v5 =	vsub.f32 v5, v35;
	s29 =	sshra.s32 s8, $0x1;
	s26 =	smul.f32 s24, s18  }
0x452: {  	v45 =	vld [tilespmem:s3+$0x144F0];
	v52 =	vmul.f32 v13, v13;
	v0 =	vsub.f32 v25, v21;
	v8 =	vadd.f32 v8, v49;
	s0 =	ssub.s32 $0x5F3759DF, s29;
	s2 =	ssub.f32 $1.500000000e+00, s2;
	s3 =	smul.f32 s10, s19  }
0x453: {  	v1 =	vsub.f32 v38, v53;
	v7 =	vadd.f32 v16, v7;
	v5 =	vmul.f32 v5, v5;
	v47, _, _ =	vpop (xrf2);
	s31 =	smul.f32 s0, s15  }
0x454: {  	v0 =	vmul.f32 v0, v0;
	v6 =	vadd.f32 v52, v8;
	(v2sf) =	vpush v47, $0xF;
	s2 =	smul.f32 s23, s2  }
0x455: {  	v44 =	vunpack.i.l.bf16.f32 v36;
	v55 =	vsub.f32 v54, v62;
	v2 =	vmul.f32 v2, v2;
	s10 =	ssub.f32 $1.500000000e+00, s26;
	s22 =	smul.f32 s0, s31  }
0x456: {  	v1 =	vmul.f32 v1, v1;
	v0 =	vadd.f32 v0, v7;
	v56 =	vadd.f32 v6, v5;
	s23 =	smul.f32 s2, s16  }
0x457: {  	v9 =	vunpack.i.u.bf16.f32 v36;
	v15 =	vsub.f32 v41, v44;
	v3 =	vunpack.i.u.bf16.f32 v33;
	s10 =	smul.f32 s10, s18  }
0x458: {  	v0 =	vadd.f32 v0, v2;
	v2 =	vmul.f32 v55, v55;
	v1 =	vadd.f32 v1, v56;
	s31 =	smul.f32 s23, s2  }
0x459: {  	v48 =	vmul.f32 v15, v15;
	v3 =	vsub.f32 v3, v9;
	s29 =	ssub.f32 $1.500000000e+00, s22;
	s23 =	smul.f32 s10, s20  }
0x45a: {  	v50 =	vunpack.i.l.bf16.f32 v45;
	v51 =	vunpack.i.l.bf16.f32 v43;
	v1 =	vadd.f32 v1, v2;
	s20 =	smov.u32 s13;
	s13 =	smul.f32 s3, s13  }
0x45b: {  	v57 =	vsub.f32 v50, v51;
	v3 =	vmul.f32 v3, v3;
	v0 =	vadd.f32 v48, v0;
	s0 =	smul.f32 s0, s29  }
0x45c: {  	v58 =	vunpack.i.u.bf16.f32 v45;
	v59 =	vunpack.i.u.bf16.f32 v43;
	(xrf2) =	vadd.scan.msk.f32 $0xffff, v1;
	s22 =	ssub.f32 $1.500000000e+00, s31;
	s26 =	smul.f32 s23, s10  }
0x45d: {  	v60 =	vsub.f32 v58, v59;
	v5 =	vmul.f32 v57, v57;
	v0 =	vadd.f32 v0, v3;
	s24 =	smul.f32 s0, s15  }
0x45e: {  	p4 =	slt.u32 s12, $0x27100;
	s23 =	spop (v2sf);
	s2 =	smul.f32 s22, s2  }
0x45f: {  	v61 =	vmul.f32 v60, v60;
	v0 =	vadd.f32 v5, v0;
	s20 =	simm.s32 @!p4 $0x0;
	s31 =	ssub.f32 $1.500000000e+00, s26;
	s18 =	smul.f32 s24, s0  }
0x460: {  	s7 =	sadd.f32 s20, s7;
	s29 =	smul.f32 s2, s16  }
0x461: {  	v0 =	vadd.f32 v0, v61;
	s12 =	sadd.f32 $9.999999960e-13, s23;
	s10 =	smul.f32 s31, s10  }
0x462: {  	s18 =	ssub.f32 $1.500000000e+00, s18;
	s24 =	smul.f32 s29, s2  }
0x463: {  	(xrf2) =	vadd.scan.msk.f32 $0xffff, v0;
	s22 =	smov.u32 s11;
	s31 =	spop (v2sf);
	s11 =	smul.f32 s10, s11  }
0x464: {  	s22 =	simm.s32 @!p4 $0x0;
	s3 =	sadd.f32 $9.999999960e-13, s31;
	s0 =	smul.f32 s18, s0  }
0x465: {  	s29 =	sshra.s32 s12, $0x1;
	s18 =	smul.f32 $5.000000000e-01, s12;
	s26 =	ssub.f32 $1.500000000e+00, s24  }
0x466: {  	v62, _, _ =	vpop (xrf2);
	s19 =	ssub.s32 $0x5F3759DF, s29;
	s24 =	sadd.f32 s22, s7;
	s7 =	smul.f32 $5.000000000e-01, s3  }
0x467: {  	s6 =	ssub.f32 $1.000000010e-01, s6;
	(v2sf) =	vpush v62, $0xF;
	s23 =	smul.f32 s19, s18  }
0x468: {  	s4 =	sadd.f32 s21, s4;
	s31 =	smul.f32 s0, s15  }
0x469: {  	s6 =	smax.f32 s6, $0.0e+00;
	s2 =	smul.f32 s26, s2  }
0x46a: {  	s6 =	simm.s32 @!p3 $0x0;
	s26 =	sshra.s32 s3, $0x1;
	s20 =	smul.f32 s19, s23  }
0x46b: {  	s4 =	sadd.f32 s6, s4;
	s22 =	ssub.s32 $0x5F3759DF, s26;
	s6 =	smul.f32 s31, s0  }
0x46c: {  	s29 =	smul.f32 s22, s7  }
0x46d: {  	v63, _, _ =	vpop (xrf2);
	s16 =	smul.f32 s2, s16  }
0x46e: {  	(v2sf) =	vpush v63, $0xF;
	s20 =	ssub.f32 $1.500000000e+00, s20;
	s21 =	smul.f32 s22, s29  }
0x46f: {  	s6 =	ssub.f32 $1.500000000e+00, s6;
	s16 =	smul.f32 s16, s2  }
0x470: {  	s19 =	smul.f32 s19, s20  }
0x471: {  	p3 =	por p2, p2;
	s14 =	ssub.f32 $1.000000010e-01, s14;
	s0 =	smul.f32 s6, s0  }
0x472: {  	p2 =	slt.u32 s5, $0x27100;
	s16 =	ssub.f32 $1.500000000e+00, s16;
	s20 =	smul.f32 s19, s18  }
0x473: {  	s6 =	smov.u32 s1;
	s21 =	ssub.f32 $1.500000000e+00, s21;
	s15 =	smul.f32 s0, s15  }
0x474: {  	s14 =	smax.f32 s14, $0.0e+00;
	s6 =	simm.s32 @!p2 $0x0;
	s2 =	smul.f32 s16, s2  }
0x475: {  	s10 =	smov.u32 s8;
	s6 =	sadd.f32 s6, s24;
	s16 =	smul.f32 s22, s21  }
0x476: {  	s10 =	simm.s32 @!p2 $0x0;
	s29 =	spop (v2sf);
	s20 =	smul.f32 s20, s19  }
0x477: {  	s10 =	sadd.f32 s10, s6;
	s23 =	smul.f32 s15, s0  }
0x478: {  	s22 =	smul.f32 s16, s7;
	s20 =	ssub.f32 $1.500000000e+00, s20  }
0x479: {  	s15 =	ssub.f32 $1.000000010e-01, s9;
	s9 =	smul.f32 s2, s1  }
0x47a: {  	s6 =	ssub.f32 $1.500000000e+00, s23;
	s19 =	smul.f32 s20, s19  }
0x47b: {  	s14 =	simm.s32 @!p3 $0x0;
	s1 =	sadd.f32 $9.999999960e-13, s29;
	s20 =	smul.f32 s22, s16  }
0x47c: {  	s14 =	sadd.f32 s14, s4;
	s0 =	smul.f32 s6, s0  }
0x47d: {  	s23 =	spop (v2sf);
	s6 =	smul.f32 $5.000000000e-01, s1  }
0x47e: {  	s4 =	sadd.f32 $9.999999960e-13, s23;
	s24 =	smul.f32 s19, s18  }
0x47f: {  	s15 =	smax.f32 s15, $0.0e+00;
	s8 =	smul.f32 s0, s8  }
0x480: {  	s26 =	ssub.f32 $1.500000000e+00, s20;
	s0 =	sadd.s32 $0x2, s5;
	s5 =	smul.f32 $5.000000000e-01, s4  }
0x481: {  	s15 =	simm.s32 @!p3 $0x0;
	s22 =	sshra.s32 s1, $0x1;
	s31 =	smul.f32 s24, s19  }
0x482: {  	s29 =	sshra.s32 s4, $0x1;
	s2 =	smul.f32 s26, s16;
	s24 =	ssub.s32 $0x5F3759DF, s22  }
0x483: {  	s14 =	sadd.f32 s15, s14;
	s15 =	ssub.s32 $0x5F3759DF, s29;
	s26 =	smul.f32 s24, s6  }
0x484: {  	s21 =	ssub.f32 $1.500000000e+00, s31;
	s31 =	smul.f32 s15, s5  }
0x485: {  	s23 =	smul.f32 s2, s7  }
0x486: {  	s16 =	smul.f32 s21, s19  }
0x487: {  	s19 =	smul.f32 s24, s26  }
0x488: {  	s13 =	ssub.f32 $1.000000010e-01, s13;
	s18 =	smul.f32 s16, s18  }
0x489: {  	s22 =	smul.f32 s15, s31;
	s19 =	ssub.f32 $1.500000000e+00, s19  }
0x48a: {  	s13 =	smax.f32 s13, $0.0e+00;
	s20 =	smov.u32 s12;
	s18 =	smul.f32 s18, s16  }
0x48b: {  	p3 =	slt.u32 s0, $0x27100;
	s29 =	ssub.f32 $1.500000000e+00, s22;
	s19 =	smul.f32 s24, s19  }
0x48c: {  	s11 =	ssub.f32 $1.000000010e-01, s11;
	s20 =	simm.s32 @!p3 $0x0;
	s24 =	smul.f32 s23, s2  }
0x48d: {  	s10 =	sadd.f32 s20, s10;
	s20 =	smov.u32 s3;
	s31 =	smul.f32 s15, s29  }
0x48e: {  	s20 =	simm.s32 @!p3 $0x0;
	s18 =	ssub.f32 $1.500000000e+00, s18;
	s26 =	smul.f32 s19, s6  }
0x48f: {  	p4 =	por p4, p4;
	s10 =	sadd.f32 s20, s10;
	s15 =	smul.f32 s31, s5  }
0x490: {  	p4 =	por p4, p4;
	s20 =	ssub.f32 $1.500000000e+00, s24;
	s16 =	smul.f32 s18, s16  }
0x491: {  	s13 =	simm.s32 @!p4 $0x0;
	s11 =	smax.f32 s11, $0.0e+00;
	s18 =	smul.f32 s26, s19  }
0x492: {  	s13 =	sadd.f32 s13, s14;
	s2 =	smul.f32 s20, s2  }
0x493: {  	s11 =	simm.s32 @!p4 $0x0;
	s15 =	smul.f32 s15, s31;
	s18 =	ssub.f32 $1.500000000e+00, s18  }
0x494: {  	s11 =	sadd.f32 s11, s13;
	s7 =	smul.f32 s2, s7  }
0x495: {  	s13 =	ssub.f32 $1.500000000e+00, s15;
	s20 =	smul.f32 s18, s19  }
0x496: {  	p2 =	por p2, p2;
	s9 =	ssub.f32 $1.000000010e-01, s9;
	s7 =	smul.f32 s7, s2  }
0x497: {  	p4 =	por p2, p2;
	s13 =	smul.f32 s13, s31  }
0x498: {  	s9 =	smax.f32 s9, $0.0e+00;
	s0 =	sadd.s32 $0x2, s0;
	s18 =	smul.f32 s20, s6  }
0x499: {  	p2 =	slt.u32 s0, $0x27100;
	s0 =	smov.u32 s1;
	s22 =	smul.f32 s13, s5  }
0x49a: {  	s0 =	simm.s32 @!p2 $0x0;
	s7 =	ssub.f32 $1.500000000e+00, s7;
	s21 =	smul.f32 s18, s20  }
0x49b: {  	s0 =	sadd.f32 s0, s10;
	s10 =	smul.f32 s22, s13  }
0x49c: {  	s8 =	ssub.f32 $1.000000010e-01, s8;
	s2 =	smul.f32 s7, s2  }
0x49d: {  	s12 =	smul.f32 s16, s12;
	s14 =	ssub.f32 $1.500000000e+00, s21  }
0x49e: {  	s9 =	simm.s32 @!p4 $0x0;
	s23 =	ssub.f32 $1.500000000e+00, s10;
	s2 =	smul.f32 s2, s3  }
0x49f: {  	s9 =	sadd.f32 s9, s11;
	s14 =	smul.f32 s14, s20  }
0x4a0: {  	s8 =	smax.f32 s8, $0.0e+00;
	s7 =	smul.f32 s23, s13  }
0x4a1: {  	s8 =	simm.s32 @!p4 $0x0;
	s6 =	smul.f32 s14, s6  }
0x4a2: {  	s8 =	sadd.f32 s8, s9;
	s5 =	smul.f32 s7, s5  }
0x4a3: {  	s26 =	ssub.f32 $1.000000010e-01, s12;
	s6 =	smul.f32 s6, s14  }
0x4a4: {  	s2 =	ssub.f32 $1.000000010e-01, s2;
	s5 =	smul.f32 s5, s7  }
0x4a5: {  	p3 =	por p3, p3;
	s24 =	ssub.f32 $1.500000000e+00, s6  }
0x4a6: {  	p3 =	por p3, p3;
	s6 =	smax.f32 s26, $0.0e+00;
	s5 =	ssub.f32 $1.500000000e+00, s5  }
0x4a7: {  	s2 =	smax.f32 s2, $0.0e+00;
	s6 =	simm.s32 @!p3 $0x0;
	s3 =	smul.f32 s24, s14  }
0x4a8: {  	s29 =	smul.f32 s5, s7;
	s31 =	sadd.f32 s6, s8  }
0x4a9: {  	s2 =	simm.s32 @!p3 $0x0;
	s1 =	smul.f32 s3, s1  }
0x4aa: {  	s3 =	smul.f32 s29, s4;
	s2 =	sadd.f32 s2, s31  }
0x4ab: {  	s1 =	ssub.f32 $1.000000010e-01, s1  }
0x4ac: {  	p6 =	por p2, p2;
	s3 =	ssub.f32 $1.000000010e-01, s3  }
.Ltmp8:
0x4ad: {  	p3 =	por p6, p6;
	s1 =	smax.f32 s1, $0.0e+00;
	(pc) =	sbr.rel @p1 .LBB2_15-.Ltmp8, $4  }
0x4ae: {  	s1 =	simm.s32 @!p3 $0x0  }
0x4af: {  	s4 =	simm.s32 @!p2 $0x0;
	s1 =	sadd.f32 s1, s2;
	s2 =	smax.f32 s3, $0.0e+00  }
0x4b0: {  	s4 =	sadd.f32 s4, s0;
	s2 =	simm.s32 @!p3 $0x0  }
0x4b1: {  	s18 =	sadd.f32 s2, s1  }
0x4b2: {  	s0 =	sadd.s32 $0x9DC0, s17;
	s1 =	rddreg [dreg:$0x1]  }
.Ltmp9:
0x4b3: {  	s2 =	simm.s32 $0x80;
	s3 =	simm.s32 $0x14440;
	(pc) =	sbr.rel .LBB2_9-.Ltmp9, $4  }
0x4b4: {  	s29 =	sadd.s32 $0xB1C0, s17;
	s31 =	simm.s32 $0x18440;
	s10 =	rddreg [dreg:$0xe]  }
0x4b5: {  	[tilespmem:s3], [sflag:$0x4] =	stream.indirect.gather [spmem:s1], $0x40, s0, s2, $0xb8;
	[tilespmem:$0x1C640] =	vst v63  }
0x4b6: {  	s28 =	sadd.s32 $0x100, s28;
	s25 =	sadd.s32 $0x100, s25;
	s10 =	sadd.s32 $0x1, s10  }
0x4b7: {  	[tilespmem:s31], [sflag:$0x5] =	stream.indirect.gather [spmem:s1], $0x40, s29, s2, $0xb8;
	[tilespmem:$0x1C640] =	vst v63  }
.LBB2_16:
0x4b8: {  	_ =	sfence.sel $0x180000  }
0x4b9: {  	[bflag:$0x0] =	sbarrier.arrive $0xFFFF  }
0x4ba: {  	_ =	strace $0x90000047  }
0x4bb: {  	[bflag:$0x2] =	sbarrier.arrive $0xFFFF  }
0x4bc: {  	s0 =	rddreg [dreg:$0x2]  }
0x4bd: {  	s0 =	sadd.s32 @!p0 $0x100000, s0  }
0x4be: {  	[sflag:s0] =	ssyncadd.tile.s32 @!p0 $0x1;
	_ =	shalt  }
.Lfunc_end2:
_tile_overlayer_lowered:
.L_overlay_start_2:
0x4bf: {  	(tag) =	ssettag $0x2  }
0x4c0: {  	s0 =	rddreg [dreg:$0x0];
	s2 =	stileid.u32  }
0x4c1: {  	s1 =	rddreg [dreg:$0x1];
	p0 =	sne.s32 s2, $0x0  }
0x4c2: {  	s3 =	rddreg [dreg:$0x2];
	[bflag:$0x3] =	sbarrier.arrive $0xFFFF;
	s2 =	simm.s32 @!p0 $0x1C06  }
0x4c3: {  	[timem:s3], [sflag:s2] =	dma.local @!p0 [hbm:s0], s1  }
0x4c4: {  	s0 =	simm.s32 @!p0 $0x6  }
0x4c5: {  	_ =	swait.ge @!p0 [sflag:s0], s1  }
0x4c6: {  	s1 =	ssub.s32 @!p0 $0x0, s1;
	[sflag:s0] =	ssyncset.done @!p0 $0x0  }
0x4c7: {  	[sflag:s0] =	ssyncadd.s32 @!p0 s1  }
0x4c8: {  	[bflag:$0x3] =	sbarrier.arrive $0xFFFF  }
0x4c9: {  	_ =	shalt  }

</sc_bundles>
